<compile_context>
chip_gen: v7x
topology: tpu7x:2x2x1
jax: 0.10.2.dev20260603
libtpu: 0.0.44.dev20260713+nightly
codegen_flags: <defaults>
</compile_context>

<pallas_src>
import jax
import jax.numpy as jnp
from jax import lax
from jax.experimental import pallas as pl
from jax.experimental.pallas import tpu as pltpu
from jax.experimental.pallas import tpu_sc as plsc

N = 10000
E = 320000
D = 128
H = 4
NEG = 0.2

NW = 32
W = 112
ETOT = E + N
NWIN = -(-ETOT // (NW * W))
EPAD = NW * W * NWIN
TPE = EPAD // NW
NPAD = 10112
ZCH = 16
RPT = NPAD // 16
ZTL = RPT % ZCH
DRN = 624
DTL = N - 16 * DRN
BS = 400


def _proj_body(x_ref, wl_ref, wr_ref, xl_ref, xr_ref):
    x = x_ref[...]
    xl_ref[...] = jnp.dot(x, wl_ref[...], preferred_element_type=jnp.float32)
    xr_ref[...] = jnp.dot(x, wr_ref[...], preferred_element_type=jnp.float32)


def _proj(x, W_l, W_r):
    return pl.pallas_call(
        _proj_body,
        grid=(N // BS, H),
        in_specs=[
            pl.BlockSpec((BS, D), lambda i, h: (i, 0)),
            pl.BlockSpec((D, D), lambda i, h: (0, h)),
            pl.BlockSpec((D, D), lambda i, h: (0, h)),
        ],
        out_specs=[
            pl.BlockSpec((BS, D), lambda i, h: (h * (N // BS) + i, 0)),
            pl.BlockSpec((BS, D), lambda i, h: (h * (N // BS) + i, 0)),
        ],
        out_shape=[
            jax.ShapeDtypeStruct((H * N, D), jnp.float32),
            jax.ShapeDtypeStruct((H * N, D), jnp.float32),
        ],
    )(x, W_l, W_r)


def _sc_body(xlf, xrf, srcp, dstp, attb, outp, denp,
             att_v, sidx_v, didx_s, didx_e, didx_g, xi_v, xj_v, den_t,
             zero_v, out_sp, sem1, sem2):
    c = lax.axis_index("c")
    s = lax.axis_index("s")
    wid = s * 2 + c
    tbase = wid * TPE

    pltpu.sync_copy(attb, att_v)

    zvec = jnp.zeros((16,), jnp.float32)
    izvec = jnp.zeros((16,), jnp.int32)
    lane0b = lax.iota(jnp.int32, 16) == 0

    @plsc.parallel_loop(0, ZCH)
    def _zinit(r):
        for k in range(D // 16):
            zero_v[r, pl.ds(k * 16, 16)] = zvec

    didx_e[pl.ds(W, 16)] = izvec

    for h in range(H):
        hoff = jnp.full((16,), h * N, jnp.int32)
        zbase = s * RPT

        def _zs(k, carry):
            pltpu.sync_copy(zero_v, out_sp.at[pl.ds(zbase + k * ZCH, ZCH)])
            return carry

        lax.fori_loop(0, RPT // ZCH, _zs, 0)
        if ZTL:
            ztail = zbase + (RPT // ZCH) * ZCH
            pltpu.sync_copy(zero_v.at[pl.ds(0, ZTL)],
                            out_sp.at[pl.ds(ztail, ZTL)])

        @plsc.parallel_loop(0, NPAD // 16, unroll=4)
        def _zden(i):
            den_t[pl.ds(i * 16, 16)] = zvec

        plsc.subcore_barrier()

        def _win(w, carry):
            base = tbase + w * W
            pltpu.sync_copy(srcp.at[pl.ds(base, W)], sidx_v)
            pltpu.sync_copy(dstp.at[pl.ds(base, W)], didx_s)
            pltpu.sync_copy(dstp.at[pl.ds(base, W)], didx_e.at[pl.ds(0, W)])

            @plsc.parallel_loop(0, W // 16)
            def _off(i):
                dv = didx_s[pl.ds(i * 16, 16)]
                didx_g[pl.ds(i * 16, 16)] = jnp.minimum(dv, N - 1) + hoff
                if h:
                    sidx_v[pl.ds(i * 16, 16)] = sidx_v[pl.ds(i * 16, 16)] + hoff

            d1 = pltpu.async_copy(xlf.at[sidx_v], xj_v, sem1)
            d2 = pltpu.async_copy(xrf.at[didx_g], xi_v, sem2)
            d1.wait()
            d2.wait()

            @plsc.parallel_loop(0, W, unroll=4)
            def _edge(e):
                acc = zvec
                xjc = []
                for k in range(D // 16):
                    xj_c = xj_v[e, pl.ds(k * 16, 16)]
                    xi_c = xi_v[e, pl.ds(k * 16, 16)]
                    z = xi_c + xj_c
                    lr = jnp.maximum(z, z * NEG)
                    acc = acc + lr * att_v[h, pl.ds(k * 16, 16)]
                    xjc.append(xj_c)
                pv = jnp.exp(jnp.full((16,), jnp.sum(acc)))
                for k in range(D // 16):
                    xj_v[e, pl.ds(k * 16, 16)] = xjc[k] * pv
                dchunk = didx_e[pl.ds(e, 16)]
                plsc.addupdate_scatter(den_t, [dchunk], pv, mask=lane0b)

            pltpu.sync_copy(xj_v, out_sp.at[didx_s], add=True)
            return carry

        lax.fori_loop(0, NWIN, _win, 0)
        plsc.subcore_barrier()

        hb = (c * H + h) * N
        obase = hb + s * DRN

        def _drain(k, carry):
            pltpu.sync_copy(out_sp.at[pl.ds(s * DRN + k * 48, 48)],
                            xi_v.at[pl.ds(0, 48)])
            pltpu.sync_copy(xi_v.at[pl.ds(0, 48)],
                            outp.at[pl.ds(obase + k * 48, 48)])
            return carry

        lax.fori_loop(0, DRN // 48, _drain, 0)

        @pl.when(s == 15)
        def _tail():
            pltpu.sync_copy(out_sp.at[pl.ds(16 * DRN, DTL)],
                            xi_v.at[pl.ds(0, DTL)])
            pltpu.sync_copy(xi_v.at[pl.ds(0, DTL)],
                            outp.at[pl.ds(hb + 16 * DRN, DTL)])

        dbase = ((c * H + h) * 16 + s) * NPAD
        pltpu.sync_copy(den_t, denp.at[pl.ds(dbase, NPAD)])

        plsc.subcore_barrier()


def _comb_body(o_ref, d_ref, b_ref, out_ref):
    o = o_ref[...]
    dn = d_ref[...]
    sel = jnp.where(
        lax.broadcasted_iota(jnp.int32, (128, 2 * H), 0) // 16
        == lax.broadcasted_iota(jnp.int32, (128, 2 * H), 1), 1.0, 0.0)
    dsum = jnp.dot(dn, sel, preferred_element_type=jnp.float32)
    o2 = o[0:H] + o[H:2 * H]
    acc = jnp.zeros_like(o2[0])
    for h in range(H):
        den_h = dsum[:, h:h + 1] + dsum[:, H + h:H + h + 1] + 1e-16
        acc = acc + o2[h] / den_h
    out_ref[...] = acc * (1.0 / H) + b_ref[...]


def _combine(outp, denp, bias):
    den_t = denp.reshape(2 * H * 16, NPAD).T
    return pl.pallas_call(
        _comb_body,
        grid=(N // BS,),
        in_specs=[
            pl.BlockSpec((2 * H, BS, D), lambda i: (0, i, 0)),
            pl.BlockSpec((BS, 128), lambda i: (i, 0)),
            pl.BlockSpec((1, D), lambda i: (0, 0)),
        ],
        out_specs=pl.BlockSpec((BS, D), lambda i: (i, 0)),
        out_shape=jax.ShapeDtypeStruct((N, D), jnp.float32),
    )(outp.reshape(2 * H, N, D), den_t, bias.reshape(1, D))


def kernel(x, edge_index, W_l, W_r, att, bias):
    xlf, xrf = _proj(x, W_l, W_r)

    loop = jnp.arange(N, dtype=jnp.int32)
    padi = jnp.arange(EPAD - ETOT, dtype=jnp.int32)
    srcp = jnp.concatenate([edge_index[0], loop, padi % N])
    dstp = jnp.concatenate([edge_index[1], loop, N + padi % (NPAD - N)])

    scfn = pl.kernel(
        _sc_body,
        out_type=[
            jax.ShapeDtypeStruct((2 * H * N, D), jnp.float32),
            jax.ShapeDtypeStruct((2 * H * 16 * NPAD,), jnp.float32),
        ],
        mesh=plsc.VectorSubcoreMesh(core_axis_name="c", subcore_axis_name="s"),
        compiler_params=pltpu.CompilerParams(needs_layout_passes=False),
        scratch_types=[
            pltpu.VMEM((H, D), jnp.float32),
            pltpu.VMEM((W,), jnp.int32),
            pltpu.VMEM((W,), jnp.int32),
            pltpu.VMEM((W + 16,), jnp.int32),
            pltpu.VMEM((W,), jnp.int32),
            pltpu.VMEM((W, D), jnp.float32),
            pltpu.VMEM((W, D), jnp.float32),
            pltpu.VMEM((NPAD,), jnp.float32),
            pltpu.VMEM((ZCH, D), jnp.float32),
            pltpu.VMEM_SHARED((NPAD, D), jnp.float32),
            pltpu.SemaphoreType.DMA,
            pltpu.SemaphoreType.DMA,
        ],
    )
    outp, denp = scfn(xlf, xrf, srcp, dstp, att)
    return _combine(outp, denp, bias)

# --- scband reference (transcript-rebuilt; emitter-appended) ---
"""Pipeline reference for scband-gatv2-conv-graphgym-8169027797782 (READ-ONLY COPY).

The authoritative reference and input builder live on the scoring server;
editing this copy changes nothing except your own understanding.
"""

import jax, jax.numpy as jnp
import numpy as np

N = 10000
E = 320000
D_IN = 128
D_OUT = 128
H = 4
NEG_SLOPE = 0.2


def setup_inputs(seed: int = 0) -> dict:
    key = jax.random.key(seed)
    k1, k2, k3, k4, k5, k6 = jax.random.split(key, 6)
    x = jax.random.normal(k1, (N, D_IN), dtype=jnp.float32)
    edge_index = jax.random.randint(k2, (2, E), 0, N, dtype=jnp.int32)
    s_in = 1.0 / np.sqrt(D_IN)
    s_att = 1.0 / np.sqrt(D_OUT)
    W_l = jax.random.uniform(k3, (D_IN, H * D_OUT), dtype=jnp.float32, minval=-s_in, maxval=s_in)
    W_r = jax.random.uniform(k4, (D_IN, H * D_OUT), dtype=jnp.float32, minval=-s_in, maxval=s_in)
    att = jax.random.uniform(k5, (H, D_OUT), dtype=jnp.float32, minval=-s_att, maxval=s_att)
    bias = jnp.zeros((D_OUT,), dtype=jnp.float32)
    return {"x": x, "edge_index": edge_index, "W_l": W_l, "W_r": W_r, "att": att, "bias": bias}


def reference(x, edge_index, W_l, W_r, att, bias):
    # Faithful GATv2Conv (PyG semantics): heads=H, concat=False, add_self_loops=True (default),
    # negative_slope=0.2, share_weights=False.
    num_nodes = x.shape[0]
    loop = jnp.arange(num_nodes, dtype=edge_index.dtype)
    src = jnp.concatenate([edge_index[0], loop])  # source / j
    dst = jnp.concatenate([edge_index[1], loop])  # target / i (aggregation index)
    x_l = (x @ W_l).reshape(num_nodes, H, D_OUT)  # lin_l -> source features
    x_r = (x @ W_r).reshape(num_nodes, H, D_OUT)  # lin_r -> target features
    xj = jnp.take(x_l, src, axis=0)  # [Etot, H, D]
    xi = jnp.take(x_r, dst, axis=0)  # [Etot, H, D]
    e = jax.nn.leaky_relu(xi + xj, negative_slope=NEG_SLOPE)
    alpha = jnp.einsum('ehd,hd->eh', e, att)  # [Etot, H]
    # numerically-stable segment softmax over destination nodes
    amax = jax.ops.segment_max(alpha, dst, num_segments=num_nodes)
    amax = jnp.where(jnp.isfinite(amax), amax, 0.0)
    alpha = jnp.exp(alpha - jnp.take(amax, dst, axis=0))
    denom = jax.ops.segment_sum(alpha, dst, num_segments=num_nodes)
    alpha = alpha / (jnp.take(denom, dst, axis=0) + 1e-16)
    msg = xj * alpha[:, :, None]
    out = jax.ops.segment_sum(msg, dst, num_segments=num_nodes)  # [N, H, D]
    out = out.mean(axis=1)  # concat=False -> average over heads
    out = out + bias
    return out

if __name__ == "__main__":
    import jax
    _d = setup_inputs()
    print(jax.jit(kernel)(*tuple(_d.values())))

</pallas_src>

<mosaic_0001>
#map = affine_map<(d0, d1) -> (0, 0)>
#map1 = affine_map<(d0, d1) -> (0)>
module attributes {stable_mosaic.version = 14 : i64} {
  func.func @_sc_body(%arg0: i32, %arg1: i32, %arg2: memref<40000x128xf32, #tpu.memory_space<hbm>>, %arg3: memref<40000x128xf32, #tpu.memory_space<hbm>>, %arg4: memref<333312xi32, #tpu.memory_space<hbm>>, %arg5: memref<333312xi32, #tpu.memory_space<hbm>>, %arg6: memref<4x128xf32, #tpu.memory_space<hbm>>, %arg7: memref<80000x128xf32, #tpu.memory_space<hbm>>, %arg8: memref<1294336xf32, #tpu.memory_space<hbm>>, %arg9: memref<4x128xf32, #tpu.memory_space<vmem>>, %arg10: memref<112xi32, #tpu.memory_space<vmem>>, %arg11: memref<112xi32, #tpu.memory_space<vmem>>, %arg12: memref<128xi32, #tpu.memory_space<vmem>>, %arg13: memref<112xi32, #tpu.memory_space<vmem>>, %arg14: memref<112x128xf32, #tpu.memory_space<vmem>>, %arg15: memref<112x128xf32, #tpu.memory_space<vmem>>, %arg16: memref<10112xf32, #tpu.memory_space<vmem>>, %arg17: memref<16x128xf32, #tpu.memory_space<vmem>>, %arg18: memref<10112x128xf32, #tpu.memory_space<vmem_shared>>, %arg19: memref<!tpu.dma_semaphore, #tpu.memory_space<semaphore_mem>>, %arg20: memref<!tpu.dma_semaphore, #tpu.memory_space<semaphore_mem>>) attributes {dimension_semantics = [#tpu.dimension_semantics<core_parallel>, #tpu.dimension_semantics<subcore_parallel>], iteration_bounds = array<i64: 2, 16>, scalar_prefetch = 0 : i64, scratch_operands = 12 : i64, tpu.core_type = #tpu.core_type<sc_vector_subcore>, window_params = [{transform_indices = #map}, {transform_indices = #map}, {transform_indices = #map1}, {transform_indices = #map1}, {transform_indices = #map}, {transform_indices = #map}, {transform_indices = #map1}]} {
    %mul3A = arith.constant 2 : i32
    %mul3A_0 = arith.muli %arg1, %mul3A : i32
    %add3A = arith.addi %mul3A_0, %arg0 : i32
    %mul3A_1 = arith.constant 10416 : i32
    %mul3A_2 = arith.muli %add3A, %mul3A_1 : i32
    "tpu.region"() ({
      %run_scoped3A = tpu.sem_alloc : memref<!tpu.dma_semaphore, #tpu.memory_space<semaphore_mem>>
      tpu.enqueue_dma source(%arg6 : memref<4x128xf32, #tpu.memory_space<hbm>>) target(%arg9 : memref<4x128xf32, #tpu.memory_space<vmem>>) target_semaphore(%run_scoped3A : memref<!tpu.dma_semaphore, #tpu.memory_space<semaphore_mem>>)
      tpu.wait_dma2 semaphore(%run_scoped3A : memref<!tpu.dma_semaphore, #tpu.memory_space<semaphore_mem>>) src(%arg6 : memref<4x128xf32, #tpu.memory_space<hbm>>) dst(%arg9 : memref<4x128xf32, #tpu.memory_space<vmem>>)
      tpu.yield
    }) : () -> ()
    %broadcast_in_dim3A = arith.constant 0.000000e+00 : f32
    %broadcast_in_dim3A_3 = vector.broadcast %broadcast_in_dim3A : f32 to vector<16xf32>
    %broadcast_in_dim3A_4 = arith.constant 0 : i32
    %broadcast_in_dim3A_5 = vector.broadcast %broadcast_in_dim3A_4 : i32 to vector<16xi32>
    %iota3A = tpu.iota {dimensions = array<i32: 0>} : vector<16xi32>
    %eq3A = arith.constant 0 : i32
    %eq3A_6 = vector.broadcast %eq3A : i32 to vector<16xi32>
    %eq3A_7 = arith.cmpi eq, %iota3A, %eq3A_6 : vector<16xi32>
    %parallel_loop3A = arith.constant 0 : i32
    %parallel_loop3A_8 = arith.constant 16 : i32
    %parallel_loop3A_9 = arith.constant 1 : i32
    scf.for %parallel_loop3A_219 = %parallel_loop3A to %parallel_loop3A_8 step %parallel_loop3A_9  : i32 {
      %parallel_loop3A_220 = arith.index_cast %parallel_loop3A_219 : i32 to index
      %parallel_loop3A_221 = arith.constant 0 : index
      %parallel_loop3A_222 = tpu.vector_load %arg17[%parallel_loop3A_220, %parallel_loop3A_221] {strides = array<i32>} : memref<16x128xf32, #tpu.memory_space<vmem>>, vector<16xf32>,
      tpu.vector_store %arg17[%parallel_loop3A_220, %parallel_loop3A_221], %broadcast_in_dim3A_3 {strides = array<i32>} : memref<16x128xf32, #tpu.memory_space<vmem>>, vector<16xf32>,
      %parallel_loop3A_223 = arith.index_cast %parallel_loop3A_219 : i32 to index
      %parallel_loop3A_224 = arith.constant 16 : index
      %parallel_loop3A_225 = tpu.vector_load %arg17[%parallel_loop3A_223, %parallel_loop3A_224] {strides = array<i32>} : memref<16x128xf32, #tpu.memory_space<vmem>>, vector<16xf32>,
      tpu.vector_store %arg17[%parallel_loop3A_223, %parallel_loop3A_224], %broadcast_in_dim3A_3 {strides = array<i32>} : memref<16x128xf32, #tpu.memory_space<vmem>>, vector<16xf32>,
      %parallel_loop3A_226 = arith.index_cast %parallel_loop3A_219 : i32 to index
      %parallel_loop3A_227 = arith.constant 32 : index
      %parallel_loop3A_228 = tpu.vector_load %arg17[%parallel_loop3A_226, %parallel_loop3A_227] {strides = array<i32>} : memref<16x128xf32, #tpu.memory_space<vmem>>, vector<16xf32>,
      tpu.vector_store %arg17[%parallel_loop3A_226, %parallel_loop3A_227], %broadcast_in_dim3A_3 {strides = array<i32>} : memref<16x128xf32, #tpu.memory_space<vmem>>, vector<16xf32>,
      %parallel_loop3A_229 = arith.index_cast %parallel_loop3A_219 : i32 to index
      %parallel_loop3A_230 = arith.constant 48 : index
      %parallel_loop3A_231 = tpu.vector_load %arg17[%parallel_loop3A_229, %parallel_loop3A_230] {strides = array<i32>} : memref<16x128xf32, #tpu.memory_space<vmem>>, vector<16xf32>,
      tpu.vector_store %arg17[%parallel_loop3A_229, %parallel_loop3A_230], %broadcast_in_dim3A_3 {strides = array<i32>} : memref<16x128xf32, #tpu.memory_space<vmem>>, vector<16xf32>,
      %parallel_loop3A_232 = arith.index_cast %parallel_loop3A_219 : i32 to index
      %parallel_loop3A_233 = arith.constant 64 : index
      %parallel_loop3A_234 = tpu.vector_load %arg17[%parallel_loop3A_232, %parallel_loop3A_233] {strides = array<i32>} : memref<16x128xf32, #tpu.memory_space<vmem>>, vector<16xf32>,
      tpu.vector_store %arg17[%parallel_loop3A_232, %parallel_loop3A_233], %broadcast_in_dim3A_3 {strides = array<i32>} : memref<16x128xf32, #tpu.memory_space<vmem>>, vector<16xf32>,
      %parallel_loop3A_235 = arith.index_cast %parallel_loop3A_219 : i32 to index
      %parallel_loop3A_236 = arith.constant 80 : index
      %parallel_loop3A_237 = tpu.vector_load %arg17[%parallel_loop3A_235, %parallel_loop3A_236] {strides = array<i32>} : memref<16x128xf32, #tpu.memory_space<vmem>>, vector<16xf32>,
      tpu.vector_store %arg17[%parallel_loop3A_235, %parallel_loop3A_236], %broadcast_in_dim3A_3 {strides = array<i32>} : memref<16x128xf32, #tpu.memory_space<vmem>>, vector<16xf32>,
      %parallel_loop3A_238 = arith.index_cast %parallel_loop3A_219 : i32 to index
      %parallel_loop3A_239 = arith.constant 96 : index
      %parallel_loop3A_240 = tpu.vector_load %arg17[%parallel_loop3A_238, %parallel_loop3A_239] {strides = array<i32>} : memref<16x128xf32, #tpu.memory_space<vmem>>, vector<16xf32>,
      tpu.vector_store %arg17[%parallel_loop3A_238, %parallel_loop3A_239], %broadcast_in_dim3A_3 {strides = array<i32>} : memref<16x128xf32, #tpu.memory_space<vmem>>, vector<16xf32>,
      %parallel_loop3A_241 = arith.index_cast %parallel_loop3A_219 : i32 to index
      %parallel_loop3A_242 = arith.constant 112 : index
      %parallel_loop3A_243 = tpu.vector_load %arg17[%parallel_loop3A_241, %parallel_loop3A_242] {strides = array<i32>} : memref<16x128xf32, #tpu.memory_space<vmem>>, vector<16xf32>,
      tpu.vector_store %arg17[%parallel_loop3A_241, %parallel_loop3A_242], %broadcast_in_dim3A_3 {strides = array<i32>} : memref<16x128xf32, #tpu.memory_space<vmem>>, vector<16xf32>,
    } {sc.loop_unroll_factor = 1 : i64, sc.parallel_access}
    %swap3A = arith.constant 112 : index
    %swap3A_10 = tpu.vector_load %arg12[%swap3A] {strides = array<i32>} : memref<128xi32, #tpu.memory_space<vmem>>, vector<16xi32>,
    tpu.vector_store %arg12[%swap3A], %broadcast_in_dim3A_5 {strides = array<i32>} : memref<128xi32, #tpu.memory_space<vmem>>, vector<16xi32>,
    %broadcast_in_dim3A_11 = arith.constant 0 : i32
    %broadcast_in_dim3A_12 = vector.broadcast %broadcast_in_dim3A_11 : i32 to vector<16xi32>
    %mul3A_13 = arith.constant 632 : i32
    %mul3A_14 = arith.muli %arg1, %mul3A_13 : i32
    %scan3A = arith.constant 0 : i32
    %scan3A_15 = arith.constant 0 : i32
    %scan3A_16 = arith.constant 39 : i32
    %scan3A_17 = arith.addi %scan3A_15, %scan3A_16 : i32
    %scan3A_18 = arith.constant 1 : i32
    scf.for %scan3A_219 = %scan3A_15 to %scan3A_17 step %scan3A_18  : i32 {
      %mul3A_220 = arith.constant 16 : i32
      %mul3A_221 = arith.muli %scan3A_219, %mul3A_220 : i32
      %add3A_222 = arith.addi %mul3A_14, %mul3A_221 : i32
      "tpu.region"() ({
        %run_scoped3A = tpu.sem_alloc : memref<!tpu.dma_semaphore, #tpu.memory_space<semaphore_mem>>
        %dma_start3A = arith.constant 0 : i32
        %dma_start3A_223 = tpu.memref_slice %arg18[%add3A_222, %dma_start3A] : memref<10112x128xf32, #tpu.memory_space<vmem_shared>> -> memref<16x128xf32, #tpu.memory_space<vmem_shared>>
        %dma_start3A_224 = arith.constant 0 : i32
        %dma_start3A_225 = tpu.memref_slice %arg18[%add3A_222, %dma_start3A_224] : memref<10112x128xf32, #tpu.memory_space<vmem_shared>> -> memref<16x128xf32, #tpu.memory_space<vmem_shared>>
        tpu.enqueue_dma source(%arg17 : memref<16x128xf32, #tpu.memory_space<vmem>>) target(%dma_start3A_225 : memref<16x128xf32, #tpu.memory_space<vmem_shared>>) target_semaphore(%run_scoped3A : memref<!tpu.dma_semaphore, #tpu.memory_space<semaphore_mem>>)
        %dma_wait3A = arith.constant 0 : i32
        %dma_wait3A_226 = tpu.memref_slice %arg18[%add3A_222, %dma_wait3A] : memref<10112x128xf32, #tpu.memory_space<vmem_shared>> -> memref<16x128xf32, #tpu.memory_space<vmem_shared>>
        %dma_wait3A_227 = arith.constant 0 : i32
        %dma_wait3A_228 = tpu.memref_slice %arg18[%add3A_222, %dma_wait3A_227] : memref<10112x128xf32, #tpu.memory_space<vmem_shared>> -> memref<16x128xf32, #tpu.memory_space<vmem_shared>>
        tpu.wait_dma2 semaphore(%run_scoped3A : memref<!tpu.dma_semaphore, #tpu.memory_space<semaphore_mem>>) src(%arg17 : memref<16x128xf32, #tpu.memory_space<vmem>>) dst(%dma_wait3A_228 : memref<16x128xf32, #tpu.memory_space<vmem_shared>>)
        tpu.yield
      }) : () -> ()
    }
    %scan3A_19 = arith.constant 39 : i32
    %add3A_20 = arith.constant 624 : i32
    %add3A_21 = arith.addi %mul3A_14, %add3A_20 : i32
    "tpu.region"() ({
      %run_scoped3A = tpu.sem_alloc : memref<!tpu.dma_semaphore, #tpu.memory_space<semaphore_mem>>
      %dma_start3A = arith.constant 0 : i32
      %dma_start3A_219 = arith.constant 0 : i32
      %dma_start3A_220 = tpu.memref_slice %arg17[%dma_start3A, %dma_start3A_219] : memref<16x128xf32, #tpu.memory_space<vmem>> -> memref<8x128xf32, #tpu.memory_space<vmem>>
      %dma_start3A_221 = arith.constant 0 : i32
      %dma_start3A_222 = tpu.memref_slice %arg18[%add3A_21, %dma_start3A_221] : memref<10112x128xf32, #tpu.memory_space<vmem_shared>> -> memref<8x128xf32, #tpu.memory_space<vmem_shared>>
      %dma_start3A_223 = arith.constant 0 : i32
      %dma_start3A_224 = tpu.memref_slice %arg18[%add3A_21, %dma_start3A_223] : memref<10112x128xf32, #tpu.memory_space<vmem_shared>> -> memref<8x128xf32, #tpu.memory_space<vmem_shared>>
      %dma_start3A_225 = arith.constant 0 : i32
      %dma_start3A_226 = arith.constant 0 : i32
      %dma_start3A_227 = tpu.memref_slice %arg17[%dma_start3A_225, %dma_start3A_226] : memref<16x128xf32, #tpu.memory_space<vmem>> -> memref<8x128xf32, #tpu.memory_space<vmem>>
      tpu.enqueue_dma source(%dma_start3A_227 : memref<8x128xf32, #tpu.memory_space<vmem>>) target(%dma_start3A_224 : memref<8x128xf32, #tpu.memory_space<vmem_shared>>) target_semaphore(%run_scoped3A : memref<!tpu.dma_semaphore, #tpu.memory_space<semaphore_mem>>)
      %dma_wait3A = arith.constant 0 : i32
      %dma_wait3A_228 = arith.constant 0 : i32
      %dma_wait3A_229 = tpu.memref_slice %arg17[%dma_wait3A, %dma_wait3A_228] : memref<16x128xf32, #tpu.memory_space<vmem>> -> memref<8x128xf32, #tpu.memory_space<vmem>>
      %dma_wait3A_230 = arith.constant 0 : i32
      %dma_wait3A_231 = tpu.memref_slice %arg18[%add3A_21, %dma_wait3A_230] : memref<10112x128xf32, #tpu.memory_space<vmem_shared>> -> memref<8x128xf32, #tpu.memory_space<vmem_shared>>
      %dma_wait3A_232 = arith.constant 0 : i32
      %dma_wait3A_233 = tpu.memref_slice %arg18[%add3A_21, %dma_wait3A_232] : memref<10112x128xf32, #tpu.memory_space<vmem_shared>> -> memref<8x128xf32, #tpu.memory_space<vmem_shared>>
      %dma_wait3A_234 = arith.constant 0 : i32
      %dma_wait3A_235 = arith.constant 0 : i32
      %dma_wait3A_236 = tpu.memref_slice %arg17[%dma_wait3A_234, %dma_wait3A_235] : memref<16x128xf32, #tpu.memory_space<vmem>> -> memref<8x128xf32, #tpu.memory_space<vmem>>
      tpu.wait_dma2 semaphore(%run_scoped3A : memref<!tpu.dma_semaphore, #tpu.memory_space<semaphore_mem>>) src(%dma_wait3A_236 : memref<8x128xf32, #tpu.memory_space<vmem>>) dst(%dma_wait3A_233 : memref<8x128xf32, #tpu.memory_space<vmem_shared>>)
      tpu.yield
    }) : () -> ()
    %parallel_loop3A_22 = arith.constant 0 : i32
    %parallel_loop3A_23 = arith.constant 632 : i32
    %parallel_loop3A_24 = arith.constant 1 : i32
    scf.for %parallel_loop3A_219 = %parallel_loop3A_22 to %parallel_loop3A_23 step %parallel_loop3A_24  : i32 {
      %parallel_loop3A_220 = arith.constant 16 : i32
      %parallel_loop3A_221 = arith.muli %parallel_loop3A_219, %parallel_loop3A_220 : i32
      %parallel_loop3A_222 = arith.index_cast %parallel_loop3A_221 : i32 to index
      %parallel_loop3A_223 = tpu.vector_load %arg16[%parallel_loop3A_222] {strides = array<i32>} : memref<10112xf32, #tpu.memory_space<vmem>>, vector<16xf32>,
      tpu.vector_store %arg16[%parallel_loop3A_222], %broadcast_in_dim3A_3 {strides = array<i32>} : memref<10112xf32, #tpu.memory_space<vmem>>, vector<16xf32>,
    } {sc.loop_unroll_factor = 4 : i64, sc.parallel_access}
    %barrier3A = arith.constant 0 : index
    tpu.barrier barrier_id(%barrier3A)
    %scan3A_25 = arith.constant 0 : i32
    %scan3A_26 = arith.constant 0 : i32
    %scan3A_27 = arith.constant 93 : i32
    %scan3A_28 = arith.addi %scan3A_26, %scan3A_27 : i32
    %scan3A_29 = arith.constant 1 : i32
    scf.for %scan3A_219 = %scan3A_26 to %scan3A_28 step %scan3A_29  : i32 {
      %mul3A_220 = arith.constant 112 : i32
      %mul3A_221 = arith.muli %scan3A_219, %mul3A_220 : i32
      %add3A_222 = arith.addi %mul3A_2, %mul3A_221 : i32
      "tpu.region"() ({
        %run_scoped3A = tpu.sem_alloc : memref<!tpu.dma_semaphore, #tpu.memory_space<semaphore_mem>>
        %dma_start3A_239 = tpu.memref_slice %arg4[%add3A_222] : memref<333312xi32, #tpu.memory_space<hbm>> -> memref<112xi32, #tpu.memory_space<hbm>>
        %dma_start3A_240 = tpu.memref_slice %arg4[%add3A_222] : memref<333312xi32, #tpu.memory_space<hbm>> -> memref<112xi32, #tpu.memory_space<hbm>>
        tpu.enqueue_dma source(%dma_start3A_240 : memref<112xi32, #tpu.memory_space<hbm>>) target(%arg10 : memref<112xi32, #tpu.memory_space<vmem>>) target_semaphore(%run_scoped3A : memref<!tpu.dma_semaphore, #tpu.memory_space<semaphore_mem>>)
        %dma_wait3A_241 = tpu.memref_slice %arg4[%add3A_222] : memref<333312xi32, #tpu.memory_space<hbm>> -> memref<112xi32, #tpu.memory_space<hbm>>
        %dma_wait3A_242 = tpu.memref_slice %arg4[%add3A_222] : memref<333312xi32, #tpu.memory_space<hbm>> -> memref<112xi32, #tpu.memory_space<hbm>>
        tpu.wait_dma2 semaphore(%run_scoped3A : memref<!tpu.dma_semaphore, #tpu.memory_space<semaphore_mem>>) src(%dma_wait3A_242 : memref<112xi32, #tpu.memory_space<hbm>>) dst(%arg10 : memref<112xi32, #tpu.memory_space<vmem>>)
        tpu.yield
      }) : () -> ()
      "tpu.region"() ({
        %run_scoped3A = tpu.sem_alloc : memref<!tpu.dma_semaphore, #tpu.memory_space<semaphore_mem>>
        %dma_start3A_239 = tpu.memref_slice %arg5[%add3A_222] : memref<333312xi32, #tpu.memory_space<hbm>> -> memref<112xi32, #tpu.memory_space<hbm>>
        %dma_start3A_240 = tpu.memref_slice %arg5[%add3A_222] : memref<333312xi32, #tpu.memory_space<hbm>> -> memref<112xi32, #tpu.memory_space<hbm>>
        tpu.enqueue_dma source(%dma_start3A_240 : memref<112xi32, #tpu.memory_space<hbm>>) target(%arg11 : memref<112xi32, #tpu.memory_space<vmem>>) target_semaphore(%run_scoped3A : memref<!tpu.dma_semaphore, #tpu.memory_space<semaphore_mem>>)
        %dma_wait3A_241 = tpu.memref_slice %arg5[%add3A_222] : memref<333312xi32, #tpu.memory_space<hbm>> -> memref<112xi32, #tpu.memory_space<hbm>>
        %dma_wait3A_242 = tpu.memref_slice %arg5[%add3A_222] : memref<333312xi32, #tpu.memory_space<hbm>> -> memref<112xi32, #tpu.memory_space<hbm>>
        tpu.wait_dma2 semaphore(%run_scoped3A : memref<!tpu.dma_semaphore, #tpu.memory_space<semaphore_mem>>) src(%dma_wait3A_242 : memref<112xi32, #tpu.memory_space<hbm>>) dst(%arg11 : memref<112xi32, #tpu.memory_space<vmem>>)
        tpu.yield
      }) : () -> ()
      "tpu.region"() ({
        %run_scoped3A = tpu.sem_alloc : memref<!tpu.dma_semaphore, #tpu.memory_space<semaphore_mem>>
        %dma_start3A_239 = arith.constant 0 : i32
        %dma_start3A_240 = tpu.memref_slice %arg12[%dma_start3A_239] : memref<128xi32, #tpu.memory_space<vmem>> -> memref<112xi32, #tpu.memory_space<vmem>>
        %dma_start3A_241 = tpu.memref_slice %arg5[%add3A_222] : memref<333312xi32, #tpu.memory_space<hbm>> -> memref<112xi32, #tpu.memory_space<hbm>>
        %dma_start3A_242 = arith.constant 0 : i32
        %dma_start3A_243 = tpu.memref_slice %arg12[%dma_start3A_242] : memref<128xi32, #tpu.memory_space<vmem>> -> memref<112xi32, #tpu.memory_space<vmem>>
        %dma_start3A_244 = tpu.memref_slice %arg5[%add3A_222] : memref<333312xi32, #tpu.memory_space<hbm>> -> memref<112xi32, #tpu.memory_space<hbm>>
        tpu.enqueue_dma source(%dma_start3A_244 : memref<112xi32, #tpu.memory_space<hbm>>) target(%dma_start3A_243 : memref<112xi32, #tpu.memory_space<vmem>>) target_semaphore(%run_scoped3A : memref<!tpu.dma_semaphore, #tpu.memory_space<semaphore_mem>>)
        %dma_wait3A_245 = arith.constant 0 : i32
        %dma_wait3A_246 = tpu.memref_slice %arg12[%dma_wait3A_245] : memref<128xi32, #tpu.memory_space<vmem>> -> memref<112xi32, #tpu.memory_space<vmem>>
        %dma_wait3A_247 = tpu.memref_slice %arg5[%add3A_222] : memref<333312xi32, #tpu.memory_space<hbm>> -> memref<112xi32, #tpu.memory_space<hbm>>
        %dma_wait3A_248 = arith.constant 0 : i32
        %dma_wait3A_249 = tpu.memref_slice %arg12[%dma_wait3A_248] : memref<128xi32, #tpu.memory_space<vmem>> -> memref<112xi32, #tpu.memory_space<vmem>>
        %dma_wait3A_250 = tpu.memref_slice %arg5[%add3A_222] : memref<333312xi32, #tpu.memory_space<hbm>> -> memref<112xi32, #tpu.memory_space<hbm>>
        tpu.wait_dma2 semaphore(%run_scoped3A : memref<!tpu.dma_semaphore, #tpu.memory_space<semaphore_mem>>) src(%dma_wait3A_250 : memref<112xi32, #tpu.memory_space<hbm>>) dst(%dma_wait3A_249 : memref<112xi32, #tpu.memory_space<vmem>>)
        tpu.yield
      }) : () -> ()
      %parallel_loop3A_223 = arith.constant 0 : i32
      %parallel_loop3A_224 = arith.constant 7 : i32
      %parallel_loop3A_225 = arith.constant 1 : i32
      scf.for %parallel_loop3A_239 = %parallel_loop3A_223 to %parallel_loop3A_224 step %parallel_loop3A_225  : i32 {
        %parallel_loop3A_240 = arith.constant 16 : i32
        %parallel_loop3A_241 = arith.muli %parallel_loop3A_239, %parallel_loop3A_240 : i32
        %parallel_loop3A_242 = arith.index_cast %parallel_loop3A_241 : i32 to index
        %parallel_loop3A_243 = tpu.vector_load %arg11[%parallel_loop3A_242] {strides = array<i32>} : memref<112xi32, #tpu.memory_space<vmem>>, vector<16xi32>,
        %parallel_loop3A_244 = arith.constant 9999 : i32
        %parallel_loop3A_245 = vector.broadcast %parallel_loop3A_244 : i32 to vector<16xi32>
        %parallel_loop3A_246 = arith.minsi %parallel_loop3A_243, %parallel_loop3A_245 : vector<16xi32>
        %parallel_loop3A_247 = arith.addi %parallel_loop3A_246, %broadcast_in_dim3A_12 : vector<16xi32>
        %parallel_loop3A_248 = arith.constant 16 : i32
        %parallel_loop3A_249 = arith.muli %parallel_loop3A_239, %parallel_loop3A_248 : i32
        %parallel_loop3A_250 = arith.index_cast %parallel_loop3A_249 : i32 to index
        %parallel_loop3A_251 = tpu.vector_load %arg13[%parallel_loop3A_250] {strides = array<i32>} : memref<112xi32, #tpu.memory_space<vmem>>, vector<16xi32>,
        tpu.vector_store %arg13[%parallel_loop3A_250], %parallel_loop3A_247 {strides = array<i32>} : memref<112xi32, #tpu.memory_space<vmem>>, vector<16xi32>,
      } {sc.loop_unroll_factor = 1 : i64, sc.parallel_access}
      %dma_start3A = arith.constant 0 : i32
      %dma_start3A_226 = arith.constant 0 : i32
      %dma_start3A_227 = tpu.memref_slice %arg2[%dma_start3A, %dma_start3A_226] : memref<40000x128xf32, #tpu.memory_space<hbm>> -> memref<40000x128xf32, #tpu.memory_space<hbm>>
      tpu.enqueue_indirect_dma source(%dma_start3A_227 : memref<40000x128xf32, #tpu.memory_space<hbm>>) target(%arg15 : memref<112x128xf32, #tpu.memory_space<vmem>>) offsets(%arg10 : memref<112xi32, #tpu.memory_space<vmem>>) semaphore(%arg19 : memref<!tpu.dma_semaphore, #tpu.memory_space<semaphore_mem>>)
      %dma_start3A_228 = arith.constant 0 : i32
      %dma_start3A_229 = arith.constant 0 : i32
      %dma_start3A_230 = tpu.memref_slice %arg3[%dma_start3A_228, %dma_start3A_229] : memref<40000x128xf32, #tpu.memory_space<hbm>> -> memref<40000x128xf32, #tpu.memory_space<hbm>>
      tpu.enqueue_indirect_dma source(%dma_start3A_230 : memref<40000x128xf32, #tpu.memory_space<hbm>>) target(%arg14 : memref<112x128xf32, #tpu.memory_space<vmem>>) offsets(%arg13 : memref<112xi32, #tpu.memory_space<vmem>>) semaphore(%arg20 : memref<!tpu.dma_semaphore, #tpu.memory_space<semaphore_mem>>)
      %dma_wait3A = arith.constant 0 : i32
      %dma_wait3A_231 = arith.constant 0 : i32
      %dma_wait3A_232 = tpu.memref_slice %arg2[%dma_wait3A, %dma_wait3A_231] : memref<40000x128xf32, #tpu.memory_space<hbm>> -> memref<40000x128xf32, #tpu.memory_space<hbm>>
      tpu.wait_indirect_dma semaphore(%arg19 : memref<!tpu.dma_semaphore, #tpu.memory_space<semaphore_mem>>) src(%dma_wait3A_232 : memref<40000x128xf32, #tpu.memory_space<hbm>>) dst(%arg15 : memref<112x128xf32, #tpu.memory_space<vmem>>)
      %dma_wait3A_233 = arith.constant 0 : i32
      %dma_wait3A_234 = arith.constant 0 : i32
      %dma_wait3A_235 = tpu.memref_slice %arg3[%dma_wait3A_233, %dma_wait3A_234] : memref<40000x128xf32, #tpu.memory_space<hbm>> -> memref<40000x128xf32, #tpu.memory_space<hbm>>
      tpu.wait_indirect_dma semaphore(%arg20 : memref<!tpu.dma_semaphore, #tpu.memory_space<semaphore_mem>>) src(%dma_wait3A_235 : memref<40000x128xf32, #tpu.memory_space<hbm>>) dst(%arg14 : memref<112x128xf32, #tpu.memory_space<vmem>>)
      %parallel_loop3A_236 = arith.constant 0 : i32
      %parallel_loop3A_237 = arith.constant 112 : i32
      %parallel_loop3A_238 = arith.constant 1 : i32
      scf.for %parallel_loop3A_239 = %parallel_loop3A_236 to %parallel_loop3A_237 step %parallel_loop3A_238  : i32 {
        %parallel_loop3A_240 = arith.index_cast %parallel_loop3A_239 : i32 to index
        %parallel_loop3A_241 = arith.constant 0 : index
        %parallel_loop3A_242 = tpu.vector_load %arg15[%parallel_loop3A_240, %parallel_loop3A_241] {strides = array<i32>} : memref<112x128xf32, #tpu.memory_space<vmem>>, vector<16xf32>,
        %parallel_loop3A_243 = arith.index_cast %parallel_loop3A_239 : i32 to index
        %parallel_loop3A_244 = arith.constant 0 : index
        %parallel_loop3A_245 = tpu.vector_load %arg14[%parallel_loop3A_243, %parallel_loop3A_244] {strides = array<i32>} : memref<112x128xf32, #tpu.memory_space<vmem>>, vector<16xf32>,
        %parallel_loop3A_246 = arith.addf %parallel_loop3A_245, %parallel_loop3A_242 : vector<16xf32>
        %parallel_loop3A_247 = arith.constant 2.000000e-01 : f32
        %parallel_loop3A_248 = vector.broadcast %parallel_loop3A_247 : f32 to vector<16xf32>
        %parallel_loop3A_249 = arith.mulf %parallel_loop3A_246, %parallel_loop3A_248 : vector<16xf32>
        %parallel_loop3A_250 = arith.maximumf %parallel_loop3A_246, %parallel_loop3A_249 : vector<16xf32>
        %parallel_loop3A_251 = arith.constant 0 : i32
        %parallel_loop3A_252 = arith.index_cast %parallel_loop3A_251 : i32 to index
        %parallel_loop3A_253 = arith.constant 0 : index
        %parallel_loop3A_254 = tpu.vector_load %arg9[%parallel_loop3A_252, %parallel_loop3A_253] {strides = array<i32>} : memref<4x128xf32, #tpu.memory_space<vmem>>, vector<16xf32>,
        %parallel_loop3A_255 = arith.mulf %parallel_loop3A_250, %parallel_loop3A_254 : vector<16xf32>
        %parallel_loop3A_256 = arith.addf %broadcast_in_dim3A_3, %parallel_loop3A_255 : vector<16xf32>
        %parallel_loop3A_257 = arith.index_cast %parallel_loop3A_239 : i32 to index
        %parallel_loop3A_258 = arith.constant 16 : index
        %parallel_loop3A_259 = tpu.vector_load %arg15[%parallel_loop3A_257, %parallel_loop3A_258] {strides = array<i32>} : memref<112x128xf32, #tpu.memory_space<vmem>>, vector<16xf32>,
        %parallel_loop3A_260 = arith.index_cast %parallel_loop3A_239 : i32 to index
        %parallel_loop3A_261 = arith.constant 16 : index
        %parallel_loop3A_262 = tpu.vector_load %arg14[%parallel_loop3A_260, %parallel_loop3A_261] {strides = array<i32>} : memref<112x128xf32, #tpu.memory_space<vmem>>, vector<16xf32>,
        %parallel_loop3A_263 = arith.addf %parallel_loop3A_262, %parallel_loop3A_259 : vector<16xf32>
        %parallel_loop3A_264 = arith.constant 2.000000e-01 : f32
        %parallel_loop3A_265 = vector.broadcast %parallel_loop3A_264 : f32 to vector<16xf32>
        %parallel_loop3A_266 = arith.mulf %parallel_loop3A_263, %parallel_loop3A_265 : vector<16xf32>
        %parallel_loop3A_267 = arith.maximumf %parallel_loop3A_263, %parallel_loop3A_266 : vector<16xf32>
        %parallel_loop3A_268 = arith.constant 0 : i32
        %parallel_loop3A_269 = arith.index_cast %parallel_loop3A_268 : i32 to index
        %parallel_loop3A_270 = arith.constant 16 : index
        %parallel_loop3A_271 = tpu.vector_load %arg9[%parallel_loop3A_269, %parallel_loop3A_270] {strides = array<i32>} : memref<4x128xf32, #tpu.memory_space<vmem>>, vector<16xf32>,
        %parallel_loop3A_272 = arith.mulf %parallel_loop3A_267, %parallel_loop3A_271 : vector<16xf32>
        %parallel_loop3A_273 = arith.addf %parallel_loop3A_256, %parallel_loop3A_272 : vector<16xf32>
        %parallel_loop3A_274 = arith.index_cast %parallel_loop3A_239 : i32 to index
        %parallel_loop3A_275 = arith.constant 32 : index
        %parallel_loop3A_276 = tpu.vector_load %arg15[%parallel_loop3A_274, %parallel_loop3A_275] {strides = array<i32>} : memref<112x128xf32, #tpu.memory_space<vmem>>, vector<16xf32>,
        %parallel_loop3A_277 = arith.index_cast %parallel_loop3A_239 : i32 to index
        %parallel_loop3A_278 = arith.constant 32 : index
        %parallel_loop3A_279 = tpu.vector_load %arg14[%parallel_loop3A_277, %parallel_loop3A_278] {strides = array<i32>} : memref<112x128xf32, #tpu.memory_space<vmem>>, vector<16xf32>,
        %parallel_loop3A_280 = arith.addf %parallel_loop3A_279, %parallel_loop3A_276 : vector<16xf32>
        %parallel_loop3A_281 = arith.constant 2.000000e-01 : f32
        %parallel_loop3A_282 = vector.broadcast %parallel_loop3A_281 : f32 to vector<16xf32>
        %parallel_loop3A_283 = arith.mulf %parallel_loop3A_280, %parallel_loop3A_282 : vector<16xf32>
        %parallel_loop3A_284 = arith.maximumf %parallel_loop3A_280, %parallel_loop3A_283 : vector<16xf32>
        %parallel_loop3A_285 = arith.constant 0 : i32
        %parallel_loop3A_286 = arith.index_cast %parallel_loop3A_285 : i32 to index
        %parallel_loop3A_287 = arith.constant 32 : index
        %parallel_loop3A_288 = tpu.vector_load %arg9[%parallel_loop3A_286, %parallel_loop3A_287] {strides = array<i32>} : memref<4x128xf32, #tpu.memory_space<vmem>>, vector<16xf32>,
        %parallel_loop3A_289 = arith.mulf %parallel_loop3A_284, %parallel_loop3A_288 : vector<16xf32>
        %parallel_loop3A_290 = arith.addf %parallel_loop3A_273, %parallel_loop3A_289 : vector<16xf32>
        %parallel_loop3A_291 = arith.index_cast %parallel_loop3A_239 : i32 to index
        %parallel_loop3A_292 = arith.constant 48 : index
        %parallel_loop3A_293 = tpu.vector_load %arg15[%parallel_loop3A_291, %parallel_loop3A_292] {strides = array<i32>} : memref<112x128xf32, #tpu.memory_space<vmem>>, vector<16xf32>,
        %parallel_loop3A_294 = arith.index_cast %parallel_loop3A_239 : i32 to index
        %parallel_loop3A_295 = arith.constant 48 : index
        %parallel_loop3A_296 = tpu.vector_load %arg14[%parallel_loop3A_294, %parallel_loop3A_295] {strides = array<i32>} : memref<112x128xf32, #tpu.memory_space<vmem>>, vector<16xf32>,
        %parallel_loop3A_297 = arith.addf %parallel_loop3A_296, %parallel_loop3A_293 : vector<16xf32>
        %parallel_loop3A_298 = arith.constant 2.000000e-01 : f32
        %parallel_loop3A_299 = vector.broadcast %parallel_loop3A_298 : f32 to vector<16xf32>
        %parallel_loop3A_300 = arith.mulf %parallel_loop3A_297, %parallel_loop3A_299 : vector<16xf32>
        %parallel_loop3A_301 = arith.maximumf %parallel_loop3A_297, %parallel_loop3A_300 : vector<16xf32>
        %parallel_loop3A_302 = arith.constant 0 : i32
        %parallel_loop3A_303 = arith.index_cast %parallel_loop3A_302 : i32 to index
        %parallel_loop3A_304 = arith.constant 48 : index
        %parallel_loop3A_305 = tpu.vector_load %arg9[%parallel_loop3A_303, %parallel_loop3A_304] {strides = array<i32>} : memref<4x128xf32, #tpu.memory_space<vmem>>, vector<16xf32>,
        %parallel_loop3A_306 = arith.mulf %parallel_loop3A_301, %parallel_loop3A_305 : vector<16xf32>
        %parallel_loop3A_307 = arith.addf %parallel_loop3A_290, %parallel_loop3A_306 : vector<16xf32>
        %parallel_loop3A_308 = arith.index_cast %parallel_loop3A_239 : i32 to index
        %parallel_loop3A_309 = arith.constant 64 : index
        %parallel_loop3A_310 = tpu.vector_load %arg15[%parallel_loop3A_308, %parallel_loop3A_309] {strides = array<i32>} : memref<112x128xf32, #tpu.memory_space<vmem>>, vector<16xf32>,
        %parallel_loop3A_311 = arith.index_cast %parallel_loop3A_239 : i32 to index
        %parallel_loop3A_312 = arith.constant 64 : index
        %parallel_loop3A_313 = tpu.vector_load %arg14[%parallel_loop3A_311, %parallel_loop3A_312] {strides = array<i32>} : memref<112x128xf32, #tpu.memory_space<vmem>>, vector<16xf32>,
        %parallel_loop3A_314 = arith.addf %parallel_loop3A_313, %parallel_loop3A_310 : vector<16xf32>
        %parallel_loop3A_315 = arith.constant 2.000000e-01 : f32
        %parallel_loop3A_316 = vector.broadcast %parallel_loop3A_315 : f32 to vector<16xf32>
        %parallel_loop3A_317 = arith.mulf %parallel_loop3A_314, %parallel_loop3A_316 : vector<16xf32>
        %parallel_loop3A_318 = arith.maximumf %parallel_loop3A_314, %parallel_loop3A_317 : vector<16xf32>
        %parallel_loop3A_319 = arith.constant 0 : i32
        %parallel_loop3A_320 = arith.index_cast %parallel_loop3A_319 : i32 to index
        %parallel_loop3A_321 = arith.constant 64 : index
        %parallel_loop3A_322 = tpu.vector_load %arg9[%parallel_loop3A_320, %parallel_loop3A_321] {strides = array<i32>} : memref<4x128xf32, #tpu.memory_space<vmem>>, vector<16xf32>,
        %parallel_loop3A_323 = arith.mulf %parallel_loop3A_318, %parallel_loop3A_322 : vector<16xf32>
        %parallel_loop3A_324 = arith.addf %parallel_loop3A_307, %parallel_loop3A_323 : vector<16xf32>
        %parallel_loop3A_325 = arith.index_cast %parallel_loop3A_239 : i32 to index
        %parallel_loop3A_326 = arith.constant 80 : index
        %parallel_loop3A_327 = tpu.vector_load %arg15[%parallel_loop3A_325, %parallel_loop3A_326] {strides = array<i32>} : memref<112x128xf32, #tpu.memory_space<vmem>>, vector<16xf32>,
        %parallel_loop3A_328 = arith.index_cast %parallel_loop3A_239 : i32 to index
        %parallel_loop3A_329 = arith.constant 80 : index
        %parallel_loop3A_330 = tpu.vector_load %arg14[%parallel_loop3A_328, %parallel_loop3A_329] {strides = array<i32>} : memref<112x128xf32, #tpu.memory_space<vmem>>, vector<16xf32>,
        %parallel_loop3A_331 = arith.addf %parallel_loop3A_330, %parallel_loop3A_327 : vector<16xf32>
        %parallel_loop3A_332 = arith.constant 2.000000e-01 : f32
        %parallel_loop3A_333 = vector.broadcast %parallel_loop3A_332 : f32 to vector<16xf32>
        %parallel_loop3A_334 = arith.mulf %parallel_loop3A_331, %parallel_loop3A_333 : vector<16xf32>
        %parallel_loop3A_335 = arith.maximumf %parallel_loop3A_331, %parallel_loop3A_334 : vector<16xf32>
        %parallel_loop3A_336 = arith.constant 0 : i32
        %parallel_loop3A_337 = arith.index_cast %parallel_loop3A_336 : i32 to index
        %parallel_loop3A_338 = arith.constant 80 : index
        %parallel_loop3A_339 = tpu.vector_load %arg9[%parallel_loop3A_337, %parallel_loop3A_338] {strides = array<i32>} : memref<4x128xf32, #tpu.memory_space<vmem>>, vector<16xf32>,
        %parallel_loop3A_340 = arith.mulf %parallel_loop3A_335, %parallel_loop3A_339 : vector<16xf32>
        %parallel_loop3A_341 = arith.addf %parallel_loop3A_324, %parallel_loop3A_340 : vector<16xf32>
        %parallel_loop3A_342 = arith.index_cast %parallel_loop3A_239 : i32 to index
        %parallel_loop3A_343 = arith.constant 96 : index
        %parallel_loop3A_344 = tpu.vector_load %arg15[%parallel_loop3A_342, %parallel_loop3A_343] {strides = array<i32>} : memref<112x128xf32, #tpu.memory_space<vmem>>, vector<16xf32>,
        %parallel_loop3A_345 = arith.index_cast %parallel_loop3A_239 : i32 to index
        %parallel_loop3A_346 = arith.constant 96 : index
        %parallel_loop3A_347 = tpu.vector_load %arg14[%parallel_loop3A_345, %parallel_loop3A_346] {strides = array<i32>} : memref<112x128xf32, #tpu.memory_space<vmem>>, vector<16xf32>,
        %parallel_loop3A_348 = arith.addf %parallel_loop3A_347, %parallel_loop3A_344 : vector<16xf32>
        %parallel_loop3A_349 = arith.constant 2.000000e-01 : f32
        %parallel_loop3A_350 = vector.broadcast %parallel_loop3A_349 : f32 to vector<16xf32>
        %parallel_loop3A_351 = arith.mulf %parallel_loop3A_348, %parallel_loop3A_350 : vector<16xf32>
        %parallel_loop3A_352 = arith.maximumf %parallel_loop3A_348, %parallel_loop3A_351 : vector<16xf32>
        %parallel_loop3A_353 = arith.constant 0 : i32
        %parallel_loop3A_354 = arith.index_cast %parallel_loop3A_353 : i32 to index
        %parallel_loop3A_355 = arith.constant 96 : index
        %parallel_loop3A_356 = tpu.vector_load %arg9[%parallel_loop3A_354, %parallel_loop3A_355] {strides = array<i32>} : memref<4x128xf32, #tpu.memory_space<vmem>>, vector<16xf32>,
        %parallel_loop3A_357 = arith.mulf %parallel_loop3A_352, %parallel_loop3A_356 : vector<16xf32>
        %parallel_loop3A_358 = arith.addf %parallel_loop3A_341, %parallel_loop3A_357 : vector<16xf32>
        %parallel_loop3A_359 = arith.index_cast %parallel_loop3A_239 : i32 to index
        %parallel_loop3A_360 = arith.constant 112 : index
        %parallel_loop3A_361 = tpu.vector_load %arg15[%parallel_loop3A_359, %parallel_loop3A_360] {strides = array<i32>} : memref<112x128xf32, #tpu.memory_space<vmem>>, vector<16xf32>,
        %parallel_loop3A_362 = arith.index_cast %parallel_loop3A_239 : i32 to index
        %parallel_loop3A_363 = arith.constant 112 : index
        %parallel_loop3A_364 = tpu.vector_load %arg14[%parallel_loop3A_362, %parallel_loop3A_363] {strides = array<i32>} : memref<112x128xf32, #tpu.memory_space<vmem>>, vector<16xf32>,
        %parallel_loop3A_365 = arith.addf %parallel_loop3A_364, %parallel_loop3A_361 : vector<16xf32>
        %parallel_loop3A_366 = arith.constant 2.000000e-01 : f32
        %parallel_loop3A_367 = vector.broadcast %parallel_loop3A_366 : f32 to vector<16xf32>
        %parallel_loop3A_368 = arith.mulf %parallel_loop3A_365, %parallel_loop3A_367 : vector<16xf32>
        %parallel_loop3A_369 = arith.maximumf %parallel_loop3A_365, %parallel_loop3A_368 : vector<16xf32>
        %parallel_loop3A_370 = arith.constant 0 : i32
        %parallel_loop3A_371 = arith.index_cast %parallel_loop3A_370 : i32 to index
        %parallel_loop3A_372 = arith.constant 112 : index
        %parallel_loop3A_373 = tpu.vector_load %arg9[%parallel_loop3A_371, %parallel_loop3A_372] {strides = array<i32>} : memref<4x128xf32, #tpu.memory_space<vmem>>, vector<16xf32>,
        %parallel_loop3A_374 = arith.mulf %parallel_loop3A_369, %parallel_loop3A_373 : vector<16xf32>
        %parallel_loop3A_375 = arith.addf %parallel_loop3A_358, %parallel_loop3A_374 : vector<16xf32>
        %parallel_loop3A_376 = arith.constant true
        %parallel_loop3A_377 = vector.broadcast %parallel_loop3A_376 : i1 to vector<16xi1>
        %parallel_loop3A_378 = tpu.scan <sum>, %parallel_loop3A_375 masked %parallel_loop3A_377 : vector<16xf32>, vector<16xi1> -> vector<16xf32>
        %parallel_loop3A_379 = vector.extract %parallel_loop3A_378[15] : f32 from vector<16xf32>
        %parallel_loop3A_380 = vector.broadcast %parallel_loop3A_379 : f32 to vector<16xf32>
        %parallel_loop3A_381 = math.exp %parallel_loop3A_380 : vector<16xf32>
        %parallel_loop3A_382 = arith.mulf %parallel_loop3A_242, %parallel_loop3A_381 : vector<16xf32>
        %parallel_loop3A_383 = arith.index_cast %parallel_loop3A_239 : i32 to index
        %parallel_loop3A_384 = arith.constant 0 : index
        %parallel_loop3A_385 = tpu.vector_load %arg15[%parallel_loop3A_383, %parallel_loop3A_384] {strides = array<i32>} : memref<112x128xf32, #tpu.memory_space<vmem>>, vector<16xf32>,
        tpu.vector_store %arg15[%parallel_loop3A_383, %parallel_loop3A_384], %parallel_loop3A_382 {strides = array<i32>} : memref<112x128xf32, #tpu.memory_space<vmem>>, vector<16xf32>,
        %parallel_loop3A_386 = arith.mulf %parallel_loop3A_259, %parallel_loop3A_381 : vector<16xf32>
        %parallel_loop3A_387 = arith.index_cast %parallel_loop3A_239 : i32 to index
        %parallel_loop3A_388 = arith.constant 16 : index
        %parallel_loop3A_389 = tpu.vector_load %arg15[%parallel_loop3A_387, %parallel_loop3A_388] {strides = array<i32>} : memref<112x128xf32, #tpu.memory_space<vmem>>, vector<16xf32>,
        tpu.vector_store %arg15[%parallel_loop3A_387, %parallel_loop3A_388], %parallel_loop3A_386 {strides = array<i32>} : memref<112x128xf32, #tpu.memory_space<vmem>>, vector<16xf32>,
        %parallel_loop3A_390 = arith.mulf %parallel_loop3A_276, %parallel_loop3A_381 : vector<16xf32>
        %parallel_loop3A_391 = arith.index_cast %parallel_loop3A_239 : i32 to index
        %parallel_loop3A_392 = arith.constant 32 : index
        %parallel_loop3A_393 = tpu.vector_load %arg15[%parallel_loop3A_391, %parallel_loop3A_392] {strides = array<i32>} : memref<112x128xf32, #tpu.memory_space<vmem>>, vector<16xf32>,
        tpu.vector_store %arg15[%parallel_loop3A_391, %parallel_loop3A_392], %parallel_loop3A_390 {strides = array<i32>} : memref<112x128xf32, #tpu.memory_space<vmem>>, vector<16xf32>,
        %parallel_loop3A_394 = arith.mulf %parallel_loop3A_293, %parallel_loop3A_381 : vector<16xf32>
        %parallel_loop3A_395 = arith.index_cast %parallel_loop3A_239 : i32 to index
        %parallel_loop3A_396 = arith.constant 48 : index
        %parallel_loop3A_397 = tpu.vector_load %arg15[%parallel_loop3A_395, %parallel_loop3A_396] {strides = array<i32>} : memref<112x128xf32, #tpu.memory_space<vmem>>, vector<16xf32>,
        tpu.vector_store %arg15[%parallel_loop3A_395, %parallel_loop3A_396], %parallel_loop3A_394 {strides = array<i32>} : memref<112x128xf32, #tpu.memory_space<vmem>>, vector<16xf32>,
        %parallel_loop3A_398 = arith.mulf %parallel_loop3A_310, %parallel_loop3A_381 : vector<16xf32>
        %parallel_loop3A_399 = arith.index_cast %parallel_loop3A_239 : i32 to index
        %parallel_loop3A_400 = arith.constant 64 : index
        %parallel_loop3A_401 = tpu.vector_load %arg15[%parallel_loop3A_399, %parallel_loop3A_400] {strides = array<i32>} : memref<112x128xf32, #tpu.memory_space<vmem>>, vector<16xf32>,
        tpu.vector_store %arg15[%parallel_loop3A_399, %parallel_loop3A_400], %parallel_loop3A_398 {strides = array<i32>} : memref<112x128xf32, #tpu.memory_space<vmem>>, vector<16xf32>,
        %parallel_loop3A_402 = arith.mulf %parallel_loop3A_327, %parallel_loop3A_381 : vector<16xf32>
        %parallel_loop3A_403 = arith.index_cast %parallel_loop3A_239 : i32 to index
        %parallel_loop3A_404 = arith.constant 80 : index
        %parallel_loop3A_405 = tpu.vector_load %arg15[%parallel_loop3A_403, %parallel_loop3A_404] {strides = array<i32>} : memref<112x128xf32, #tpu.memory_space<vmem>>, vector<16xf32>,
        tpu.vector_store %arg15[%parallel_loop3A_403, %parallel_loop3A_404], %parallel_loop3A_402 {strides = array<i32>} : memref<112x128xf32, #tpu.memory_space<vmem>>, vector<16xf32>,
        %parallel_loop3A_406 = arith.mulf %parallel_loop3A_344, %parallel_loop3A_381 : vector<16xf32>
        %parallel_loop3A_407 = arith.index_cast %parallel_loop3A_239 : i32 to index
        %parallel_loop3A_408 = arith.constant 96 : index
        %parallel_loop3A_409 = tpu.vector_load %arg15[%parallel_loop3A_407, %parallel_loop3A_408] {strides = array<i32>} : memref<112x128xf32, #tpu.memory_space<vmem>>, vector<16xf32>,
        tpu.vector_store %arg15[%parallel_loop3A_407, %parallel_loop3A_408], %parallel_loop3A_406 {strides = array<i32>} : memref<112x128xf32, #tpu.memory_space<vmem>>, vector<16xf32>,
        %parallel_loop3A_410 = arith.mulf %parallel_loop3A_361, %parallel_loop3A_381 : vector<16xf32>
        %parallel_loop3A_411 = arith.index_cast %parallel_loop3A_239 : i32 to index
        %parallel_loop3A_412 = arith.constant 112 : index
        %parallel_loop3A_413 = tpu.vector_load %arg15[%parallel_loop3A_411, %parallel_loop3A_412] {strides = array<i32>} : memref<112x128xf32, #tpu.memory_space<vmem>>, vector<16xf32>,
        tpu.vector_store %arg15[%parallel_loop3A_411, %parallel_loop3A_412], %parallel_loop3A_410 {strides = array<i32>} : memref<112x128xf32, #tpu.memory_space<vmem>>, vector<16xf32>,
        %parallel_loop3A_414 = arith.index_cast %parallel_loop3A_239 : i32 to index
        %parallel_loop3A_415 = tpu.vector_load %arg12[%parallel_loop3A_414] {strides = array<i32>} : memref<128xi32, #tpu.memory_space<vmem>>, vector<16xi32>,
        tpu.vector_store_idx %arg16[%parallel_loop3A_415], %parallel_loop3A_381 masked %eq3A_7 {add = true} : memref<10112xf32, #tpu.memory_space<vmem>>[vector<16xi32>], vector<16xf32>, vector<16xi1>
      } {sc.loop_unroll_factor = 4 : i64, sc.parallel_access}
      "tpu.region"() ({
        %run_scoped3A = tpu.sem_alloc : memref<!tpu.dma_semaphore, #tpu.memory_space<semaphore_mem>>
        %dma_start3A_239 = arith.constant 0 : i32
        %dma_start3A_240 = arith.constant 0 : i32
        %dma_start3A_241 = tpu.memref_slice %arg18[%dma_start3A_239, %dma_start3A_240] : memref<10112x128xf32, #tpu.memory_space<vmem_shared>> -> memref<10112x128xf32, #tpu.memory_space<vmem_shared>>
        tpu.enqueue_indirect_dma source(%arg15 : memref<112x128xf32, #tpu.memory_space<vmem>>) target(%dma_start3A_241 : memref<10112x128xf32, #tpu.memory_space<vmem_shared>>) offsets(%arg11 : memref<112xi32, #tpu.memory_space<vmem>>) semaphore(%run_scoped3A : memref<!tpu.dma_semaphore, #tpu.memory_space<semaphore_mem>>) {add = true}
        %dma_wait3A_242 = arith.constant 0 : i32
        %dma_wait3A_243 = arith.constant 0 : i32
        %dma_wait3A_244 = tpu.memref_slice %arg18[%dma_wait3A_242, %dma_wait3A_243] : memref<10112x128xf32, #tpu.memory_space<vmem_shared>> -> memref<10112x128xf32, #tpu.memory_space<vmem_shared>>
        tpu.wait_indirect_dma semaphore(%run_scoped3A : memref<!tpu.dma_semaphore, #tpu.memory_space<semaphore_mem>>) src(%arg15 : memref<112x128xf32, #tpu.memory_space<vmem>>) dst(%dma_wait3A_244 : memref<10112x128xf32, #tpu.memory_space<vmem_shared>>)
        tpu.yield
      }) : () -> ()
    }
    %scan3A_30 = arith.constant 93 : i32
    %barrier3A_31 = arith.constant 0 : index
    tpu.barrier barrier_id(%barrier3A_31)
    %mul3A_32 = arith.constant 4 : i32
    %mul3A_33 = arith.muli %arg0, %mul3A_32 : i32
    %add3A_34 = arith.constant 0 : i32
    %add3A_35 = arith.addi %mul3A_33, %add3A_34 : i32
    %mul3A_36 = arith.constant 10000 : i32
    %mul3A_37 = arith.muli %add3A_35, %mul3A_36 : i32
    %mul3A_38 = arith.constant 624 : i32
    %mul3A_39 = arith.muli %arg1, %mul3A_38 : i32
    %add3A_40 = arith.addi %mul3A_37, %mul3A_39 : i32
    %scan3A_41 = arith.constant 0 : i32
    %scan3A_42 = arith.constant 0 : i32
    %scan3A_43 = arith.constant 13 : i32
    %scan3A_44 = arith.addi %scan3A_42, %scan3A_43 : i32
    %scan3A_45 = arith.constant 1 : i32
    scf.for %scan3A_219 = %scan3A_42 to %scan3A_44 step %scan3A_45  : i32 {
      %mul3A_220 = arith.constant 624 : i32
      %mul3A_221 = arith.muli %arg1, %mul3A_220 : i32
      %mul3A_222 = arith.constant 48 : i32
      %mul3A_223 = arith.muli %scan3A_219, %mul3A_222 : i32
      %add3A_224 = arith.addi %mul3A_221, %mul3A_223 : i32
      "tpu.region"() ({
        %run_scoped3A = tpu.sem_alloc : memref<!tpu.dma_semaphore, #tpu.memory_space<semaphore_mem>>
        %dma_start3A = arith.constant 0 : i32
        %dma_start3A_228 = arith.constant 0 : i32
        %dma_start3A_229 = tpu.memref_slice %arg14[%dma_start3A, %dma_start3A_228] : memref<112x128xf32, #tpu.memory_space<vmem>> -> memref<48x128xf32, #tpu.memory_space<vmem>>
        %dma_start3A_230 = arith.constant 0 : i32
        %dma_start3A_231 = tpu.memref_slice %arg18[%add3A_224, %dma_start3A_230] : memref<10112x128xf32, #tpu.memory_space<vmem_shared>> -> memref<48x128xf32, #tpu.memory_space<vmem_shared>>
        %dma_start3A_232 = arith.constant 0 : i32
        %dma_start3A_233 = arith.constant 0 : i32
        %dma_start3A_234 = tpu.memref_slice %arg14[%dma_start3A_232, %dma_start3A_233] : memref<112x128xf32, #tpu.memory_space<vmem>> -> memref<48x128xf32, #tpu.memory_space<vmem>>
        %dma_start3A_235 = arith.constant 0 : i32
        %dma_start3A_236 = tpu.memref_slice %arg18[%add3A_224, %dma_start3A_235] : memref<10112x128xf32, #tpu.memory_space<vmem_shared>> -> memref<48x128xf32, #tpu.memory_space<vmem_shared>>
        tpu.enqueue_dma source(%dma_start3A_236 : memref<48x128xf32, #tpu.memory_space<vmem_shared>>) target(%dma_start3A_234 : memref<48x128xf32, #tpu.memory_space<vmem>>) target_semaphore(%run_scoped3A : memref<!tpu.dma_semaphore, #tpu.memory_space<semaphore_mem>>)
        %dma_wait3A = arith.constant 0 : i32
        %dma_wait3A_237 = arith.constant 0 : i32
        %dma_wait3A_238 = tpu.memref_slice %arg14[%dma_wait3A, %dma_wait3A_237] : memref<112x128xf32, #tpu.memory_space<vmem>> -> memref<48x128xf32, #tpu.memory_space<vmem>>
        %dma_wait3A_239 = arith.constant 0 : i32
        %dma_wait3A_240 = tpu.memref_slice %arg18[%add3A_224, %dma_wait3A_239] : memref<10112x128xf32, #tpu.memory_space<vmem_shared>> -> memref<48x128xf32, #tpu.memory_space<vmem_shared>>
        %dma_wait3A_241 = arith.constant 0 : i32
        %dma_wait3A_242 = arith.constant 0 : i32
        %dma_wait3A_243 = tpu.memref_slice %arg14[%dma_wait3A_241, %dma_wait3A_242] : memref<112x128xf32, #tpu.memory_space<vmem>> -> memref<48x128xf32, #tpu.memory_space<vmem>>
        %dma_wait3A_244 = arith.constant 0 : i32
        %dma_wait3A_245 = tpu.memref_slice %arg18[%add3A_224, %dma_wait3A_244] : memref<10112x128xf32, #tpu.memory_space<vmem_shared>> -> memref<48x128xf32, #tpu.memory_space<vmem_shared>>
        tpu.wait_dma2 semaphore(%run_scoped3A : memref<!tpu.dma_semaphore, #tpu.memory_space<semaphore_mem>>) src(%dma_wait3A_245 : memref<48x128xf32, #tpu.memory_space<vmem_shared>>) dst(%dma_wait3A_243 : memref<48x128xf32, #tpu.memory_space<vmem>>)
        tpu.yield
      }) : () -> ()
      %mul3A_225 = arith.constant 48 : i32
      %mul3A_226 = arith.muli %scan3A_219, %mul3A_225 : i32
      %add3A_227 = arith.addi %add3A_40, %mul3A_226 : i32
      "tpu.region"() ({
        %run_scoped3A = tpu.sem_alloc : memref<!tpu.dma_semaphore, #tpu.memory_space<semaphore_mem>>
        %dma_start3A = arith.constant 0 : i32
        %dma_start3A_228 = arith.constant 0 : i32
        %dma_start3A_229 = tpu.memref_slice %arg14[%dma_start3A, %dma_start3A_228] : memref<112x128xf32, #tpu.memory_space<vmem>> -> memref<48x128xf32, #tpu.memory_space<vmem>>
        %dma_start3A_230 = arith.constant 0 : i32
        %dma_start3A_231 = tpu.memref_slice %arg7[%add3A_227, %dma_start3A_230] : memref<80000x128xf32, #tpu.memory_space<hbm>> -> memref<48x128xf32, #tpu.memory_space<hbm>>
        %dma_start3A_232 = arith.constant 0 : i32
        %dma_start3A_233 = tpu.memref_slice %arg7[%add3A_227, %dma_start3A_232] : memref<80000x128xf32, #tpu.memory_space<hbm>> -> memref<48x128xf32, #tpu.memory_space<hbm>>
        %dma_start3A_234 = arith.constant 0 : i32
        %dma_start3A_235 = arith.constant 0 : i32
        %dma_start3A_236 = tpu.memref_slice %arg14[%dma_start3A_234, %dma_start3A_235] : memref<112x128xf32, #tpu.memory_space<vmem>> -> memref<48x128xf32, #tpu.memory_space<vmem>>
        tpu.enqueue_dma source(%dma_start3A_236 : memref<48x128xf32, #tpu.memory_space<vmem>>) target(%dma_start3A_233 : memref<48x128xf32, #tpu.memory_space<hbm>>) target_semaphore(%run_scoped3A : memref<!tpu.dma_semaphore, #tpu.memory_space<semaphore_mem>>)
        %dma_wait3A = arith.constant 0 : i32
        %dma_wait3A_237 = arith.constant 0 : i32
        %dma_wait3A_238 = tpu.memref_slice %arg14[%dma_wait3A, %dma_wait3A_237] : memref<112x128xf32, #tpu.memory_space<vmem>> -> memref<48x128xf32, #tpu.memory_space<vmem>>
        %dma_wait3A_239 = arith.constant 0 : i32
        %dma_wait3A_240 = tpu.memref_slice %arg7[%add3A_227, %dma_wait3A_239] : memref<80000x128xf32, #tpu.memory_space<hbm>> -> memref<48x128xf32, #tpu.memory_space<hbm>>
        %dma_wait3A_241 = arith.constant 0 : i32
        %dma_wait3A_242 = tpu.memref_slice %arg7[%add3A_227, %dma_wait3A_241] : memref<80000x128xf32, #tpu.memory_space<hbm>> -> memref<48x128xf32, #tpu.memory_space<hbm>>
        %dma_wait3A_243 = arith.constant 0 : i32
        %dma_wait3A_244 = arith.constant 0 : i32
        %dma_wait3A_245 = tpu.memref_slice %arg14[%dma_wait3A_243, %dma_wait3A_244] : memref<112x128xf32, #tpu.memory_space<vmem>> -> memref<48x128xf32, #tpu.memory_space<vmem>>
        tpu.wait_dma2 semaphore(%run_scoped3A : memref<!tpu.dma_semaphore, #tpu.memory_space<semaphore_mem>>) src(%dma_wait3A_245 : memref<48x128xf32, #tpu.memory_space<vmem>>) dst(%dma_wait3A_242 : memref<48x128xf32, #tpu.memory_space<hbm>>)
        tpu.yield
      }) : () -> ()
    }
    %scan3A_46 = arith.constant 13 : i32
    %eq3A_47 = arith.constant 15 : i32
    %eq3A_48 = arith.cmpi eq, %arg1, %eq3A_47 : i32
    %convert_element_type3A = arith.extui %eq3A_48 : i1 to i32
    %cond3A = arith.constant 0 : i32
    %cond3A_49 = arith.cmpi ne, %convert_element_type3A, %cond3A : i32
    scf.if %cond3A_49 {
      "tpu.region"() ({
        %run_scoped3A = tpu.sem_alloc : memref<!tpu.dma_semaphore, #tpu.memory_space<semaphore_mem>>
        %dma_start3A = arith.constant 0 : i32
        %dma_start3A_221 = arith.constant 0 : i32
        %dma_start3A_222 = tpu.memref_slice %arg14[%dma_start3A, %dma_start3A_221] : memref<112x128xf32, #tpu.memory_space<vmem>> -> memref<16x128xf32, #tpu.memory_space<vmem>>
        %dma_start3A_223 = arith.constant 9984 : i32
        %dma_start3A_224 = arith.constant 0 : i32
        %dma_start3A_225 = tpu.memref_slice %arg18[%dma_start3A_223, %dma_start3A_224] : memref<10112x128xf32, #tpu.memory_space<vmem_shared>> -> memref<16x128xf32, #tpu.memory_space<vmem_shared>>
        %dma_start3A_226 = arith.constant 0 : i32
        %dma_start3A_227 = arith.constant 0 : i32
        %dma_start3A_228 = tpu.memref_slice %arg14[%dma_start3A_226, %dma_start3A_227] : memref<112x128xf32, #tpu.memory_space<vmem>> -> memref<16x128xf32, #tpu.memory_space<vmem>>
        %dma_start3A_229 = arith.constant 9984 : i32
        %dma_start3A_230 = arith.constant 0 : i32
        %dma_start3A_231 = tpu.memref_slice %arg18[%dma_start3A_229, %dma_start3A_230] : memref<10112x128xf32, #tpu.memory_space<vmem_shared>> -> memref<16x128xf32, #tpu.memory_space<vmem_shared>>
        tpu.enqueue_dma source(%dma_start3A_231 : memref<16x128xf32, #tpu.memory_space<vmem_shared>>) target(%dma_start3A_228 : memref<16x128xf32, #tpu.memory_space<vmem>>) target_semaphore(%run_scoped3A : memref<!tpu.dma_semaphore, #tpu.memory_space<semaphore_mem>>)
        %dma_wait3A = arith.constant 0 : i32
        %dma_wait3A_232 = arith.constant 0 : i32
        %dma_wait3A_233 = tpu.memref_slice %arg14[%dma_wait3A, %dma_wait3A_232] : memref<112x128xf32, #tpu.memory_space<vmem>> -> memref<16x128xf32, #tpu.memory_space<vmem>>
        %dma_wait3A_234 = arith.constant 9984 : i32
        %dma_wait3A_235 = arith.constant 0 : i32
        %dma_wait3A_236 = tpu.memref_slice %arg18[%dma_wait3A_234, %dma_wait3A_235] : memref<10112x128xf32, #tpu.memory_space<vmem_shared>> -> memref<16x128xf32, #tpu.memory_space<vmem_shared>>
        %dma_wait3A_237 = arith.constant 0 : i32
        %dma_wait3A_238 = arith.constant 0 : i32
        %dma_wait3A_239 = tpu.memref_slice %arg14[%dma_wait3A_237, %dma_wait3A_238] : memref<112x128xf32, #tpu.memory_space<vmem>> -> memref<16x128xf32, #tpu.memory_space<vmem>>
        %dma_wait3A_240 = arith.constant 9984 : i32
        %dma_wait3A_241 = arith.constant 0 : i32
        %dma_wait3A_242 = tpu.memref_slice %arg18[%dma_wait3A_240, %dma_wait3A_241] : memref<10112x128xf32, #tpu.memory_space<vmem_shared>> -> memref<16x128xf32, #tpu.memory_space<vmem_shared>>
        tpu.wait_dma2 semaphore(%run_scoped3A : memref<!tpu.dma_semaphore, #tpu.memory_space<semaphore_mem>>) src(%dma_wait3A_242 : memref<16x128xf32, #tpu.memory_space<vmem_shared>>) dst(%dma_wait3A_239 : memref<16x128xf32, #tpu.memory_space<vmem>>)
        tpu.yield
      }) : () -> ()
      %add3A_219 = arith.constant 9984 : i32
      %add3A_220 = arith.addi %mul3A_37, %add3A_219 : i32
      "tpu.region"() ({
        %run_scoped3A = tpu.sem_alloc : memref<!tpu.dma_semaphore, #tpu.memory_space<semaphore_mem>>
        %dma_start3A = arith.constant 0 : i32
        %dma_start3A_221 = arith.constant 0 : i32
        %dma_start3A_222 = tpu.memref_slice %arg14[%dma_start3A, %dma_start3A_221] : memref<112x128xf32, #tpu.memory_space<vmem>> -> memref<16x128xf32, #tpu.memory_space<vmem>>
        %dma_start3A_223 = arith.constant 0 : i32
        %dma_start3A_224 = tpu.memref_slice %arg7[%add3A_220, %dma_start3A_223] : memref<80000x128xf32, #tpu.memory_space<hbm>> -> memref<16x128xf32, #tpu.memory_space<hbm>>
        %dma_start3A_225 = arith.constant 0 : i32
        %dma_start3A_226 = tpu.memref_slice %arg7[%add3A_220, %dma_start3A_225] : memref<80000x128xf32, #tpu.memory_space<hbm>> -> memref<16x128xf32, #tpu.memory_space<hbm>>
        %dma_start3A_227 = arith.constant 0 : i32
        %dma_start3A_228 = arith.constant 0 : i32
        %dma_start3A_229 = tpu.memref_slice %arg14[%dma_start3A_227, %dma_start3A_228] : memref<112x128xf32, #tpu.memory_space<vmem>> -> memref<16x128xf32, #tpu.memory_space<vmem>>
        tpu.enqueue_dma source(%dma_start3A_229 : memref<16x128xf32, #tpu.memory_space<vmem>>) target(%dma_start3A_226 : memref<16x128xf32, #tpu.memory_space<hbm>>) target_semaphore(%run_scoped3A : memref<!tpu.dma_semaphore, #tpu.memory_space<semaphore_mem>>)
        %dma_wait3A = arith.constant 0 : i32
        %dma_wait3A_230 = arith.constant 0 : i32
        %dma_wait3A_231 = tpu.memref_slice %arg14[%dma_wait3A, %dma_wait3A_230] : memref<112x128xf32, #tpu.memory_space<vmem>> -> memref<16x128xf32, #tpu.memory_space<vmem>>
        %dma_wait3A_232 = arith.constant 0 : i32
        %dma_wait3A_233 = tpu.memref_slice %arg7[%add3A_220, %dma_wait3A_232] : memref<80000x128xf32, #tpu.memory_space<hbm>> -> memref<16x128xf32, #tpu.memory_space<hbm>>
        %dma_wait3A_234 = arith.constant 0 : i32
        %dma_wait3A_235 = tpu.memref_slice %arg7[%add3A_220, %dma_wait3A_234] : memref<80000x128xf32, #tpu.memory_space<hbm>> -> memref<16x128xf32, #tpu.memory_space<hbm>>
        %dma_wait3A_236 = arith.constant 0 : i32
        %dma_wait3A_237 = arith.constant 0 : i32
        %dma_wait3A_238 = tpu.memref_slice %arg14[%dma_wait3A_236, %dma_wait3A_237] : memref<112x128xf32, #tpu.memory_space<vmem>> -> memref<16x128xf32, #tpu.memory_space<vmem>>
        tpu.wait_dma2 semaphore(%run_scoped3A : memref<!tpu.dma_semaphore, #tpu.memory_space<semaphore_mem>>) src(%dma_wait3A_238 : memref<16x128xf32, #tpu.memory_space<vmem>>) dst(%dma_wait3A_235 : memref<16x128xf32, #tpu.memory_space<hbm>>)
        tpu.yield
      }) : () -> ()
    } else {
    }
    %mul3A_50 = arith.constant 4 : i32
    %mul3A_51 = arith.muli %arg0, %mul3A_50 : i32
    %add3A_52 = arith.constant 0 : i32
    %add3A_53 = arith.addi %mul3A_51, %add3A_52 : i32
    %mul3A_54 = arith.constant 16 : i32
    %mul3A_55 = arith.muli %add3A_53, %mul3A_54 : i32
    %add3A_56 = arith.addi %mul3A_55, %arg1 : i32
    %mul3A_57 = arith.constant 10112 : i32
    %mul3A_58 = arith.muli %add3A_56, %mul3A_57 : i32
    "tpu.region"() ({
      %run_scoped3A = tpu.sem_alloc : memref<!tpu.dma_semaphore, #tpu.memory_space<semaphore_mem>>
      %dma_start3A = tpu.memref_slice %arg8[%mul3A_58] : memref<1294336xf32, #tpu.memory_space<hbm>> -> memref<10112xf32, #tpu.memory_space<hbm>>
      %dma_start3A_219 = tpu.memref_slice %arg8[%mul3A_58] : memref<1294336xf32, #tpu.memory_space<hbm>> -> memref<10112xf32, #tpu.memory_space<hbm>>
      tpu.enqueue_dma source(%arg16 : memref<10112xf32, #tpu.memory_space<vmem>>) target(%dma_start3A_219 : memref<10112xf32, #tpu.memory_space<hbm>>) target_semaphore(%run_scoped3A : memref<!tpu.dma_semaphore, #tpu.memory_space<semaphore_mem>>)
      %dma_wait3A = tpu.memref_slice %arg8[%mul3A_58] : memref<1294336xf32, #tpu.memory_space<hbm>> -> memref<10112xf32, #tpu.memory_space<hbm>>
      %dma_wait3A_220 = tpu.memref_slice %arg8[%mul3A_58] : memref<1294336xf32, #tpu.memory_space<hbm>> -> memref<10112xf32, #tpu.memory_space<hbm>>
      tpu.wait_dma2 semaphore(%run_scoped3A : memref<!tpu.dma_semaphore, #tpu.memory_space<semaphore_mem>>) src(%arg16 : memref<10112xf32, #tpu.memory_space<vmem>>) dst(%dma_wait3A_220 : memref<10112xf32, #tpu.memory_space<hbm>>)
      tpu.yield
    }) : () -> ()
    %barrier3A_59 = arith.constant 0 : index
    tpu.barrier barrier_id(%barrier3A_59)
    %broadcast_in_dim3A_60 = arith.constant 10000 : i32
    %broadcast_in_dim3A_61 = vector.broadcast %broadcast_in_dim3A_60 : i32 to vector<16xi32>
    %mul3A_62 = arith.constant 632 : i32
    %mul3A_63 = arith.muli %arg1, %mul3A_62 : i32
    %scan3A_64 = arith.constant 0 : i32
    %scan3A_65 = arith.constant 0 : i32
    %scan3A_66 = arith.constant 39 : i32
    %scan3A_67 = arith.addi %scan3A_65, %scan3A_66 : i32
    %scan3A_68 = arith.constant 1 : i32
    scf.for %scan3A_219 = %scan3A_65 to %scan3A_67 step %scan3A_68  : i32 {
      %mul3A_220 = arith.constant 16 : i32
      %mul3A_221 = arith.muli %scan3A_219, %mul3A_220 : i32
      %add3A_222 = arith.addi %mul3A_63, %mul3A_221 : i32
      "tpu.region"() ({
        %run_scoped3A = tpu.sem_alloc : memref<!tpu.dma_semaphore, #tpu.memory_space<semaphore_mem>>
        %dma_start3A = arith.constant 0 : i32
        %dma_start3A_223 = tpu.memref_slice %arg18[%add3A_222, %dma_start3A] : memref<10112x128xf32, #tpu.memory_space<vmem_shared>> -> memref<16x128xf32, #tpu.memory_space<vmem_shared>>
        %dma_start3A_224 = arith.constant 0 : i32
        %dma_start3A_225 = tpu.memref_slice %arg18[%add3A_222, %dma_start3A_224] : memref<10112x128xf32, #tpu.memory_space<vmem_shared>> -> memref<16x128xf32, #tpu.memory_space<vmem_shared>>
        tpu.enqueue_dma source(%arg17 : memref<16x128xf32, #tpu.memory_space<vmem>>) target(%dma_start3A_225 : memref<16x128xf32, #tpu.memory_space<vmem_shared>>) target_semaphore(%run_scoped3A : memref<!tpu.dma_semaphore, #tpu.memory_space<semaphore_mem>>)
        %dma_wait3A = arith.constant 0 : i32
        %dma_wait3A_226 = tpu.memref_slice %arg18[%add3A_222, %dma_wait3A] : memref<10112x128xf32, #tpu.memory_space<vmem_shared>> -> memref<16x128xf32, #tpu.memory_space<vmem_shared>>
        %dma_wait3A_227 = arith.constant 0 : i32
        %dma_wait3A_228 = tpu.memref_slice %arg18[%add3A_222, %dma_wait3A_227] : memref<10112x128xf32, #tpu.memory_space<vmem_shared>> -> memref<16x128xf32, #tpu.memory_space<vmem_shared>>
        tpu.wait_dma2 semaphore(%run_scoped3A : memref<!tpu.dma_semaphore, #tpu.memory_space<semaphore_mem>>) src(%arg17 : memref<16x128xf32, #tpu.memory_space<vmem>>) dst(%dma_wait3A_228 : memref<16x128xf32, #tpu.memory_space<vmem_shared>>)
        tpu.yield
      }) : () -> ()
    }
    %scan3A_69 = arith.constant 39 : i32
    %add3A_70 = arith.constant 624 : i32
    %add3A_71 = arith.addi %mul3A_63, %add3A_70 : i32
    "tpu.region"() ({
      %run_scoped3A = tpu.sem_alloc : memref<!tpu.dma_semaphore, #tpu.memory_space<semaphore_mem>>
      %dma_start3A = arith.constant 0 : i32
      %dma_start3A_219 = arith.constant 0 : i32
      %dma_start3A_220 = tpu.memref_slice %arg17[%dma_start3A, %dma_start3A_219] : memref<16x128xf32, #tpu.memory_space<vmem>> -> memref<8x128xf32, #tpu.memory_space<vmem>>
      %dma_start3A_221 = arith.constant 0 : i32
      %dma_start3A_222 = tpu.memref_slice %arg18[%add3A_71, %dma_start3A_221] : memref<10112x128xf32, #tpu.memory_space<vmem_shared>> -> memref<8x128xf32, #tpu.memory_space<vmem_shared>>
      %dma_start3A_223 = arith.constant 0 : i32
      %dma_start3A_224 = tpu.memref_slice %arg18[%add3A_71, %dma_start3A_223] : memref<10112x128xf32, #tpu.memory_space<vmem_shared>> -> memref<8x128xf32, #tpu.memory_space<vmem_shared>>
      %dma_start3A_225 = arith.constant 0 : i32
      %dma_start3A_226 = arith.constant 0 : i32
      %dma_start3A_227 = tpu.memref_slice %arg17[%dma_start3A_225, %dma_start3A_226] : memref<16x128xf32, #tpu.memory_space<vmem>> -> memref<8x128xf32, #tpu.memory_space<vmem>>
      tpu.enqueue_dma source(%dma_start3A_227 : memref<8x128xf32, #tpu.memory_space<vmem>>) target(%dma_start3A_224 : memref<8x128xf32, #tpu.memory_space<vmem_shared>>) target_semaphore(%run_scoped3A : memref<!tpu.dma_semaphore, #tpu.memory_space<semaphore_mem>>)
      %dma_wait3A = arith.constant 0 : i32
      %dma_wait3A_228 = arith.constant 0 : i32
      %dma_wait3A_229 = tpu.memref_slice %arg17[%dma_wait3A, %dma_wait3A_228] : memref<16x128xf32, #tpu.memory_space<vmem>> -> memref<8x128xf32, #tpu.memory_space<vmem>>
      %dma_wait3A_230 = arith.constant 0 : i32
      %dma_wait3A_231 = tpu.memref_slice %arg18[%add3A_71, %dma_wait3A_230] : memref<10112x128xf32, #tpu.memory_space<vmem_shared>> -> memref<8x128xf32, #tpu.memory_space<vmem_shared>>
      %dma_wait3A_232 = arith.constant 0 : i32
      %dma_wait3A_233 = tpu.memref_slice %arg18[%add3A_71, %dma_wait3A_232] : memref<10112x128xf32, #tpu.memory_space<vmem_shared>> -> memref<8x128xf32, #tpu.memory_space<vmem_shared>>
      %dma_wait3A_234 = arith.constant 0 : i32
      %dma_wait3A_235 = arith.constant 0 : i32
      %dma_wait3A_236 = tpu.memref_slice %arg17[%dma_wait3A_234, %dma_wait3A_235] : memref<16x128xf32, #tpu.memory_space<vmem>> -> memref<8x128xf32, #tpu.memory_space<vmem>>
      tpu.wait_dma2 semaphore(%run_scoped3A : memref<!tpu.dma_semaphore, #tpu.memory_space<semaphore_mem>>) src(%dma_wait3A_236 : memref<8x128xf32, #tpu.memory_space<vmem>>) dst(%dma_wait3A_233 : memref<8x128xf32, #tpu.memory_space<vmem_shared>>)
      tpu.yield
    }) : () -> ()
    %parallel_loop3A_72 = arith.constant 0 : i32
    %parallel_loop3A_73 = arith.constant 632 : i32
    %parallel_loop3A_74 = arith.constant 1 : i32
    scf.for %parallel_loop3A_219 = %parallel_loop3A_72 to %parallel_loop3A_73 step %parallel_loop3A_74  : i32 {
      %parallel_loop3A_220 = arith.constant 16 : i32
      %parallel_loop3A_221 = arith.muli %parallel_loop3A_219, %parallel_loop3A_220 : i32
      %parallel_loop3A_222 = arith.index_cast %parallel_loop3A_221 : i32 to index
      %parallel_loop3A_223 = tpu.vector_load %arg16[%parallel_loop3A_222] {strides = array<i32>} : memref<10112xf32, #tpu.memory_space<vmem>>, vector<16xf32>,
      tpu.vector_store %arg16[%parallel_loop3A_222], %broadcast_in_dim3A_3 {strides = array<i32>} : memref<10112xf32, #tpu.memory_space<vmem>>, vector<16xf32>,
    } {sc.loop_unroll_factor = 4 : i64, sc.parallel_access}
    %barrier3A_75 = arith.constant 0 : index
    tpu.barrier barrier_id(%barrier3A_75)
    %scan3A_76 = arith.constant 0 : i32
    %scan3A_77 = arith.constant 0 : i32
    %scan3A_78 = arith.constant 93 : i32
    %scan3A_79 = arith.addi %scan3A_77, %scan3A_78 : i32
    %scan3A_80 = arith.constant 1 : i32
    scf.for %scan3A_219 = %scan3A_77 to %scan3A_79 step %scan3A_80  : i32 {
      %mul3A_220 = arith.constant 112 : i32
      %mul3A_221 = arith.muli %scan3A_219, %mul3A_220 : i32
      %add3A_222 = arith.addi %mul3A_2, %mul3A_221 : i32
      "tpu.region"() ({
        %run_scoped3A = tpu.sem_alloc : memref<!tpu.dma_semaphore, #tpu.memory_space<semaphore_mem>>
        %dma_start3A_239 = tpu.memref_slice %arg4[%add3A_222] : memref<333312xi32, #tpu.memory_space<hbm>> -> memref<112xi32, #tpu.memory_space<hbm>>
        %dma_start3A_240 = tpu.memref_slice %arg4[%add3A_222] : memref<333312xi32, #tpu.memory_space<hbm>> -> memref<112xi32, #tpu.memory_space<hbm>>
        tpu.enqueue_dma source(%dma_start3A_240 : memref<112xi32, #tpu.memory_space<hbm>>) target(%arg10 : memref<112xi32, #tpu.memory_space<vmem>>) target_semaphore(%run_scoped3A : memref<!tpu.dma_semaphore, #tpu.memory_space<semaphore_mem>>)
        %dma_wait3A_241 = tpu.memref_slice %arg4[%add3A_222] : memref<333312xi32, #tpu.memory_space<hbm>> -> memref<112xi32, #tpu.memory_space<hbm>>
        %dma_wait3A_242 = tpu.memref_slice %arg4[%add3A_222] : memref<333312xi32, #tpu.memory_space<hbm>> -> memref<112xi32, #tpu.memory_space<hbm>>
        tpu.wait_dma2 semaphore(%run_scoped3A : memref<!tpu.dma_semaphore, #tpu.memory_space<semaphore_mem>>) src(%dma_wait3A_242 : memref<112xi32, #tpu.memory_space<hbm>>) dst(%arg10 : memref<112xi32, #tpu.memory_space<vmem>>)
        tpu.yield
      }) : () -> ()
      "tpu.region"() ({
        %run_scoped3A = tpu.sem_alloc : memref<!tpu.dma_semaphore, #tpu.memory_space<semaphore_mem>>
        %dma_start3A_239 = tpu.memref_slice %arg5[%add3A_222] : memref<333312xi32, #tpu.memory_space<hbm>> -> memref<112xi32, #tpu.memory_space<hbm>>
        %dma_start3A_240 = tpu.memref_slice %arg5[%add3A_222] : memref<333312xi32, #tpu.memory_space<hbm>> -> memref<112xi32, #tpu.memory_space<hbm>>
        tpu.enqueue_dma source(%dma_start3A_240 : memref<112xi32, #tpu.memory_space<hbm>>) target(%arg11 : memref<112xi32, #tpu.memory_space<vmem>>) target_semaphore(%run_scoped3A : memref<!tpu.dma_semaphore, #tpu.memory_space<semaphore_mem>>)
        %dma_wait3A_241 = tpu.memref_slice %arg5[%add3A_222] : memref<333312xi32, #tpu.memory_space<hbm>> -> memref<112xi32, #tpu.memory_space<hbm>>
        %dma_wait3A_242 = tpu.memref_slice %arg5[%add3A_222] : memref<333312xi32, #tpu.memory_space<hbm>> -> memref<112xi32, #tpu.memory_space<hbm>>
        tpu.wait_dma2 semaphore(%run_scoped3A : memref<!tpu.dma_semaphore, #tpu.memory_space<semaphore_mem>>) src(%dma_wait3A_242 : memref<112xi32, #tpu.memory_space<hbm>>) dst(%arg11 : memref<112xi32, #tpu.memory_space<vmem>>)
        tpu.yield
      }) : () -> ()
      "tpu.region"() ({
        %run_scoped3A = tpu.sem_alloc : memref<!tpu.dma_semaphore, #tpu.memory_space<semaphore_mem>>
        %dma_start3A_239 = arith.constant 0 : i32
        %dma_start3A_240 = tpu.memref_slice %arg12[%dma_start3A_239] : memref<128xi32, #tpu.memory_space<vmem>> -> memref<112xi32, #tpu.memory_space<vmem>>
        %dma_start3A_241 = tpu.memref_slice %arg5[%add3A_222] : memref<333312xi32, #tpu.memory_space<hbm>> -> memref<112xi32, #tpu.memory_space<hbm>>
        %dma_start3A_242 = arith.constant 0 : i32
        %dma_start3A_243 = tpu.memref_slice %arg12[%dma_start3A_242] : memref<128xi32, #tpu.memory_space<vmem>> -> memref<112xi32, #tpu.memory_space<vmem>>
        %dma_start3A_244 = tpu.memref_slice %arg5[%add3A_222] : memref<333312xi32, #tpu.memory_space<hbm>> -> memref<112xi32, #tpu.memory_space<hbm>>
        tpu.enqueue_dma source(%dma_start3A_244 : memref<112xi32, #tpu.memory_space<hbm>>) target(%dma_start3A_243 : memref<112xi32, #tpu.memory_space<vmem>>) target_semaphore(%run_scoped3A : memref<!tpu.dma_semaphore, #tpu.memory_space<semaphore_mem>>)
        %dma_wait3A_245 = arith.constant 0 : i32
        %dma_wait3A_246 = tpu.memref_slice %arg12[%dma_wait3A_245] : memref<128xi32, #tpu.memory_space<vmem>> -> memref<112xi32, #tpu.memory_space<vmem>>
        %dma_wait3A_247 = tpu.memref_slice %arg5[%add3A_222] : memref<333312xi32, #tpu.memory_space<hbm>> -> memref<112xi32, #tpu.memory_space<hbm>>
        %dma_wait3A_248 = arith.constant 0 : i32
        %dma_wait3A_249 = tpu.memref_slice %arg12[%dma_wait3A_248] : memref<128xi32, #tpu.memory_space<vmem>> -> memref<112xi32, #tpu.memory_space<vmem>>
        %dma_wait3A_250 = tpu.memref_slice %arg5[%add3A_222] : memref<333312xi32, #tpu.memory_space<hbm>> -> memref<112xi32, #tpu.memory_space<hbm>>
        tpu.wait_dma2 semaphore(%run_scoped3A : memref<!tpu.dma_semaphore, #tpu.memory_space<semaphore_mem>>) src(%dma_wait3A_250 : memref<112xi32, #tpu.memory_space<hbm>>) dst(%dma_wait3A_249 : memref<112xi32, #tpu.memory_space<vmem>>)
        tpu.yield
      }) : () -> ()
      %parallel_loop3A_223 = arith.constant 0 : i32
      %parallel_loop3A_224 = arith.constant 7 : i32
      %parallel_loop3A_225 = arith.constant 1 : i32
      scf.for %parallel_loop3A_239 = %parallel_loop3A_223 to %parallel_loop3A_224 step %parallel_loop3A_225  : i32 {
        %parallel_loop3A_240 = arith.constant 16 : i32
        %parallel_loop3A_241 = arith.muli %parallel_loop3A_239, %parallel_loop3A_240 : i32
        %parallel_loop3A_242 = arith.index_cast %parallel_loop3A_241 : i32 to index
        %parallel_loop3A_243 = tpu.vector_load %arg11[%parallel_loop3A_242] {strides = array<i32>} : memref<112xi32, #tpu.memory_space<vmem>>, vector<16xi32>,
        %parallel_loop3A_244 = arith.constant 9999 : i32
        %parallel_loop3A_245 = vector.broadcast %parallel_loop3A_244 : i32 to vector<16xi32>
        %parallel_loop3A_246 = arith.minsi %parallel_loop3A_243, %parallel_loop3A_245 : vector<16xi32>
        %parallel_loop3A_247 = arith.addi %parallel_loop3A_246, %broadcast_in_dim3A_61 : vector<16xi32>
        %parallel_loop3A_248 = arith.constant 16 : i32
        %parallel_loop3A_249 = arith.muli %parallel_loop3A_239, %parallel_loop3A_248 : i32
        %parallel_loop3A_250 = arith.index_cast %parallel_loop3A_249 : i32 to index
        %parallel_loop3A_251 = tpu.vector_load %arg13[%parallel_loop3A_250] {strides = array<i32>} : memref<112xi32, #tpu.memory_space<vmem>>, vector<16xi32>,
        tpu.vector_store %arg13[%parallel_loop3A_250], %parallel_loop3A_247 {strides = array<i32>} : memref<112xi32, #tpu.memory_space<vmem>>, vector<16xi32>,
        %parallel_loop3A_252 = arith.constant 16 : i32
        %parallel_loop3A_253 = arith.muli %parallel_loop3A_239, %parallel_loop3A_252 : i32
        %parallel_loop3A_254 = arith.index_cast %parallel_loop3A_253 : i32 to index
        %parallel_loop3A_255 = tpu.vector_load %arg10[%parallel_loop3A_254] {strides = array<i32>} : memref<112xi32, #tpu.memory_space<vmem>>, vector<16xi32>,
        %parallel_loop3A_256 = arith.addi %parallel_loop3A_255, %broadcast_in_dim3A_61 : vector<16xi32>
        %parallel_loop3A_257 = arith.constant 16 : i32
        %parallel_loop3A_258 = arith.muli %parallel_loop3A_239, %parallel_loop3A_257 : i32
        %parallel_loop3A_259 = arith.index_cast %parallel_loop3A_258 : i32 to index
        %parallel_loop3A_260 = tpu.vector_load %arg10[%parallel_loop3A_259] {strides = array<i32>} : memref<112xi32, #tpu.memory_space<vmem>>, vector<16xi32>,
        tpu.vector_store %arg10[%parallel_loop3A_259], %parallel_loop3A_256 {strides = array<i32>} : memref<112xi32, #tpu.memory_space<vmem>>, vector<16xi32>,
      } {sc.loop_unroll_factor = 1 : i64, sc.parallel_access}
      %dma_start3A = arith.constant 0 : i32
      %dma_start3A_226 = arith.constant 0 : i32
      %dma_start3A_227 = tpu.memref_slice %arg2[%dma_start3A, %dma_start3A_226] : memref<40000x128xf32, #tpu.memory_space<hbm>> -> memref<40000x128xf32, #tpu.memory_space<hbm>>
      tpu.enqueue_indirect_dma source(%dma_start3A_227 : memref<40000x128xf32, #tpu.memory_space<hbm>>) target(%arg15 : memref<112x128xf32, #tpu.memory_space<vmem>>) offsets(%arg10 : memref<112xi32, #tpu.memory_space<vmem>>) semaphore(%arg19 : memref<!tpu.dma_semaphore, #tpu.memory_space<semaphore_mem>>)
      %dma_start3A_228 = arith.constant 0 : i32
      %dma_start3A_229 = arith.constant 0 : i32
      %dma_start3A_230 = tpu.memref_slice %arg3[%dma_start3A_228, %dma_start3A_229] : memref<40000x128xf32, #tpu.memory_space<hbm>> -> memref<40000x128xf32, #tpu.memory_space<hbm>>
      tpu.enqueue_indirect_dma source(%dma_start3A_230 : memref<40000x128xf32, #tpu.memory_space<hbm>>) target(%arg14 : memref<112x128xf32, #tpu.memory_space<vmem>>) offsets(%arg13 : memref<112xi32, #tpu.memory_space<vmem>>) semaphore(%arg20 : memref<!tpu.dma_semaphore, #tpu.memory_space<semaphore_mem>>)
      %dma_wait3A = arith.constant 0 : i32
      %dma_wait3A_231 = arith.constant 0 : i32
      %dma_wait3A_232 = tpu.memref_slice %arg2[%dma_wait3A, %dma_wait3A_231] : memref<40000x128xf32, #tpu.memory_space<hbm>> -> memref<40000x128xf32, #tpu.memory_space<hbm>>
      tpu.wait_indirect_dma semaphore(%arg19 : memref<!tpu.dma_semaphore, #tpu.memory_space<semaphore_mem>>) src(%dma_wait3A_232 : memref<40000x128xf32, #tpu.memory_space<hbm>>) dst(%arg15 : memref<112x128xf32, #tpu.memory_space<vmem>>)
      %dma_wait3A_233 = arith.constant 0 : i32
      %dma_wait3A_234 = arith.constant 0 : i32
      %dma_wait3A_235 = tpu.memref_slice %arg3[%dma_wait3A_233, %dma_wait3A_234] : memref<40000x128xf32, #tpu.memory_space<hbm>> -> memref<40000x128xf32, #tpu.memory_space<hbm>>
      tpu.wait_indirect_dma semaphore(%arg20 : memref<!tpu.dma_semaphore, #tpu.memory_space<semaphore_mem>>) src(%dma_wait3A_235 : memref<40000x128xf32, #tpu.memory_space<hbm>>) dst(%arg14 : memref<112x128xf32, #tpu.memory_space<vmem>>)
      %parallel_loop3A_236 = arith.constant 0 : i32
      %parallel_loop3A_237 = arith.constant 112 : i32
      %parallel_loop3A_238 = arith.constant 1 : i32
      scf.for %parallel_loop3A_239 = %parallel_loop3A_236 to %parallel_loop3A_237 step %parallel_loop3A_238  : i32 {
        %parallel_loop3A_240 = arith.index_cast %parallel_loop3A_239 : i32 to index
        %parallel_loop3A_241 = arith.constant 0 : index
        %parallel_loop3A_242 = tpu.vector_load %arg15[%parallel_loop3A_240, %parallel_loop3A_241] {strides = array<i32>} : memref<112x128xf32, #tpu.memory_space<vmem>>, vector<16xf32>,
        %parallel_loop3A_243 = arith.index_cast %parallel_loop3A_239 : i32 to index
        %parallel_loop3A_244 = arith.constant 0 : index
        %parallel_loop3A_245 = tpu.vector_load %arg14[%parallel_loop3A_243, %parallel_loop3A_244] {strides = array<i32>} : memref<112x128xf32, #tpu.memory_space<vmem>>, vector<16xf32>,
        %parallel_loop3A_246 = arith.addf %parallel_loop3A_245, %parallel_loop3A_242 : vector<16xf32>
        %parallel_loop3A_247 = arith.constant 2.000000e-01 : f32
        %parallel_loop3A_248 = vector.broadcast %parallel_loop3A_247 : f32 to vector<16xf32>
        %parallel_loop3A_249 = arith.mulf %parallel_loop3A_246, %parallel_loop3A_248 : vector<16xf32>
        %parallel_loop3A_250 = arith.maximumf %parallel_loop3A_246, %parallel_loop3A_249 : vector<16xf32>
        %parallel_loop3A_251 = arith.constant 1 : i32
        %parallel_loop3A_252 = arith.index_cast %parallel_loop3A_251 : i32 to index
        %parallel_loop3A_253 = arith.constant 0 : index
        %parallel_loop3A_254 = tpu.vector_load %arg9[%parallel_loop3A_252, %parallel_loop3A_253] {strides = array<i32>} : memref<4x128xf32, #tpu.memory_space<vmem>>, vector<16xf32>,
        %parallel_loop3A_255 = arith.mulf %parallel_loop3A_250, %parallel_loop3A_254 : vector<16xf32>
        %parallel_loop3A_256 = arith.addf %broadcast_in_dim3A_3, %parallel_loop3A_255 : vector<16xf32>
        %parallel_loop3A_257 = arith.index_cast %parallel_loop3A_239 : i32 to index
        %parallel_loop3A_258 = arith.constant 16 : index
        %parallel_loop3A_259 = tpu.vector_load %arg15[%parallel_loop3A_257, %parallel_loop3A_258] {strides = array<i32>} : memref<112x128xf32, #tpu.memory_space<vmem>>, vector<16xf32>,
        %parallel_loop3A_260 = arith.index_cast %parallel_loop3A_239 : i32 to index
        %parallel_loop3A_261 = arith.constant 16 : index
        %parallel_loop3A_262 = tpu.vector_load %arg14[%parallel_loop3A_260, %parallel_loop3A_261] {strides = array<i32>} : memref<112x128xf32, #tpu.memory_space<vmem>>, vector<16xf32>,
        %parallel_loop3A_263 = arith.addf %parallel_loop3A_262, %parallel_loop3A_259 : vector<16xf32>
        %parallel_loop3A_264 = arith.constant 2.000000e-01 : f32
        %parallel_loop3A_265 = vector.broadcast %parallel_loop3A_264 : f32 to vector<16xf32>
        %parallel_loop3A_266 = arith.mulf %parallel_loop3A_263, %parallel_loop3A_265 : vector<16xf32>
        %parallel_loop3A_267 = arith.maximumf %parallel_loop3A_263, %parallel_loop3A_266 : vector<16xf32>
        %parallel_loop3A_268 = arith.constant 1 : i32
        %parallel_loop3A_269 = arith.index_cast %parallel_loop3A_268 : i32 to index
        %parallel_loop3A_270 = arith.constant 16 : index
        %parallel_loop3A_271 = tpu.vector_load %arg9[%parallel_loop3A_269, %parallel_loop3A_270] {strides = array<i32>} : memref<4x128xf32, #tpu.memory_space<vmem>>, vector<16xf32>,
        %parallel_loop3A_272 = arith.mulf %parallel_loop3A_267, %parallel_loop3A_271 : vector<16xf32>
        %parallel_loop3A_273 = arith.addf %parallel_loop3A_256, %parallel_loop3A_272 : vector<16xf32>
        %parallel_loop3A_274 = arith.index_cast %parallel_loop3A_239 : i32 to index
        %parallel_loop3A_275 = arith.constant 32 : index
        %parallel_loop3A_276 = tpu.vector_load %arg15[%parallel_loop3A_274, %parallel_loop3A_275] {strides = array<i32>} : memref<112x128xf32, #tpu.memory_space<vmem>>, vector<16xf32>,
        %parallel_loop3A_277 = arith.index_cast %parallel_loop3A_239 : i32 to index
        %parallel_loop3A_278 = arith.constant 32 : index
        %parallel_loop3A_279 = tpu.vector_load %arg14[%parallel_loop3A_277, %parallel_loop3A_278] {strides = array<i32>} : memref<112x128xf32, #tpu.memory_space<vmem>>, vector<16xf32>,
        %parallel_loop3A_280 = arith.addf %parallel_loop3A_279, %parallel_loop3A_276 : vector<16xf32>
        %parallel_loop3A_281 = arith.constant 2.000000e-01 : f32
        %parallel_loop3A_282 = vector.broadcast %parallel_loop3A_281 : f32 to vector<16xf32>
        %parallel_loop3A_283 = arith.mulf %parallel_loop3A_280, %parallel_loop3A_282 : vector<16xf32>
        %parallel_loop3A_284 = arith.maximumf %parallel_loop3A_280, %parallel_loop3A_283 : vector<16xf32>
        %parallel_loop3A_285 = arith.constant 1 : i32
        %parallel_loop3A_286 = arith.index_cast %parallel_loop3A_285 : i32 to index
        %parallel_loop3A_287 = arith.constant 32 : index
        %parallel_loop3A_288 = tpu.vector_load %arg9[%parallel_loop3A_286, %parallel_loop3A_287] {strides = array<i32>} : memref<4x128xf32, #tpu.memory_space<vmem>>, vector<16xf32>,
        %parallel_loop3A_289 = arith.mulf %parallel_loop3A_284, %parallel_loop3A_288 : vector<16xf32>
        %parallel_loop3A_290 = arith.addf %parallel_loop3A_273, %parallel_loop3A_289 : vector<16xf32>
        %parallel_loop3A_291 = arith.index_cast %parallel_loop3A_239 : i32 to index
        %parallel_loop3A_292 = arith.constant 48 : index
        %parallel_loop3A_293 = tpu.vector_load %arg15[%parallel_loop3A_291, %parallel_loop3A_292] {strides = array<i32>} : memref<112x128xf32, #tpu.memory_space<vmem>>, vector<16xf32>,
        %parallel_loop3A_294 = arith.index_cast %parallel_loop3A_239 : i32 to index
        %parallel_loop3A_295 = arith.constant 48 : index
        %parallel_loop3A_296 = tpu.vector_load %arg14[%parallel_loop3A_294, %parallel_loop3A_295] {strides = array<i32>} : memref<112x128xf32, #tpu.memory_space<vmem>>, vector<16xf32>,
        %parallel_loop3A_297 = arith.addf %parallel_loop3A_296, %parallel_loop3A_293 : vector<16xf32>
        %parallel_loop3A_298 = arith.constant 2.000000e-01 : f32
        %parallel_loop3A_299 = vector.broadcast %parallel_loop3A_298 : f32 to vector<16xf32>
        %parallel_loop3A_300 = arith.mulf %parallel_loop3A_297, %parallel_loop3A_299 : vector<16xf32>
        %parallel_loop3A_301 = arith.maximumf %parallel_loop3A_297, %parallel_loop3A_300 : vector<16xf32>
        %parallel_loop3A_302 = arith.constant 1 : i32
        %parallel_loop3A_303 = arith.index_cast %parallel_loop3A_302 : i32 to index
        %parallel_loop3A_304 = arith.constant 48 : index
        %parallel_loop3A_305 = tpu.vector_load %arg9[%parallel_loop3A_303, %parallel_loop3A_304] {strides = array<i32>} : memref<4x128xf32, #tpu.memory_space<vmem>>, vector<16xf32>,
        %parallel_loop3A_306 = arith.mulf %parallel_loop3A_301, %parallel_loop3A_305 : vector<16xf32>
        %parallel_loop3A_307 = arith.addf %parallel_loop3A_290, %parallel_loop3A_306 : vector<16xf32>
        %parallel_loop3A_308 = arith.index_cast %parallel_loop3A_239 : i32 to index
        %parallel_loop3A_309 = arith.constant 64 : index
        %parallel_loop3A_310 = tpu.vector_load %arg15[%parallel_loop3A_308, %parallel_loop3A_309] {strides = array<i32>} : memref<112x128xf32, #tpu.memory_space<vmem>>, vector<16xf32>,
        %parallel_loop3A_311 = arith.index_cast %parallel_loop3A_239 : i32 to index
        %parallel_loop3A_312 = arith.constant 64 : index
        %parallel_loop3A_313 = tpu.vector_load %arg14[%parallel_loop3A_311, %parallel_loop3A_312] {strides = array<i32>} : memref<112x128xf32, #tpu.memory_space<vmem>>, vector<16xf32>,
        %parallel_loop3A_314 = arith.addf %parallel_loop3A_313, %parallel_loop3A_310 : vector<16xf32>
        %parallel_loop3A_315 = arith.constant 2.000000e-01 : f32
        %parallel_loop3A_316 = vector.broadcast %parallel_loop3A_315 : f32 to vector<16xf32>
        %parallel_loop3A_317 = arith.mulf %parallel_loop3A_314, %parallel_loop3A_316 : vector<16xf32>
        %parallel_loop3A_318 = arith.maximumf %parallel_loop3A_314, %parallel_loop3A_317 : vector<16xf32>
        %parallel_loop3A_319 = arith.constant 1 : i32
        %parallel_loop3A_320 = arith.index_cast %parallel_loop3A_319 : i32 to index
        %parallel_loop3A_321 = arith.constant 64 : index
        %parallel_loop3A_322 = tpu.vector_load %arg9[%parallel_loop3A_320, %parallel_loop3A_321] {strides = array<i32>} : memref<4x128xf32, #tpu.memory_space<vmem>>, vector<16xf32>,
        %parallel_loop3A_323 = arith.mulf %parallel_loop3A_318, %parallel_loop3A_322 : vector<16xf32>
        %parallel_loop3A_324 = arith.addf %parallel_loop3A_307, %parallel_loop3A_323 : vector<16xf32>
        %parallel_loop3A_325 = arith.index_cast %parallel_loop3A_239 : i32 to index
        %parallel_loop3A_326 = arith.constant 80 : index
        %parallel_loop3A_327 = tpu.vector_load %arg15[%parallel_loop3A_325, %parallel_loop3A_326] {strides = array<i32>} : memref<112x128xf32, #tpu.memory_space<vmem>>, vector<16xf32>,
        %parallel_loop3A_328 = arith.index_cast %parallel_loop3A_239 : i32 to index
        %parallel_loop3A_329 = arith.constant 80 : index
        %parallel_loop3A_330 = tpu.vector_load %arg14[%parallel_loop3A_328, %parallel_loop3A_329] {strides = array<i32>} : memref<112x128xf32, #tpu.memory_space<vmem>>, vector<16xf32>,
        %parallel_loop3A_331 = arith.addf %parallel_loop3A_330, %parallel_loop3A_327 : vector<16xf32>
        %parallel_loop3A_332 = arith.constant 2.000000e-01 : f32
        %parallel_loop3A_333 = vector.broadcast %parallel_loop3A_332 : f32 to vector<16xf32>
        %parallel_loop3A_334 = arith.mulf %parallel_loop3A_331, %parallel_loop3A_333 : vector<16xf32>
        %parallel_loop3A_335 = arith.maximumf %parallel_loop3A_331, %parallel_loop3A_334 : vector<16xf32>
        %parallel_loop3A_336 = arith.constant 1 : i32
        %parallel_loop3A_337 = arith.index_cast %parallel_loop3A_336 : i32 to index
        %parallel_loop3A_338 = arith.constant 80 : index
        %parallel_loop3A_339 = tpu.vector_load %arg9[%parallel_loop3A_337, %parallel_loop3A_338] {strides = array<i32>} : memref<4x128xf32, #tpu.memory_space<vmem>>, vector<16xf32>,
        %parallel_loop3A_340 = arith.mulf %parallel_loop3A_335, %parallel_loop3A_339 : vector<16xf32>
        %parallel_loop3A_341 = arith.addf %parallel_loop3A_324, %parallel_loop3A_340 : vector<16xf32>
        %parallel_loop3A_342 = arith.index_cast %parallel_loop3A_239 : i32 to index
        %parallel_loop3A_343 = arith.constant 96 : index
        %parallel_loop3A_344 = tpu.vector_load %arg15[%parallel_loop3A_342, %parallel_loop3A_343] {strides = array<i32>} : memref<112x128xf32, #tpu.memory_space<vmem>>, vector<16xf32>,
        %parallel_loop3A_345 = arith.index_cast %parallel_loop3A_239 : i32 to index
        %parallel_loop3A_346 = arith.constant 96 : index
        %parallel_loop3A_347 = tpu.vector_load %arg14[%parallel_loop3A_345, %parallel_loop3A_346] {strides = array<i32>} : memref<112x128xf32, #tpu.memory_space<vmem>>, vector<16xf32>,
        %parallel_loop3A_348 = arith.addf %parallel_loop3A_347, %parallel_loop3A_344 : vector<16xf32>
        %parallel_loop3A_349 = arith.constant 2.000000e-01 : f32
        %parallel_loop3A_350 = vector.broadcast %parallel_loop3A_349 : f32 to vector<16xf32>
        %parallel_loop3A_351 = arith.mulf %parallel_loop3A_348, %parallel_loop3A_350 : vector<16xf32>
        %parallel_loop3A_352 = arith.maximumf %parallel_loop3A_348, %parallel_loop3A_351 : vector<16xf32>
        %parallel_loop3A_353 = arith.constant 1 : i32
        %parallel_loop3A_354 = arith.index_cast %parallel_loop3A_353 : i32 to index
        %parallel_loop3A_355 = arith.constant 96 : index
        %parallel_loop3A_356 = tpu.vector_load %arg9[%parallel_loop3A_354, %parallel_loop3A_355] {strides = array<i32>} : memref<4x128xf32, #tpu.memory_space<vmem>>, vector<16xf32>,
        %parallel_loop3A_357 = arith.mulf %parallel_loop3A_352, %parallel_loop3A_356 : vector<16xf32>
        %parallel_loop3A_358 = arith.addf %parallel_loop3A_341, %parallel_loop3A_357 : vector<16xf32>
        %parallel_loop3A_359 = arith.index_cast %parallel_loop3A_239 : i32 to index
        %parallel_loop3A_360 = arith.constant 112 : index
        %parallel_loop3A_361 = tpu.vector_load %arg15[%parallel_loop3A_359, %parallel_loop3A_360] {strides = array<i32>} : memref<112x128xf32, #tpu.memory_space<vmem>>, vector<16xf32>,
        %parallel_loop3A_362 = arith.index_cast %parallel_loop3A_239 : i32 to index
        %parallel_loop3A_363 = arith.constant 112 : index
        %parallel_loop3A_364 = tpu.vector_load %arg14[%parallel_loop3A_362, %parallel_loop3A_363] {strides = array<i32>} : memref<112x128xf32, #tpu.memory_space<vmem>>, vector<16xf32>,
        %parallel_loop3A_365 = arith.addf %parallel_loop3A_364, %parallel_loop3A_361 : vector<16xf32>
        %parallel_loop3A_366 = arith.constant 2.000000e-01 : f32
        %parallel_loop3A_367 = vector.broadcast %parallel_loop3A_366 : f32 to vector<16xf32>
        %parallel_loop3A_368 = arith.mulf %parallel_loop3A_365, %parallel_loop3A_367 : vector<16xf32>
        %parallel_loop3A_369 = arith.maximumf %parallel_loop3A_365, %parallel_loop3A_368 : vector<16xf32>
        %parallel_loop3A_370 = arith.constant 1 : i32
        %parallel_loop3A_371 = arith.index_cast %parallel_loop3A_370 : i32 to index
        %parallel_loop3A_372 = arith.constant 112 : index
        %parallel_loop3A_373 = tpu.vector_load %arg9[%parallel_loop3A_371, %parallel_loop3A_372] {strides = array<i32>} : memref<4x128xf32, #tpu.memory_space<vmem>>, vector<16xf32>,
        %parallel_loop3A_374 = arith.mulf %parallel_loop3A_369, %parallel_loop3A_373 : vector<16xf32>
        %parallel_loop3A_375 = arith.addf %parallel_loop3A_358, %parallel_loop3A_374 : vector<16xf32>
        %parallel_loop3A_376 = arith.constant true
        %parallel_loop3A_377 = vector.broadcast %parallel_loop3A_376 : i1 to vector<16xi1>
        %parallel_loop3A_378 = tpu.scan <sum>, %parallel_loop3A_375 masked %parallel_loop3A_377 : vector<16xf32>, vector<16xi1> -> vector<16xf32>
        %parallel_loop3A_379 = vector.extract %parallel_loop3A_378[15] : f32 from vector<16xf32>
        %parallel_loop3A_380 = vector.broadcast %parallel_loop3A_379 : f32 to vector<16xf32>
        %parallel_loop3A_381 = math.exp %parallel_loop3A_380 : vector<16xf32>
        %parallel_loop3A_382 = arith.mulf %parallel_loop3A_242, %parallel_loop3A_381 : vector<16xf32>
        %parallel_loop3A_383 = arith.index_cast %parallel_loop3A_239 : i32 to index
        %parallel_loop3A_384 = arith.constant 0 : index
        %parallel_loop3A_385 = tpu.vector_load %arg15[%parallel_loop3A_383, %parallel_loop3A_384] {strides = array<i32>} : memref<112x128xf32, #tpu.memory_space<vmem>>, vector<16xf32>,
        tpu.vector_store %arg15[%parallel_loop3A_383, %parallel_loop3A_384], %parallel_loop3A_382 {strides = array<i32>} : memref<112x128xf32, #tpu.memory_space<vmem>>, vector<16xf32>,
        %parallel_loop3A_386 = arith.mulf %parallel_loop3A_259, %parallel_loop3A_381 : vector<16xf32>
        %parallel_loop3A_387 = arith.index_cast %parallel_loop3A_239 : i32 to index
        %parallel_loop3A_388 = arith.constant 16 : index
        %parallel_loop3A_389 = tpu.vector_load %arg15[%parallel_loop3A_387, %parallel_loop3A_388] {strides = array<i32>} : memref<112x128xf32, #tpu.memory_space<vmem>>, vector<16xf32>,
        tpu.vector_store %arg15[%parallel_loop3A_387, %parallel_loop3A_388], %parallel_loop3A_386 {strides = array<i32>} : memref<112x128xf32, #tpu.memory_space<vmem>>, vector<16xf32>,
        %parallel_loop3A_390 = arith.mulf %parallel_loop3A_276, %parallel_loop3A_381 : vector<16xf32>
        %parallel_loop3A_391 = arith.index_cast %parallel_loop3A_239 : i32 to index
        %parallel_loop3A_392 = arith.constant 32 : index
        %parallel_loop3A_393 = tpu.vector_load %arg15[%parallel_loop3A_391, %parallel_loop3A_392] {strides = array<i32>} : memref<112x128xf32, #tpu.memory_space<vmem>>, vector<16xf32>,
        tpu.vector_store %arg15[%parallel_loop3A_391, %parallel_loop3A_392], %parallel_loop3A_390 {strides = array<i32>} : memref<112x128xf32, #tpu.memory_space<vmem>>, vector<16xf32>,
        %parallel_loop3A_394 = arith.mulf %parallel_loop3A_293, %parallel_loop3A_381 : vector<16xf32>
        %parallel_loop3A_395 = arith.index_cast %parallel_loop3A_239 : i32 to index
        %parallel_loop3A_396 = arith.constant 48 : index
        %parallel_loop3A_397 = tpu.vector_load %arg15[%parallel_loop3A_395, %parallel_loop3A_396] {strides = array<i32>} : memref<112x128xf32, #tpu.memory_space<vmem>>, vector<16xf32>,
        tpu.vector_store %arg15[%parallel_loop3A_395, %parallel_loop3A_396], %parallel_loop3A_394 {strides = array<i32>} : memref<112x128xf32, #tpu.memory_space<vmem>>, vector<16xf32>,
        %parallel_loop3A_398 = arith.mulf %parallel_loop3A_310, %parallel_loop3A_381 : vector<16xf32>
        %parallel_loop3A_399 = arith.index_cast %parallel_loop3A_239 : i32 to index
        %parallel_loop3A_400 = arith.constant 64 : index
        %parallel_loop3A_401 = tpu.vector_load %arg15[%parallel_loop3A_399, %parallel_loop3A_400] {strides = array<i32>} : memref<112x128xf32, #tpu.memory_space<vmem>>, vector<16xf32>,
        tpu.vector_store %arg15[%parallel_loop3A_399, %parallel_loop3A_400], %parallel_loop3A_398 {strides = array<i32>} : memref<112x128xf32, #tpu.memory_space<vmem>>, vector<16xf32>,
        %parallel_loop3A_402 = arith.mulf %parallel_loop3A_327, %parallel_loop3A_381 : vector<16xf32>
        %parallel_loop3A_403 = arith.index_cast %parallel_loop3A_239 : i32 to index
        %parallel_loop3A_404 = arith.constant 80 : index
        %parallel_loop3A_405 = tpu.vector_load %arg15[%parallel_loop3A_403, %parallel_loop3A_404] {strides = array<i32>} : memref<112x128xf32, #tpu.memory_space<vmem>>, vector<16xf32>,
        tpu.vector_store %arg15[%parallel_loop3A_403, %parallel_loop3A_404], %parallel_loop3A_402 {strides = array<i32>} : memref<112x128xf32, #tpu.memory_space<vmem>>, vector<16xf32>,
        %parallel_loop3A_406 = arith.mulf %parallel_loop3A_344, %parallel_loop3A_381 : vector<16xf32>
        %parallel_loop3A_407 = arith.index_cast %parallel_loop3A_239 : i32 to index
        %parallel_loop3A_408 = arith.constant 96 : index
        %parallel_loop3A_409 = tpu.vector_load %arg15[%parallel_loop3A_407, %parallel_loop3A_408] {strides = array<i32>} : memref<112x128xf32, #tpu.memory_space<vmem>>, vector<16xf32>,
        tpu.vector_store %arg15[%parallel_loop3A_407, %parallel_loop3A_408], %parallel_loop3A_406 {strides = array<i32>} : memref<112x128xf32, #tpu.memory_space<vmem>>, vector<16xf32>,
        %parallel_loop3A_410 = arith.mulf %parallel_loop3A_361, %parallel_loop3A_381 : vector<16xf32>
        %parallel_loop3A_411 = arith.index_cast %parallel_loop3A_239 : i32 to index
        %parallel_loop3A_412 = arith.constant 112 : index
        %parallel_loop3A_413 = tpu.vector_load %arg15[%parallel_loop3A_411, %parallel_loop3A_412] {strides = array<i32>} : memref<112x128xf32, #tpu.memory_space<vmem>>, vector<16xf32>,
        tpu.vector_store %arg15[%parallel_loop3A_411, %parallel_loop3A_412], %parallel_loop3A_410 {strides = array<i32>} : memref<112x128xf32, #tpu.memory_space<vmem>>, vector<16xf32>,
        %parallel_loop3A_414 = arith.index_cast %parallel_loop3A_239 : i32 to index
        %parallel_loop3A_415 = tpu.vector_load %arg12[%parallel_loop3A_414] {strides = array<i32>} : memref<128xi32, #tpu.memory_space<vmem>>, vector<16xi32>,
        tpu.vector_store_idx %arg16[%parallel_loop3A_415], %parallel_loop3A_381 masked %eq3A_7 {add = true} : memref<10112xf32, #tpu.memory_space<vmem>>[vector<16xi32>], vector<16xf32>, vector<16xi1>
      } {sc.loop_unroll_factor = 4 : i64, sc.parallel_access}
      "tpu.region"() ({
        %run_scoped3A = tpu.sem_alloc : memref<!tpu.dma_semaphore, #tpu.memory_space<semaphore_mem>>
        %dma_start3A_239 = arith.constant 0 : i32
        %dma_start3A_240 = arith.constant 0 : i32
        %dma_start3A_241 = tpu.memref_slice %arg18[%dma_start3A_239, %dma_start3A_240] : memref<10112x128xf32, #tpu.memory_space<vmem_shared>> -> memref<10112x128xf32, #tpu.memory_space<vmem_shared>>
        tpu.enqueue_indirect_dma source(%arg15 : memref<112x128xf32, #tpu.memory_space<vmem>>) target(%dma_start3A_241 : memref<10112x128xf32, #tpu.memory_space<vmem_shared>>) offsets(%arg11 : memref<112xi32, #tpu.memory_space<vmem>>) semaphore(%run_scoped3A : memref<!tpu.dma_semaphore, #tpu.memory_space<semaphore_mem>>) {add = true}
        %dma_wait3A_242 = arith.constant 0 : i32
        %dma_wait3A_243 = arith.constant 0 : i32
        %dma_wait3A_244 = tpu.memref_slice %arg18[%dma_wait3A_242, %dma_wait3A_243] : memref<10112x128xf32, #tpu.memory_space<vmem_shared>> -> memref<10112x128xf32, #tpu.memory_space<vmem_shared>>
        tpu.wait_indirect_dma semaphore(%run_scoped3A : memref<!tpu.dma_semaphore, #tpu.memory_space<semaphore_mem>>) src(%arg15 : memref<112x128xf32, #tpu.memory_space<vmem>>) dst(%dma_wait3A_244 : memref<10112x128xf32, #tpu.memory_space<vmem_shared>>)
        tpu.yield
      }) : () -> ()
    }
    %scan3A_81 = arith.constant 93 : i32
    %barrier3A_82 = arith.constant 0 : index
    tpu.barrier barrier_id(%barrier3A_82)
    %mul3A_83 = arith.constant 4 : i32
    %mul3A_84 = arith.muli %arg0, %mul3A_83 : i32
    %add3A_85 = arith.constant 1 : i32
    %add3A_86 = arith.addi %mul3A_84, %add3A_85 : i32
    %mul3A_87 = arith.constant 10000 : i32
    %mul3A_88 = arith.muli %add3A_86, %mul3A_87 : i32
    %mul3A_89 = arith.constant 624 : i32
    %mul3A_90 = arith.muli %arg1, %mul3A_89 : i32
    %add3A_91 = arith.addi %mul3A_88, %mul3A_90 : i32
    %scan3A_92 = arith.constant 0 : i32
    %scan3A_93 = arith.constant 0 : i32
    %scan3A_94 = arith.constant 13 : i32
    %scan3A_95 = arith.addi %scan3A_93, %scan3A_94 : i32
    %scan3A_96 = arith.constant 1 : i32
    scf.for %scan3A_219 = %scan3A_93 to %scan3A_95 step %scan3A_96  : i32 {
      %mul3A_220 = arith.constant 624 : i32
      %mul3A_221 = arith.muli %arg1, %mul3A_220 : i32
      %mul3A_222 = arith.constant 48 : i32
      %mul3A_223 = arith.muli %scan3A_219, %mul3A_222 : i32
      %add3A_224 = arith.addi %mul3A_221, %mul3A_223 : i32
      "tpu.region"() ({
        %run_scoped3A = tpu.sem_alloc : memref<!tpu.dma_semaphore, #tpu.memory_space<semaphore_mem>>
        %dma_start3A = arith.constant 0 : i32
        %dma_start3A_228 = arith.constant 0 : i32
        %dma_start3A_229 = tpu.memref_slice %arg14[%dma_start3A, %dma_start3A_228] : memref<112x128xf32, #tpu.memory_space<vmem>> -> memref<48x128xf32, #tpu.memory_space<vmem>>
        %dma_start3A_230 = arith.constant 0 : i32
        %dma_start3A_231 = tpu.memref_slice %arg18[%add3A_224, %dma_start3A_230] : memref<10112x128xf32, #tpu.memory_space<vmem_shared>> -> memref<48x128xf32, #tpu.memory_space<vmem_shared>>
        %dma_start3A_232 = arith.constant 0 : i32
        %dma_start3A_233 = arith.constant 0 : i32
        %dma_start3A_234 = tpu.memref_slice %arg14[%dma_start3A_232, %dma_start3A_233] : memref<112x128xf32, #tpu.memory_space<vmem>> -> memref<48x128xf32, #tpu.memory_space<vmem>>
        %dma_start3A_235 = arith.constant 0 : i32
        %dma_start3A_236 = tpu.memref_slice %arg18[%add3A_224, %dma_start3A_235] : memref<10112x128xf32, #tpu.memory_space<vmem_shared>> -> memref<48x128xf32, #tpu.memory_space<vmem_shared>>
        tpu.enqueue_dma source(%dma_start3A_236 : memref<48x128xf32, #tpu.memory_space<vmem_shared>>) target(%dma_start3A_234 : memref<48x128xf32, #tpu.memory_space<vmem>>) target_semaphore(%run_scoped3A : memref<!tpu.dma_semaphore, #tpu.memory_space<semaphore_mem>>)
        %dma_wait3A = arith.constant 0 : i32
        %dma_wait3A_237 = arith.constant 0 : i32
        %dma_wait3A_238 = tpu.memref_slice %arg14[%dma_wait3A, %dma_wait3A_237] : memref<112x128xf32, #tpu.memory_space<vmem>> -> memref<48x128xf32, #tpu.memory_space<vmem>>
        %dma_wait3A_239 = arith.constant 0 : i32
        %dma_wait3A_240 = tpu.memref_slice %arg18[%add3A_224, %dma_wait3A_239] : memref<10112x128xf32, #tpu.memory_space<vmem_shared>> -> memref<48x128xf32, #tpu.memory_space<vmem_shared>>
        %dma_wait3A_241 = arith.constant 0 : i32
        %dma_wait3A_242 = arith.constant 0 : i32
        %dma_wait3A_243 = tpu.memref_slice %arg14[%dma_wait3A_241, %dma_wait3A_242] : memref<112x128xf32, #tpu.memory_space<vmem>> -> memref<48x128xf32, #tpu.memory_space<vmem>>
        %dma_wait3A_244 = arith.constant 0 : i32
        %dma_wait3A_245 = tpu.memref_slice %arg18[%add3A_224, %dma_wait3A_244] : memref<10112x128xf32, #tpu.memory_space<vmem_shared>> -> memref<48x128xf32, #tpu.memory_space<vmem_shared>>
        tpu.wait_dma2 semaphore(%run_scoped3A : memref<!tpu.dma_semaphore, #tpu.memory_space<semaphore_mem>>) src(%dma_wait3A_245 : memref<48x128xf32, #tpu.memory_space<vmem_shared>>) dst(%dma_wait3A_243 : memref<48x128xf32, #tpu.memory_space<vmem>>)
        tpu.yield
      }) : () -> ()
      %mul3A_225 = arith.constant 48 : i32
      %mul3A_226 = arith.muli %scan3A_219, %mul3A_225 : i32
      %add3A_227 = arith.addi %add3A_91, %mul3A_226 : i32
      "tpu.region"() ({
        %run_scoped3A = tpu.sem_alloc : memref<!tpu.dma_semaphore, #tpu.memory_space<semaphore_mem>>
        %dma_start3A = arith.constant 0 : i32
        %dma_start3A_228 = arith.constant 0 : i32
        %dma_start3A_229 = tpu.memref_slice %arg14[%dma_start3A, %dma_start3A_228] : memref<112x128xf32, #tpu.memory_space<vmem>> -> memref<48x128xf32, #tpu.memory_space<vmem>>
        %dma_start3A_230 = arith.constant 0 : i32
        %dma_start3A_231 = tpu.memref_slice %arg7[%add3A_227, %dma_start3A_230] : memref<80000x128xf32, #tpu.memory_space<hbm>> -> memref<48x128xf32, #tpu.memory_space<hbm>>
        %dma_start3A_232 = arith.constant 0 : i32
        %dma_start3A_233 = tpu.memref_slice %arg7[%add3A_227, %dma_start3A_232] : memref<80000x128xf32, #tpu.memory_space<hbm>> -> memref<48x128xf32, #tpu.memory_space<hbm>>
        %dma_start3A_234 = arith.constant 0 : i32
        %dma_start3A_235 = arith.constant 0 : i32
        %dma_start3A_236 = tpu.memref_slice %arg14[%dma_start3A_234, %dma_start3A_235] : memref<112x128xf32, #tpu.memory_space<vmem>> -> memref<48x128xf32, #tpu.memory_space<vmem>>
        tpu.enqueue_dma source(%dma_start3A_236 : memref<48x128xf32, #tpu.memory_space<vmem>>) target(%dma_start3A_233 : memref<48x128xf32, #tpu.memory_space<hbm>>) target_semaphore(%run_scoped3A : memref<!tpu.dma_semaphore, #tpu.memory_space<semaphore_mem>>)
        %dma_wait3A = arith.constant 0 : i32
        %dma_wait3A_237 = arith.constant 0 : i32
        %dma_wait3A_238 = tpu.memref_slice %arg14[%dma_wait3A, %dma_wait3A_237] : memref<112x128xf32, #tpu.memory_space<vmem>> -> memref<48x128xf32, #tpu.memory_space<vmem>>
        %dma_wait3A_239 = arith.constant 0 : i32
        %dma_wait3A_240 = tpu.memref_slice %arg7[%add3A_227, %dma_wait3A_239] : memref<80000x128xf32, #tpu.memory_space<hbm>> -> memref<48x128xf32, #tpu.memory_space<hbm>>
        %dma_wait3A_241 = arith.constant 0 : i32
        %dma_wait3A_242 = tpu.memref_slice %arg7[%add3A_227, %dma_wait3A_241] : memref<80000x128xf32, #tpu.memory_space<hbm>> -> memref<48x128xf32, #tpu.memory_space<hbm>>
        %dma_wait3A_243 = arith.constant 0 : i32
        %dma_wait3A_244 = arith.constant 0 : i32
        %dma_wait3A_245 = tpu.memref_slice %arg14[%dma_wait3A_243, %dma_wait3A_244] : memref<112x128xf32, #tpu.memory_space<vmem>> -> memref<48x128xf32, #tpu.memory_space<vmem>>
        tpu.wait_dma2 semaphore(%run_scoped3A : memref<!tpu.dma_semaphore, #tpu.memory_space<semaphore_mem>>) src(%dma_wait3A_245 : memref<48x128xf32, #tpu.memory_space<vmem>>) dst(%dma_wait3A_242 : memref<48x128xf32, #tpu.memory_space<hbm>>)
        tpu.yield
      }) : () -> ()
    }
    %scan3A_97 = arith.constant 13 : i32
    %eq3A_98 = arith.constant 15 : i32
    %eq3A_99 = arith.cmpi eq, %arg1, %eq3A_98 : i32
    %convert_element_type3A_100 = arith.extui %eq3A_99 : i1 to i32
    %cond3A_101 = arith.constant 0 : i32
    %cond3A_102 = arith.cmpi ne, %convert_element_type3A_100, %cond3A_101 : i32
    scf.if %cond3A_102 {
      "tpu.region"() ({
        %run_scoped3A = tpu.sem_alloc : memref<!tpu.dma_semaphore, #tpu.memory_space<semaphore_mem>>
        %dma_start3A = arith.constant 0 : i32
        %dma_start3A_221 = arith.constant 0 : i32
        %dma_start3A_222 = tpu.memref_slice %arg14[%dma_start3A, %dma_start3A_221] : memref<112x128xf32, #tpu.memory_space<vmem>> -> memref<16x128xf32, #tpu.memory_space<vmem>>
        %dma_start3A_223 = arith.constant 9984 : i32
        %dma_start3A_224 = arith.constant 0 : i32
        %dma_start3A_225 = tpu.memref_slice %arg18[%dma_start3A_223, %dma_start3A_224] : memref<10112x128xf32, #tpu.memory_space<vmem_shared>> -> memref<16x128xf32, #tpu.memory_space<vmem_shared>>
        %dma_start3A_226 = arith.constant 0 : i32
        %dma_start3A_227 = arith.constant 0 : i32
        %dma_start3A_228 = tpu.memref_slice %arg14[%dma_start3A_226, %dma_start3A_227] : memref<112x128xf32, #tpu.memory_space<vmem>> -> memref<16x128xf32, #tpu.memory_space<vmem>>
        %dma_start3A_229 = arith.constant 9984 : i32
        %dma_start3A_230 = arith.constant 0 : i32
        %dma_start3A_231 = tpu.memref_slice %arg18[%dma_start3A_229, %dma_start3A_230] : memref<10112x128xf32, #tpu.memory_space<vmem_shared>> -> memref<16x128xf32, #tpu.memory_space<vmem_shared>>
        tpu.enqueue_dma source(%dma_start3A_231 : memref<16x128xf32, #tpu.memory_space<vmem_shared>>) target(%dma_start3A_228 : memref<16x128xf32, #tpu.memory_space<vmem>>) target_semaphore(%run_scoped3A : memref<!tpu.dma_semaphore, #tpu.memory_space<semaphore_mem>>)
        %dma_wait3A = arith.constant 0 : i32
        %dma_wait3A_232 = arith.constant 0 : i32
        %dma_wait3A_233 = tpu.memref_slice %arg14[%dma_wait3A, %dma_wait3A_232] : memref<112x128xf32, #tpu.memory_space<vmem>> -> memref<16x128xf32, #tpu.memory_space<vmem>>
        %dma_wait3A_234 = arith.constant 9984 : i32
        %dma_wait3A_235 = arith.constant 0 : i32
        %dma_wait3A_236 = tpu.memref_slice %arg18[%dma_wait3A_234, %dma_wait3A_235] : memref<10112x128xf32, #tpu.memory_space<vmem_shared>> -> memref<16x128xf32, #tpu.memory_space<vmem_shared>>
        %dma_wait3A_237 = arith.constant 0 : i32
        %dma_wait3A_238 = arith.constant 0 : i32
        %dma_wait3A_239 = tpu.memref_slice %arg14[%dma_wait3A_237, %dma_wait3A_238] : memref<112x128xf32, #tpu.memory_space<vmem>> -> memref<16x128xf32, #tpu.memory_space<vmem>>
        %dma_wait3A_240 = arith.constant 9984 : i32
        %dma_wait3A_241 = arith.constant 0 : i32
        %dma_wait3A_242 = tpu.memref_slice %arg18[%dma_wait3A_240, %dma_wait3A_241] : memref<10112x128xf32, #tpu.memory_space<vmem_shared>> -> memref<16x128xf32, #tpu.memory_space<vmem_shared>>
        tpu.wait_dma2 semaphore(%run_scoped3A : memref<!tpu.dma_semaphore, #tpu.memory_space<semaphore_mem>>) src(%dma_wait3A_242 : memref<16x128xf32, #tpu.memory_space<vmem_shared>>) dst(%dma_wait3A_239 : memref<16x128xf32, #tpu.memory_space<vmem>>)
        tpu.yield
      }) : () -> ()
      %add3A_219 = arith.constant 9984 : i32
      %add3A_220 = arith.addi %mul3A_88, %add3A_219 : i32
      "tpu.region"() ({
        %run_scoped3A = tpu.sem_alloc : memref<!tpu.dma_semaphore, #tpu.memory_space<semaphore_mem>>
        %dma_start3A = arith.constant 0 : i32
        %dma_start3A_221 = arith.constant 0 : i32
        %dma_start3A_222 = tpu.memref_slice %arg14[%dma_start3A, %dma_start3A_221] : memref<112x128xf32, #tpu.memory_space<vmem>> -> memref<16x128xf32, #tpu.memory_space<vmem>>
        %dma_start3A_223 = arith.constant 0 : i32
        %dma_start3A_224 = tpu.memref_slice %arg7[%add3A_220, %dma_start3A_223] : memref<80000x128xf32, #tpu.memory_space<hbm>> -> memref<16x128xf32, #tpu.memory_space<hbm>>
        %dma_start3A_225 = arith.constant 0 : i32
        %dma_start3A_226 = tpu.memref_slice %arg7[%add3A_220, %dma_start3A_225] : memref<80000x128xf32, #tpu.memory_space<hbm>> -> memref<16x128xf32, #tpu.memory_space<hbm>>
        %dma_start3A_227 = arith.constant 0 : i32
        %dma_start3A_228 = arith.constant 0 : i32
        %dma_start3A_229 = tpu.memref_slice %arg14[%dma_start3A_227, %dma_start3A_228] : memref<112x128xf32, #tpu.memory_space<vmem>> -> memref<16x128xf32, #tpu.memory_space<vmem>>
        tpu.enqueue_dma source(%dma_start3A_229 : memref<16x128xf32, #tpu.memory_space<vmem>>) target(%dma_start3A_226 : memref<16x128xf32, #tpu.memory_space<hbm>>) target_semaphore(%run_scoped3A : memref<!tpu.dma_semaphore, #tpu.memory_space<semaphore_mem>>)
        %dma_wait3A = arith.constant 0 : i32
        %dma_wait3A_230 = arith.constant 0 : i32
        %dma_wait3A_231 = tpu.memref_slice %arg14[%dma_wait3A, %dma_wait3A_230] : memref<112x128xf32, #tpu.memory_space<vmem>> -> memref<16x128xf32, #tpu.memory_space<vmem>>
        %dma_wait3A_232 = arith.constant 0 : i32
        %dma_wait3A_233 = tpu.memref_slice %arg7[%add3A_220, %dma_wait3A_232] : memref<80000x128xf32, #tpu.memory_space<hbm>> -> memref<16x128xf32, #tpu.memory_space<hbm>>
        %dma_wait3A_234 = arith.constant 0 : i32
        %dma_wait3A_235 = tpu.memref_slice %arg7[%add3A_220, %dma_wait3A_234] : memref<80000x128xf32, #tpu.memory_space<hbm>> -> memref<16x128xf32, #tpu.memory_space<hbm>>
        %dma_wait3A_236 = arith.constant 0 : i32
        %dma_wait3A_237 = arith.constant 0 : i32
        %dma_wait3A_238 = tpu.memref_slice %arg14[%dma_wait3A_236, %dma_wait3A_237] : memref<112x128xf32, #tpu.memory_space<vmem>> -> memref<16x128xf32, #tpu.memory_space<vmem>>
        tpu.wait_dma2 semaphore(%run_scoped3A : memref<!tpu.dma_semaphore, #tpu.memory_space<semaphore_mem>>) src(%dma_wait3A_238 : memref<16x128xf32, #tpu.memory_space<vmem>>) dst(%dma_wait3A_235 : memref<16x128xf32, #tpu.memory_space<hbm>>)
        tpu.yield
      }) : () -> ()
    } else {
    }
    %mul3A_103 = arith.constant 4 : i32
    %mul3A_104 = arith.muli %arg0, %mul3A_103 : i32
    %add3A_105 = arith.constant 1 : i32
    %add3A_106 = arith.addi %mul3A_104, %add3A_105 : i32
    %mul3A_107 = arith.constant 16 : i32
    %mul3A_108 = arith.muli %add3A_106, %mul3A_107 : i32
    %add3A_109 = arith.addi %mul3A_108, %arg1 : i32
    %mul3A_110 = arith.constant 10112 : i32
    %mul3A_111 = arith.muli %add3A_109, %mul3A_110 : i32
    "tpu.region"() ({
      %run_scoped3A = tpu.sem_alloc : memref<!tpu.dma_semaphore, #tpu.memory_space<semaphore_mem>>
      %dma_start3A = tpu.memref_slice %arg8[%mul3A_111] : memref<1294336xf32, #tpu.memory_space<hbm>> -> memref<10112xf32, #tpu.memory_space<hbm>>
      %dma_start3A_219 = tpu.memref_slice %arg8[%mul3A_111] : memref<1294336xf32, #tpu.memory_space<hbm>> -> memref<10112xf32, #tpu.memory_space<hbm>>
      tpu.enqueue_dma source(%arg16 : memref<10112xf32, #tpu.memory_space<vmem>>) target(%dma_start3A_219 : memref<10112xf32, #tpu.memory_space<hbm>>) target_semaphore(%run_scoped3A : memref<!tpu.dma_semaphore, #tpu.memory_space<semaphore_mem>>)
      %dma_wait3A = tpu.memref_slice %arg8[%mul3A_111] : memref<1294336xf32, #tpu.memory_space<hbm>> -> memref<10112xf32, #tpu.memory_space<hbm>>
      %dma_wait3A_220 = tpu.memref_slice %arg8[%mul3A_111] : memref<1294336xf32, #tpu.memory_space<hbm>> -> memref<10112xf32, #tpu.memory_space<hbm>>
      tpu.wait_dma2 semaphore(%run_scoped3A : memref<!tpu.dma_semaphore, #tpu.memory_space<semaphore_mem>>) src(%arg16 : memref<10112xf32, #tpu.memory_space<vmem>>) dst(%dma_wait3A_220 : memref<10112xf32, #tpu.memory_space<hbm>>)
      tpu.yield
    }) : () -> ()
    %barrier3A_112 = arith.constant 0 : index
    tpu.barrier barrier_id(%barrier3A_112)
    %broadcast_in_dim3A_113 = arith.constant 20000 : i32
    %broadcast_in_dim3A_114 = vector.broadcast %broadcast_in_dim3A_113 : i32 to vector<16xi32>
    %mul3A_115 = arith.constant 632 : i32
    %mul3A_116 = arith.muli %arg1, %mul3A_115 : i32
    %scan3A_117 = arith.constant 0 : i32
    %scan3A_118 = arith.constant 0 : i32
    %scan3A_119 = arith.constant 39 : i32
    %scan3A_120 = arith.addi %scan3A_118, %scan3A_119 : i32
    %scan3A_121 = arith.constant 1 : i32
    scf.for %scan3A_219 = %scan3A_118 to %scan3A_120 step %scan3A_121  : i32 {
      %mul3A_220 = arith.constant 16 : i32
      %mul3A_221 = arith.muli %scan3A_219, %mul3A_220 : i32
      %add3A_222 = arith.addi %mul3A_116, %mul3A_221 : i32
      "tpu.region"() ({
        %run_scoped3A = tpu.sem_alloc : memref<!tpu.dma_semaphore, #tpu.memory_space<semaphore_mem>>
        %dma_start3A = arith.constant 0 : i32
        %dma_start3A_223 = tpu.memref_slice %arg18[%add3A_222, %dma_start3A] : memref<10112x128xf32, #tpu.memory_space<vmem_shared>> -> memref<16x128xf32, #tpu.memory_space<vmem_shared>>
        %dma_start3A_224 = arith.constant 0 : i32
        %dma_start3A_225 = tpu.memref_slice %arg18[%add3A_222, %dma_start3A_224] : memref<10112x128xf32, #tpu.memory_space<vmem_shared>> -> memref<16x128xf32, #tpu.memory_space<vmem_shared>>
        tpu.enqueue_dma source(%arg17 : memref<16x128xf32, #tpu.memory_space<vmem>>) target(%dma_start3A_225 : memref<16x128xf32, #tpu.memory_space<vmem_shared>>) target_semaphore(%run_scoped3A : memref<!tpu.dma_semaphore, #tpu.memory_space<semaphore_mem>>)
        %dma_wait3A = arith.constant 0 : i32
        %dma_wait3A_226 = tpu.memref_slice %arg18[%add3A_222, %dma_wait3A] : memref<10112x128xf32, #tpu.memory_space<vmem_shared>> -> memref<16x128xf32, #tpu.memory_space<vmem_shared>>
        %dma_wait3A_227 = arith.constant 0 : i32
        %dma_wait3A_228 = tpu.memref_slice %arg18[%add3A_222, %dma_wait3A_227] : memref<10112x128xf32, #tpu.memory_space<vmem_shared>> -> memref<16x128xf32, #tpu.memory_space<vmem_shared>>
        tpu.wait_dma2 semaphore(%run_scoped3A : memref<!tpu.dma_semaphore, #tpu.memory_space<semaphore_mem>>) src(%arg17 : memref<16x128xf32, #tpu.memory_space<vmem>>) dst(%dma_wait3A_228 : memref<16x128xf32, #tpu.memory_space<vmem_shared>>)
        tpu.yield
      }) : () -> ()
    }
    %scan3A_122 = arith.constant 39 : i32
    %add3A_123 = arith.constant 624 : i32
    %add3A_124 = arith.addi %mul3A_116, %add3A_123 : i32
    "tpu.region"() ({
      %run_scoped3A = tpu.sem_alloc : memref<!tpu.dma_semaphore, #tpu.memory_space<semaphore_mem>>
      %dma_start3A = arith.constant 0 : i32
      %dma_start3A_219 = arith.constant 0 : i32
      %dma_start3A_220 = tpu.memref_slice %arg17[%dma_start3A, %dma_start3A_219] : memref<16x128xf32, #tpu.memory_space<vmem>> -> memref<8x128xf32, #tpu.memory_space<vmem>>
      %dma_start3A_221 = arith.constant 0 : i32
      %dma_start3A_222 = tpu.memref_slice %arg18[%add3A_124, %dma_start3A_221] : memref<10112x128xf32, #tpu.memory_space<vmem_shared>> -> memref<8x128xf32, #tpu.memory_space<vmem_shared>>
      %dma_start3A_223 = arith.constant 0 : i32
      %dma_start3A_224 = tpu.memref_slice %arg18[%add3A_124, %dma_start3A_223] : memref<10112x128xf32, #tpu.memory_space<vmem_shared>> -> memref<8x128xf32, #tpu.memory_space<vmem_shared>>
      %dma_start3A_225 = arith.constant 0 : i32
      %dma_start3A_226 = arith.constant 0 : i32
      %dma_start3A_227 = tpu.memref_slice %arg17[%dma_start3A_225, %dma_start3A_226] : memref<16x128xf32, #tpu.memory_space<vmem>> -> memref<8x128xf32, #tpu.memory_space<vmem>>
      tpu.enqueue_dma source(%dma_start3A_227 : memref<8x128xf32, #tpu.memory_space<vmem>>) target(%dma_start3A_224 : memref<8x128xf32, #tpu.memory_space<vmem_shared>>) target_semaphore(%run_scoped3A : memref<!tpu.dma_semaphore, #tpu.memory_space<semaphore_mem>>)
      %dma_wait3A = arith.constant 0 : i32
      %dma_wait3A_228 = arith.constant 0 : i32
      %dma_wait3A_229 = tpu.memref_slice %arg17[%dma_wait3A, %dma_wait3A_228] : memref<16x128xf32, #tpu.memory_space<vmem>> -> memref<8x128xf32, #tpu.memory_space<vmem>>
      %dma_wait3A_230 = arith.constant 0 : i32
      %dma_wait3A_231 = tpu.memref_slice %arg18[%add3A_124, %dma_wait3A_230] : memref<10112x128xf32, #tpu.memory_space<vmem_shared>> -> memref<8x128xf32, #tpu.memory_space<vmem_shared>>
      %dma_wait3A_232 = arith.constant 0 : i32
      %dma_wait3A_233 = tpu.memref_slice %arg18[%add3A_124, %dma_wait3A_232] : memref<10112x128xf32, #tpu.memory_space<vmem_shared>> -> memref<8x128xf32, #tpu.memory_space<vmem_shared>>
      %dma_wait3A_234 = arith.constant 0 : i32
      %dma_wait3A_235 = arith.constant 0 : i32
      %dma_wait3A_236 = tpu.memref_slice %arg17[%dma_wait3A_234, %dma_wait3A_235] : memref<16x128xf32, #tpu.memory_space<vmem>> -> memref<8x128xf32, #tpu.memory_space<vmem>>
      tpu.wait_dma2 semaphore(%run_scoped3A : memref<!tpu.dma_semaphore, #tpu.memory_space<semaphore_mem>>) src(%dma_wait3A_236 : memref<8x128xf32, #tpu.memory_space<vmem>>) dst(%dma_wait3A_233 : memref<8x128xf32, #tpu.memory_space<vmem_shared>>)
      tpu.yield
    }) : () -> ()
    %parallel_loop3A_125 = arith.constant 0 : i32
    %parallel_loop3A_126 = arith.constant 632 : i32
    %parallel_loop3A_127 = arith.constant 1 : i32
    scf.for %parallel_loop3A_219 = %parallel_loop3A_125 to %parallel_loop3A_126 step %parallel_loop3A_127  : i32 {
      %parallel_loop3A_220 = arith.constant 16 : i32
      %parallel_loop3A_221 = arith.muli %parallel_loop3A_219, %parallel_loop3A_220 : i32
      %parallel_loop3A_222 = arith.index_cast %parallel_loop3A_221 : i32 to index
      %parallel_loop3A_223 = tpu.vector_load %arg16[%parallel_loop3A_222] {strides = array<i32>} : memref<10112xf32, #tpu.memory_space<vmem>>, vector<16xf32>,
      tpu.vector_store %arg16[%parallel_loop3A_222], %broadcast_in_dim3A_3 {strides = array<i32>} : memref<10112xf32, #tpu.memory_space<vmem>>, vector<16xf32>,
    } {sc.loop_unroll_factor = 4 : i64, sc.parallel_access}
    %barrier3A_128 = arith.constant 0 : index
    tpu.barrier barrier_id(%barrier3A_128)
    %scan3A_129 = arith.constant 0 : i32
    %scan3A_130 = arith.constant 0 : i32
    %scan3A_131 = arith.constant 93 : i32
    %scan3A_132 = arith.addi %scan3A_130, %scan3A_131 : i32
    %scan3A_133 = arith.constant 1 : i32
    scf.for %scan3A_219 = %scan3A_130 to %scan3A_132 step %scan3A_133  : i32 {
      %mul3A_220 = arith.constant 112 : i32
      %mul3A_221 = arith.muli %scan3A_219, %mul3A_220 : i32
      %add3A_222 = arith.addi %mul3A_2, %mul3A_221 : i32
      "tpu.region"() ({
        %run_scoped3A = tpu.sem_alloc : memref<!tpu.dma_semaphore, #tpu.memory_space<semaphore_mem>>
        %dma_start3A_239 = tpu.memref_slice %arg4[%add3A_222] : memref<333312xi32, #tpu.memory_space<hbm>> -> memref<112xi32, #tpu.memory_space<hbm>>
        %dma_start3A_240 = tpu.memref_slice %arg4[%add3A_222] : memref<333312xi32, #tpu.memory_space<hbm>> -> memref<112xi32, #tpu.memory_space<hbm>>
        tpu.enqueue_dma source(%dma_start3A_240 : memref<112xi32, #tpu.memory_space<hbm>>) target(%arg10 : memref<112xi32, #tpu.memory_space<vmem>>) target_semaphore(%run_scoped3A : memref<!tpu.dma_semaphore, #tpu.memory_space<semaphore_mem>>)
        %dma_wait3A_241 = tpu.memref_slice %arg4[%add3A_222] : memref<333312xi32, #tpu.memory_space<hbm>> -> memref<112xi32, #tpu.memory_space<hbm>>
        %dma_wait3A_242 = tpu.memref_slice %arg4[%add3A_222] : memref<333312xi32, #tpu.memory_space<hbm>> -> memref<112xi32, #tpu.memory_space<hbm>>
        tpu.wait_dma2 semaphore(%run_scoped3A : memref<!tpu.dma_semaphore, #tpu.memory_space<semaphore_mem>>) src(%dma_wait3A_242 : memref<112xi32, #tpu.memory_space<hbm>>) dst(%arg10 : memref<112xi32, #tpu.memory_space<vmem>>)
        tpu.yield
      }) : () -> ()
      "tpu.region"() ({
        %run_scoped3A = tpu.sem_alloc : memref<!tpu.dma_semaphore, #tpu.memory_space<semaphore_mem>>
        %dma_start3A_239 = tpu.memref_slice %arg5[%add3A_222] : memref<333312xi32, #tpu.memory_space<hbm>> -> memref<112xi32, #tpu.memory_space<hbm>>
        %dma_start3A_240 = tpu.memref_slice %arg5[%add3A_222] : memref<333312xi32, #tpu.memory_space<hbm>> -> memref<112xi32, #tpu.memory_space<hbm>>
        tpu.enqueue_dma source(%dma_start3A_240 : memref<112xi32, #tpu.memory_space<hbm>>) target(%arg11 : memref<112xi32, #tpu.memory_space<vmem>>) target_semaphore(%run_scoped3A : memref<!tpu.dma_semaphore, #tpu.memory_space<semaphore_mem>>)
        %dma_wait3A_241 = tpu.memref_slice %arg5[%add3A_222] : memref<333312xi32, #tpu.memory_space<hbm>> -> memref<112xi32, #tpu.memory_space<hbm>>
        %dma_wait3A_242 = tpu.memref_slice %arg5[%add3A_222] : memref<333312xi32, #tpu.memory_space<hbm>> -> memref<112xi32, #tpu.memory_space<hbm>>
        tpu.wait_dma2 semaphore(%run_scoped3A : memref<!tpu.dma_semaphore, #tpu.memory_space<semaphore_mem>>) src(%dma_wait3A_242 : memref<112xi32, #tpu.memory_space<hbm>>) dst(%arg11 : memref<112xi32, #tpu.memory_space<vmem>>)
        tpu.yield
      }) : () -> ()
      "tpu.region"() ({
        %run_scoped3A = tpu.sem_alloc : memref<!tpu.dma_semaphore, #tpu.memory_space<semaphore_mem>>
        %dma_start3A_239 = arith.constant 0 : i32
        %dma_start3A_240 = tpu.memref_slice %arg12[%dma_start3A_239] : memref<128xi32, #tpu.memory_space<vmem>> -> memref<112xi32, #tpu.memory_space<vmem>>
        %dma_start3A_241 = tpu.memref_slice %arg5[%add3A_222] : memref<333312xi32, #tpu.memory_space<hbm>> -> memref<112xi32, #tpu.memory_space<hbm>>
        %dma_start3A_242 = arith.constant 0 : i32
        %dma_start3A_243 = tpu.memref_slice %arg12[%dma_start3A_242] : memref<128xi32, #tpu.memory_space<vmem>> -> memref<112xi32, #tpu.memory_space<vmem>>
        %dma_start3A_244 = tpu.memref_slice %arg5[%add3A_222] : memref<333312xi32, #tpu.memory_space<hbm>> -> memref<112xi32, #tpu.memory_space<hbm>>
        tpu.enqueue_dma source(%dma_start3A_244 : memref<112xi32, #tpu.memory_space<hbm>>) target(%dma_start3A_243 : memref<112xi32, #tpu.memory_space<vmem>>) target_semaphore(%run_scoped3A : memref<!tpu.dma_semaphore, #tpu.memory_space<semaphore_mem>>)
        %dma_wait3A_245 = arith.constant 0 : i32
        %dma_wait3A_246 = tpu.memref_slice %arg12[%dma_wait3A_245] : memref<128xi32, #tpu.memory_space<vmem>> -> memref<112xi32, #tpu.memory_space<vmem>>
        %dma_wait3A_247 = tpu.memref_slice %arg5[%add3A_222] : memref<333312xi32, #tpu.memory_space<hbm>> -> memref<112xi32, #tpu.memory_space<hbm>>
        %dma_wait3A_248 = arith.constant 0 : i32
        %dma_wait3A_249 = tpu.memref_slice %arg12[%dma_wait3A_248] : memref<128xi32, #tpu.memory_space<vmem>> -> memref<112xi32, #tpu.memory_space<vmem>>
        %dma_wait3A_250 = tpu.memref_slice %arg5[%add3A_222] : memref<333312xi32, #tpu.memory_space<hbm>> -> memref<112xi32, #tpu.memory_space<hbm>>
        tpu.wait_dma2 semaphore(%run_scoped3A : memref<!tpu.dma_semaphore, #tpu.memory_space<semaphore_mem>>) src(%dma_wait3A_250 : memref<112xi32, #tpu.memory_space<hbm>>) dst(%dma_wait3A_249 : memref<112xi32, #tpu.memory_space<vmem>>)
        tpu.yield
      }) : () -> ()
      %parallel_loop3A_223 = arith.constant 0 : i32
      %parallel_loop3A_224 = arith.constant 7 : i32
      %parallel_loop3A_225 = arith.constant 1 : i32
      scf.for %parallel_loop3A_239 = %parallel_loop3A_223 to %parallel_loop3A_224 step %parallel_loop3A_225  : i32 {
        %parallel_loop3A_240 = arith.constant 16 : i32
        %parallel_loop3A_241 = arith.muli %parallel_loop3A_239, %parallel_loop3A_240 : i32
        %parallel_loop3A_242 = arith.index_cast %parallel_loop3A_241 : i32 to index
        %parallel_loop3A_243 = tpu.vector_load %arg11[%parallel_loop3A_242] {strides = array<i32>} : memref<112xi32, #tpu.memory_space<vmem>>, vector<16xi32>,
        %parallel_loop3A_244 = arith.constant 9999 : i32
        %parallel_loop3A_245 = vector.broadcast %parallel_loop3A_244 : i32 to vector<16xi32>
        %parallel_loop3A_246 = arith.minsi %parallel_loop3A_243, %parallel_loop3A_245 : vector<16xi32>
        %parallel_loop3A_247 = arith.addi %parallel_loop3A_246, %broadcast_in_dim3A_114 : vector<16xi32>
        %parallel_loop3A_248 = arith.constant 16 : i32
        %parallel_loop3A_249 = arith.muli %parallel_loop3A_239, %parallel_loop3A_248 : i32
        %parallel_loop3A_250 = arith.index_cast %parallel_loop3A_249 : i32 to index
        %parallel_loop3A_251 = tpu.vector_load %arg13[%parallel_loop3A_250] {strides = array<i32>} : memref<112xi32, #tpu.memory_space<vmem>>, vector<16xi32>,
        tpu.vector_store %arg13[%parallel_loop3A_250], %parallel_loop3A_247 {strides = array<i32>} : memref<112xi32, #tpu.memory_space<vmem>>, vector<16xi32>,
        %parallel_loop3A_252 = arith.constant 16 : i32
        %parallel_loop3A_253 = arith.muli %parallel_loop3A_239, %parallel_loop3A_252 : i32
        %parallel_loop3A_254 = arith.index_cast %parallel_loop3A_253 : i32 to index
        %parallel_loop3A_255 = tpu.vector_load %arg10[%parallel_loop3A_254] {strides = array<i32>} : memref<112xi32, #tpu.memory_space<vmem>>, vector<16xi32>,
        %parallel_loop3A_256 = arith.addi %parallel_loop3A_255, %broadcast_in_dim3A_114 : vector<16xi32>
        %parallel_loop3A_257 = arith.constant 16 : i32
        %parallel_loop3A_258 = arith.muli %parallel_loop3A_239, %parallel_loop3A_257 : i32
        %parallel_loop3A_259 = arith.index_cast %parallel_loop3A_258 : i32 to index
        %parallel_loop3A_260 = tpu.vector_load %arg10[%parallel_loop3A_259] {strides = array<i32>} : memref<112xi32, #tpu.memory_space<vmem>>, vector<16xi32>,
        tpu.vector_store %arg10[%parallel_loop3A_259], %parallel_loop3A_256 {strides = array<i32>} : memref<112xi32, #tpu.memory_space<vmem>>, vector<16xi32>,
      } {sc.loop_unroll_factor = 1 : i64, sc.parallel_access}
      %dma_start3A = arith.constant 0 : i32
      %dma_start3A_226 = arith.constant 0 : i32
      %dma_start3A_227 = tpu.memref_slice %arg2[%dma_start3A, %dma_start3A_226] : memref<40000x128xf32, #tpu.memory_space<hbm>> -> memref<40000x128xf32, #tpu.memory_space<hbm>>
      tpu.enqueue_indirect_dma source(%dma_start3A_227 : memref<40000x128xf32, #tpu.memory_space<hbm>>) target(%arg15 : memref<112x128xf32, #tpu.memory_space<vmem>>) offsets(%arg10 : memref<112xi32, #tpu.memory_space<vmem>>) semaphore(%arg19 : memref<!tpu.dma_semaphore, #tpu.memory_space<semaphore_mem>>)
      %dma_start3A_228 = arith.constant 0 : i32
      %dma_start3A_229 = arith.constant 0 : i32
      %dma_start3A_230 = tpu.memref_slice %arg3[%dma_start3A_228, %dma_start3A_229] : memref<40000x128xf32, #tpu.memory_space<hbm>> -> memref<40000x128xf32, #tpu.memory_space<hbm>>
      tpu.enqueue_indirect_dma source(%dma_start3A_230 : memref<40000x128xf32, #tpu.memory_space<hbm>>) target(%arg14 : memref<112x128xf32, #tpu.memory_space<vmem>>) offsets(%arg13 : memref<112xi32, #tpu.memory_space<vmem>>) semaphore(%arg20 : memref<!tpu.dma_semaphore, #tpu.memory_space<semaphore_mem>>)
      %dma_wait3A = arith.constant 0 : i32
      %dma_wait3A_231 = arith.constant 0 : i32
      %dma_wait3A_232 = tpu.memref_slice %arg2[%dma_wait3A, %dma_wait3A_231] : memref<40000x128xf32, #tpu.memory_space<hbm>> -> memref<40000x128xf32, #tpu.memory_space<hbm>>
      tpu.wait_indirect_dma semaphore(%arg19 : memref<!tpu.dma_semaphore, #tpu.memory_space<semaphore_mem>>) src(%dma_wait3A_232 : memref<40000x128xf32, #tpu.memory_space<hbm>>) dst(%arg15 : memref<112x128xf32, #tpu.memory_space<vmem>>)
      %dma_wait3A_233 = arith.constant 0 : i32
      %dma_wait3A_234 = arith.constant 0 : i32
      %dma_wait3A_235 = tpu.memref_slice %arg3[%dma_wait3A_233, %dma_wait3A_234] : memref<40000x128xf32, #tpu.memory_space<hbm>> -> memref<40000x128xf32, #tpu.memory_space<hbm>>
      tpu.wait_indirect_dma semaphore(%arg20 : memref<!tpu.dma_semaphore, #tpu.memory_space<semaphore_mem>>) src(%dma_wait3A_235 : memref<40000x128xf32, #tpu.memory_space<hbm>>) dst(%arg14 : memref<112x128xf32, #tpu.memory_space<vmem>>)
      %parallel_loop3A_236 = arith.constant 0 : i32
      %parallel_loop3A_237 = arith.constant 112 : i32
      %parallel_loop3A_238 = arith.constant 1 : i32
      scf.for %parallel_loop3A_239 = %parallel_loop3A_236 to %parallel_loop3A_237 step %parallel_loop3A_238  : i32 {
        %parallel_loop3A_240 = arith.index_cast %parallel_loop3A_239 : i32 to index
        %parallel_loop3A_241 = arith.constant 0 : index
        %parallel_loop3A_242 = tpu.vector_load %arg15[%parallel_loop3A_240, %parallel_loop3A_241] {strides = array<i32>} : memref<112x128xf32, #tpu.memory_space<vmem>>, vector<16xf32>,
        %parallel_loop3A_243 = arith.index_cast %parallel_loop3A_239 : i32 to index
        %parallel_loop3A_244 = arith.constant 0 : index
        %parallel_loop3A_245 = tpu.vector_load %arg14[%parallel_loop3A_243, %parallel_loop3A_244] {strides = array<i32>} : memref<112x128xf32, #tpu.memory_space<vmem>>, vector<16xf32>,
        %parallel_loop3A_246 = arith.addf %parallel_loop3A_245, %parallel_loop3A_242 : vector<16xf32>
        %parallel_loop3A_247 = arith.constant 2.000000e-01 : f32
        %parallel_loop3A_248 = vector.broadcast %parallel_loop3A_247 : f32 to vector<16xf32>
        %parallel_loop3A_249 = arith.mulf %parallel_loop3A_246, %parallel_loop3A_248 : vector<16xf32>
        %parallel_loop3A_250 = arith.maximumf %parallel_loop3A_246, %parallel_loop3A_249 : vector<16xf32>
        %parallel_loop3A_251 = arith.constant 2 : i32
        %parallel_loop3A_252 = arith.index_cast %parallel_loop3A_251 : i32 to index
        %parallel_loop3A_253 = arith.constant 0 : index
        %parallel_loop3A_254 = tpu.vector_load %arg9[%parallel_loop3A_252, %parallel_loop3A_253] {strides = array<i32>} : memref<4x128xf32, #tpu.memory_space<vmem>>, vector<16xf32>,
        %parallel_loop3A_255 = arith.mulf %parallel_loop3A_250, %parallel_loop3A_254 : vector<16xf32>
        %parallel_loop3A_256 = arith.addf %broadcast_in_dim3A_3, %parallel_loop3A_255 : vector<16xf32>
        %parallel_loop3A_257 = arith.index_cast %parallel_loop3A_239 : i32 to index
        %parallel_loop3A_258 = arith.constant 16 : index
        %parallel_loop3A_259 = tpu.vector_load %arg15[%parallel_loop3A_257, %parallel_loop3A_258] {strides = array<i32>} : memref<112x128xf32, #tpu.memory_space<vmem>>, vector<16xf32>,
        %parallel_loop3A_260 = arith.index_cast %parallel_loop3A_239 : i32 to index
        %parallel_loop3A_261 = arith.constant 16 : index
        %parallel_loop3A_262 = tpu.vector_load %arg14[%parallel_loop3A_260, %parallel_loop3A_261] {strides = array<i32>} : memref<112x128xf32, #tpu.memory_space<vmem>>, vector<16xf32>,
        %parallel_loop3A_263 = arith.addf %parallel_loop3A_262, %parallel_loop3A_259 : vector<16xf32>
        %parallel_loop3A_264 = arith.constant 2.000000e-01 : f32
        %parallel_loop3A_265 = vector.broadcast %parallel_loop3A_264 : f32 to vector<16xf32>
        %parallel_loop3A_266 = arith.mulf %parallel_loop3A_263, %parallel_loop3A_265 : vector<16xf32>
        %parallel_loop3A_267 = arith.maximumf %parallel_loop3A_263, %parallel_loop3A_266 : vector<16xf32>
        %parallel_loop3A_268 = arith.constant 2 : i32
        %parallel_loop3A_269 = arith.index_cast %parallel_loop3A_268 : i32 to index
        %parallel_loop3A_270 = arith.constant 16 : index
        %parallel_loop3A_271 = tpu.vector_load %arg9[%parallel_loop3A_269, %parallel_loop3A_270] {strides = array<i32>} : memref<4x128xf32, #tpu.memory_space<vmem>>, vector<16xf32>,
        %parallel_loop3A_272 = arith.mulf %parallel_loop3A_267, %parallel_loop3A_271 : vector<16xf32>
        %parallel_loop3A_273 = arith.addf %parallel_loop3A_256, %parallel_loop3A_272 : vector<16xf32>
        %parallel_loop3A_274 = arith.index_cast %parallel_loop3A_239 : i32 to index
        %parallel_loop3A_275 = arith.constant 32 : index
        %parallel_loop3A_276 = tpu.vector_load %arg15[%parallel_loop3A_274, %parallel_loop3A_275] {strides = array<i32>} : memref<112x128xf32, #tpu.memory_space<vmem>>, vector<16xf32>,
        %parallel_loop3A_277 = arith.index_cast %parallel_loop3A_239 : i32 to index
        %parallel_loop3A_278 = arith.constant 32 : index
        %parallel_loop3A_279 = tpu.vector_load %arg14[%parallel_loop3A_277, %parallel_loop3A_278] {strides = array<i32>} : memref<112x128xf32, #tpu.memory_space<vmem>>, vector<16xf32>,
        %parallel_loop3A_280 = arith.addf %parallel_loop3A_279, %parallel_loop3A_276 : vector<16xf32>
        %parallel_loop3A_281 = arith.constant 2.000000e-01 : f32
        %parallel_loop3A_282 = vector.broadcast %parallel_loop3A_281 : f32 to vector<16xf32>
        %parallel_loop3A_283 = arith.mulf %parallel_loop3A_280, %parallel_loop3A_282 : vector<16xf32>
        %parallel_loop3A_284 = arith.maximumf %parallel_loop3A_280, %parallel_loop3A_283 : vector<16xf32>
        %parallel_loop3A_285 = arith.constant 2 : i32
        %parallel_loop3A_286 = arith.index_cast %parallel_loop3A_285 : i32 to index
        %parallel_loop3A_287 = arith.constant 32 : index
        %parallel_loop3A_288 = tpu.vector_load %arg9[%parallel_loop3A_286, %parallel_loop3A_287] {strides = array<i32>} : memref<4x128xf32, #tpu.memory_space<vmem>>, vector<16xf32>,
        %parallel_loop3A_289 = arith.mulf %parallel_loop3A_284, %parallel_loop3A_288 : vector<16xf32>
        %parallel_loop3A_290 = arith.addf %parallel_loop3A_273, %parallel_loop3A_289 : vector<16xf32>
        %parallel_loop3A_291 = arith.index_cast %parallel_loop3A_239 : i32 to index
        %parallel_loop3A_292 = arith.constant 48 : index
        %parallel_loop3A_293 = tpu.vector_load %arg15[%parallel_loop3A_291, %parallel_loop3A_292] {strides = array<i32>} : memref<112x128xf32, #tpu.memory_space<vmem>>, vector<16xf32>,
        %parallel_loop3A_294 = arith.index_cast %parallel_loop3A_239 : i32 to index
        %parallel_loop3A_295 = arith.constant 48 : index
        %parallel_loop3A_296 = tpu.vector_load %arg14[%parallel_loop3A_294, %parallel_loop3A_295] {strides = array<i32>} : memref<112x128xf32, #tpu.memory_space<vmem>>, vector<16xf32>,
        %parallel_loop3A_297 = arith.addf %parallel_loop3A_296, %parallel_loop3A_293 : vector<16xf32>
        %parallel_loop3A_298 = arith.constant 2.000000e-01 : f32
        %parallel_loop3A_299 = vector.broadcast %parallel_loop3A_298 : f32 to vector<16xf32>
        %parallel_loop3A_300 = arith.mulf %parallel_loop3A_297, %parallel_loop3A_299 : vector<16xf32>
        %parallel_loop3A_301 = arith.maximumf %parallel_loop3A_297, %parallel_loop3A_300 : vector<16xf32>
        %parallel_loop3A_302 = arith.constant 2 : i32
        %parallel_loop3A_303 = arith.index_cast %parallel_loop3A_302 : i32 to index
        %parallel_loop3A_304 = arith.constant 48 : index
        %parallel_loop3A_305 = tpu.vector_load %arg9[%parallel_loop3A_303, %parallel_loop3A_304] {strides = array<i32>} : memref<4x128xf32, #tpu.memory_space<vmem>>, vector<16xf32>,
        %parallel_loop3A_306 = arith.mulf %parallel_loop3A_301, %parallel_loop3A_305 : vector<16xf32>
        %parallel_loop3A_307 = arith.addf %parallel_loop3A_290, %parallel_loop3A_306 : vector<16xf32>
        %parallel_loop3A_308 = arith.index_cast %parallel_loop3A_239 : i32 to index
        %parallel_loop3A_309 = arith.constant 64 : index
        %parallel_loop3A_310 = tpu.vector_load %arg15[%parallel_loop3A_308, %parallel_loop3A_309] {strides = array<i32>} : memref<112x128xf32, #tpu.memory_space<vmem>>, vector<16xf32>,
        %parallel_loop3A_311 = arith.index_cast %parallel_loop3A_239 : i32 to index
        %parallel_loop3A_312 = arith.constant 64 : index
        %parallel_loop3A_313 = tpu.vector_load %arg14[%parallel_loop3A_311, %parallel_loop3A_312] {strides = array<i32>} : memref<112x128xf32, #tpu.memory_space<vmem>>, vector<16xf32>,
        %parallel_loop3A_314 = arith.addf %parallel_loop3A_313, %parallel_loop3A_310 : vector<16xf32>
        %parallel_loop3A_315 = arith.constant 2.000000e-01 : f32
        %parallel_loop3A_316 = vector.broadcast %parallel_loop3A_315 : f32 to vector<16xf32>
        %parallel_loop3A_317 = arith.mulf %parallel_loop3A_314, %parallel_loop3A_316 : vector<16xf32>
        %parallel_loop3A_318 = arith.maximumf %parallel_loop3A_314, %parallel_loop3A_317 : vector<16xf32>
        %parallel_loop3A_319 = arith.constant 2 : i32
        %parallel_loop3A_320 = arith.index_cast %parallel_loop3A_319 : i32 to index
        %parallel_loop3A_321 = arith.constant 64 : index
        %parallel_loop3A_322 = tpu.vector_load %arg9[%parallel_loop3A_320, %parallel_loop3A_321] {strides = array<i32>} : memref<4x128xf32, #tpu.memory_space<vmem>>, vector<16xf32>,
        %parallel_loop3A_323 = arith.mulf %parallel_loop3A_318, %parallel_loop3A_322 : vector<16xf32>
        %parallel_loop3A_324 = arith.addf %parallel_loop3A_307, %parallel_loop3A_323 : vector<16xf32>
        %parallel_loop3A_325 = arith.index_cast %parallel_loop3A_239 : i32 to index
        %parallel_loop3A_326 = arith.constant 80 : index
        %parallel_loop3A_327 = tpu.vector_load %arg15[%parallel_loop3A_325, %parallel_loop3A_326] {strides = array<i32>} : memref<112x128xf32, #tpu.memory_space<vmem>>, vector<16xf32>,
        %parallel_loop3A_328 = arith.index_cast %parallel_loop3A_239 : i32 to index
        %parallel_loop3A_329 = arith.constant 80 : index
        %parallel_loop3A_330 = tpu.vector_load %arg14[%parallel_loop3A_328, %parallel_loop3A_329] {strides = array<i32>} : memref<112x128xf32, #tpu.memory_space<vmem>>, vector<16xf32>,
        %parallel_loop3A_331 = arith.addf %parallel_loop3A_330, %parallel_loop3A_327 : vector<16xf32>
        %parallel_loop3A_332 = arith.constant 2.000000e-01 : f32
        %parallel_loop3A_333 = vector.broadcast %parallel_loop3A_332 : f32 to vector<16xf32>
        %parallel_loop3A_334 = arith.mulf %parallel_loop3A_331, %parallel_loop3A_333 : vector<16xf32>
        %parallel_loop3A_335 = arith.maximumf %parallel_loop3A_331, %parallel_loop3A_334 : vector<16xf32>
        %parallel_loop3A_336 = arith.constant 2 : i32
        %parallel_loop3A_337 = arith.index_cast %parallel_loop3A_336 : i32 to index
        %parallel_loop3A_338 = arith.constant 80 : index
        %parallel_loop3A_339 = tpu.vector_load %arg9[%parallel_loop3A_337, %parallel_loop3A_338] {strides = array<i32>} : memref<4x128xf32, #tpu.memory_space<vmem>>, vector<16xf32>,
        %parallel_loop3A_340 = arith.mulf %parallel_loop3A_335, %parallel_loop3A_339 : vector<16xf32>
        %parallel_loop3A_341 = arith.addf %parallel_loop3A_324, %parallel_loop3A_340 : vector<16xf32>
        %parallel_loop3A_342 = arith.index_cast %parallel_loop3A_239 : i32 to index
        %parallel_loop3A_343 = arith.constant 96 : index
        %parallel_loop3A_344 = tpu.vector_load %arg15[%parallel_loop3A_342, %parallel_loop3A_343] {strides = array<i32>} : memref<112x128xf32, #tpu.memory_space<vmem>>, vector<16xf32>,
        %parallel_loop3A_345 = arith.index_cast %parallel_loop3A_239 : i32 to index
        %parallel_loop3A_346 = arith.constant 96 : index
        %parallel_loop3A_347 = tpu.vector_load %arg14[%parallel_loop3A_345, %parallel_loop3A_346] {strides = array<i32>} : memref<112x128xf32, #tpu.memory_space<vmem>>, vector<16xf32>,
        %parallel_loop3A_348 = arith.addf %parallel_loop3A_347, %parallel_loop3A_344 : vector<16xf32>
        %parallel_loop3A_349 = arith.constant 2.000000e-01 : f32
        %parallel_loop3A_350 = vector.broadcast %parallel_loop3A_349 : f32 to vector<16xf32>
        %parallel_loop3A_351 = arith.mulf %parallel_loop3A_348, %parallel_loop3A_350 : vector<16xf32>
        %parallel_loop3A_352 = arith.maximumf %parallel_loop3A_348, %parallel_loop3A_351 : vector<16xf32>
        %parallel_loop3A_353 = arith.constant 2 : i32
        %parallel_loop3A_354 = arith.index_cast %parallel_loop3A_353 : i32 to index
        %parallel_loop3A_355 = arith.constant 96 : index
        %parallel_loop3A_356 = tpu.vector_load %arg9[%parallel_loop3A_354, %parallel_loop3A_355] {strides = array<i32>} : memref<4x128xf32, #tpu.memory_space<vmem>>, vector<16xf32>,
        %parallel_loop3A_357 = arith.mulf %parallel_loop3A_352, %parallel_loop3A_356 : vector<16xf32>
        %parallel_loop3A_358 = arith.addf %parallel_loop3A_341, %parallel_loop3A_357 : vector<16xf32>
        %parallel_loop3A_359 = arith.index_cast %parallel_loop3A_239 : i32 to index
        %parallel_loop3A_360 = arith.constant 112 : index
        %parallel_loop3A_361 = tpu.vector_load %arg15[%parallel_loop3A_359, %parallel_loop3A_360] {strides = array<i32>} : memref<112x128xf32, #tpu.memory_space<vmem>>, vector<16xf32>,
        %parallel_loop3A_362 = arith.index_cast %parallel_loop3A_239 : i32 to index
        %parallel_loop3A_363 = arith.constant 112 : index
        %parallel_loop3A_364 = tpu.vector_load %arg14[%parallel_loop3A_362, %parallel_loop3A_363] {strides = array<i32>} : memref<112x128xf32, #tpu.memory_space<vmem>>, vector<16xf32>,
        %parallel_loop3A_365 = arith.addf %parallel_loop3A_364, %parallel_loop3A_361 : vector<16xf32>
        %parallel_loop3A_366 = arith.constant 2.000000e-01 : f32
        %parallel_loop3A_367 = vector.broadcast %parallel_loop3A_366 : f32 to vector<16xf32>
        %parallel_loop3A_368 = arith.mulf %parallel_loop3A_365, %parallel_loop3A_367 : vector<16xf32>
        %parallel_loop3A_369 = arith.maximumf %parallel_loop3A_365, %parallel_loop3A_368 : vector<16xf32>
        %parallel_loop3A_370 = arith.constant 2 : i32
        %parallel_loop3A_371 = arith.index_cast %parallel_loop3A_370 : i32 to index
        %parallel_loop3A_372 = arith.constant 112 : index
        %parallel_loop3A_373 = tpu.vector_load %arg9[%parallel_loop3A_371, %parallel_loop3A_372] {strides = array<i32>} : memref<4x128xf32, #tpu.memory_space<vmem>>, vector<16xf32>,
        %parallel_loop3A_374 = arith.mulf %parallel_loop3A_369, %parallel_loop3A_373 : vector<16xf32>
        %parallel_loop3A_375 = arith.addf %parallel_loop3A_358, %parallel_loop3A_374 : vector<16xf32>
        %parallel_loop3A_376 = arith.constant true
        %parallel_loop3A_377 = vector.broadcast %parallel_loop3A_376 : i1 to vector<16xi1>
        %parallel_loop3A_378 = tpu.scan <sum>, %parallel_loop3A_375 masked %parallel_loop3A_377 : vector<16xf32>, vector<16xi1> -> vector<16xf32>
        %parallel_loop3A_379 = vector.extract %parallel_loop3A_378[15] : f32 from vector<16xf32>
        %parallel_loop3A_380 = vector.broadcast %parallel_loop3A_379 : f32 to vector<16xf32>
        %parallel_loop3A_381 = math.exp %parallel_loop3A_380 : vector<16xf32>
        %parallel_loop3A_382 = arith.mulf %parallel_loop3A_242, %parallel_loop3A_381 : vector<16xf32>
        %parallel_loop3A_383 = arith.index_cast %parallel_loop3A_239 : i32 to index
        %parallel_loop3A_384 = arith.constant 0 : index
        %parallel_loop3A_385 = tpu.vector_load %arg15[%parallel_loop3A_383, %parallel_loop3A_384] {strides = array<i32>} : memref<112x128xf32, #tpu.memory_space<vmem>>, vector<16xf32>,
        tpu.vector_store %arg15[%parallel_loop3A_383, %parallel_loop3A_384], %parallel_loop3A_382 {strides = array<i32>} : memref<112x128xf32, #tpu.memory_space<vmem>>, vector<16xf32>,
        %parallel_loop3A_386 = arith.mulf %parallel_loop3A_259, %parallel_loop3A_381 : vector<16xf32>
        %parallel_loop3A_387 = arith.index_cast %parallel_loop3A_239 : i32 to index
        %parallel_loop3A_388 = arith.constant 16 : index
        %parallel_loop3A_389 = tpu.vector_load %arg15[%parallel_loop3A_387, %parallel_loop3A_388] {strides = array<i32>} : memref<112x128xf32, #tpu.memory_space<vmem>>, vector<16xf32>,
        tpu.vector_store %arg15[%parallel_loop3A_387, %parallel_loop3A_388], %parallel_loop3A_386 {strides = array<i32>} : memref<112x128xf32, #tpu.memory_space<vmem>>, vector<16xf32>,
        %parallel_loop3A_390 = arith.mulf %parallel_loop3A_276, %parallel_loop3A_381 : vector<16xf32>
        %parallel_loop3A_391 = arith.index_cast %parallel_loop3A_239 : i32 to index
        %parallel_loop3A_392 = arith.constant 32 : index
        %parallel_loop3A_393 = tpu.vector_load %arg15[%parallel_loop3A_391, %parallel_loop3A_392] {strides = array<i32>} : memref<112x128xf32, #tpu.memory_space<vmem>>, vector<16xf32>,
        tpu.vector_store %arg15[%parallel_loop3A_391, %parallel_loop3A_392], %parallel_loop3A_390 {strides = array<i32>} : memref<112x128xf32, #tpu.memory_space<vmem>>, vector<16xf32>,
        %parallel_loop3A_394 = arith.mulf %parallel_loop3A_293, %parallel_loop3A_381 : vector<16xf32>
        %parallel_loop3A_395 = arith.index_cast %parallel_loop3A_239 : i32 to index
        %parallel_loop3A_396 = arith.constant 48 : index
        %parallel_loop3A_397 = tpu.vector_load %arg15[%parallel_loop3A_395, %parallel_loop3A_396] {strides = array<i32>} : memref<112x128xf32, #tpu.memory_space<vmem>>, vector<16xf32>,
        tpu.vector_store %arg15[%parallel_loop3A_395, %parallel_loop3A_396], %parallel_loop3A_394 {strides = array<i32>} : memref<112x128xf32, #tpu.memory_space<vmem>>, vector<16xf32>,
        %parallel_loop3A_398 = arith.mulf %parallel_loop3A_310, %parallel_loop3A_381 : vector<16xf32>
        %parallel_loop3A_399 = arith.index_cast %parallel_loop3A_239 : i32 to index
        %parallel_loop3A_400 = arith.constant 64 : index
        %parallel_loop3A_401 = tpu.vector_load %arg15[%parallel_loop3A_399, %parallel_loop3A_400] {strides = array<i32>} : memref<112x128xf32, #tpu.memory_space<vmem>>, vector<16xf32>,
        tpu.vector_store %arg15[%parallel_loop3A_399, %parallel_loop3A_400], %parallel_loop3A_398 {strides = array<i32>} : memref<112x128xf32, #tpu.memory_space<vmem>>, vector<16xf32>,
        %parallel_loop3A_402 = arith.mulf %parallel_loop3A_327, %parallel_loop3A_381 : vector<16xf32>
        %parallel_loop3A_403 = arith.index_cast %parallel_loop3A_239 : i32 to index
        %parallel_loop3A_404 = arith.constant 80 : index
        %parallel_loop3A_405 = tpu.vector_load %arg15[%parallel_loop3A_403, %parallel_loop3A_404] {strides = array<i32>} : memref<112x128xf32, #tpu.memory_space<vmem>>, vector<16xf32>,
        tpu.vector_store %arg15[%parallel_loop3A_403, %parallel_loop3A_404], %parallel_loop3A_402 {strides = array<i32>} : memref<112x128xf32, #tpu.memory_space<vmem>>, vector<16xf32>,
        %parallel_loop3A_406 = arith.mulf %parallel_loop3A_344, %parallel_loop3A_381 : vector<16xf32>
        %parallel_loop3A_407 = arith.index_cast %parallel_loop3A_239 : i32 to index
        %parallel_loop3A_408 = arith.constant 96 : index
        %parallel_loop3A_409 = tpu.vector_load %arg15[%parallel_loop3A_407, %parallel_loop3A_408] {strides = array<i32>} : memref<112x128xf32, #tpu.memory_space<vmem>>, vector<16xf32>,
        tpu.vector_store %arg15[%parallel_loop3A_407, %parallel_loop3A_408], %parallel_loop3A_406 {strides = array<i32>} : memref<112x128xf32, #tpu.memory_space<vmem>>, vector<16xf32>,
        %parallel_loop3A_410 = arith.mulf %parallel_loop3A_361, %parallel_loop3A_381 : vector<16xf32>
        %parallel_loop3A_411 = arith.index_cast %parallel_loop3A_239 : i32 to index
        %parallel_loop3A_412 = arith.constant 112 : index
        %parallel_loop3A_413 = tpu.vector_load %arg15[%parallel_loop3A_411, %parallel_loop3A_412] {strides = array<i32>} : memref<112x128xf32, #tpu.memory_space<vmem>>, vector<16xf32>,
        tpu.vector_store %arg15[%parallel_loop3A_411, %parallel_loop3A_412], %parallel_loop3A_410 {strides = array<i32>} : memref<112x128xf32, #tpu.memory_space<vmem>>, vector<16xf32>,
        %parallel_loop3A_414 = arith.index_cast %parallel_loop3A_239 : i32 to index
        %parallel_loop3A_415 = tpu.vector_load %arg12[%parallel_loop3A_414] {strides = array<i32>} : memref<128xi32, #tpu.memory_space<vmem>>, vector<16xi32>,
        tpu.vector_store_idx %arg16[%parallel_loop3A_415], %parallel_loop3A_381 masked %eq3A_7 {add = true} : memref<10112xf32, #tpu.memory_space<vmem>>[vector<16xi32>], vector<16xf32>, vector<16xi1>
      } {sc.loop_unroll_factor = 4 : i64, sc.parallel_access}
      "tpu.region"() ({
        %run_scoped3A = tpu.sem_alloc : memref<!tpu.dma_semaphore, #tpu.memory_space<semaphore_mem>>
        %dma_start3A_239 = arith.constant 0 : i32
        %dma_start3A_240 = arith.constant 0 : i32
        %dma_start3A_241 = tpu.memref_slice %arg18[%dma_start3A_239, %dma_start3A_240] : memref<10112x128xf32, #tpu.memory_space<vmem_shared>> -> memref<10112x128xf32, #tpu.memory_space<vmem_shared>>
        tpu.enqueue_indirect_dma source(%arg15 : memref<112x128xf32, #tpu.memory_space<vmem>>) target(%dma_start3A_241 : memref<10112x128xf32, #tpu.memory_space<vmem_shared>>) offsets(%arg11 : memref<112xi32, #tpu.memory_space<vmem>>) semaphore(%run_scoped3A : memref<!tpu.dma_semaphore, #tpu.memory_space<semaphore_mem>>) {add = true}
        %dma_wait3A_242 = arith.constant 0 : i32
        %dma_wait3A_243 = arith.constant 0 : i32
        %dma_wait3A_244 = tpu.memref_slice %arg18[%dma_wait3A_242, %dma_wait3A_243] : memref<10112x128xf32, #tpu.memory_space<vmem_shared>> -> memref<10112x128xf32, #tpu.memory_space<vmem_shared>>
        tpu.wait_indirect_dma semaphore(%run_scoped3A : memref<!tpu.dma_semaphore, #tpu.memory_space<semaphore_mem>>) src(%arg15 : memref<112x128xf32, #tpu.memory_space<vmem>>) dst(%dma_wait3A_244 : memref<10112x128xf32, #tpu.memory_space<vmem_shared>>)
        tpu.yield
      }) : () -> ()
    }
    %scan3A_134 = arith.constant 93 : i32
    %barrier3A_135 = arith.constant 0 : index
    tpu.barrier barrier_id(%barrier3A_135)
    %mul3A_136 = arith.constant 4 : i32
    %mul3A_137 = arith.muli %arg0, %mul3A_136 : i32
    %add3A_138 = arith.constant 2 : i32
    %add3A_139 = arith.addi %mul3A_137, %add3A_138 : i32
    %mul3A_140 = arith.constant 10000 : i32
    %mul3A_141 = arith.muli %add3A_139, %mul3A_140 : i32
    %mul3A_142 = arith.constant 624 : i32
    %mul3A_143 = arith.muli %arg1, %mul3A_142 : i32
    %add3A_144 = arith.addi %mul3A_141, %mul3A_143 : i32
    %scan3A_145 = arith.constant 0 : i32
    %scan3A_146 = arith.constant 0 : i32
    %scan3A_147 = arith.constant 13 : i32
    %scan3A_148 = arith.addi %scan3A_146, %scan3A_147 : i32
    %scan3A_149 = arith.constant 1 : i32
    scf.for %scan3A_219 = %scan3A_146 to %scan3A_148 step %scan3A_149  : i32 {
      %mul3A_220 = arith.constant 624 : i32
      %mul3A_221 = arith.muli %arg1, %mul3A_220 : i32
      %mul3A_222 = arith.constant 48 : i32
      %mul3A_223 = arith.muli %scan3A_219, %mul3A_222 : i32
      %add3A_224 = arith.addi %mul3A_221, %mul3A_223 : i32
      "tpu.region"() ({
        %run_scoped3A = tpu.sem_alloc : memref<!tpu.dma_semaphore, #tpu.memory_space<semaphore_mem>>
        %dma_start3A = arith.constant 0 : i32
        %dma_start3A_228 = arith.constant 0 : i32
        %dma_start3A_229 = tpu.memref_slice %arg14[%dma_start3A, %dma_start3A_228] : memref<112x128xf32, #tpu.memory_space<vmem>> -> memref<48x128xf32, #tpu.memory_space<vmem>>
        %dma_start3A_230 = arith.constant 0 : i32
        %dma_start3A_231 = tpu.memref_slice %arg18[%add3A_224, %dma_start3A_230] : memref<10112x128xf32, #tpu.memory_space<vmem_shared>> -> memref<48x128xf32, #tpu.memory_space<vmem_shared>>
        %dma_start3A_232 = arith.constant 0 : i32
        %dma_start3A_233 = arith.constant 0 : i32
        %dma_start3A_234 = tpu.memref_slice %arg14[%dma_start3A_232, %dma_start3A_233] : memref<112x128xf32, #tpu.memory_space<vmem>> -> memref<48x128xf32, #tpu.memory_space<vmem>>
        %dma_start3A_235 = arith.constant 0 : i32
        %dma_start3A_236 = tpu.memref_slice %arg18[%add3A_224, %dma_start3A_235] : memref<10112x128xf32, #tpu.memory_space<vmem_shared>> -> memref<48x128xf32, #tpu.memory_space<vmem_shared>>
        tpu.enqueue_dma source(%dma_start3A_236 : memref<48x128xf32, #tpu.memory_space<vmem_shared>>) target(%dma_start3A_234 : memref<48x128xf32, #tpu.memory_space<vmem>>) target_semaphore(%run_scoped3A : memref<!tpu.dma_semaphore, #tpu.memory_space<semaphore_mem>>)
        %dma_wait3A = arith.constant 0 : i32
        %dma_wait3A_237 = arith.constant 0 : i32
        %dma_wait3A_238 = tpu.memref_slice %arg14[%dma_wait3A, %dma_wait3A_237] : memref<112x128xf32, #tpu.memory_space<vmem>> -> memref<48x128xf32, #tpu.memory_space<vmem>>
        %dma_wait3A_239 = arith.constant 0 : i32
        %dma_wait3A_240 = tpu.memref_slice %arg18[%add3A_224, %dma_wait3A_239] : memref<10112x128xf32, #tpu.memory_space<vmem_shared>> -> memref<48x128xf32, #tpu.memory_space<vmem_shared>>
        %dma_wait3A_241 = arith.constant 0 : i32
        %dma_wait3A_242 = arith.constant 0 : i32
        %dma_wait3A_243 = tpu.memref_slice %arg14[%dma_wait3A_241, %dma_wait3A_242] : memref<112x128xf32, #tpu.memory_space<vmem>> -> memref<48x128xf32, #tpu.memory_space<vmem>>
        %dma_wait3A_244 = arith.constant 0 : i32
        %dma_wait3A_245 = tpu.memref_slice %arg18[%add3A_224, %dma_wait3A_244] : memref<10112x128xf32, #tpu.memory_space<vmem_shared>> -> memref<48x128xf32, #tpu.memory_space<vmem_shared>>
        tpu.wait_dma2 semaphore(%run_scoped3A : memref<!tpu.dma_semaphore, #tpu.memory_space<semaphore_mem>>) src(%dma_wait3A_245 : memref<48x128xf32, #tpu.memory_space<vmem_shared>>) dst(%dma_wait3A_243 : memref<48x128xf32, #tpu.memory_space<vmem>>)
        tpu.yield
      }) : () -> ()
      %mul3A_225 = arith.constant 48 : i32
      %mul3A_226 = arith.muli %scan3A_219, %mul3A_225 : i32
      %add3A_227 = arith.addi %add3A_144, %mul3A_226 : i32
      "tpu.region"() ({
        %run_scoped3A = tpu.sem_alloc : memref<!tpu.dma_semaphore, #tpu.memory_space<semaphore_mem>>
        %dma_start3A = arith.constant 0 : i32
        %dma_start3A_228 = arith.constant 0 : i32
        %dma_start3A_229 = tpu.memref_slice %arg14[%dma_start3A, %dma_start3A_228] : memref<112x128xf32, #tpu.memory_space<vmem>> -> memref<48x128xf32, #tpu.memory_space<vmem>>
        %dma_start3A_230 = arith.constant 0 : i32
        %dma_start3A_231 = tpu.memref_slice %arg7[%add3A_227, %dma_start3A_230] : memref<80000x128xf32, #tpu.memory_space<hbm>> -> memref<48x128xf32, #tpu.memory_space<hbm>>
        %dma_start3A_232 = arith.constant 0 : i32
        %dma_start3A_233 = tpu.memref_slice %arg7[%add3A_227, %dma_start3A_232] : memref<80000x128xf32, #tpu.memory_space<hbm>> -> memref<48x128xf32, #tpu.memory_space<hbm>>
        %dma_start3A_234 = arith.constant 0 : i32
        %dma_start3A_235 = arith.constant 0 : i32
        %dma_start3A_236 = tpu.memref_slice %arg14[%dma_start3A_234, %dma_start3A_235] : memref<112x128xf32, #tpu.memory_space<vmem>> -> memref<48x128xf32, #tpu.memory_space<vmem>>
        tpu.enqueue_dma source(%dma_start3A_236 : memref<48x128xf32, #tpu.memory_space<vmem>>) target(%dma_start3A_233 : memref<48x128xf32, #tpu.memory_space<hbm>>) target_semaphore(%run_scoped3A : memref<!tpu.dma_semaphore, #tpu.memory_space<semaphore_mem>>)
        %dma_wait3A = arith.constant 0 : i32
        %dma_wait3A_237 = arith.constant 0 : i32
        %dma_wait3A_238 = tpu.memref_slice %arg14[%dma_wait3A, %dma_wait3A_237] : memref<112x128xf32, #tpu.memory_space<vmem>> -> memref<48x128xf32, #tpu.memory_space<vmem>>
        %dma_wait3A_239 = arith.constant 0 : i32
        %dma_wait3A_240 = tpu.memref_slice %arg7[%add3A_227, %dma_wait3A_239] : memref<80000x128xf32, #tpu.memory_space<hbm>> -> memref<48x128xf32, #tpu.memory_space<hbm>>
        %dma_wait3A_241 = arith.constant 0 : i32
        %dma_wait3A_242 = tpu.memref_slice %arg7[%add3A_227, %dma_wait3A_241] : memref<80000x128xf32, #tpu.memory_space<hbm>> -> memref<48x128xf32, #tpu.memory_space<hbm>>
        %dma_wait3A_243 = arith.constant 0 : i32
        %dma_wait3A_244 = arith.constant 0 : i32
        %dma_wait3A_245 = tpu.memref_slice %arg14[%dma_wait3A_243, %dma_wait3A_244] : memref<112x128xf32, #tpu.memory_space<vmem>> -> memref<48x128xf32, #tpu.memory_space<vmem>>
        tpu.wait_dma2 semaphore(%run_scoped3A : memref<!tpu.dma_semaphore, #tpu.memory_space<semaphore_mem>>) src(%dma_wait3A_245 : memref<48x128xf32, #tpu.memory_space<vmem>>) dst(%dma_wait3A_242 : memref<48x128xf32, #tpu.memory_space<hbm>>)
        tpu.yield
      }) : () -> ()
    }
    %scan3A_150 = arith.constant 13 : i32
    %eq3A_151 = arith.constant 15 : i32
    %eq3A_152 = arith.cmpi eq, %arg1, %eq3A_151 : i32
    %convert_element_type3A_153 = arith.extui %eq3A_152 : i1 to i32
    %cond3A_154 = arith.constant 0 : i32
    %cond3A_155 = arith.cmpi ne, %convert_element_type3A_153, %cond3A_154 : i32
    scf.if %cond3A_155 {
      "tpu.region"() ({
        %run_scoped3A = tpu.sem_alloc : memref<!tpu.dma_semaphore, #tpu.memory_space<semaphore_mem>>
        %dma_start3A = arith.constant 0 : i32
        %dma_start3A_221 = arith.constant 0 : i32
        %dma_start3A_222 = tpu.memref_slice %arg14[%dma_start3A, %dma_start3A_221] : memref<112x128xf32, #tpu.memory_space<vmem>> -> memref<16x128xf32, #tpu.memory_space<vmem>>
        %dma_start3A_223 = arith.constant 9984 : i32
        %dma_start3A_224 = arith.constant 0 : i32
        %dma_start3A_225 = tpu.memref_slice %arg18[%dma_start3A_223, %dma_start3A_224] : memref<10112x128xf32, #tpu.memory_space<vmem_shared>> -> memref<16x128xf32, #tpu.memory_space<vmem_shared>>
        %dma_start3A_226 = arith.constant 0 : i32
        %dma_start3A_227 = arith.constant 0 : i32
        %dma_start3A_228 = tpu.memref_slice %arg14[%dma_start3A_226, %dma_start3A_227] : memref<112x128xf32, #tpu.memory_space<vmem>> -> memref<16x128xf32, #tpu.memory_space<vmem>>
        %dma_start3A_229 = arith.constant 9984 : i32
        %dma_start3A_230 = arith.constant 0 : i32
        %dma_start3A_231 = tpu.memref_slice %arg18[%dma_start3A_229, %dma_start3A_230] : memref<10112x128xf32, #tpu.memory_space<vmem_shared>> -> memref<16x128xf32, #tpu.memory_space<vmem_shared>>
        tpu.enqueue_dma source(%dma_start3A_231 : memref<16x128xf32, #tpu.memory_space<vmem_shared>>) target(%dma_start3A_228 : memref<16x128xf32, #tpu.memory_space<vmem>>) target_semaphore(%run_scoped3A : memref<!tpu.dma_semaphore, #tpu.memory_space<semaphore_mem>>)
        %dma_wait3A = arith.constant 0 : i32
        %dma_wait3A_232 = arith.constant 0 : i32
        %dma_wait3A_233 = tpu.memref_slice %arg14[%dma_wait3A, %dma_wait3A_232] : memref<112x128xf32, #tpu.memory_space<vmem>> -> memref<16x128xf32, #tpu.memory_space<vmem>>
        %dma_wait3A_234 = arith.constant 9984 : i32
        %dma_wait3A_235 = arith.constant 0 : i32
        %dma_wait3A_236 = tpu.memref_slice %arg18[%dma_wait3A_234, %dma_wait3A_235] : memref<10112x128xf32, #tpu.memory_space<vmem_shared>> -> memref<16x128xf32, #tpu.memory_space<vmem_shared>>
        %dma_wait3A_237 = arith.constant 0 : i32
        %dma_wait3A_238 = arith.constant 0 : i32
        %dma_wait3A_239 = tpu.memref_slice %arg14[%dma_wait3A_237, %dma_wait3A_238] : memref<112x128xf32, #tpu.memory_space<vmem>> -> memref<16x128xf32, #tpu.memory_space<vmem>>
        %dma_wait3A_240 = arith.constant 9984 : i32
        %dma_wait3A_241 = arith.constant 0 : i32
        %dma_wait3A_242 = tpu.memref_slice %arg18[%dma_wait3A_240, %dma_wait3A_241] : memref<10112x128xf32, #tpu.memory_space<vmem_shared>> -> memref<16x128xf32, #tpu.memory_space<vmem_shared>>
        tpu.wait_dma2 semaphore(%run_scoped3A : memref<!tpu.dma_semaphore, #tpu.memory_space<semaphore_mem>>) src(%dma_wait3A_242 : memref<16x128xf32, #tpu.memory_space<vmem_shared>>) dst(%dma_wait3A_239 : memref<16x128xf32, #tpu.memory_space<vmem>>)
        tpu.yield
      }) : () -> ()
      %add3A_219 = arith.constant 9984 : i32
      %add3A_220 = arith.addi %mul3A_141, %add3A_219 : i32
      "tpu.region"() ({
        %run_scoped3A = tpu.sem_alloc : memref<!tpu.dma_semaphore, #tpu.memory_space<semaphore_mem>>
        %dma_start3A = arith.constant 0 : i32
        %dma_start3A_221 = arith.constant 0 : i32
        %dma_start3A_222 = tpu.memref_slice %arg14[%dma_start3A, %dma_start3A_221] : memref<112x128xf32, #tpu.memory_space<vmem>> -> memref<16x128xf32, #tpu.memory_space<vmem>>
        %dma_start3A_223 = arith.constant 0 : i32
        %dma_start3A_224 = tpu.memref_slice %arg7[%add3A_220, %dma_start3A_223] : memref<80000x128xf32, #tpu.memory_space<hbm>> -> memref<16x128xf32, #tpu.memory_space<hbm>>
        %dma_start3A_225 = arith.constant 0 : i32
        %dma_start3A_226 = tpu.memref_slice %arg7[%add3A_220, %dma_start3A_225] : memref<80000x128xf32, #tpu.memory_space<hbm>> -> memref<16x128xf32, #tpu.memory_space<hbm>>
        %dma_start3A_227 = arith.constant 0 : i32
        %dma_start3A_228 = arith.constant 0 : i32
        %dma_start3A_229 = tpu.memref_slice %arg14[%dma_start3A_227, %dma_start3A_228] : memref<112x128xf32, #tpu.memory_space<vmem>> -> memref<16x128xf32, #tpu.memory_space<vmem>>
        tpu.enqueue_dma source(%dma_start3A_229 : memref<16x128xf32, #tpu.memory_space<vmem>>) target(%dma_start3A_226 : memref<16x128xf32, #tpu.memory_space<hbm>>) target_semaphore(%run_scoped3A : memref<!tpu.dma_semaphore, #tpu.memory_space<semaphore_mem>>)
        %dma_wait3A = arith.constant 0 : i32
        %dma_wait3A_230 = arith.constant 0 : i32
        %dma_wait3A_231 = tpu.memref_slice %arg14[%dma_wait3A, %dma_wait3A_230] : memref<112x128xf32, #tpu.memory_space<vmem>> -> memref<16x128xf32, #tpu.memory_space<vmem>>
        %dma_wait3A_232 = arith.constant 0 : i32
        %dma_wait3A_233 = tpu.memref_slice %arg7[%add3A_220, %dma_wait3A_232] : memref<80000x128xf32, #tpu.memory_space<hbm>> -> memref<16x128xf32, #tpu.memory_space<hbm>>
        %dma_wait3A_234 = arith.constant 0 : i32
        %dma_wait3A_235 = tpu.memref_slice %arg7[%add3A_220, %dma_wait3A_234] : memref<80000x128xf32, #tpu.memory_space<hbm>> -> memref<16x128xf32, #tpu.memory_space<hbm>>
        %dma_wait3A_236 = arith.constant 0 : i32
        %dma_wait3A_237 = arith.constant 0 : i32
        %dma_wait3A_238 = tpu.memref_slice %arg14[%dma_wait3A_236, %dma_wait3A_237] : memref<112x128xf32, #tpu.memory_space<vmem>> -> memref<16x128xf32, #tpu.memory_space<vmem>>
        tpu.wait_dma2 semaphore(%run_scoped3A : memref<!tpu.dma_semaphore, #tpu.memory_space<semaphore_mem>>) src(%dma_wait3A_238 : memref<16x128xf32, #tpu.memory_space<vmem>>) dst(%dma_wait3A_235 : memref<16x128xf32, #tpu.memory_space<hbm>>)
        tpu.yield
      }) : () -> ()
    } else {
    }
    %mul3A_156 = arith.constant 4 : i32
    %mul3A_157 = arith.muli %arg0, %mul3A_156 : i32
    %add3A_158 = arith.constant 2 : i32
    %add3A_159 = arith.addi %mul3A_157, %add3A_158 : i32
    %mul3A_160 = arith.constant 16 : i32
    %mul3A_161 = arith.muli %add3A_159, %mul3A_160 : i32
    %add3A_162 = arith.addi %mul3A_161, %arg1 : i32
    %mul3A_163 = arith.constant 10112 : i32
    %mul3A_164 = arith.muli %add3A_162, %mul3A_163 : i32
    "tpu.region"() ({
      %run_scoped3A = tpu.sem_alloc : memref<!tpu.dma_semaphore, #tpu.memory_space<semaphore_mem>>
      %dma_start3A = tpu.memref_slice %arg8[%mul3A_164] : memref<1294336xf32, #tpu.memory_space<hbm>> -> memref<10112xf32, #tpu.memory_space<hbm>>
      %dma_start3A_219 = tpu.memref_slice %arg8[%mul3A_164] : memref<1294336xf32, #tpu.memory_space<hbm>> -> memref<10112xf32, #tpu.memory_space<hbm>>
      tpu.enqueue_dma source(%arg16 : memref<10112xf32, #tpu.memory_space<vmem>>) target(%dma_start3A_219 : memref<10112xf32, #tpu.memory_space<hbm>>) target_semaphore(%run_scoped3A : memref<!tpu.dma_semaphore, #tpu.memory_space<semaphore_mem>>)
      %dma_wait3A = tpu.memref_slice %arg8[%mul3A_164] : memref<1294336xf32, #tpu.memory_space<hbm>> -> memref<10112xf32, #tpu.memory_space<hbm>>
      %dma_wait3A_220 = tpu.memref_slice %arg8[%mul3A_164] : memref<1294336xf32, #tpu.memory_space<hbm>> -> memref<10112xf32, #tpu.memory_space<hbm>>
      tpu.wait_dma2 semaphore(%run_scoped3A : memref<!tpu.dma_semaphore, #tpu.memory_space<semaphore_mem>>) src(%arg16 : memref<10112xf32, #tpu.memory_space<vmem>>) dst(%dma_wait3A_220 : memref<10112xf32, #tpu.memory_space<hbm>>)
      tpu.yield
    }) : () -> ()
    %barrier3A_165 = arith.constant 0 : index
    tpu.barrier barrier_id(%barrier3A_165)
    %broadcast_in_dim3A_166 = arith.constant 30000 : i32
    %broadcast_in_dim3A_167 = vector.broadcast %broadcast_in_dim3A_166 : i32 to vector<16xi32>
    %mul3A_168 = arith.constant 632 : i32
    %mul3A_169 = arith.muli %arg1, %mul3A_168 : i32
    %scan3A_170 = arith.constant 0 : i32
    %scan3A_171 = arith.constant 0 : i32
    %scan3A_172 = arith.constant 39 : i32
    %scan3A_173 = arith.addi %scan3A_171, %scan3A_172 : i32
    %scan3A_174 = arith.constant 1 : i32
    scf.for %scan3A_219 = %scan3A_171 to %scan3A_173 step %scan3A_174  : i32 {
      %mul3A_220 = arith.constant 16 : i32
      %mul3A_221 = arith.muli %scan3A_219, %mul3A_220 : i32
      %add3A_222 = arith.addi %mul3A_169, %mul3A_221 : i32
      "tpu.region"() ({
        %run_scoped3A = tpu.sem_alloc : memref<!tpu.dma_semaphore, #tpu.memory_space<semaphore_mem>>
        %dma_start3A = arith.constant 0 : i32
        %dma_start3A_223 = tpu.memref_slice %arg18[%add3A_222, %dma_start3A] : memref<10112x128xf32, #tpu.memory_space<vmem_shared>> -> memref<16x128xf32, #tpu.memory_space<vmem_shared>>
        %dma_start3A_224 = arith.constant 0 : i32
        %dma_start3A_225 = tpu.memref_slice %arg18[%add3A_222, %dma_start3A_224] : memref<10112x128xf32, #tpu.memory_space<vmem_shared>> -> memref<16x128xf32, #tpu.memory_space<vmem_shared>>
        tpu.enqueue_dma source(%arg17 : memref<16x128xf32, #tpu.memory_space<vmem>>) target(%dma_start3A_225 : memref<16x128xf32, #tpu.memory_space<vmem_shared>>) target_semaphore(%run_scoped3A : memref<!tpu.dma_semaphore, #tpu.memory_space<semaphore_mem>>)
        %dma_wait3A = arith.constant 0 : i32
        %dma_wait3A_226 = tpu.memref_slice %arg18[%add3A_222, %dma_wait3A] : memref<10112x128xf32, #tpu.memory_space<vmem_shared>> -> memref<16x128xf32, #tpu.memory_space<vmem_shared>>
        %dma_wait3A_227 = arith.constant 0 : i32
        %dma_wait3A_228 = tpu.memref_slice %arg18[%add3A_222, %dma_wait3A_227] : memref<10112x128xf32, #tpu.memory_space<vmem_shared>> -> memref<16x128xf32, #tpu.memory_space<vmem_shared>>
        tpu.wait_dma2 semaphore(%run_scoped3A : memref<!tpu.dma_semaphore, #tpu.memory_space<semaphore_mem>>) src(%arg17 : memref<16x128xf32, #tpu.memory_space<vmem>>) dst(%dma_wait3A_228 : memref<16x128xf32, #tpu.memory_space<vmem_shared>>)
        tpu.yield
      }) : () -> ()
    }
    %scan3A_175 = arith.constant 39 : i32
    %add3A_176 = arith.constant 624 : i32
    %add3A_177 = arith.addi %mul3A_169, %add3A_176 : i32
    "tpu.region"() ({
      %run_scoped3A = tpu.sem_alloc : memref<!tpu.dma_semaphore, #tpu.memory_space<semaphore_mem>>
      %dma_start3A = arith.constant 0 : i32
      %dma_start3A_219 = arith.constant 0 : i32
      %dma_start3A_220 = tpu.memref_slice %arg17[%dma_start3A, %dma_start3A_219] : memref<16x128xf32, #tpu.memory_space<vmem>> -> memref<8x128xf32, #tpu.memory_space<vmem>>
      %dma_start3A_221 = arith.constant 0 : i32
      %dma_start3A_222 = tpu.memref_slice %arg18[%add3A_177, %dma_start3A_221] : memref<10112x128xf32, #tpu.memory_space<vmem_shared>> -> memref<8x128xf32, #tpu.memory_space<vmem_shared>>
      %dma_start3A_223 = arith.constant 0 : i32
      %dma_start3A_224 = tpu.memref_slice %arg18[%add3A_177, %dma_start3A_223] : memref<10112x128xf32, #tpu.memory_space<vmem_shared>> -> memref<8x128xf32, #tpu.memory_space<vmem_shared>>
      %dma_start3A_225 = arith.constant 0 : i32
      %dma_start3A_226 = arith.constant 0 : i32
      %dma_start3A_227 = tpu.memref_slice %arg17[%dma_start3A_225, %dma_start3A_226] : memref<16x128xf32, #tpu.memory_space<vmem>> -> memref<8x128xf32, #tpu.memory_space<vmem>>
      tpu.enqueue_dma source(%dma_start3A_227 : memref<8x128xf32, #tpu.memory_space<vmem>>) target(%dma_start3A_224 : memref<8x128xf32, #tpu.memory_space<vmem_shared>>) target_semaphore(%run_scoped3A : memref<!tpu.dma_semaphore, #tpu.memory_space<semaphore_mem>>)
      %dma_wait3A = arith.constant 0 : i32
      %dma_wait3A_228 = arith.constant 0 : i32
      %dma_wait3A_229 = tpu.memref_slice %arg17[%dma_wait3A, %dma_wait3A_228] : memref<16x128xf32, #tpu.memory_space<vmem>> -> memref<8x128xf32, #tpu.memory_space<vmem>>
      %dma_wait3A_230 = arith.constant 0 : i32
      %dma_wait3A_231 = tpu.memref_slice %arg18[%add3A_177, %dma_wait3A_230] : memref<10112x128xf32, #tpu.memory_space<vmem_shared>> -> memref<8x128xf32, #tpu.memory_space<vmem_shared>>
      %dma_wait3A_232 = arith.constant 0 : i32
      %dma_wait3A_233 = tpu.memref_slice %arg18[%add3A_177, %dma_wait3A_232] : memref<10112x128xf32, #tpu.memory_space<vmem_shared>> -> memref<8x128xf32, #tpu.memory_space<vmem_shared>>
      %dma_wait3A_234 = arith.constant 0 : i32
      %dma_wait3A_235 = arith.constant 0 : i32
      %dma_wait3A_236 = tpu.memref_slice %arg17[%dma_wait3A_234, %dma_wait3A_235] : memref<16x128xf32, #tpu.memory_space<vmem>> -> memref<8x128xf32, #tpu.memory_space<vmem>>
      tpu.wait_dma2 semaphore(%run_scoped3A : memref<!tpu.dma_semaphore, #tpu.memory_space<semaphore_mem>>) src(%dma_wait3A_236 : memref<8x128xf32, #tpu.memory_space<vmem>>) dst(%dma_wait3A_233 : memref<8x128xf32, #tpu.memory_space<vmem_shared>>)
      tpu.yield
    }) : () -> ()
    %parallel_loop3A_178 = arith.constant 0 : i32
    %parallel_loop3A_179 = arith.constant 632 : i32
    %parallel_loop3A_180 = arith.constant 1 : i32
    scf.for %parallel_loop3A_219 = %parallel_loop3A_178 to %parallel_loop3A_179 step %parallel_loop3A_180  : i32 {
      %parallel_loop3A_220 = arith.constant 16 : i32
      %parallel_loop3A_221 = arith.muli %parallel_loop3A_219, %parallel_loop3A_220 : i32
      %parallel_loop3A_222 = arith.index_cast %parallel_loop3A_221 : i32 to index
      %parallel_loop3A_223 = tpu.vector_load %arg16[%parallel_loop3A_222] {strides = array<i32>} : memref<10112xf32, #tpu.memory_space<vmem>>, vector<16xf32>,
      tpu.vector_store %arg16[%parallel_loop3A_222], %broadcast_in_dim3A_3 {strides = array<i32>} : memref<10112xf32, #tpu.memory_space<vmem>>, vector<16xf32>,
    } {sc.loop_unroll_factor = 4 : i64, sc.parallel_access}
    %barrier3A_181 = arith.constant 0 : index
    tpu.barrier barrier_id(%barrier3A_181)
    %scan3A_182 = arith.constant 0 : i32
    %scan3A_183 = arith.constant 0 : i32
    %scan3A_184 = arith.constant 93 : i32
    %scan3A_185 = arith.addi %scan3A_183, %scan3A_184 : i32
    %scan3A_186 = arith.constant 1 : i32
    scf.for %scan3A_219 = %scan3A_183 to %scan3A_185 step %scan3A_186  : i32 {
      %mul3A_220 = arith.constant 112 : i32
      %mul3A_221 = arith.muli %scan3A_219, %mul3A_220 : i32
      %add3A_222 = arith.addi %mul3A_2, %mul3A_221 : i32
      "tpu.region"() ({
        %run_scoped3A = tpu.sem_alloc : memref<!tpu.dma_semaphore, #tpu.memory_space<semaphore_mem>>
        %dma_start3A_239 = tpu.memref_slice %arg4[%add3A_222] : memref<333312xi32, #tpu.memory_space<hbm>> -> memref<112xi32, #tpu.memory_space<hbm>>
        %dma_start3A_240 = tpu.memref_slice %arg4[%add3A_222] : memref<333312xi32, #tpu.memory_space<hbm>> -> memref<112xi32, #tpu.memory_space<hbm>>
        tpu.enqueue_dma source(%dma_start3A_240 : memref<112xi32, #tpu.memory_space<hbm>>) target(%arg10 : memref<112xi32, #tpu.memory_space<vmem>>) target_semaphore(%run_scoped3A : memref<!tpu.dma_semaphore, #tpu.memory_space<semaphore_mem>>)
        %dma_wait3A_241 = tpu.memref_slice %arg4[%add3A_222] : memref<333312xi32, #tpu.memory_space<hbm>> -> memref<112xi32, #tpu.memory_space<hbm>>
        %dma_wait3A_242 = tpu.memref_slice %arg4[%add3A_222] : memref<333312xi32, #tpu.memory_space<hbm>> -> memref<112xi32, #tpu.memory_space<hbm>>
        tpu.wait_dma2 semaphore(%run_scoped3A : memref<!tpu.dma_semaphore, #tpu.memory_space<semaphore_mem>>) src(%dma_wait3A_242 : memref<112xi32, #tpu.memory_space<hbm>>) dst(%arg10 : memref<112xi32, #tpu.memory_space<vmem>>)
        tpu.yield
      }) : () -> ()
      "tpu.region"() ({
        %run_scoped3A = tpu.sem_alloc : memref<!tpu.dma_semaphore, #tpu.memory_space<semaphore_mem>>
        %dma_start3A_239 = tpu.memref_slice %arg5[%add3A_222] : memref<333312xi32, #tpu.memory_space<hbm>> -> memref<112xi32, #tpu.memory_space<hbm>>
        %dma_start3A_240 = tpu.memref_slice %arg5[%add3A_222] : memref<333312xi32, #tpu.memory_space<hbm>> -> memref<112xi32, #tpu.memory_space<hbm>>
        tpu.enqueue_dma source(%dma_start3A_240 : memref<112xi32, #tpu.memory_space<hbm>>) target(%arg11 : memref<112xi32, #tpu.memory_space<vmem>>) target_semaphore(%run_scoped3A : memref<!tpu.dma_semaphore, #tpu.memory_space<semaphore_mem>>)
        %dma_wait3A_241 = tpu.memref_slice %arg5[%add3A_222] : memref<333312xi32, #tpu.memory_space<hbm>> -> memref<112xi32, #tpu.memory_space<hbm>>
        %dma_wait3A_242 = tpu.memref_slice %arg5[%add3A_222] : memref<333312xi32, #tpu.memory_space<hbm>> -> memref<112xi32, #tpu.memory_space<hbm>>
        tpu.wait_dma2 semaphore(%run_scoped3A : memref<!tpu.dma_semaphore, #tpu.memory_space<semaphore_mem>>) src(%dma_wait3A_242 : memref<112xi32, #tpu.memory_space<hbm>>) dst(%arg11 : memref<112xi32, #tpu.memory_space<vmem>>)
        tpu.yield
      }) : () -> ()
      "tpu.region"() ({
        %run_scoped3A = tpu.sem_alloc : memref<!tpu.dma_semaphore, #tpu.memory_space<semaphore_mem>>
        %dma_start3A_239 = arith.constant 0 : i32
        %dma_start3A_240 = tpu.memref_slice %arg12[%dma_start3A_239] : memref<128xi32, #tpu.memory_space<vmem>> -> memref<112xi32, #tpu.memory_space<vmem>>
        %dma_start3A_241 = tpu.memref_slice %arg5[%add3A_222] : memref<333312xi32, #tpu.memory_space<hbm>> -> memref<112xi32, #tpu.memory_space<hbm>>
        %dma_start3A_242 = arith.constant 0 : i32
        %dma_start3A_243 = tpu.memref_slice %arg12[%dma_start3A_242] : memref<128xi32, #tpu.memory_space<vmem>> -> memref<112xi32, #tpu.memory_space<vmem>>
        %dma_start3A_244 = tpu.memref_slice %arg5[%add3A_222] : memref<333312xi32, #tpu.memory_space<hbm>> -> memref<112xi32, #tpu.memory_space<hbm>>
        tpu.enqueue_dma source(%dma_start3A_244 : memref<112xi32, #tpu.memory_space<hbm>>) target(%dma_start3A_243 : memref<112xi32, #tpu.memory_space<vmem>>) target_semaphore(%run_scoped3A : memref<!tpu.dma_semaphore, #tpu.memory_space<semaphore_mem>>)
        %dma_wait3A_245 = arith.constant 0 : i32
        %dma_wait3A_246 = tpu.memref_slice %arg12[%dma_wait3A_245] : memref<128xi32, #tpu.memory_space<vmem>> -> memref<112xi32, #tpu.memory_space<vmem>>
        %dma_wait3A_247 = tpu.memref_slice %arg5[%add3A_222] : memref<333312xi32, #tpu.memory_space<hbm>> -> memref<112xi32, #tpu.memory_space<hbm>>
        %dma_wait3A_248 = arith.constant 0 : i32
        %dma_wait3A_249 = tpu.memref_slice %arg12[%dma_wait3A_248] : memref<128xi32, #tpu.memory_space<vmem>> -> memref<112xi32, #tpu.memory_space<vmem>>
        %dma_wait3A_250 = tpu.memref_slice %arg5[%add3A_222] : memref<333312xi32, #tpu.memory_space<hbm>> -> memref<112xi32, #tpu.memory_space<hbm>>
        tpu.wait_dma2 semaphore(%run_scoped3A : memref<!tpu.dma_semaphore, #tpu.memory_space<semaphore_mem>>) src(%dma_wait3A_250 : memref<112xi32, #tpu.memory_space<hbm>>) dst(%dma_wait3A_249 : memref<112xi32, #tpu.memory_space<vmem>>)
        tpu.yield
      }) : () -> ()
      %parallel_loop3A_223 = arith.constant 0 : i32
      %parallel_loop3A_224 = arith.constant 7 : i32
      %parallel_loop3A_225 = arith.constant 1 : i32
      scf.for %parallel_loop3A_239 = %parallel_loop3A_223 to %parallel_loop3A_224 step %parallel_loop3A_225  : i32 {
        %parallel_loop3A_240 = arith.constant 16 : i32
        %parallel_loop3A_241 = arith.muli %parallel_loop3A_239, %parallel_loop3A_240 : i32
        %parallel_loop3A_242 = arith.index_cast %parallel_loop3A_241 : i32 to index
        %parallel_loop3A_243 = tpu.vector_load %arg11[%parallel_loop3A_242] {strides = array<i32>} : memref<112xi32, #tpu.memory_space<vmem>>, vector<16xi32>,
        %parallel_loop3A_244 = arith.constant 9999 : i32
        %parallel_loop3A_245 = vector.broadcast %parallel_loop3A_244 : i32 to vector<16xi32>
        %parallel_loop3A_246 = arith.minsi %parallel_loop3A_243, %parallel_loop3A_245 : vector<16xi32>
        %parallel_loop3A_247 = arith.addi %parallel_loop3A_246, %broadcast_in_dim3A_167 : vector<16xi32>
        %parallel_loop3A_248 = arith.constant 16 : i32
        %parallel_loop3A_249 = arith.muli %parallel_loop3A_239, %parallel_loop3A_248 : i32
        %parallel_loop3A_250 = arith.index_cast %parallel_loop3A_249 : i32 to index
        %parallel_loop3A_251 = tpu.vector_load %arg13[%parallel_loop3A_250] {strides = array<i32>} : memref<112xi32, #tpu.memory_space<vmem>>, vector<16xi32>,
        tpu.vector_store %arg13[%parallel_loop3A_250], %parallel_loop3A_247 {strides = array<i32>} : memref<112xi32, #tpu.memory_space<vmem>>, vector<16xi32>,
        %parallel_loop3A_252 = arith.constant 16 : i32
        %parallel_loop3A_253 = arith.muli %parallel_loop3A_239, %parallel_loop3A_252 : i32
        %parallel_loop3A_254 = arith.index_cast %parallel_loop3A_253 : i32 to index
        %parallel_loop3A_255 = tpu.vector_load %arg10[%parallel_loop3A_254] {strides = array<i32>} : memref<112xi32, #tpu.memory_space<vmem>>, vector<16xi32>,
        %parallel_loop3A_256 = arith.addi %parallel_loop3A_255, %broadcast_in_dim3A_167 : vector<16xi32>
        %parallel_loop3A_257 = arith.constant 16 : i32
        %parallel_loop3A_258 = arith.muli %parallel_loop3A_239, %parallel_loop3A_257 : i32
        %parallel_loop3A_259 = arith.index_cast %parallel_loop3A_258 : i32 to index
        %parallel_loop3A_260 = tpu.vector_load %arg10[%parallel_loop3A_259] {strides = array<i32>} : memref<112xi32, #tpu.memory_space<vmem>>, vector<16xi32>,
        tpu.vector_store %arg10[%parallel_loop3A_259], %parallel_loop3A_256 {strides = array<i32>} : memref<112xi32, #tpu.memory_space<vmem>>, vector<16xi32>,
      } {sc.loop_unroll_factor = 1 : i64, sc.parallel_access}
      %dma_start3A = arith.constant 0 : i32
      %dma_start3A_226 = arith.constant 0 : i32
      %dma_start3A_227 = tpu.memref_slice %arg2[%dma_start3A, %dma_start3A_226] : memref<40000x128xf32, #tpu.memory_space<hbm>> -> memref<40000x128xf32, #tpu.memory_space<hbm>>
      tpu.enqueue_indirect_dma source(%dma_start3A_227 : memref<40000x128xf32, #tpu.memory_space<hbm>>) target(%arg15 : memref<112x128xf32, #tpu.memory_space<vmem>>) offsets(%arg10 : memref<112xi32, #tpu.memory_space<vmem>>) semaphore(%arg19 : memref<!tpu.dma_semaphore, #tpu.memory_space<semaphore_mem>>)
      %dma_start3A_228 = arith.constant 0 : i32
      %dma_start3A_229 = arith.constant 0 : i32
      %dma_start3A_230 = tpu.memref_slice %arg3[%dma_start3A_228, %dma_start3A_229] : memref<40000x128xf32, #tpu.memory_space<hbm>> -> memref<40000x128xf32, #tpu.memory_space<hbm>>
      tpu.enqueue_indirect_dma source(%dma_start3A_230 : memref<40000x128xf32, #tpu.memory_space<hbm>>) target(%arg14 : memref<112x128xf32, #tpu.memory_space<vmem>>) offsets(%arg13 : memref<112xi32, #tpu.memory_space<vmem>>) semaphore(%arg20 : memref<!tpu.dma_semaphore, #tpu.memory_space<semaphore_mem>>)
      %dma_wait3A = arith.constant 0 : i32
      %dma_wait3A_231 = arith.constant 0 : i32
      %dma_wait3A_232 = tpu.memref_slice %arg2[%dma_wait3A, %dma_wait3A_231] : memref<40000x128xf32, #tpu.memory_space<hbm>> -> memref<40000x128xf32, #tpu.memory_space<hbm>>
      tpu.wait_indirect_dma semaphore(%arg19 : memref<!tpu.dma_semaphore, #tpu.memory_space<semaphore_mem>>) src(%dma_wait3A_232 : memref<40000x128xf32, #tpu.memory_space<hbm>>) dst(%arg15 : memref<112x128xf32, #tpu.memory_space<vmem>>)
      %dma_wait3A_233 = arith.constant 0 : i32
      %dma_wait3A_234 = arith.constant 0 : i32
      %dma_wait3A_235 = tpu.memref_slice %arg3[%dma_wait3A_233, %dma_wait3A_234] : memref<40000x128xf32, #tpu.memory_space<hbm>> -> memref<40000x128xf32, #tpu.memory_space<hbm>>
      tpu.wait_indirect_dma semaphore(%arg20 : memref<!tpu.dma_semaphore, #tpu.memory_space<semaphore_mem>>) src(%dma_wait3A_235 : memref<40000x128xf32, #tpu.memory_space<hbm>>) dst(%arg14 : memref<112x128xf32, #tpu.memory_space<vmem>>)
      %parallel_loop3A_236 = arith.constant 0 : i32
      %parallel_loop3A_237 = arith.constant 112 : i32
      %parallel_loop3A_238 = arith.constant 1 : i32
      scf.for %parallel_loop3A_239 = %parallel_loop3A_236 to %parallel_loop3A_237 step %parallel_loop3A_238  : i32 {
        %parallel_loop3A_240 = arith.index_cast %parallel_loop3A_239 : i32 to index
        %parallel_loop3A_241 = arith.constant 0 : index
        %parallel_loop3A_242 = tpu.vector_load %arg15[%parallel_loop3A_240, %parallel_loop3A_241] {strides = array<i32>} : memref<112x128xf32, #tpu.memory_space<vmem>>, vector<16xf32>,
        %parallel_loop3A_243 = arith.index_cast %parallel_loop3A_239 : i32 to index
        %parallel_loop3A_244 = arith.constant 0 : index
        %parallel_loop3A_245 = tpu.vector_load %arg14[%parallel_loop3A_243, %parallel_loop3A_244] {strides = array<i32>} : memref<112x128xf32, #tpu.memory_space<vmem>>, vector<16xf32>,
        %parallel_loop3A_246 = arith.addf %parallel_loop3A_245, %parallel_loop3A_242 : vector<16xf32>
        %parallel_loop3A_247 = arith.constant 2.000000e-01 : f32
        %parallel_loop3A_248 = vector.broadcast %parallel_loop3A_247 : f32 to vector<16xf32>
        %parallel_loop3A_249 = arith.mulf %parallel_loop3A_246, %parallel_loop3A_248 : vector<16xf32>
        %parallel_loop3A_250 = arith.maximumf %parallel_loop3A_246, %parallel_loop3A_249 : vector<16xf32>
        %parallel_loop3A_251 = arith.constant 3 : i32
        %parallel_loop3A_252 = arith.index_cast %parallel_loop3A_251 : i32 to index
        %parallel_loop3A_253 = arith.constant 0 : index
        %parallel_loop3A_254 = tpu.vector_load %arg9[%parallel_loop3A_252, %parallel_loop3A_253] {strides = array<i32>} : memref<4x128xf32, #tpu.memory_space<vmem>>, vector<16xf32>,
        %parallel_loop3A_255 = arith.mulf %parallel_loop3A_250, %parallel_loop3A_254 : vector<16xf32>
        %parallel_loop3A_256 = arith.addf %broadcast_in_dim3A_3, %parallel_loop3A_255 : vector<16xf32>
        %parallel_loop3A_257 = arith.index_cast %parallel_loop3A_239 : i32 to index
        %parallel_loop3A_258 = arith.constant 16 : index
        %parallel_loop3A_259 = tpu.vector_load %arg15[%parallel_loop3A_257, %parallel_loop3A_258] {strides = array<i32>} : memref<112x128xf32, #tpu.memory_space<vmem>>, vector<16xf32>,
        %parallel_loop3A_260 = arith.index_cast %parallel_loop3A_239 : i32 to index
        %parallel_loop3A_261 = arith.constant 16 : index
        %parallel_loop3A_262 = tpu.vector_load %arg14[%parallel_loop3A_260, %parallel_loop3A_261] {strides = array<i32>} : memref<112x128xf32, #tpu.memory_space<vmem>>, vector<16xf32>,
        %parallel_loop3A_263 = arith.addf %parallel_loop3A_262, %parallel_loop3A_259 : vector<16xf32>
        %parallel_loop3A_264 = arith.constant 2.000000e-01 : f32
        %parallel_loop3A_265 = vector.broadcast %parallel_loop3A_264 : f32 to vector<16xf32>
        %parallel_loop3A_266 = arith.mulf %parallel_loop3A_263, %parallel_loop3A_265 : vector<16xf32>
        %parallel_loop3A_267 = arith.maximumf %parallel_loop3A_263, %parallel_loop3A_266 : vector<16xf32>
        %parallel_loop3A_268 = arith.constant 3 : i32
        %parallel_loop3A_269 = arith.index_cast %parallel_loop3A_268 : i32 to index
        %parallel_loop3A_270 = arith.constant 16 : index
        %parallel_loop3A_271 = tpu.vector_load %arg9[%parallel_loop3A_269, %parallel_loop3A_270] {strides = array<i32>} : memref<4x128xf32, #tpu.memory_space<vmem>>, vector<16xf32>,
        %parallel_loop3A_272 = arith.mulf %parallel_loop3A_267, %parallel_loop3A_271 : vector<16xf32>
        %parallel_loop3A_273 = arith.addf %parallel_loop3A_256, %parallel_loop3A_272 : vector<16xf32>
        %parallel_loop3A_274 = arith.index_cast %parallel_loop3A_239 : i32 to index
        %parallel_loop3A_275 = arith.constant 32 : index
        %parallel_loop3A_276 = tpu.vector_load %arg15[%parallel_loop3A_274, %parallel_loop3A_275] {strides = array<i32>} : memref<112x128xf32, #tpu.memory_space<vmem>>, vector<16xf32>,
        %parallel_loop3A_277 = arith.index_cast %parallel_loop3A_239 : i32 to index
        %parallel_loop3A_278 = arith.constant 32 : index
        %parallel_loop3A_279 = tpu.vector_load %arg14[%parallel_loop3A_277, %parallel_loop3A_278] {strides = array<i32>} : memref<112x128xf32, #tpu.memory_space<vmem>>, vector<16xf32>,
        %parallel_loop3A_280 = arith.addf %parallel_loop3A_279, %parallel_loop3A_276 : vector<16xf32>
        %parallel_loop3A_281 = arith.constant 2.000000e-01 : f32
        %parallel_loop3A_282 = vector.broadcast %parallel_loop3A_281 : f32 to vector<16xf32>
        %parallel_loop3A_283 = arith.mulf %parallel_loop3A_280, %parallel_loop3A_282 : vector<16xf32>
        %parallel_loop3A_284 = arith.maximumf %parallel_loop3A_280, %parallel_loop3A_283 : vector<16xf32>
        %parallel_loop3A_285 = arith.constant 3 : i32
        %parallel_loop3A_286 = arith.index_cast %parallel_loop3A_285 : i32 to index
        %parallel_loop3A_287 = arith.constant 32 : index
        %parallel_loop3A_288 = tpu.vector_load %arg9[%parallel_loop3A_286, %parallel_loop3A_287] {strides = array<i32>} : memref<4x128xf32, #tpu.memory_space<vmem>>, vector<16xf32>,
        %parallel_loop3A_289 = arith.mulf %parallel_loop3A_284, %parallel_loop3A_288 : vector<16xf32>
        %parallel_loop3A_290 = arith.addf %parallel_loop3A_273, %parallel_loop3A_289 : vector<16xf32>
        %parallel_loop3A_291 = arith.index_cast %parallel_loop3A_239 : i32 to index
        %parallel_loop3A_292 = arith.constant 48 : index
        %parallel_loop3A_293 = tpu.vector_load %arg15[%parallel_loop3A_291, %parallel_loop3A_292] {strides = array<i32>} : memref<112x128xf32, #tpu.memory_space<vmem>>, vector<16xf32>,
        %parallel_loop3A_294 = arith.index_cast %parallel_loop3A_239 : i32 to index
        %parallel_loop3A_295 = arith.constant 48 : index
        %parallel_loop3A_296 = tpu.vector_load %arg14[%parallel_loop3A_294, %parallel_loop3A_295] {strides = array<i32>} : memref<112x128xf32, #tpu.memory_space<vmem>>, vector<16xf32>,
        %parallel_loop3A_297 = arith.addf %parallel_loop3A_296, %parallel_loop3A_293 : vector<16xf32>
        %parallel_loop3A_298 = arith.constant 2.000000e-01 : f32
        %parallel_loop3A_299 = vector.broadcast %parallel_loop3A_298 : f32 to vector<16xf32>
        %parallel_loop3A_300 = arith.mulf %parallel_loop3A_297, %parallel_loop3A_299 : vector<16xf32>
        %parallel_loop3A_301 = arith.maximumf %parallel_loop3A_297, %parallel_loop3A_300 : vector<16xf32>
        %parallel_loop3A_302 = arith.constant 3 : i32
        %parallel_loop3A_303 = arith.index_cast %parallel_loop3A_302 : i32 to index
        %parallel_loop3A_304 = arith.constant 48 : index
        %parallel_loop3A_305 = tpu.vector_load %arg9[%parallel_loop3A_303, %parallel_loop3A_304] {strides = array<i32>} : memref<4x128xf32, #tpu.memory_space<vmem>>, vector<16xf32>,
        %parallel_loop3A_306 = arith.mulf %parallel_loop3A_301, %parallel_loop3A_305 : vector<16xf32>
        %parallel_loop3A_307 = arith.addf %parallel_loop3A_290, %parallel_loop3A_306 : vector<16xf32>
        %parallel_loop3A_308 = arith.index_cast %parallel_loop3A_239 : i32 to index
        %parallel_loop3A_309 = arith.constant 64 : index
        %parallel_loop3A_310 = tpu.vector_load %arg15[%parallel_loop3A_308, %parallel_loop3A_309] {strides = array<i32>} : memref<112x128xf32, #tpu.memory_space<vmem>>, vector<16xf32>,
        %parallel_loop3A_311 = arith.index_cast %parallel_loop3A_239 : i32 to index
        %parallel_loop3A_312 = arith.constant 64 : index
        %parallel_loop3A_313 = tpu.vector_load %arg14[%parallel_loop3A_311, %parallel_loop3A_312] {strides = array<i32>} : memref<112x128xf32, #tpu.memory_space<vmem>>, vector<16xf32>,
        %parallel_loop3A_314 = arith.addf %parallel_loop3A_313, %parallel_loop3A_310 : vector<16xf32>
        %parallel_loop3A_315 = arith.constant 2.000000e-01 : f32
        %parallel_loop3A_316 = vector.broadcast %parallel_loop3A_315 : f32 to vector<16xf32>
        %parallel_loop3A_317 = arith.mulf %parallel_loop3A_314, %parallel_loop3A_316 : vector<16xf32>
        %parallel_loop3A_318 = arith.maximumf %parallel_loop3A_314, %parallel_loop3A_317 : vector<16xf32>
        %parallel_loop3A_319 = arith.constant 3 : i32
        %parallel_loop3A_320 = arith.index_cast %parallel_loop3A_319 : i32 to index
        %parallel_loop3A_321 = arith.constant 64 : index
        %parallel_loop3A_322 = tpu.vector_load %arg9[%parallel_loop3A_320, %parallel_loop3A_321] {strides = array<i32>} : memref<4x128xf32, #tpu.memory_space<vmem>>, vector<16xf32>,
        %parallel_loop3A_323 = arith.mulf %parallel_loop3A_318, %parallel_loop3A_322 : vector<16xf32>
        %parallel_loop3A_324 = arith.addf %parallel_loop3A_307, %parallel_loop3A_323 : vector<16xf32>
        %parallel_loop3A_325 = arith.index_cast %parallel_loop3A_239 : i32 to index
        %parallel_loop3A_326 = arith.constant 80 : index
        %parallel_loop3A_327 = tpu.vector_load %arg15[%parallel_loop3A_325, %parallel_loop3A_326] {strides = array<i32>} : memref<112x128xf32, #tpu.memory_space<vmem>>, vector<16xf32>,
        %parallel_loop3A_328 = arith.index_cast %parallel_loop3A_239 : i32 to index
        %parallel_loop3A_329 = arith.constant 80 : index
        %parallel_loop3A_330 = tpu.vector_load %arg14[%parallel_loop3A_328, %parallel_loop3A_329] {strides = array<i32>} : memref<112x128xf32, #tpu.memory_space<vmem>>, vector<16xf32>,
        %parallel_loop3A_331 = arith.addf %parallel_loop3A_330, %parallel_loop3A_327 : vector<16xf32>
        %parallel_loop3A_332 = arith.constant 2.000000e-01 : f32
        %parallel_loop3A_333 = vector.broadcast %parallel_loop3A_332 : f32 to vector<16xf32>
        %parallel_loop3A_334 = arith.mulf %parallel_loop3A_331, %parallel_loop3A_333 : vector<16xf32>
        %parallel_loop3A_335 = arith.maximumf %parallel_loop3A_331, %parallel_loop3A_334 : vector<16xf32>
        %parallel_loop3A_336 = arith.constant 3 : i32
        %parallel_loop3A_337 = arith.index_cast %parallel_loop3A_336 : i32 to index
        %parallel_loop3A_338 = arith.constant 80 : index
        %parallel_loop3A_339 = tpu.vector_load %arg9[%parallel_loop3A_337, %parallel_loop3A_338] {strides = array<i32>} : memref<4x128xf32, #tpu.memory_space<vmem>>, vector<16xf32>,
        %parallel_loop3A_340 = arith.mulf %parallel_loop3A_335, %parallel_loop3A_339 : vector<16xf32>
        %parallel_loop3A_341 = arith.addf %parallel_loop3A_324, %parallel_loop3A_340 : vector<16xf32>
        %parallel_loop3A_342 = arith.index_cast %parallel_loop3A_239 : i32 to index
        %parallel_loop3A_343 = arith.constant 96 : index
        %parallel_loop3A_344 = tpu.vector_load %arg15[%parallel_loop3A_342, %parallel_loop3A_343] {strides = array<i32>} : memref<112x128xf32, #tpu.memory_space<vmem>>, vector<16xf32>,
        %parallel_loop3A_345 = arith.index_cast %parallel_loop3A_239 : i32 to index
        %parallel_loop3A_346 = arith.constant 96 : index
        %parallel_loop3A_347 = tpu.vector_load %arg14[%parallel_loop3A_345, %parallel_loop3A_346] {strides = array<i32>} : memref<112x128xf32, #tpu.memory_space<vmem>>, vector<16xf32>,
        %parallel_loop3A_348 = arith.addf %parallel_loop3A_347, %parallel_loop3A_344 : vector<16xf32>
        %parallel_loop3A_349 = arith.constant 2.000000e-01 : f32
        %parallel_loop3A_350 = vector.broadcast %parallel_loop3A_349 : f32 to vector<16xf32>
        %parallel_loop3A_351 = arith.mulf %parallel_loop3A_348, %parallel_loop3A_350 : vector<16xf32>
        %parallel_loop3A_352 = arith.maximumf %parallel_loop3A_348, %parallel_loop3A_351 : vector<16xf32>
        %parallel_loop3A_353 = arith.constant 3 : i32
        %parallel_loop3A_354 = arith.index_cast %parallel_loop3A_353 : i32 to index
        %parallel_loop3A_355 = arith.constant 96 : index
        %parallel_loop3A_356 = tpu.vector_load %arg9[%parallel_loop3A_354, %parallel_loop3A_355] {strides = array<i32>} : memref<4x128xf32, #tpu.memory_space<vmem>>, vector<16xf32>,
        %parallel_loop3A_357 = arith.mulf %parallel_loop3A_352, %parallel_loop3A_356 : vector<16xf32>
        %parallel_loop3A_358 = arith.addf %parallel_loop3A_341, %parallel_loop3A_357 : vector<16xf32>
        %parallel_loop3A_359 = arith.index_cast %parallel_loop3A_239 : i32 to index
        %parallel_loop3A_360 = arith.constant 112 : index
        %parallel_loop3A_361 = tpu.vector_load %arg15[%parallel_loop3A_359, %parallel_loop3A_360] {strides = array<i32>} : memref<112x128xf32, #tpu.memory_space<vmem>>, vector<16xf32>,
        %parallel_loop3A_362 = arith.index_cast %parallel_loop3A_239 : i32 to index
        %parallel_loop3A_363 = arith.constant 112 : index
        %parallel_loop3A_364 = tpu.vector_load %arg14[%parallel_loop3A_362, %parallel_loop3A_363] {strides = array<i32>} : memref<112x128xf32, #tpu.memory_space<vmem>>, vector<16xf32>,
        %parallel_loop3A_365 = arith.addf %parallel_loop3A_364, %parallel_loop3A_361 : vector<16xf32>
        %parallel_loop3A_366 = arith.constant 2.000000e-01 : f32
        %parallel_loop3A_367 = vector.broadcast %parallel_loop3A_366 : f32 to vector<16xf32>
        %parallel_loop3A_368 = arith.mulf %parallel_loop3A_365, %parallel_loop3A_367 : vector<16xf32>
        %parallel_loop3A_369 = arith.maximumf %parallel_loop3A_365, %parallel_loop3A_368 : vector<16xf32>
        %parallel_loop3A_370 = arith.constant 3 : i32
        %parallel_loop3A_371 = arith.index_cast %parallel_loop3A_370 : i32 to index
        %parallel_loop3A_372 = arith.constant 112 : index
        %parallel_loop3A_373 = tpu.vector_load %arg9[%parallel_loop3A_371, %parallel_loop3A_372] {strides = array<i32>} : memref<4x128xf32, #tpu.memory_space<vmem>>, vector<16xf32>,
        %parallel_loop3A_374 = arith.mulf %parallel_loop3A_369, %parallel_loop3A_373 : vector<16xf32>
        %parallel_loop3A_375 = arith.addf %parallel_loop3A_358, %parallel_loop3A_374 : vector<16xf32>
        %parallel_loop3A_376 = arith.constant true
        %parallel_loop3A_377 = vector.broadcast %parallel_loop3A_376 : i1 to vector<16xi1>
        %parallel_loop3A_378 = tpu.scan <sum>, %parallel_loop3A_375 masked %parallel_loop3A_377 : vector<16xf32>, vector<16xi1> -> vector<16xf32>
        %parallel_loop3A_379 = vector.extract %parallel_loop3A_378[15] : f32 from vector<16xf32>
        %parallel_loop3A_380 = vector.broadcast %parallel_loop3A_379 : f32 to vector<16xf32>
        %parallel_loop3A_381 = math.exp %parallel_loop3A_380 : vector<16xf32>
        %parallel_loop3A_382 = arith.mulf %parallel_loop3A_242, %parallel_loop3A_381 : vector<16xf32>
        %parallel_loop3A_383 = arith.index_cast %parallel_loop3A_239 : i32 to index
        %parallel_loop3A_384 = arith.constant 0 : index
        %parallel_loop3A_385 = tpu.vector_load %arg15[%parallel_loop3A_383, %parallel_loop3A_384] {strides = array<i32>} : memref<112x128xf32, #tpu.memory_space<vmem>>, vector<16xf32>,
        tpu.vector_store %arg15[%parallel_loop3A_383, %parallel_loop3A_384], %parallel_loop3A_382 {strides = array<i32>} : memref<112x128xf32, #tpu.memory_space<vmem>>, vector<16xf32>,
        %parallel_loop3A_386 = arith.mulf %parallel_loop3A_259, %parallel_loop3A_381 : vector<16xf32>
        %parallel_loop3A_387 = arith.index_cast %parallel_loop3A_239 : i32 to index
        %parallel_loop3A_388 = arith.constant 16 : index
        %parallel_loop3A_389 = tpu.vector_load %arg15[%parallel_loop3A_387, %parallel_loop3A_388] {strides = array<i32>} : memref<112x128xf32, #tpu.memory_space<vmem>>, vector<16xf32>,
        tpu.vector_store %arg15[%parallel_loop3A_387, %parallel_loop3A_388], %parallel_loop3A_386 {strides = array<i32>} : memref<112x128xf32, #tpu.memory_space<vmem>>, vector<16xf32>,
        %parallel_loop3A_390 = arith.mulf %parallel_loop3A_276, %parallel_loop3A_381 : vector<16xf32>
        %parallel_loop3A_391 = arith.index_cast %parallel_loop3A_239 : i32 to index
        %parallel_loop3A_392 = arith.constant 32 : index
        %parallel_loop3A_393 = tpu.vector_load %arg15[%parallel_loop3A_391, %parallel_loop3A_392] {strides = array<i32>} : memref<112x128xf32, #tpu.memory_space<vmem>>, vector<16xf32>,
        tpu.vector_store %arg15[%parallel_loop3A_391, %parallel_loop3A_392], %parallel_loop3A_390 {strides = array<i32>} : memref<112x128xf32, #tpu.memory_space<vmem>>, vector<16xf32>,
        %parallel_loop3A_394 = arith.mulf %parallel_loop3A_293, %parallel_loop3A_381 : vector<16xf32>
        %parallel_loop3A_395 = arith.index_cast %parallel_loop3A_239 : i32 to index
        %parallel_loop3A_396 = arith.constant 48 : index
        %parallel_loop3A_397 = tpu.vector_load %arg15[%parallel_loop3A_395, %parallel_loop3A_396] {strides = array<i32>} : memref<112x128xf32, #tpu.memory_space<vmem>>, vector<16xf32>,
        tpu.vector_store %arg15[%parallel_loop3A_395, %parallel_loop3A_396], %parallel_loop3A_394 {strides = array<i32>} : memref<112x128xf32, #tpu.memory_space<vmem>>, vector<16xf32>,
        %parallel_loop3A_398 = arith.mulf %parallel_loop3A_310, %parallel_loop3A_381 : vector<16xf32>
        %parallel_loop3A_399 = arith.index_cast %parallel_loop3A_239 : i32 to index
        %parallel_loop3A_400 = arith.constant 64 : index
        %parallel_loop3A_401 = tpu.vector_load %arg15[%parallel_loop3A_399, %parallel_loop3A_400] {strides = array<i32>} : memref<112x128xf32, #tpu.memory_space<vmem>>, vector<16xf32>,
        tpu.vector_store %arg15[%parallel_loop3A_399, %parallel_loop3A_400], %parallel_loop3A_398 {strides = array<i32>} : memref<112x128xf32, #tpu.memory_space<vmem>>, vector<16xf32>,
        %parallel_loop3A_402 = arith.mulf %parallel_loop3A_327, %parallel_loop3A_381 : vector<16xf32>
        %parallel_loop3A_403 = arith.index_cast %parallel_loop3A_239 : i32 to index
        %parallel_loop3A_404 = arith.constant 80 : index
        %parallel_loop3A_405 = tpu.vector_load %arg15[%parallel_loop3A_403, %parallel_loop3A_404] {strides = array<i32>} : memref<112x128xf32, #tpu.memory_space<vmem>>, vector<16xf32>,
        tpu.vector_store %arg15[%parallel_loop3A_403, %parallel_loop3A_404], %parallel_loop3A_402 {strides = array<i32>} : memref<112x128xf32, #tpu.memory_space<vmem>>, vector<16xf32>,
        %parallel_loop3A_406 = arith.mulf %parallel_loop3A_344, %parallel_loop3A_381 : vector<16xf32>
        %parallel_loop3A_407 = arith.index_cast %parallel_loop3A_239 : i32 to index
        %parallel_loop3A_408 = arith.constant 96 : index
        %parallel_loop3A_409 = tpu.vector_load %arg15[%parallel_loop3A_407, %parallel_loop3A_408] {strides = array<i32>} : memref<112x128xf32, #tpu.memory_space<vmem>>, vector<16xf32>,
        tpu.vector_store %arg15[%parallel_loop3A_407, %parallel_loop3A_408], %parallel_loop3A_406 {strides = array<i32>} : memref<112x128xf32, #tpu.memory_space<vmem>>, vector<16xf32>,
        %parallel_loop3A_410 = arith.mulf %parallel_loop3A_361, %parallel_loop3A_381 : vector<16xf32>
        %parallel_loop3A_411 = arith.index_cast %parallel_loop3A_239 : i32 to index
        %parallel_loop3A_412 = arith.constant 112 : index
        %parallel_loop3A_413 = tpu.vector_load %arg15[%parallel_loop3A_411, %parallel_loop3A_412] {strides = array<i32>} : memref<112x128xf32, #tpu.memory_space<vmem>>, vector<16xf32>,
        tpu.vector_store %arg15[%parallel_loop3A_411, %parallel_loop3A_412], %parallel_loop3A_410 {strides = array<i32>} : memref<112x128xf32, #tpu.memory_space<vmem>>, vector<16xf32>,
        %parallel_loop3A_414 = arith.index_cast %parallel_loop3A_239 : i32 to index
        %parallel_loop3A_415 = tpu.vector_load %arg12[%parallel_loop3A_414] {strides = array<i32>} : memref<128xi32, #tpu.memory_space<vmem>>, vector<16xi32>,
        tpu.vector_store_idx %arg16[%parallel_loop3A_415], %parallel_loop3A_381 masked %eq3A_7 {add = true} : memref<10112xf32, #tpu.memory_space<vmem>>[vector<16xi32>], vector<16xf32>, vector<16xi1>
      } {sc.loop_unroll_factor = 4 : i64, sc.parallel_access}
      "tpu.region"() ({
        %run_scoped3A = tpu.sem_alloc : memref<!tpu.dma_semaphore, #tpu.memory_space<semaphore_mem>>
        %dma_start3A_239 = arith.constant 0 : i32
        %dma_start3A_240 = arith.constant 0 : i32
        %dma_start3A_241 = tpu.memref_slice %arg18[%dma_start3A_239, %dma_start3A_240] : memref<10112x128xf32, #tpu.memory_space<vmem_shared>> -> memref<10112x128xf32, #tpu.memory_space<vmem_shared>>
        tpu.enqueue_indirect_dma source(%arg15 : memref<112x128xf32, #tpu.memory_space<vmem>>) target(%dma_start3A_241 : memref<10112x128xf32, #tpu.memory_space<vmem_shared>>) offsets(%arg11 : memref<112xi32, #tpu.memory_space<vmem>>) semaphore(%run_scoped3A : memref<!tpu.dma_semaphore, #tpu.memory_space<semaphore_mem>>) {add = true}
        %dma_wait3A_242 = arith.constant 0 : i32
        %dma_wait3A_243 = arith.constant 0 : i32
        %dma_wait3A_244 = tpu.memref_slice %arg18[%dma_wait3A_242, %dma_wait3A_243] : memref<10112x128xf32, #tpu.memory_space<vmem_shared>> -> memref<10112x128xf32, #tpu.memory_space<vmem_shared>>
        tpu.wait_indirect_dma semaphore(%run_scoped3A : memref<!tpu.dma_semaphore, #tpu.memory_space<semaphore_mem>>) src(%arg15 : memref<112x128xf32, #tpu.memory_space<vmem>>) dst(%dma_wait3A_244 : memref<10112x128xf32, #tpu.memory_space<vmem_shared>>)
        tpu.yield
      }) : () -> ()
    }
    %scan3A_187 = arith.constant 93 : i32
    %barrier3A_188 = arith.constant 0 : index
    tpu.barrier barrier_id(%barrier3A_188)
    %mul3A_189 = arith.constant 4 : i32
    %mul3A_190 = arith.muli %arg0, %mul3A_189 : i32
    %add3A_191 = arith.constant 3 : i32
    %add3A_192 = arith.addi %mul3A_190, %add3A_191 : i32
    %mul3A_193 = arith.constant 10000 : i32
    %mul3A_194 = arith.muli %add3A_192, %mul3A_193 : i32
    %mul3A_195 = arith.constant 624 : i32
    %mul3A_196 = arith.muli %arg1, %mul3A_195 : i32
    %add3A_197 = arith.addi %mul3A_194, %mul3A_196 : i32
    %scan3A_198 = arith.constant 0 : i32
    %scan3A_199 = arith.constant 0 : i32
    %scan3A_200 = arith.constant 13 : i32
    %scan3A_201 = arith.addi %scan3A_199, %scan3A_200 : i32
    %scan3A_202 = arith.constant 1 : i32
    scf.for %scan3A_219 = %scan3A_199 to %scan3A_201 step %scan3A_202  : i32 {
      %mul3A_220 = arith.constant 624 : i32
      %mul3A_221 = arith.muli %arg1, %mul3A_220 : i32
      %mul3A_222 = arith.constant 48 : i32
      %mul3A_223 = arith.muli %scan3A_219, %mul3A_222 : i32
      %add3A_224 = arith.addi %mul3A_221, %mul3A_223 : i32
      "tpu.region"() ({
        %run_scoped3A = tpu.sem_alloc : memref<!tpu.dma_semaphore, #tpu.memory_space<semaphore_mem>>
        %dma_start3A = arith.constant 0 : i32
        %dma_start3A_228 = arith.constant 0 : i32
        %dma_start3A_229 = tpu.memref_slice %arg14[%dma_start3A, %dma_start3A_228] : memref<112x128xf32, #tpu.memory_space<vmem>> -> memref<48x128xf32, #tpu.memory_space<vmem>>
        %dma_start3A_230 = arith.constant 0 : i32
        %dma_start3A_231 = tpu.memref_slice %arg18[%add3A_224, %dma_start3A_230] : memref<10112x128xf32, #tpu.memory_space<vmem_shared>> -> memref<48x128xf32, #tpu.memory_space<vmem_shared>>
        %dma_start3A_232 = arith.constant 0 : i32
        %dma_start3A_233 = arith.constant 0 : i32
        %dma_start3A_234 = tpu.memref_slice %arg14[%dma_start3A_232, %dma_start3A_233] : memref<112x128xf32, #tpu.memory_space<vmem>> -> memref<48x128xf32, #tpu.memory_space<vmem>>
        %dma_start3A_235 = arith.constant 0 : i32
        %dma_start3A_236 = tpu.memref_slice %arg18[%add3A_224, %dma_start3A_235] : memref<10112x128xf32, #tpu.memory_space<vmem_shared>> -> memref<48x128xf32, #tpu.memory_space<vmem_shared>>
        tpu.enqueue_dma source(%dma_start3A_236 : memref<48x128xf32, #tpu.memory_space<vmem_shared>>) target(%dma_start3A_234 : memref<48x128xf32, #tpu.memory_space<vmem>>) target_semaphore(%run_scoped3A : memref<!tpu.dma_semaphore, #tpu.memory_space<semaphore_mem>>)
        %dma_wait3A = arith.constant 0 : i32
        %dma_wait3A_237 = arith.constant 0 : i32
        %dma_wait3A_238 = tpu.memref_slice %arg14[%dma_wait3A, %dma_wait3A_237] : memref<112x128xf32, #tpu.memory_space<vmem>> -> memref<48x128xf32, #tpu.memory_space<vmem>>
        %dma_wait3A_239 = arith.constant 0 : i32
        %dma_wait3A_240 = tpu.memref_slice %arg18[%add3A_224, %dma_wait3A_239] : memref<10112x128xf32, #tpu.memory_space<vmem_shared>> -> memref<48x128xf32, #tpu.memory_space<vmem_shared>>
        %dma_wait3A_241 = arith.constant 0 : i32
        %dma_wait3A_242 = arith.constant 0 : i32
        %dma_wait3A_243 = tpu.memref_slice %arg14[%dma_wait3A_241, %dma_wait3A_242] : memref<112x128xf32, #tpu.memory_space<vmem>> -> memref<48x128xf32, #tpu.memory_space<vmem>>
        %dma_wait3A_244 = arith.constant 0 : i32
        %dma_wait3A_245 = tpu.memref_slice %arg18[%add3A_224, %dma_wait3A_244] : memref<10112x128xf32, #tpu.memory_space<vmem_shared>> -> memref<48x128xf32, #tpu.memory_space<vmem_shared>>
        tpu.wait_dma2 semaphore(%run_scoped3A : memref<!tpu.dma_semaphore, #tpu.memory_space<semaphore_mem>>) src(%dma_wait3A_245 : memref<48x128xf32, #tpu.memory_space<vmem_shared>>) dst(%dma_wait3A_243 : memref<48x128xf32, #tpu.memory_space<vmem>>)
        tpu.yield
      }) : () -> ()
      %mul3A_225 = arith.constant 48 : i32
      %mul3A_226 = arith.muli %scan3A_219, %mul3A_225 : i32
      %add3A_227 = arith.addi %add3A_197, %mul3A_226 : i32
      "tpu.region"() ({
        %run_scoped3A = tpu.sem_alloc : memref<!tpu.dma_semaphore, #tpu.memory_space<semaphore_mem>>
        %dma_start3A = arith.constant 0 : i32
        %dma_start3A_228 = arith.constant 0 : i32
        %dma_start3A_229 = tpu.memref_slice %arg14[%dma_start3A, %dma_start3A_228] : memref<112x128xf32, #tpu.memory_space<vmem>> -> memref<48x128xf32, #tpu.memory_space<vmem>>
        %dma_start3A_230 = arith.constant 0 : i32
        %dma_start3A_231 = tpu.memref_slice %arg7[%add3A_227, %dma_start3A_230] : memref<80000x128xf32, #tpu.memory_space<hbm>> -> memref<48x128xf32, #tpu.memory_space<hbm>>
        %dma_start3A_232 = arith.constant 0 : i32
        %dma_start3A_233 = tpu.memref_slice %arg7[%add3A_227, %dma_start3A_232] : memref<80000x128xf32, #tpu.memory_space<hbm>> -> memref<48x128xf32, #tpu.memory_space<hbm>>
        %dma_start3A_234 = arith.constant 0 : i32
        %dma_start3A_235 = arith.constant 0 : i32
        %dma_start3A_236 = tpu.memref_slice %arg14[%dma_start3A_234, %dma_start3A_235] : memref<112x128xf32, #tpu.memory_space<vmem>> -> memref<48x128xf32, #tpu.memory_space<vmem>>
        tpu.enqueue_dma source(%dma_start3A_236 : memref<48x128xf32, #tpu.memory_space<vmem>>) target(%dma_start3A_233 : memref<48x128xf32, #tpu.memory_space<hbm>>) target_semaphore(%run_scoped3A : memref<!tpu.dma_semaphore, #tpu.memory_space<semaphore_mem>>)
        %dma_wait3A = arith.constant 0 : i32
        %dma_wait3A_237 = arith.constant 0 : i32
        %dma_wait3A_238 = tpu.memref_slice %arg14[%dma_wait3A, %dma_wait3A_237] : memref<112x128xf32, #tpu.memory_space<vmem>> -> memref<48x128xf32, #tpu.memory_space<vmem>>
        %dma_wait3A_239 = arith.constant 0 : i32
        %dma_wait3A_240 = tpu.memref_slice %arg7[%add3A_227, %dma_wait3A_239] : memref<80000x128xf32, #tpu.memory_space<hbm>> -> memref<48x128xf32, #tpu.memory_space<hbm>>
        %dma_wait3A_241 = arith.constant 0 : i32
        %dma_wait3A_242 = tpu.memref_slice %arg7[%add3A_227, %dma_wait3A_241] : memref<80000x128xf32, #tpu.memory_space<hbm>> -> memref<48x128xf32, #tpu.memory_space<hbm>>
        %dma_wait3A_243 = arith.constant 0 : i32
        %dma_wait3A_244 = arith.constant 0 : i32
        %dma_wait3A_245 = tpu.memref_slice %arg14[%dma_wait3A_243, %dma_wait3A_244] : memref<112x128xf32, #tpu.memory_space<vmem>> -> memref<48x128xf32, #tpu.memory_space<vmem>>
        tpu.wait_dma2 semaphore(%run_scoped3A : memref<!tpu.dma_semaphore, #tpu.memory_space<semaphore_mem>>) src(%dma_wait3A_245 : memref<48x128xf32, #tpu.memory_space<vmem>>) dst(%dma_wait3A_242 : memref<48x128xf32, #tpu.memory_space<hbm>>)
        tpu.yield
      }) : () -> ()
    }
    %scan3A_203 = arith.constant 13 : i32
    %eq3A_204 = arith.constant 15 : i32
    %eq3A_205 = arith.cmpi eq, %arg1, %eq3A_204 : i32
    %convert_element_type3A_206 = arith.extui %eq3A_205 : i1 to i32
    %cond3A_207 = arith.constant 0 : i32
    %cond3A_208 = arith.cmpi ne, %convert_element_type3A_206, %cond3A_207 : i32
    scf.if %cond3A_208 {
      "tpu.region"() ({
        %run_scoped3A = tpu.sem_alloc : memref<!tpu.dma_semaphore, #tpu.memory_space<semaphore_mem>>
        %dma_start3A = arith.constant 0 : i32
        %dma_start3A_221 = arith.constant 0 : i32
        %dma_start3A_222 = tpu.memref_slice %arg14[%dma_start3A, %dma_start3A_221] : memref<112x128xf32, #tpu.memory_space<vmem>> -> memref<16x128xf32, #tpu.memory_space<vmem>>
        %dma_start3A_223 = arith.constant 9984 : i32
        %dma_start3A_224 = arith.constant 0 : i32
        %dma_start3A_225 = tpu.memref_slice %arg18[%dma_start3A_223, %dma_start3A_224] : memref<10112x128xf32, #tpu.memory_space<vmem_shared>> -> memref<16x128xf32, #tpu.memory_space<vmem_shared>>
        %dma_start3A_226 = arith.constant 0 : i32
        %dma_start3A_227 = arith.constant 0 : i32
        %dma_start3A_228 = tpu.memref_slice %arg14[%dma_start3A_226, %dma_start3A_227] : memref<112x128xf32, #tpu.memory_space<vmem>> -> memref<16x128xf32, #tpu.memory_space<vmem>>
        %dma_start3A_229 = arith.constant 9984 : i32
        %dma_start3A_230 = arith.constant 0 : i32
        %dma_start3A_231 = tpu.memref_slice %arg18[%dma_start3A_229, %dma_start3A_230] : memref<10112x128xf32, #tpu.memory_space<vmem_shared>> -> memref<16x128xf32, #tpu.memory_space<vmem_shared>>
        tpu.enqueue_dma source(%dma_start3A_231 : memref<16x128xf32, #tpu.memory_space<vmem_shared>>) target(%dma_start3A_228 : memref<16x128xf32, #tpu.memory_space<vmem>>) target_semaphore(%run_scoped3A : memref<!tpu.dma_semaphore, #tpu.memory_space<semaphore_mem>>)
        %dma_wait3A = arith.constant 0 : i32
        %dma_wait3A_232 = arith.constant 0 : i32
        %dma_wait3A_233 = tpu.memref_slice %arg14[%dma_wait3A, %dma_wait3A_232] : memref<112x128xf32, #tpu.memory_space<vmem>> -> memref<16x128xf32, #tpu.memory_space<vmem>>
        %dma_wait3A_234 = arith.constant 9984 : i32
        %dma_wait3A_235 = arith.constant 0 : i32
        %dma_wait3A_236 = tpu.memref_slice %arg18[%dma_wait3A_234, %dma_wait3A_235] : memref<10112x128xf32, #tpu.memory_space<vmem_shared>> -> memref<16x128xf32, #tpu.memory_space<vmem_shared>>
        %dma_wait3A_237 = arith.constant 0 : i32
        %dma_wait3A_238 = arith.constant 0 : i32
        %dma_wait3A_239 = tpu.memref_slice %arg14[%dma_wait3A_237, %dma_wait3A_238] : memref<112x128xf32, #tpu.memory_space<vmem>> -> memref<16x128xf32, #tpu.memory_space<vmem>>
        %dma_wait3A_240 = arith.constant 9984 : i32
        %dma_wait3A_241 = arith.constant 0 : i32
        %dma_wait3A_242 = tpu.memref_slice %arg18[%dma_wait3A_240, %dma_wait3A_241] : memref<10112x128xf32, #tpu.memory_space<vmem_shared>> -> memref<16x128xf32, #tpu.memory_space<vmem_shared>>
        tpu.wait_dma2 semaphore(%run_scoped3A : memref<!tpu.dma_semaphore, #tpu.memory_space<semaphore_mem>>) src(%dma_wait3A_242 : memref<16x128xf32, #tpu.memory_space<vmem_shared>>) dst(%dma_wait3A_239 : memref<16x128xf32, #tpu.memory_space<vmem>>)
        tpu.yield
      }) : () -> ()
      %add3A_219 = arith.constant 9984 : i32
      %add3A_220 = arith.addi %mul3A_194, %add3A_219 : i32
      "tpu.region"() ({
        %run_scoped3A = tpu.sem_alloc : memref<!tpu.dma_semaphore, #tpu.memory_space<semaphore_mem>>
        %dma_start3A = arith.constant 0 : i32
        %dma_start3A_221 = arith.constant 0 : i32
        %dma_start3A_222 = tpu.memref_slice %arg14[%dma_start3A, %dma_start3A_221] : memref<112x128xf32, #tpu.memory_space<vmem>> -> memref<16x128xf32, #tpu.memory_space<vmem>>
        %dma_start3A_223 = arith.constant 0 : i32
        %dma_start3A_224 = tpu.memref_slice %arg7[%add3A_220, %dma_start3A_223] : memref<80000x128xf32, #tpu.memory_space<hbm>> -> memref<16x128xf32, #tpu.memory_space<hbm>>
        %dma_start3A_225 = arith.constant 0 : i32
        %dma_start3A_226 = tpu.memref_slice %arg7[%add3A_220, %dma_start3A_225] : memref<80000x128xf32, #tpu.memory_space<hbm>> -> memref<16x128xf32, #tpu.memory_space<hbm>>
        %dma_start3A_227 = arith.constant 0 : i32
        %dma_start3A_228 = arith.constant 0 : i32
        %dma_start3A_229 = tpu.memref_slice %arg14[%dma_start3A_227, %dma_start3A_228] : memref<112x128xf32, #tpu.memory_space<vmem>> -> memref<16x128xf32, #tpu.memory_space<vmem>>
        tpu.enqueue_dma source(%dma_start3A_229 : memref<16x128xf32, #tpu.memory_space<vmem>>) target(%dma_start3A_226 : memref<16x128xf32, #tpu.memory_space<hbm>>) target_semaphore(%run_scoped3A : memref<!tpu.dma_semaphore, #tpu.memory_space<semaphore_mem>>)
        %dma_wait3A = arith.constant 0 : i32
        %dma_wait3A_230 = arith.constant 0 : i32
        %dma_wait3A_231 = tpu.memref_slice %arg14[%dma_wait3A, %dma_wait3A_230] : memref<112x128xf32, #tpu.memory_space<vmem>> -> memref<16x128xf32, #tpu.memory_space<vmem>>
        %dma_wait3A_232 = arith.constant 0 : i32
        %dma_wait3A_233 = tpu.memref_slice %arg7[%add3A_220, %dma_wait3A_232] : memref<80000x128xf32, #tpu.memory_space<hbm>> -> memref<16x128xf32, #tpu.memory_space<hbm>>
        %dma_wait3A_234 = arith.constant 0 : i32
        %dma_wait3A_235 = tpu.memref_slice %arg7[%add3A_220, %dma_wait3A_234] : memref<80000x128xf32, #tpu.memory_space<hbm>> -> memref<16x128xf32, #tpu.memory_space<hbm>>
        %dma_wait3A_236 = arith.constant 0 : i32
        %dma_wait3A_237 = arith.constant 0 : i32
        %dma_wait3A_238 = tpu.memref_slice %arg14[%dma_wait3A_236, %dma_wait3A_237] : memref<112x128xf32, #tpu.memory_space<vmem>> -> memref<16x128xf32, #tpu.memory_space<vmem>>
        tpu.wait_dma2 semaphore(%run_scoped3A : memref<!tpu.dma_semaphore, #tpu.memory_space<semaphore_mem>>) src(%dma_wait3A_238 : memref<16x128xf32, #tpu.memory_space<vmem>>) dst(%dma_wait3A_235 : memref<16x128xf32, #tpu.memory_space<hbm>>)
        tpu.yield
      }) : () -> ()
    } else {
    }
    %mul3A_209 = arith.constant 4 : i32
    %mul3A_210 = arith.muli %arg0, %mul3A_209 : i32
    %add3A_211 = arith.constant 3 : i32
    %add3A_212 = arith.addi %mul3A_210, %add3A_211 : i32
    %mul3A_213 = arith.constant 16 : i32
    %mul3A_214 = arith.muli %add3A_212, %mul3A_213 : i32
    %add3A_215 = arith.addi %mul3A_214, %arg1 : i32
    %mul3A_216 = arith.constant 10112 : i32
    %mul3A_217 = arith.muli %add3A_215, %mul3A_216 : i32
    "tpu.region"() ({
      %run_scoped3A = tpu.sem_alloc : memref<!tpu.dma_semaphore, #tpu.memory_space<semaphore_mem>>
      %dma_start3A = tpu.memref_slice %arg8[%mul3A_217] : memref<1294336xf32, #tpu.memory_space<hbm>> -> memref<10112xf32, #tpu.memory_space<hbm>>
      %dma_start3A_219 = tpu.memref_slice %arg8[%mul3A_217] : memref<1294336xf32, #tpu.memory_space<hbm>> -> memref<10112xf32, #tpu.memory_space<hbm>>
      tpu.enqueue_dma source(%arg16 : memref<10112xf32, #tpu.memory_space<vmem>>) target(%dma_start3A_219 : memref<10112xf32, #tpu.memory_space<hbm>>) target_semaphore(%run_scoped3A : memref<!tpu.dma_semaphore, #tpu.memory_space<semaphore_mem>>)
      %dma_wait3A = tpu.memref_slice %arg8[%mul3A_217] : memref<1294336xf32, #tpu.memory_space<hbm>> -> memref<10112xf32, #tpu.memory_space<hbm>>
      %dma_wait3A_220 = tpu.memref_slice %arg8[%mul3A_217] : memref<1294336xf32, #tpu.memory_space<hbm>> -> memref<10112xf32, #tpu.memory_space<hbm>>
      tpu.wait_dma2 semaphore(%run_scoped3A : memref<!tpu.dma_semaphore, #tpu.memory_space<semaphore_mem>>) src(%arg16 : memref<10112xf32, #tpu.memory_space<vmem>>) dst(%dma_wait3A_220 : memref<10112xf32, #tpu.memory_space<hbm>>)
      tpu.yield
    }) : () -> ()
    %barrier3A_218 = arith.constant 0 : index
    tpu.barrier barrier_id(%barrier3A_218)
    return
  }
}

module attributes {stable_mosaic.version = 14 : i64} {
  func.func @_proj_body(%arg0: i32, %arg1: i32, %arg2: memref<400x128xf32, #tpu.memory_space<vmem>>, %arg3: memref<128x128xf32, #tpu.memory_space<vmem>>, %arg4: memref<128x128xf32, #tpu.memory_space<vmem>>, %arg5: memref<400x128xf32, #tpu.memory_space<vmem>>, %arg6: memref<400x128xf32, #tpu.memory_space<vmem>>) attributes {dimension_semantics = [#tpu.dimension_semantics<arbitrary>, #tpu.dimension_semantics<arbitrary>], iteration_bounds = array<i64: 25, 4>, scalar_prefetch = 0 : i64, scratch_operands = 0 : i64, tpu.core_type = #tpu.core_type<tc>, window_params = [{transform_indices = @transform_0, window_bounds = array<i64: 400, 128>}, {transform_indices = @transform_1, window_bounds = array<i64: 128, 128>}, {transform_indices = @transform_2, window_bounds = array<i64: 128, 128>}, {transform_indices = @transform_3, window_bounds = array<i64: 400, 128>}, {transform_indices = @transform_4, window_bounds = array<i64: 400, 128>}]} {
    %get3A = arith.constant 0 : index
    %get3A_0 = arith.constant 0 : index
    %get3A_1 = vector.load %arg2[%get3A, %get3A_0] : memref<400x128xf32, #tpu.memory_space<vmem>>, vector<400x128xf32>
    %get3A_2 = arith.constant 0 : index
    %get3A_3 = arith.constant 0 : index
    %get3A_4 = vector.load %arg3[%get3A_2, %get3A_3] : memref<128x128xf32, #tpu.memory_space<vmem>>, vector<128x128xf32>
    %dot_general3A = arith.constant dense<0.000000e+00> : vector<400x128xf32>
    %dot_general3A_5 = tpu.matmul %get3A_1, %get3A_4, %dot_general3A {dimension_numbers = #tpu.dot_dimension_numbers<[1], [0], [0], [1], [0, 0, 1, 1], [], []>, transpose_lhs_hint = false} : vector<400x128xf32>, vector<128x128xf32>, vector<400x128xf32> -> vector<400x128xf32>
    %swap3A = arith.constant 0 : index
    %swap3A_6 = arith.constant 0 : index
    %swap3A_7 = vector.load %arg5[%swap3A, %swap3A_6] : memref<400x128xf32, #tpu.memory_space<vmem>>, vector<400x128xf32>
    tpu.vector_store %arg5[%swap3A, %swap3A_6], %dot_general3A_5 {strides = array<i32>} : memref<400x128xf32, #tpu.memory_space<vmem>>, vector<400x128xf32>,
    %get3A_8 = arith.constant 0 : index
    %get3A_9 = arith.constant 0 : index
    %get3A_10 = vector.load %arg4[%get3A_8, %get3A_9] : memref<128x128xf32, #tpu.memory_space<vmem>>, vector<128x128xf32>
    %dot_general3A_11 = arith.constant dense<0.000000e+00> : vector<400x128xf32>
    %dot_general3A_12 = tpu.matmul %get3A_1, %get3A_10, %dot_general3A_11 {dimension_numbers = #tpu.dot_dimension_numbers<[1], [0], [0], [1], [0, 0, 1, 1], [], []>, transpose_lhs_hint = false} : vector<400x128xf32>, vector<128x128xf32>, vector<400x128xf32> -> vector<400x128xf32>
    %swap3A_13 = arith.constant 0 : index
    %swap3A_14 = arith.constant 0 : index
    %swap3A_15 = vector.load %arg6[%swap3A_13, %swap3A_14] : memref<400x128xf32, #tpu.memory_space<vmem>>, vector<400x128xf32>
    tpu.vector_store %arg6[%swap3A_13, %swap3A_14], %dot_general3A_12 {strides = array<i32>} : memref<400x128xf32, #tpu.memory_space<vmem>>, vector<400x128xf32>,
    return
  }
  func.func @transform_0(%arg0: i32, %arg1: i32) -> (i32, i32) {
    %c0_i32 = arith.constant 0 : i32
    %c0_i32_0 = arith.constant 0 : i32
    return %arg0, %c0_i32 : i32, i32
  }
  func.func @transform_1(%arg0: i32, %arg1: i32) -> (i32, i32) {
    %c0_i32 = arith.constant 0 : i32
    %c0_i32_0 = arith.constant 0 : i32
    return %c0_i32, %arg1 : i32, i32
  }
  func.func @transform_2(%arg0: i32, %arg1: i32) -> (i32, i32) {
    %c0_i32 = arith.constant 0 : i32
    %c0_i32_0 = arith.constant 0 : i32
    return %c0_i32, %arg1 : i32, i32
  }
  func.func @transform_3(%arg0: i32, %arg1: i32) -> (i32, i32) {
    %mul3A = arith.constant 25 : i32
    %mul3A_0 = arith.muli %arg1, %mul3A : i32
    %add3A = arith.addi %mul3A_0, %arg0 : i32
    %c0_i32 = arith.constant 0 : i32
    %c0_i32_1 = arith.constant 0 : i32
    return %add3A, %c0_i32 : i32, i32
  }
  func.func @transform_4(%arg0: i32, %arg1: i32) -> (i32, i32) {
    %mul3A = arith.constant 25 : i32
    %mul3A_0 = arith.muli %arg1, %mul3A : i32
    %add3A = arith.addi %mul3A_0, %arg0 : i32
    %c0_i32 = arith.constant 0 : i32
    %c0_i32_1 = arith.constant 0 : i32
    return %add3A, %c0_i32 : i32, i32
  }
}

module attributes {stable_mosaic.version = 14 : i64} {
  func.func @_comb_body(%arg0: i32, %arg1: memref<8x400x128xf32, #tpu.memory_space<vmem>>, %arg2: memref<400x128xf32, #tpu.memory_space<vmem>>, %arg3: memref<1x128xf32, #tpu.memory_space<vmem>>, %arg4: memref<400x128xf32, #tpu.memory_space<vmem>>) attributes {dimension_semantics = [#tpu.dimension_semantics<arbitrary>], iteration_bounds = array<i64: 25>, scalar_prefetch = 0 : i64, scratch_operands = 0 : i64, tpu.core_type = #tpu.core_type<tc>, window_params = [{transform_indices = @transform_0, window_bounds = array<i64: 8, 400, 128>}, {transform_indices = @transform_1, window_bounds = array<i64: 400, 128>}, {pipeline_mode = #tpu.pipeline_mode<synchronous>, transform_indices = @transform_2, window_bounds = array<i64: 1, 128>}, {transform_indices = @transform_3, window_bounds = array<i64: 400, 128>}]} {
    %get3A = arith.constant 0 : index
    %get3A_0 = arith.constant 0 : index
    %get3A_1 = arith.constant 0 : index
    %get3A_2 = vector.load %arg1[%get3A, %get3A_0, %get3A_1] : memref<8x400x128xf32, #tpu.memory_space<vmem>>, vector<8x400x128xf32>
    %get3A_3 = arith.constant 0 : index
    %get3A_4 = arith.constant 0 : index
    %get3A_5 = vector.load %arg2[%get3A_3, %get3A_4] : memref<400x128xf32, #tpu.memory_space<vmem>>, vector<400x128xf32>
    %iota3A = tpu.iota {dimensions = array<i32: 0>} : vector<128x8xi32>
    %jit3A = arith.constant 16 : i32
    %div3A = vector.broadcast %jit3A : i32 to vector<128x8xi32>
    %div3A_6 = arith.divsi %iota3A, %div3A : vector<128x8xi32>
    %sign3A = arith.constant 0 : i32
    %sign3A_7 = vector.broadcast %sign3A : i32 to vector<128x8xi32>
    %sign3A_8 = arith.cmpi sgt, %iota3A, %sign3A_7 : vector<128x8xi32>
    %sign3A_9 = arith.extui %sign3A_8 : vector<128x8xi1> to vector<128x8xi32>
    %sign3A_10 = arith.constant 0 : i32
    %sign3A_11 = vector.broadcast %sign3A_10 : i32 to vector<128x8xi32>
    %sign3A_12 = arith.cmpi slt, %iota3A, %sign3A_11 : vector<128x8xi32>
    %sign3A_13 = arith.extui %sign3A_12 : vector<128x8xi1> to vector<128x8xi32>
    %sign3A_14 = arith.subi %sign3A_9, %sign3A_13 : vector<128x8xi32>
    %sign3A_15 = arith.constant 0 : i32
    %sign3A_16 = arith.cmpi sgt, %jit3A, %sign3A_15 : i32
    %sign3A_17 = arith.extui %sign3A_16 : i1 to i32
    %sign3A_18 = arith.constant 0 : i32
    %sign3A_19 = arith.cmpi slt, %jit3A, %sign3A_18 : i32
    %sign3A_20 = arith.extui %sign3A_19 : i1 to i32
    %sign3A_21 = arith.subi %sign3A_17, %sign3A_20 : i32
    %ne3A = vector.broadcast %sign3A_21 : i32 to vector<128x8xi32>
    %ne3A_22 = arith.cmpi ne, %sign3A_14, %ne3A : vector<128x8xi32>
    %rem3A = vector.broadcast %jit3A : i32 to vector<128x8xi32>
    %rem3A_23 = arith.remsi %iota3A, %rem3A : vector<128x8xi32>
    %ne3A_24 = arith.constant 0 : i32
    %ne3A_25 = vector.broadcast %ne3A_24 : i32 to vector<128x8xi32>
    %ne3A_26 = arith.cmpi ne, %rem3A_23, %ne3A_25 : vector<128x8xi32>
    %and3A = arith.andi %ne3A_22, %ne3A_26 : vector<128x8xi1>
    %sub3A = arith.constant 1 : i32
    %sub3A_27 = vector.broadcast %sub3A : i32 to vector<128x8xi32>
    %sub3A_28 = arith.subi %div3A_6, %sub3A_27 : vector<128x8xi32>
    %select_n3A = arith.select %and3A, %sub3A_28, %div3A_6 : vector<128x8xi1>, vector<128x8xi32>
    %iota3A_29 = tpu.iota {dimensions = array<i32: 1>} : vector<128x8xi32>
    %eq3A = arith.cmpi eq, %select_n3A, %iota3A_29 : vector<128x8xi32>
    %jit3A_30 = arith.constant 1.000000e+00 : f32
    %jit3A_31 = arith.constant 0.000000e+00 : f32
    %broadcast_in_dim3A = vector.broadcast %jit3A_30 : f32 to vector<128x8xf32>
    %broadcast_in_dim3A_32 = vector.broadcast %jit3A_31 : f32 to vector<128x8xf32>
    %select_n3A_33 = arith.select %eq3A, %broadcast_in_dim3A, %broadcast_in_dim3A_32 : vector<128x8xi1>, vector<128x8xf32>
    %dot_general3A = arith.constant dense<0.000000e+00> : vector<400x8xf32>
    %dot_general3A_34 = tpu.matmul %get3A_5, %select_n3A_33, %dot_general3A {dimension_numbers = #tpu.dot_dimension_numbers<[1], [0], [0], [1], [0, 0, 1, 1], [], []>, transpose_lhs_hint = false} : vector<400x128xf32>, vector<128x8xf32>, vector<400x8xf32> -> vector<400x8xf32>
    %slice3A = vector.extract_strided_slice %get3A_2 {offsets = [0, 0, 0], sizes = [4, 400, 128], strides = [1, 1, 1]} : vector<8x400x128xf32> to vector<4x400x128xf32>
    %slice3A_35 = vector.extract_strided_slice %get3A_2 {offsets = [4, 0, 0], sizes = [4, 400, 128], strides = [1, 1, 1]} : vector<8x400x128xf32> to vector<4x400x128xf32>
    %add3A = arith.addf %slice3A, %slice3A_35 : vector<4x400x128xf32>
    %broadcast_in_dim3A_36 = arith.constant 0.000000e+00 : f32
    %broadcast_in_dim3A_37 = vector.broadcast %broadcast_in_dim3A_36 : f32 to vector<400x128xf32>
    %slice3A_38 = vector.extract_strided_slice %dot_general3A_34 {offsets = [0, 0], sizes = [400, 1], strides = [1, 1]} : vector<400x8xf32> to vector<400x1xf32>
    %slice3A_39 = vector.extract_strided_slice %dot_general3A_34 {offsets = [0, 4], sizes = [400, 1], strides = [1, 1]} : vector<400x8xf32> to vector<400x1xf32>
    %add3A_40 = arith.addf %slice3A_38, %slice3A_39 : vector<400x1xf32>
    %add3A_41 = arith.constant 1.000000e-16 : f32
    %add3A_42 = vector.broadcast %add3A_41 : f32 to vector<400x1xf32>
    %add3A_43 = arith.addf %add3A_40, %add3A_42 : vector<400x1xf32>
    %slice3A_44 = vector.extract_strided_slice %add3A {offsets = [0, 0, 0], sizes = [1, 400, 128], strides = [1, 1, 1]} : vector<4x400x128xf32> to vector<1x400x128xf32>
    %squeeze3A = vector.shape_cast %slice3A_44 : vector<1x400x128xf32> to vector<400x128xf32>
    %div3A_45 = vector.broadcast %add3A_43 : vector<400x1xf32> to vector<400x128xf32>
    %div3A_46 = arith.divf %squeeze3A, %div3A_45 : vector<400x128xf32>
    %add3A_47 = arith.addf %broadcast_in_dim3A_37, %div3A_46 : vector<400x128xf32>
    %slice3A_48 = vector.extract_strided_slice %dot_general3A_34 {offsets = [0, 1], sizes = [400, 1], strides = [1, 1]} : vector<400x8xf32> to vector<400x1xf32>
    %slice3A_49 = vector.extract_strided_slice %dot_general3A_34 {offsets = [0, 5], sizes = [400, 1], strides = [1, 1]} : vector<400x8xf32> to vector<400x1xf32>
    %add3A_50 = arith.addf %slice3A_48, %slice3A_49 : vector<400x1xf32>
    %add3A_51 = arith.constant 1.000000e-16 : f32
    %add3A_52 = vector.broadcast %add3A_51 : f32 to vector<400x1xf32>
    %add3A_53 = arith.addf %add3A_50, %add3A_52 : vector<400x1xf32>
    %slice3A_54 = vector.extract_strided_slice %add3A {offsets = [1, 0, 0], sizes = [1, 400, 128], strides = [1, 1, 1]} : vector<4x400x128xf32> to vector<1x400x128xf32>
    %squeeze3A_55 = vector.shape_cast %slice3A_54 : vector<1x400x128xf32> to vector<400x128xf32>
    %div3A_56 = vector.broadcast %add3A_53 : vector<400x1xf32> to vector<400x128xf32>
    %div3A_57 = arith.divf %squeeze3A_55, %div3A_56 : vector<400x128xf32>
    %add3A_58 = arith.addf %add3A_47, %div3A_57 : vector<400x128xf32>
    %slice3A_59 = vector.extract_strided_slice %dot_general3A_34 {offsets = [0, 2], sizes = [400, 1], strides = [1, 1]} : vector<400x8xf32> to vector<400x1xf32>
    %slice3A_60 = vector.extract_strided_slice %dot_general3A_34 {offsets = [0, 6], sizes = [400, 1], strides = [1, 1]} : vector<400x8xf32> to vector<400x1xf32>
    %add3A_61 = arith.addf %slice3A_59, %slice3A_60 : vector<400x1xf32>
    %add3A_62 = arith.constant 1.000000e-16 : f32
    %add3A_63 = vector.broadcast %add3A_62 : f32 to vector<400x1xf32>
    %add3A_64 = arith.addf %add3A_61, %add3A_63 : vector<400x1xf32>
    %slice3A_65 = vector.extract_strided_slice %add3A {offsets = [2, 0, 0], sizes = [1, 400, 128], strides = [1, 1, 1]} : vector<4x400x128xf32> to vector<1x400x128xf32>
    %squeeze3A_66 = vector.shape_cast %slice3A_65 : vector<1x400x128xf32> to vector<400x128xf32>
    %div3A_67 = vector.broadcast %add3A_64 : vector<400x1xf32> to vector<400x128xf32>
    %div3A_68 = arith.divf %squeeze3A_66, %div3A_67 : vector<400x128xf32>
    %add3A_69 = arith.addf %add3A_58, %div3A_68 : vector<400x128xf32>
    %slice3A_70 = vector.extract_strided_slice %dot_general3A_34 {offsets = [0, 3], sizes = [400, 1], strides = [1, 1]} : vector<400x8xf32> to vector<400x1xf32>
    %slice3A_71 = vector.extract_strided_slice %dot_general3A_34 {offsets = [0, 7], sizes = [400, 1], strides = [1, 1]} : vector<400x8xf32> to vector<400x1xf32>
    %add3A_72 = arith.addf %slice3A_70, %slice3A_71 : vector<400x1xf32>
    %add3A_73 = arith.constant 1.000000e-16 : f32
    %add3A_74 = vector.broadcast %add3A_73 : f32 to vector<400x1xf32>
    %add3A_75 = arith.addf %add3A_72, %add3A_74 : vector<400x1xf32>
    %slice3A_76 = vector.extract_strided_slice %add3A {offsets = [3, 0, 0], sizes = [1, 400, 128], strides = [1, 1, 1]} : vector<4x400x128xf32> to vector<1x400x128xf32>
    %squeeze3A_77 = vector.shape_cast %slice3A_76 : vector<1x400x128xf32> to vector<400x128xf32>
    %div3A_78 = vector.broadcast %add3A_75 : vector<400x1xf32> to vector<400x128xf32>
    %div3A_79 = arith.divf %squeeze3A_77, %div3A_78 : vector<400x128xf32>
    %add3A_80 = arith.addf %add3A_69, %div3A_79 : vector<400x128xf32>
    %mul3A = arith.constant 2.500000e-01 : f32
    %mul3A_81 = vector.broadcast %mul3A : f32 to vector<400x128xf32>
    %mul3A_82 = arith.mulf %add3A_80, %mul3A_81 : vector<400x128xf32>
    %get3A_83 = arith.constant 0 : index
    %get3A_84 = arith.constant 0 : index
    %get3A_85 = vector.load %arg3[%get3A_83, %get3A_84] : memref<1x128xf32, #tpu.memory_space<vmem>>, vector<1x128xf32>
    %add3A_86 = vector.broadcast %get3A_85 : vector<1x128xf32> to vector<400x128xf32>
    %add3A_87 = arith.addf %mul3A_82, %add3A_86 : vector<400x128xf32>
    %swap3A = arith.constant 0 : index
    %swap3A_88 = arith.constant 0 : index
    %swap3A_89 = vector.load %arg4[%swap3A, %swap3A_88] : memref<400x128xf32, #tpu.memory_space<vmem>>, vector<400x128xf32>
    tpu.vector_store %arg4[%swap3A, %swap3A_88], %add3A_87 {strides = array<i32>} : memref<400x128xf32, #tpu.memory_space<vmem>>, vector<400x128xf32>,
    return
  }
  func.func @transform_0(%arg0: i32) -> (i32, i32, i32) {
    %c0_i32 = arith.constant 0 : i32
    %c0_i32_0 = arith.constant 0 : i32
    %c0_i32_1 = arith.constant 0 : i32
    return %c0_i32, %arg0, %c0_i32_0 : i32, i32, i32
  }
  func.func @transform_1(%arg0: i32) -> (i32, i32) {
    %c0_i32 = arith.constant 0 : i32
    %c0_i32_0 = arith.constant 0 : i32
    return %arg0, %c0_i32 : i32, i32
  }
  func.func @transform_2(%arg0: i32) -> (i32, i32) {
    %c0_i32 = arith.constant 0 : i32
    %c0_i32_0 = arith.constant 0 : i32
    %c0_i32_1 = arith.constant 0 : i32
    return %c0_i32, %c0_i32_0 : i32, i32
  }
  func.func @transform_3(%arg0: i32) -> (i32, i32) {
    %c0_i32 = arith.constant 0 : i32
    %c0_i32_0 = arith.constant 0 : i32
    return %arg0, %c0_i32 : i32, i32
  }
}

</mosaic_0001>

<sc_bundles>
// kernel: kernel.5.cloned.1.call-start
scs
__scs_entry_jumppad:
0x0: {  	(pc) =	sbr.rel $0x88, $3  }
0x1: {  	(tag) =	ssettag $0x0;
	lr =	simm.s32 $0x1  }
0x2: {  	[smem:$0x3F9B] =	sst lr;
	_ =	strace $0xD0000000  }
0x3: {  	_ = 	snop  }
0x4: {  	_ = 	snop  }
0x5: {  	_ = 	snop  }
0x6: {  	_ = 	snop  }
0x7: {  	_ = 	snop  }
__scs_overlays_trampoline_lowered:
0x8: {  	[smem:$0x3FAA] =	sst s0  }
0x9: {  	[smem:$0x3FAB] =	sst s1  }
0xa: {  	[smem:$0x3FAC] =	sst s2  }
0xb: {  	[smem:$0x3FAD] =	sst s3  }
0xc: {  	[smem:$0x3FAE] =	sst s4  }
0xd: {  	[smem:$0x3FAF] =	sst s5  }
0xe: {  	[smem:$0x3FB0] =	sst s6  }
0xf: {  	[smem:$0x3FB1] =	sst s7  }
0x10: {  	[smem:$0x3FB2] =	sst s8  }
0x11: {  	[smem:$0x3FB3] =	sst s9;
	s0 =	simm.s32 @!p0 $0x0  }
0x12: {  	s1 =	sld [smem:$0x3F99];
	s0 =	simm.s32 @p0 $0x1  }
0x13: {  	[smem:$0x3FB4] =	sst s0;
	s0 =	simm.s32 @!p1 $0x0  }
0x14: {  	s2 =	sld [smem:$0x3F98];
	s0 =	simm.s32 @p1 $0x1  }
0x15: {  	[smem:$0x3FB5] =	sst s0;
	s0 =	simm.s32 @!p2 $0x0  }
0x16: {  	s3 =	sld [smem:$0x3FDB];
	s0 =	simm.s32 @p2 $0x1  }
0x17: {  	s4 =	simm.s32 $0x1BF5;
	[smem:$0x3FB7] =	sst s0  }
0x18: {  	s0 =	sld [smem:$0x3F9A];
	_ =	swait.ge [sflag:s4], $0x0  }
0x19: {  	s7 =	sld [smem:$0x3F9B]  }
0x1a: {  	s8 =	sadd.s32 $0xFFFFE003, lr  }
0x1b: {  	s9 =	sadd.s32 $0xFFFFFEF7, lr;
	s5 =	simm.s32 $0xFFFFFFFF;
	p2 =	slt.u32 s8, $0xFFFFF086  }
0x1c: {  	p1 =	slt.u32 s9, $0xF7A;
	s5 =	simm.s32 @!p2 $0x0  }
0x1d: {  	s5 =	simm.s32 @p1 $0x1;
	p0 =	seq.s32 s7, s2  }
0x1e: {  	s7 =	smul.u32 @!p0 $0xF7A, s2;
	p2 =	seq.s32 @!p0 s5, $0x0  }
0x1f: {  	s9 =	smul.u32 $0xF7A, s1;
	s8 =	simm.s32 @!p0 $0x1BF5;
	p2 =	por !p2, p0  }
0x20: {  	[sflag:s8] =	ssyncset.s32 @!p0 $0xFFFFF086;
	s6 =	sadd.s32 @!p0 s3, s7;
	s7 =	simm.s32 @!p0 $0x108  }
0x21: {  	s3 =	sadd.s32 s3, s9;
	s6 =	sadd.s32 @!p0 $0x88, s6;
	s7 =	simm.s32 @p2 $0x1082  }
0x22: {  	[simem:s7], [sflag:s8] =	dma.local @!p0 [hbm:s6], $0xF7A  }
0x23: {  	s9 =	sor.u32 $0xD0000000, s2;
	s6 =	simm.s32 $0x108;
	_ =	swait.ge @!p0 [sflag:s8], $0x0  }
0x24: {  	s3 =	sadd.s32 $0x88, s3;
	s6 =	simm.s32 @!p1 $0x1082;
	[sflag:s4] =	ssyncset.s32 $0xFFFFF086  }
0x25: {  	[simem:s6], [sflag:s4] =	dma.local [hbm:s3], $0xF7A  }
0x26: {  	[smem:$0x3F9B] =	sst s1;
	(tag) =	ssettag s2;
	_ =	strace s9  }
0x27: {  	s1 =	sld [smem:$0x3FAB]  }
0x28: {  	s2 =	sld [smem:$0x3FAC]  }
0x29: {  	s4 =	sld [smem:$0x3FAE]  }
0x2a: {  	p0 =	seq.s32 s5, $0x0;
	s5 =	sld [smem:$0x3FAF]  }
0x2b: {  	s6 =	sld [smem:$0x3FB0]  }
0x2c: {  	s7 =	sld [smem:$0x3FB1]  }
0x2d: {  	s3 =	simm.s32 $0x108;
	s8 =	sld [smem:$0x3FB2]  }
0x2e: {  	s3 =	simm.s32 @!p0 $0x1082;
	s9 =	sld [smem:$0x3FB3]  }
0x2f: {  	lr =	sadd.s32 s0, s3;
	s0 =	sld [smem:$0x3FAA]  }
0x30: {  	s3 =	sld [smem:$0x3FAD]  }
0x31: {  	[smem:$0x3FB6] =	sst s10  }
0x32: {  	s10 =	sld [smem:$0x3FB4];
	_ =	sdelay $0x3  }
0x33: {  	p0 =	seq.s32 s10, $0x1;
	s10 =	sld [smem:$0x3FB6];
	_ =	sdelay $0x3  }
0x34: {  	[smem:$0x3FB6] =	sst s10  }
0x35: {  	s10 =	sld [smem:$0x3FB5];
	_ =	sdelay $0x3  }
0x36: {  	p1 =	seq.s32 s10, $0x1;
	s10 =	sld [smem:$0x3FB6];
	_ =	sdelay $0x3  }
0x37: {  	[smem:$0x3FB6] =	sst s10  }
0x38: {  	s10 =	sld [smem:$0x3FB7]  }
0x39: {  	_ = 	snop;
	(pc) =	sbr.ind lr, $3  }
0x3a: {  	_ = 	snop  }
0x3b: {  	_ = 	snop  }
0x3c: {  	p2 =	seq.s32 s10, $0x1;
	s10 =	sld [smem:$0x3FB6]  }
0x3d: {  	_ =	shalt  }
0x3e: {  	_ =	shalt  }
0x3f: {  	_ =	shalt  }
0x40: {  	_ =	shalt  }
0x41: {  	_ =	shalt  }
0x42: {  	_ =	shalt  }
0x43: {  	_ =	shalt  }
0x44: {  	_ =	shalt  }
0x45: {  	_ =	shalt  }
0x46: {  	_ =	shalt  }
0x47: {  	_ =	shalt  }
0x48: {  	_ =	shalt  }
0x49: {  	_ =	shalt  }
0x4a: {  	_ =	shalt  }
0x4b: {  	_ =	shalt  }
0x4c: {  	_ =	shalt  }
0x4d: {  	_ =	shalt  }
0x4e: {  	_ =	shalt  }
0x4f: {  	_ =	shalt  }
0x50: {  	_ =	shalt  }
0x51: {  	_ =	shalt  }
0x52: {  	_ =	shalt  }
0x53: {  	_ =	shalt  }
0x54: {  	_ =	shalt  }
0x55: {  	_ =	shalt  }
0x56: {  	_ =	shalt  }
0x57: {  	_ =	shalt  }
0x58: {  	_ =	shalt  }
0x59: {  	_ =	shalt  }
0x5a: {  	_ =	shalt  }
0x5b: {  	_ =	shalt  }
0x5c: {  	_ =	shalt  }
0x5d: {  	_ =	shalt  }
0x5e: {  	_ =	shalt  }
0x5f: {  	_ =	shalt  }
0x60: {  	_ =	shalt  }
0x61: {  	_ =	shalt  }
0x62: {  	_ =	shalt  }
0x63: {  	_ =	shalt  }
0x64: {  	_ =	shalt  }
0x65: {  	_ =	shalt  }
0x66: {  	_ =	shalt  }
0x67: {  	_ =	shalt  }
0x68: {  	_ =	shalt  }
0x69: {  	_ =	shalt  }
0x6a: {  	_ =	shalt  }
0x6b: {  	_ =	shalt  }
0x6c: {  	_ =	shalt  }
0x6d: {  	_ =	shalt  }
0x6e: {  	_ =	shalt  }
0x6f: {  	_ =	shalt  }
0x70: {  	_ =	shalt  }
0x71: {  	_ =	shalt  }
0x72: {  	_ =	shalt  }
0x73: {  	_ =	shalt  }
0x74: {  	_ =	shalt  }
0x75: {  	_ =	shalt  }
0x76: {  	_ =	shalt  }
0x77: {  	_ =	shalt  }
0x78: {  	_ =	shalt  }
0x79: {  	_ =	shalt  }
0x7a: {  	_ =	shalt  }
0x7b: {  	_ =	shalt  }
0x7c: {  	_ =	shalt  }
0x7d: {  	_ =	shalt  }
0x7e: {  	_ =	shalt  }
0x7f: {  	_ =	shalt  }
0x80: {  	_ =	shalt  }
0x81: {  	_ =	shalt  }
0x82: {  	_ =	shalt  }
0x83: {  	_ =	shalt  }
0x84: {  	_ =	shalt  }
0x85: {  	_ =	shalt  }
0x86: {  	_ =	shalt  }
0x87: {  	_ =	shalt  }
.Lfunc_end0:
.L_simem_size_0:
called_computation_lowered:
.L_overlay_start_0:
0x88: {  	s2 =	sld [smem:$0x3FD9]  }
0x89: {  	s3 =	sld [smem:$0x3FFE];
	_ =	sdelay $0x1  }
0x8a: {  	s1 =	srdreg.scid  }
0x8b: {  	s0 =	sand.u32 $0x1, s1  }
0x8c: {  	s17 =	sshll.u32 s0, $0xA;
	s2 =	sadd.s32 s3, s2  }
0x8d: {  	s2 =	sadd.s32 s2, s17  }
0x8e: {  	[smem:$0x3FC2] =	sst s2  }
0x8f: {  	_ = 	snop  }
0x90: {  	s2 =	sld [smem:$0x3FC5]  }
0x91: {  	s18 =	sld [smem:$0x3FD0];
	(tm) =	ssettm $0x1  }
0x92: {  	s4 =	sld [smem:$0x3FFB];
	_ =	sdelay $0x3  }
0x93: {  	_ =	strace s4  }
0x94: {  	s4 =	sld [smem:$0x3FFC];
	_ =	sdelay $0x3  }
0x95: {  	_ =	strace s4  }
0x96: {  	s4 =	sld [smem:$0x3FFD];
	_ =	sdelay $0x3  }
0x97: {  	_ =	strace s4  }
0x98: {  	_ =	strace $0x8FFFFFFF  }
0x99: {  	s19 =	sld [smem:$0x3FDB];
	_ =	sdelay $0x1  }
0x9a: {  	s5 =	simm.s32 $_scs_section_size  }
0x9b: {  	s6 =	simm.s32 $_size__tile_overlayer_lowered;
	s7 =	simm.s32 $_tile_overlayer_lowered  }
0x9c: {  	s22 =	simm.s32 $0x1BFF;
	s21 =	sshll.u32 s7, $0x1;
	s4 =	sadd.s32 s5, s19  }
0x9d: {  	s8 =	simm.s32 $0x0;
	s20 =	sshll.u32 s6, $0x1;
	s6 =	sadd.s32 s21, s4  }
0x9e: {  	[timem:s8], [sflag:s22] =	dma.local [hbm:s6], s20  }
0x9f: {  	_ =	swait.ge [sflag:s22], s20  }
0xa0: {  	s5 =	ssub.s32 $0x0, s20;
	[sflag:s22] =	ssyncset.done $0x0  }
0xa1: {  	[sflag:s22] =	ssyncadd.s32 s5;
	_ =	sdelay $0x1  }
0xa2: {  	s23 =	simm.s32 $0x1B8B  }
0xa3: {  	_ =	swait.ge [sflag:s23], $0x1  }
0xa4: {  	[sflag:s23] =	ssyncset.done $0x0  }
0xa5: {  	s25 =	simm.s32 $0x1B8E;
	s24 =	sld [smem:$0x3FFE];
	[sflag:s23] =	ssyncadd.s32 $0xFFFFFFFF  }
0xa6: {  	s26 =	simm.s32 $execute0_lowered;
	[smem:$0x3FD2] =	sst s25  }
0xa7: {  	s6 =	sshll.u32 s26, $0x1;
	_ =	strace $0x80000046;
	[dreg:$0x1] =	wrdreg $0xFFFFFFFF  }
0xa8: {  	s28 =	simm.s32 $_size_execute0_lowered;
	s4 =	sadd.s32 s4, s6;
	[dreg:$0x0] =	wrdreg $0x0  }
0xa9: {  	s6 =	sshll.u32 s28, $0x1;
	[dreg:$0x2] =	wrdreg s4  }
0xaa: {  	[dreg:$0x3] =	wrdreg s6  }
0xab: {  	[dreg:$0x4] =	wrdreg $0xC0  }
0xac: {  	_ =	task [dreg:s8], $0x5FFFF  }
0xad: {  	[dreg:$0x1] =	wrdreg $0xFFFFFFFF  }
0xae: {  	[dreg:$0x0] =	wrdreg $0x60  }
0xaf: {  	[dreg:$0x2] =	wrdreg s24  }
0xb0: {  	[dreg:$0x3] =	wrdreg s18  }
0xb1: {  	[dreg:$0x4] =	wrdreg s2  }
0xb2: {  	[dreg:$0x5] =	wrdreg $0xA3800  }
0xb3: {  	[dreg:$0x6] =	wrdreg $0x9  }
0xb4: {  	_ =	task.clear_ibuf [dreg:s8], $0x7FFFF;
	_ =	strace $0x90000046  }
0xb5: {  	s29 =	simm.s32 $0x9;
	_ =	strace $0x80000048  }
0xb6: {  	_ =	swait.ge [sflag:s29], $0x1  }
0xb7: {  	[sflag:s29] =	ssyncadd.s32 $0xFFFFFFFF  }
0xb8: {  	_ =	strace $0x90000048  }
0xb9: {  	_ =	sfence  }
0xba: {  	s30 =	sld [smem:$0x0];
	_ =	sdelay $0x2  }
0xbb: {  	s31 =	sshll.u32 s1, $0xD;
	s1 =	sshrl.u32 s1, $0x2  }
0xbc: {  	s3 =	sand.u32 $0x4000, s31;
	s1 =	sadd.s32 s1, s30  }
0xbd: {  	s0 =	sor.u32 s3, s0;
	s1 =	sshll.u32 s1, $0x11  }
0xbe: {  	s0 =	sor.u32 s1, s0  }
0xbf: {  	s0 =	sadd.s32 $0x8F2B, s0  }
0xc0: {  	[sflag:s0] =	ssyncadd.remote.s32 $0x1  }
0xc1: {  	_ =	sfence.sel $0xFFFF  }
0xc2: {  	[dreg:$0x0] =	wrdreg $0xFFFFFFFF;
	(pc) =	sbr.abs _section_cstart, $3  }
0xc3: {  	[dreg:$0x1] =	wrdreg $0xFFFFFFFF  }
0xc4: {  	_ =	task.clear_ibuf [dreg:s8], $0x2FFFF;
	_ =	strace $0x9FFFFFFF  }
0xc5: {  	(tm) =	ssettm $0x7FFFFFFF  }
tec
execute0_lowered:
.L_overlay_start_1:
0x0: {  	(tag) =	ssettag $0x1  }
0x1: {  	s0 =	rddreg [dreg:$0x0]  }
0x2: {  	s3 =	rddreg [dreg:$0x3];
	s4 =	simm.s32 $0x0;
	s1 =	srdreg.scid  }
0x3: {  	s17 =	stileid.u32;
	s28 =	simm.s32 $0x3;
	s29 =	simm.s32 $0x9B80  }
0x4: {  	s30 =	simm.s32 $0x200;
	s31 =	simm.s32 $0x280;
	[smem:$0x7FF] =	sst s4  }
0x5: {  	s6 =	sadd.s32 $0xAE00, s0;
	s7 =	sadd.s32 $0xA7200, s0;
	s1 =	sand.u32 $0x1, s1  }
0x6: {  	s8 =	sadd.s32 $0xA00, s0;
	s5 =	smul.u32 $0x4F000, s17;
	s11 =	sadd.s32 $0x16AE00, s0  }
0x7: {  	s0 =	sadd.s32 $0x143600, s0;
	s12 =	sshll.u32 s17, $0x1;
	s24 =	smul.u32 $0x2700, s17  }
0x8: {  	s14 =	sadd.s32 $0x138000, s3;
	s25 =	smul.u32 $0x4E000, s17;
	p0 =	sne.s32 s17, $0xF  }
0x9: {  	_ =	strace $0x80000047;
	s2 =	ssub.s32 $0x2, s1;
	s10 =	sor.u32 s1, s12  }
0xa: {  	s13 =	smul.u32 $0x4E2000, s1;
	[dreg:$0x6] =	wrdreg s14;
	s15 =	sshll.u32 s1, $0x6  }
0xb: {  	s9 =	sshrl.u32 s2, $0x1;
	s5 =	sshrl.u32 s5, $0x2;
	s10 =	smul.u32 $0x28B0, s10  }
0xc: {  	s2 =	ssub.s32 s2, s9;
	s9 =	sadd.s32 s5, s3;
	s5 =	sshrl.u32 s13, $0x3  }
0xd: {  	s13 =	sshll.u32 s1, $0x2;
	s12 =	sadd.s32 $0x13800, s9;
	s5 =	sadd.s32 s11, s5  }
0xe: {  	s14 =	sor.u32 $0x1, s13;
	s13 =	sor.u32 $0x2, s13;
	s2 =	smax.u32 s2, $0x1  }
0xf: {  	[dreg:$0x5] =	wrdreg s12;
	s18 =	sshll.u32 s14, $0x4;
	s14 =	smul.u32 $0x138800, s14  }
0x10: {  	s12 =	sor.u32 s17, s15;
	s20 =	sshll.u32 s13, $0x4;
	s13 =	smul.u32 $0x138800, s13  }
0x11: {  	s5 =	sadd.s32 $0x27000, s5;
	s15 =	sshllo.u32 s1, $0x2;
	s1 =	smul.u32 $0x9C400, s1  }
0x12: {  	[dreg:$0xf] =	wrdreg s2;
	s16 =	smul.u32 $0x4F0, s12;
	s12 =	sor.u32 s17, s18  }
0x13: {  	s2 =	simm.s32 $0x3C00;
	[dreg:$0x7] =	wrdreg s5;
	s19 =	smul.u32 $0x4F0, s12  }
0x14: {  	s12 =	sor.u32 s17, s20;
	s14 =	sshrl.u32 s14, $0x3;
	s13 =	sshrl.u32 s13, $0x3  }
0x15: {  	s1 =	sadd.s32 s1, s11;
	s5 =	sadd.s32 s0, s16;
	s12 =	smul.u32 $0x4F0, s12  }
0x16: {  	s16 =	sshll.u32 s15, $0x4;
	s14 =	sadd.s32 s11, s14;
	s15 =	smul.u32 $0x138800, s15  }
0x17: {  	s22 =	sadd.s32 s11, s13;
	s13 =	simm.s32 $0x380;
	[dreg:$0x8] =	wrdreg s5  }
0x18: {  	s16 =	sor.u32 s17, s16;
	s14 =	sadd.s32 $0x27000, s14;
	s5 =	sadd.s32 s0, s19  }
0x19: {  	s17 =	simm.s32 $0x7400;
	[dreg:$0x9] =	wrdreg s14;
	s21 =	smul.u32 $0x4F0, s16  }
0x1a: {  	[dreg:$0xa] =	wrdreg s5;
	s12 =	sadd.s32 s0, s12;
	s23 =	sshrl.u32 s15, $0x3  }
0x1b: {  	s5 =	sadd.s32 $0x27000, s22;
	s22 =	sadd.s32 s24, s1;
	s14 =	simm.s32 $0x400  }
0x1c: {  	s15 =	simm.s32 $0x1;
	s16 =	simm.s32 $0x2;
	[dreg:$0xb] =	wrdreg s12  }
0x1d: {  	s12 =	sadd.s32 s11, s23;
	[dreg:$0xd] =	wrdreg s5;
	s24 =	sadd.s32 $0x27100, s22  }
0x1e: {  	s5 =	simm.s32 $0x70;
	s11 =	simm.s32 $0x0;
	s0 =	sadd.s32 s0, s21  }
0x1f: {  	s26 =	sadd.s32 $0x27000, s12;
	[dreg:$0xc] =	wrdreg s0;
	s0 =	sshrl.u32 s25, $0x2  }
0x20: {  	[dreg:$0xe] =	wrdreg s26;
	s25 =	sadd.s32 $0x4E200, s22;
	s0 =	sadd.s32 s0, s3  }
0x21: {  	v0 =	vimm.f32 $0.0e+00;
	s26 =	sadd.s32 $0x75300, s22;
	[dreg:$0x10] =	wrdreg s0;
	s0 =	simm.s32 $0x300  }
.LBB2_1:
0x22: {  	[dreg:$0x11] =	wrdreg s11  }
0x23: {  	s1 =	rddreg [dreg:$0x2]  }
0x24: {  	[tilespmem:s4], [sflag:$0x3] =	stream.linear.gather [hbm4b:s1+s4], $0x200, $0x38;
	[tilespmem:$0x1DF80] =	vst v63  }
0x25: {  	_ =	swait.ge [sflag:s28], $0x200  }
0x26: {  	[sflag:s28] =	ssyncset.done $0x0  }
0x27: {  	s11 =	simm.s32 $0x200;
	s1 =	simm.s32 $0x0;
	[sflag:s28] =	ssyncadd.s32 $0xFFFFFE00  }
.LBB2_2:
0x28: {  	p1 =	sne.s32 s11, $0x1E00;
	[tilespmem:s1+$0x9BF0] =	vst v0  }
0x29: {  	[tilespmem:s1+$0x9B80] =	vst v0  }
0x2a: {  	[tilespmem:s1+$0x9B90] =	vst v0  }
.Ltmp0:
0x2b: {  	[tilespmem:s1+$0x9BA0] =	vst v0;
	(pc) =	sbr.rel @p1 .LBB2_2-.Ltmp0, $4  }
0x2c: {  	[tilespmem:s1+$0x9BB0] =	vst v0  }
0x2d: {  	[tilespmem:s1+$0x9BC0] =	vst v0  }
0x2e: {  	[tilespmem:s1+$0x9BD0] =	vst v0  }
0x2f: {  	[tilespmem:s1+$0x9BE0] =	vst v0;
	s1 =	sshra.s32 s11, $0x2;
	s11 =	sadd.s32 $0x200, s11  }
0x30: {  	[tilespmem:s1+$0x9BF0] =	vst v0  }
0x31: {  	[tilespmem:s1+$0x9B80] =	vst v0  }
0x32: {  	[tilespmem:s1+$0x9B90] =	vst v0  }
0x33: {  	[tilespmem:s1+$0x9BA0] =	vst v0  }
0x34: {  	[tilespmem:s1+$0x9BB0] =	vst v0  }
0x35: {  	[tilespmem:s1+$0x9BC0] =	vst v0  }
0x36: {  	[tilespmem:s1+$0x9BD0] =	vst v0  }
0x37: {  	[tilespmem:s1+$0x9BE0] =	vst v0;
	v1 =	vimm.s32 $0x0  }
0x38: {  	s23 =	sadd.s32 $0x0, s9;
	[tilespmem:$0x370] =	vst v1  }
0x39: {  	[spmem:s23] =	stream.linear.scatter [tilespmem:s29], [sflag:$0x3], $0x800, $0x38;
	[tilespmem:$0x1DF80] =	vst v63  }
0x3a: {  	s1 =	simm.s32 $0x2000;
	_ =	swait.ge [sflag:s28], $0x800  }
.LBB2_4:
0x3b: {  	s11 =	sshra.s32 s1, $0x2;
	[sflag:s28] =	ssyncset.done $0x0;
	p1 =	sne.s32 s1, $0x4C000  }
.Ltmp1:
0x3c: {  	s11 =	sadd.s32 s11, s9;
	[sflag:s28] =	ssyncadd.s32 $0xFFFFF800;
	(pc) =	sbr.rel @p1 .LBB2_4-.Ltmp1, $3  }
0x3d: {  	[spmem:s11] =	stream.linear.scatter [tilespmem:s29], [sflag:$0x3], $0x800, $0x38;
	[tilespmem:$0x1DF80] =	vst v63  }
0x3e: {  	s1 =	sadd.s32 $0x2000, s1;
	_ =	sdelay $0x1  }
0x3f: {  	_ =	swait.ge [sflag:s28], $0x800  }
0x40: {  	[sflag:s28] =	ssyncset.done $0x0  }
0x41: {  	s1 =	rddreg [dreg:$0x5];
	[sflag:s28] =	ssyncadd.s32 $0xFFFFF800  }
0x42: {  	[spmem:s1] =	stream.linear.scatter [tilespmem:s29], [sflag:$0x3], $0x400, $0x38;
	[tilespmem:$0x1DF80] =	vst v63  }
0x43: {  	_ =	swait.ge [sflag:s28], $0x400  }
0x44: {  	[sflag:s28] =	ssyncset.done $0x0  }
0x45: {  	s1 =	simm.s32 $0x7420;
	[sflag:s28] =	ssyncadd.s32 $0xFFFFFC00  }
0x46: {  	[tilespmem:s1+$0xFFFFFFE0] =	vst v0  }
0x47: {  	[tilespmem:s1+$0x10] =	vst v0  }
0x48: {  	s11 =	simm.s32 $0x0;
	[tilespmem:s1+$0x0] =	vst v0  }
.LBB2_6:
0x49: {  	s11 =	sadd.s32 $0x4, s11  }
0x4a: {  	[tilespmem:s1+$0xFFFFFFF0] =	vst v0;
	s1 =	sadd.s32 $0x40, s1;
	p1 =	slt.u32 s11, $0x274  }
.Ltmp2:
0x4b: {  	[tilespmem:s1+$0xFFFFFFE0] =	vst v0;
	(pc) =	sbr.rel @p1 .LBB2_6-.Ltmp2, $3  }
0x4c: {  	_ =	sdelay $0x1  }
0x4d: {  	[tilespmem:s1+$0x10] =	vst v0  }
0x4e: {  	[tilespmem:s1+$0x0] =	vst v0  }
0x4f: {  	[tilespmem:s1+$0xFFFFFFF0] =	vst v0  }
0x50: {  	s19 =	simm.s32 $0x0;
	s20 =	simm.s32 $0x0;
	[bflag:$0x0] =	sbarrier.arrive $0xFFFF  }
.LBB2_8:
0x51: {  	s1 =	smul.u32 $0x70, s20;
	_ =	sdelay $0x1  }
0x52: {  	s1 =	sadd.s32 s10, s1  }
0x53: {  	s11 =	rddreg [dreg:$0x1];
	s1 =	sshrl.u32 s1, $0x3  }
0x54: {  	s11 =	sadd.s32 s11, s1  }
0x55: {  	[tilespmem:s30], [sflag:$0x3] =	stream.linear.gather [hbm4b:s11+s19], $0x70, $0x38;
	[tilespmem:$0x1DF80] =	vst v63  }
0x56: {  	_ =	swait.ge [sflag:s28], $0x70  }
0x57: {  	[sflag:s28] =	ssyncset.done $0x0  }
0x58: {  	s1 =	sadd.s32 s8, s1;
	[sflag:s28] =	ssyncadd.s32 $0xFFFFFF90  }
0x59: {  	[tilespmem:s31], [sflag:$0x3] =	stream.linear.gather [hbm4b:s1+s19], $0x70, $0x38;
	[tilespmem:$0x1DF80] =	vst v63  }
0x5a: {  	_ =	swait.ge [sflag:s28], $0x70  }
0x5b: {  	[sflag:s28] =	ssyncset.done $0x0  }
0x5c: {  	[sflag:s28] =	ssyncadd.s32 $0xFFFFFF90  }
0x5d: {  	[tilespmem:s0], [sflag:$0x3] =	stream.linear.gather [hbm4b:s1+s19], $0x70, $0x38;
	[tilespmem:$0x1DF80] =	vst v63  }
0x5e: {  	_ =	swait.ge [sflag:s28], $0x70  }
0x5f: {  	[sflag:s28] =	ssyncset.done $0x0  }
0x60: {  	s1 =	simm.s32 $0x0;
	[sflag:s28] =	ssyncadd.s32 $0xFFFFFF90  }
0x61: {  	v2 =	vld [tilespmem:s1+$0x280]  }
0x62: {  	s11 =	simm.s32 $0x40  }
.LBB2_9:
0x63: {  	p1 =	sne.s32 s11, $0x180  }
.Ltmp3:
0x64: {  	_ = 	snop;
	(pc) =	sbr.rel @p1 .LBB2_9-.Ltmp3, $4  }
0x65: {  	_ = 	snop  }
0x66: {  	s12 =	sshra.s32 s11, $0x2;
	s11 =	sadd.s32 $0x40, s11;
	vm0 =	vlt.s32 v2, $0x270F  }
0x67: {  	v3 =	vnsel vm0, $0x270F, v2;
	v2 =	vld [tilespmem:s12+$0x280]  }
0x68: {  	[tilespmem:s1+$0x380] =	vst v3;
	s1 =	smov.u32 s12  }
0x69: {  	_ =	sdelay $0x2  }
0x6a: {  	vm0 =	vlt.s32 v2, $0x270F  }
0x6b: {  	v2 =	vnsel vm0, $0x270F, v2  }
0x6c: {  	[tilespmem:s1+$0x380] =	vst v2  }
0x6d: {  	[tilespmem:s2], [sflag:$0x1] =	stream.indirect.gather [hbm4b:s6+s5], $0x80, s30, s5, $0xb8;
	[tilespmem:$0x1DF80] =	vst v63  }
0x6e: {  	_ = 	snop  }
0x6f: {  	[tilespmem:s14], [sflag:$0x2] =	stream.indirect.gather [hbm4b:s7+s5], $0x80, s13, s5, $0xb8;
	[tilespmem:$0x1DF80] =	vst v63  }
0x70: {  	_ =	swait.ge [sflag:s15], $0x3800  }
0x71: {  	[sflag:s15] =	ssyncset.done $0x0  }
0x72: {  	[sflag:s15] =	ssyncadd.s32 $0xFFFFC800  }
0x73: {  	_ =	swait.ge [sflag:s16], $0x3800  }
0x74: {  	[sflag:s16] =	ssyncset.done $0x0  }
0x75: {  	[sflag:s16] =	ssyncadd.s32 $0xFFFFC800  }
0x76: {  	v3 =	vld [tilespmem:$0x40]  }
0x77: {  	v23 =	vld [tilespmem:$0x30]  }
0x78: {  	v17 =	vld [tilespmem:$0x20]  }
0x79: {  	v12 =	vld [tilespmem:$0x10]  }
0x7a: {  	s12 =	simm.s32 $0x3D00;
	v11 =	vld [tilespmem:$0x0]  }
0x7b: {  	s11 =	simm.s32 $0x500;
	v32 =	vld [tilespmem:s12+$0x80]  }
0x7c: {  	v2 =	vld [tilespmem:s11+$0x80]  }
0x7d: {  	v31 =	vld [tilespmem:s12+$0x90]  }
0x7e: {  	v4 =	vld [tilespmem:s11+$0x90]  }
0x7f: {  	v29 =	vld [tilespmem:s12+$0xA0]  }
0x80: {  	v5 =	vld [tilespmem:s11+$0xA0]  }
0x81: {  	v26 =	vld [tilespmem:s12+$0xB0]  }
0x82: {  	v6 =	vld [tilespmem:s11+$0xB0]  }
0x83: {  	v25 =	vld [tilespmem:s12+$0xC0]  }
0x84: {  	v8 =	vld [tilespmem:s11+$0xC0];
	v2 =	vadd.f32 v2, v32  }
0x85: {  	v27 =	vld [tilespmem:s12+$0xD0]  }
0x86: {  	v9 =	vld [tilespmem:s11+$0xD0];
	v4 =	vadd.f32 v4, v31;
	v7 =	vmul.f32 $2.000000030e-01, v2  }
0x87: {  	v28 =	vld [tilespmem:s12+$0xE0]  }
0x88: {  	v10 =	vld [tilespmem:s11+$0xE0];
	v5 =	vadd.f32 v5, v29;
	v2 =	vmax.f32 v2, v7;
	v7 =	vmul.f32 $2.000000030e-01, v4  }
0x89: {  	v30 =	vld [tilespmem:s12+$0xF0];
	v2 =	vmul.f32 v2, v11  }
0x8a: {  	v21 =	vld [tilespmem:$0x50];
	v6 =	vadd.f32 v6, v26;
	v4 =	vmax.f32 v4, v7;
	v7 =	vmul.f32 $2.000000030e-01, v5  }
0x8b: {  	v14 =	vld [tilespmem:s11+$0xFFFFFF00];
	v2 =	vadd.f32 $0.0e+00, v2;
	v4 =	vmul.f32 v4, v12  }
0x8c: {  	v19 =	vld [tilespmem:$0x60];
	v8 =	vadd.f32 v8, v25;
	v5 =	vmax.f32 v5, v7;
	v7 =	vmul.f32 $2.000000030e-01, v6  }
0x8d: {  	v2 =	vadd.f32 v4, v2;
	v4 =	vmul.f32 v5, v17;
	v5 =	vld [tilespmem:s11+$0xF0]  }
0x8e: {  	v20 =	vld [tilespmem:$0x70];
	v9 =	vadd.f32 v9, v27;
	v6 =	vmax.f32 v6, v7;
	v7 =	vmul.f32 $2.000000030e-01, v8  }
0x8f: {  	v15 =	vld [tilespmem:s11+$0x0];
	v2 =	vadd.f32 v4, v2;
	v6 =	vmul.f32 v6, v23  }
0x90: {  	v16 =	vld [tilespmem:s11+$0xFFFFFF10];
	v10 =	vadd.f32 v10, v28;
	v7 =	vmax.f32 v8, v7;
	v8 =	vmul.f32 $2.000000030e-01, v9  }
0x91: {  	v18 =	vld [tilespmem:s11+$0xFFFFFF90];
	v2 =	vadd.f32 v6, v2;
	v6 =	vmul.f32 v7, v3  }
0x92: {  	v13 =	vld [tilespmem:s12+$0x10];
	v7 =	vmax.f32 v9, v8;
	v8 =	vmul.f32 $2.000000030e-01, v10;
	v5 =	vadd.f32 v5, v30  }
0x93: {  	v4 =	vld [tilespmem:s12+$0xFFFFFF80];
	v2 =	vadd.f32 v6, v2;
	v6 =	vmul.f32 v7, v21  }
0x94: {  	v9 =	vld [tilespmem:s11+$0xFFFFFF80];
	v8 =	vmax.f32 v10, v8;
	v10 =	vmul.f32 $2.000000030e-01, v5  }
0x95: {  	v7 =	vld [tilespmem:s12+$0x0];
	v6 =	vadd.f32 v6, v2;
	v8 =	vmul.f32 v8, v19  }
0x96: {  	v2 =	vld [tilespmem:s12+$0xFFFFFF00];
	v10 =	vmax.f32 v5, v10  }
0x97: {  	v5 =	vld [tilespmem:s12+$0xFFFFFF10];
	v8 =	vadd.f32 v8, v6;
	v10 =	vmul.f32 v10, v20  }
0x98: {  	v6 =	vld [tilespmem:s12+$0xFFFFFF90];
	[tilespmem:$0x1FFE0] =	vst v13  }
0x99: {  	v1 =	vld [tilespmem:s12+$0x20];
	v8 =	vadd.f32 v10, v8  }
0x9a: {  	v22 =	vld [tilespmem:s11+$0x10]  }
0x9b: {  	v9 =	vadd.f32 v9, v4;
	v24 =	vld [tilespmem:s11+$0xFFFFFF20];
	(xrf2) =	vadd.scan.msk.f32 $0xffff, v8  }
0x9c: {  	v36 =	vld [tilespmem:s11+$0xFFFFFFA0]  }
0x9d: {  	v15 =	vadd.f32 v15, v7;
	v33 =	vmul.f32 $2.000000030e-01, v9;
	v10 =	vld [tilespmem:s12+$0xFFFFFFA0]  }
0x9e: {  	v8 =	vld [tilespmem:s12+$0xFFFFFF20];
	[tilespmem:$0x1FFF0] =	vst v1  }
0x9f: {  	v34 =	vadd.f32 v14, v2;
	v35 =	vmul.f32 $2.000000030e-01, v15;
	v9 =	vmax.f32 v9, v33;
	v46 =	vld [tilespmem:s11+$0x20]  }
0xa0: {  	v16 =	vadd.f32 v16, v5;
	v37 =	vmul.f32 v9, v11;
	v9 =	vld [tilespmem:s12+$0xFFFFFF30]  }
0xa1: {  	v45 =	vmul.f32 $2.000000030e-01, v34;
	v15 =	vmax.f32 v15, v35;
	v18 =	vadd.f32 v18, v6;
	v38 =	vld [tilespmem:s11+$0xFFFFFF30]  }
0xa2: {  	v47 =	vmul.f32 $2.000000030e-01, v16;
	v15 =	vmul.f32 v15, v11;
	v41 =	vld [tilespmem:s11+$0xFFFFFFB0]  }
0xa3: {  	v22 =	vadd.f32 v22, v13;
	v33 =	vmax.f32 v34, v45;
	v48 =	vmul.f32 $2.000000030e-01, v18;
	v49 =	vld [tilespmem:s11+$0x30]  }
0xa4: {  	v36 =	vadd.f32 v36, v10;
	v51 =	vld [tilespmem:s11+$0xFFFFFF40];
	v33 =	vmul.f32 v33, v11;
	v16 =	vmax.f32 v16, v47  }
0xa5: {  	v54 =	vld [tilespmem:s11+$0xFFFFFFC0];
	v42 =	vadd.f32 $0.0e+00, v15;
	v40 =	vmul.f32 v16, v12;
	v24 =	vadd.f32 v24, v8;
	v39, _, _ =	vpop (xrf2)  }
0xa6: {  	v56 =	vld [tilespmem:s11+$0x40];
	v15 =	vmax.f32 v18, v48;
	v18 =	vmul.f32 $2.000000030e-01, v22;
	v39 =	vmul.f32 $1.442695020e+00, v39  }
0xa7: {  	v11 =	vld [tilespmem:s12+$0xFFFFFFB0];
	v52 =	vmul.f32 $2.000000030e-01, v36;
	v33 =	vadd.f32 $0.0e+00, v33;
	v50 =	vmul.f32 v15, v12  }
0xa8: {  	v37 =	vadd.f32 $0.0e+00, v37;
	v60 =	vld [tilespmem:s11+$0xFFFFFF50];
	v43 =	vmul.f32 $2.000000030e-01, v24;
	v39 =	vbroadcast v39, $0xF  }
0xa9: {  	v16 =	vld [tilespmem:s12+$0x30];
	v18 =	vmax.f32 v22, v18;
	v36 =	vmax.f32 v36, v52;
	v33 =	vadd.f32 v40, v33  }
0xaa: {  	v15 =	vld [tilespmem:s12+$0xFFFFFF40];
	v22 =	vadd.f32 v46, v1;
	v37 =	vadd.f32 v50, v37;
	(erf) = vpow2.f32 v39  }
0xab: {  	v63 =	vld [tilespmem:s11+$0xFFFFFFD0];
	v18 =	vmul.f32 v18, v12;
	v38 =	vadd.f32 v38, v9;
	v57 =	vmul.f32 v36, v17  }
0xac: {  	v47 =	vld [tilespmem:s11+$0x50];
	v24 =	vmax.f32 v24, v43;
	v41 =	vadd.f32 v41, v11;
	v53 =	vmul.f32 $2.000000030e-01, v22  }
0xad: {  	v12 =	vld [tilespmem:s12+$0xFFFFFFC0];
	v24 =	vmul.f32 v24, v17;
	v42 =	vadd.f32 v18, v42;
	v55 =	vmul.f32 $2.000000030e-01, v38  }
0xae: {  	v52 =	vld [tilespmem:s11+$0xFFFFFFE0];
	v34 =	vadd.f32 v49, v16;
	v59 =	vmul.f32 $2.000000030e-01, v41;
	v22 =	vmax.f32 v22, v53  }
0xaf: {  	v50 =	vld [tilespmem:s11+$0xFFFFFF60];
	v35 =	vadd.f32 v51, v15;
	v58 =	vmul.f32 v22, v17;
	v17 =	vmax.f32 v38, v55  }
0xb0: {  	v18 =	vld [tilespmem:s12+$0x40];
	v24 =	vadd.f32 v24, v33;
	v38 =	vmax.f32 v41, v59;
	v61 =	vmul.f32 v17, v23  }
0xb1: {  	v33 =	vadd.f32 v57, v37;
	v62 =	vmul.f32 $2.000000030e-01, v34;
	v41 =	vld [tilespmem:s12+$0xFFFFFFE0];
	v38 =	vmul.f32 v38, v23  }
0xb2: {  	v44 =	vmul.f32 $2.000000030e-01, v35;
	v46 =	vadd.f32 v54, v12;
	v37 =	vadd.f32 v61, v24;
	v24 =	vld [tilespmem:s12+$0x50]  }
0xb3: {  	v34 =	vmax.f32 v34, v62;
	v36 =	vadd.f32 v58, v42;
	v38 =	vadd.f32 v38, v33;
	v33 =	vld [tilespmem:s12+$0xFFFFFF60];
	v45 =	vpop (erf)  }
0xb4: {  	v22 =	vld [tilespmem:s12+$0xFFFFFF50];
	v23 =	vmul.f32 v34, v23;
	v48 =	vmax.f32 v35, v44;
	v32 =	vmul.f32 v45, v32  }
0xb5: {  	v17 =	vld [tilespmem:s12+$0xFFFFFFD0];
	v49 =	vmul.f32 $2.000000030e-01, v46;
	v51 =	vadd.f32 v56, v18;
	v31 =	vmul.f32 v45, v31  }
0xb6: {  	v23 =	vadd.f32 v23, v36;
	v36 =	vadd.f32 v52, v41;
	v29 =	vmul.f32 v45, v29;
	[tilespmem:s12+$0x80] =	vst v32  }
0xb7: {  	v34 =	vmul.f32 v48, v3;
	v55 =	vadd.f32 v47, v24;
	v25 =	vmul.f32 v45, v25;
	[tilespmem:s12+$0x90] =	vst v31  }
0xb8: {  	v43 =	vld [tilespmem:s12+$0xFFFFFF70];
	v62 =	vmul.f32 $2.000000030e-01, v36;
	v56 =	vadd.f32 v50, v33;
	v26 =	vmul.f32 v45, v26;
	[tilespmem:s12+$0xA0] =	vst v29  }
0xb9: {  	v57 =	vmul.f32 $2.000000030e-01, v55;
	v31 =	vadd.f32 v60, v22;
	[tilespmem:s12+$0xC0] =	vst v25;
	v25 =	vmul.f32 v45, v28;
	v28 =	vld [tilespmem:s11+$0xFFFFFF70]  }
0xba: {  	v42 =	vld [tilespmem:s12+$0xFFFFFFF0];
	v53 =	vadd.f32 v63, v17;
	v59 =	vmul.f32 $2.000000030e-01, v56;
	[tilespmem:s12+$0xB0] =	vst v26;
	v26 =	vmul.f32 v45, v27  }
0xbb: {  	v29 =	vmul.f32 $2.000000030e-01, v51;
	v27 =	vmax.f32 v46, v49;
	v54 =	vmul.f32 $2.000000030e-01, v31;
	[tilespmem:s12+$0xE0] =	vst v25;
	v25 =	vld [tilespmem:s11+$0xFFFFFFF0]  }
0xbc: {  	v32 =	vmax.f32 v56, v59;
	[tilespmem:s12+$0xD0] =	vst v26;
	v26 =	vmul.f32 v45, v30;
	v30 =	vmul.f32 $2.000000030e-01, v53  }
0xbd: {  	v61 =	vld [tilespmem:s11+$0x60];
	v34 =	vadd.f32 v34, v37;
	v27 =	vmul.f32 v27, v3;
	v32 =	vmul.f32 v32, v19  }
0xbe: {  	v47 =	vld [tilespmem:s11+$0x70];
	v31 =	vmax.f32 v31, v54;
	v30 =	vmax.f32 v53, v30;
	v60 =	vadd.f32 v28, v43  }
0xbf: {  	[tilespmem:s12+$0xF0] =	vst v26;
	v26 =	vadd.f32 v27, v38;
	v27 =	vld [tilespmem:s12+$0x60];
	v31 =	vmul.f32 v31, v21;
	v30 =	vmul.f32 v30, v21  }
0xc0: {  	v29 =	vmax.f32 v51, v29;
	v28 =	vld [tilespmem:s12+$0x70];
	v63 =	vmul.f32 $2.000000030e-01, v60;
	v25 =	vadd.f32 v25, v42  }
0xc1: {  	v31 =	vadd.f32 v31, v34;
	v26 =	vadd.f32 v30, v26;
	v30 =	vmax.f32 v36, v62  }
0xc2: {  	s21 =	simm.s32 $0x3F00;
	v30 =	vmul.f32 v30, v19;
	v34 =	vmax.f32 v60, v63;
	v48 =	vmul.f32 $2.000000030e-01, v25  }
0xc3: {  	v40 =	vld [tilespmem:s21+$0xF0];
	v3 =	vmul.f32 v29, v3;
	v29 =	vadd.f32 v32, v31;
	v31 =	vmul.f32 v34, v20  }
0xc4: {  	v44 =	vld [tilespmem:$0x0];
	v49 =	vadd.f32 v61, v27;
	v30 =	vadd.f32 v30, v26;
	v25 =	vmax.f32 v25, v48  }
0xc5: {  	v39 =	vld [tilespmem:s21+$0xE0];
	v35 =	vadd.f32 v47, v28;
	v29 =	vadd.f32 v31, v29;
	v25 =	vmul.f32 v25, v20  }
0xc6: {  	v37 =	vld [tilespmem:s21+$0x90];
	s11 =	simm.s32 $0x700;
	v3 =	vadd.f32 v3, v23;
	v50 =	vmul.f32 $2.000000030e-01, v49;
	v31 =	vmax.f32 v55, v57  }
0xc7: {  	v51 =	vld [tilespmem:s11+$0xB0];
	v31 =	vmul.f32 v31, v21;
	v25 =	vadd.f32 v25, v30;
	(xrf2) =	vadd.scan.msk.f32 $0xffff, v29;
	v30 =	vmul.f32 $2.000000030e-01, v35  }
0xc8: {  	s18 =	simm.s32 $0x302;
	v54 =	vld [tilespmem:s11+$0xC0];
	v29 =	vmax.f32 v49, v50  }
0xc9: {  	v58 =	vld [tilespmem:s18+$0x1];
	v3 =	vadd.f32 v31, v3;
	v29 =	vmul.f32 v29, v19;
	(xrf2) =	vadd.scan.msk.f32 $0xffff, v25;
	v25 =	vmax.f32 v35, v30  }
0xca: {  	v20 =	vmul.f32 v25, v20;
	v25 =	vld [tilespmem:s21+$0x80]  }
0xcb: {  	v3 =	vadd.f32 v29, v3;
	v29 =	vld [tilespmem:s11+$0x80]  }
0xcc: {  	v38 =	vld [tilespmem:s21+$0xD0]  }
0xcd: {  	v36 =	vld [tilespmem:s21+$0xC0]  }
0xce: {  	v3 =	vadd.f32 v20, v3;
	v20 =	vld [tilespmem:s11+$0x90]  }
0xcf: {  	v35 =	vld [tilespmem:s21+$0xA0]  }
0xd0: {  	(xrf2) =	vadd.scan.msk.f32 $0xffff, v3;
	v3 =	vld [tilespmem:s11+$0xA0];
	v31 =	vadd.f32 v29, v25  }
0xd1: {  	[tilespmem:v58+s17+$0x0] =	vst.idx.add.f32.msk $0x1, v45;
	v30, _, _ =	vpop (xrf2)  }
0xd2: {  	v48 =	vadd.f32 v54, v36;
	v29 =	vld [tilespmem:s21+$0xB0];
	v53 =	vmul.f32 $2.000000030e-01, v31;
	v30 =	vmul.f32 $1.442695020e+00, v30  }
0xd3: {  	v19 =	vld [tilespmem:$0x10];
	v20 =	vadd.f32 v20, v37  }
0xd4: {  	v58 =	vld [tilespmem:s11+$0xE0];
	v61 =	vmul.f32 $2.000000030e-01, v48;
	v52, _, _ =	vpop (xrf2);
	v31 =	vmax.f32 v31, v53;
	v30 =	vbroadcast v30, $0xF  }
0xd5: {  	v21 =	vld [tilespmem:$0x20];
	v55 =	vmul.f32 $2.000000030e-01, v20;
	v3 =	vadd.f32 v3, v35;
	v34 =	vmul.f32 $1.442695020e+00, v52  }
0xd6: {  	(erf) = vpow2.f32 v30;
	v30 =	vmul.f32 v31, v44;
	v31 =	vld [tilespmem:s11+$0xD0]  }
0xd7: {  	v23 =	vld [tilespmem:$0x30];
	v32 =	vadd.f32 v51, v29;
	v20 =	vmax.f32 v20, v55;
	v56 =	vmul.f32 $2.000000030e-01, v3  }
0xd8: {  	v50 =	vld [tilespmem:s11+$0xF0];
	v57 =	vbroadcast v34, $0xF;
	v20 =	vmul.f32 v20, v19;
	v30 =	vadd.f32 $0.0e+00, v30  }
0xd9: {  	v26 =	vld [tilespmem:$0x40];
	v47 =	vadd.f32 v58, v39;
	v60 =	vmul.f32 $2.000000030e-01, v32;
	v3 =	vmax.f32 v3, v56  }
0xda: {  	v63 =	vld [tilespmem:s11+$0xFFFFFF00];
	v59, _, _ =	vpop (xrf2);
	v3 =	vmul.f32 v3, v21;
	(erf) = vpow2.f32 v57;
	v20 =	vadd.f32 v20, v30  }
0xdb: {  	v34 =	vld [tilespmem:$0x50];
	v49 =	vmul.f32 $1.442695020e+00, v59;
	v30 =	vmax.f32 v32, v60;
	v62 =	vadd.f32 v31, v38  }
0xdc: {  	v32 =	vmax.f32 v48, v61;
	v61 =	vld [tilespmem:s11+$0xFFFFFF80];
	v30 =	vmul.f32 v30, v23;
	v20 =	vadd.f32 v3, v20  }
0xdd: {  	v50 =	vadd.f32 v50, v40;
	v31 =	vld [tilespmem:$0x60];
	v49 =	vbroadcast v49, $0xF;
	v59 =	vmul.f32 $2.000000030e-01, v62  }
0xde: {  	v60 =	vmul.f32 $2.000000030e-01, v47;
	v51 =	vmul.f32 v32, v26;
	v3 =	vld [tilespmem:s21+$0xFFFFFF80];
	v20 =	vadd.f32 v30, v20  }
0xdf: {  	v30 =	vld [tilespmem:$0x70];
	v45 =	vmax.f32 v62, v59;
	v32 =	vpop (erf);
	(erf) = vpow2.f32 v49;
	v62 =	vmul.f32 $2.000000030e-01, v50  }
0xe0: {  	v54 =	vld [tilespmem:s11+$0xFFFFFF10];
	v20 =	vadd.f32 v51, v20;
	v45 =	vmul.f32 v45, v34;
	v51 =	vmul.f32 v32, v2  }
0xe1: {  	v53 =	vld [tilespmem:s11+$0x0];
	v47 =	vmax.f32 v47, v60;
	v52 =	vmul.f32 v32, v5;
	v22 =	vmul.f32 v32, v22  }
0xe2: {  	v2 =	vld [tilespmem:s21+$0x0];
	v48 =	vmax.f32 v50, v62;
	v5 =	vadd.f32 v45, v20;
	v20 =	vmul.f32 v47, v31  }
0xe3: {  	v59 =	vld [tilespmem:s11+$0x10];
	v50 =	vmul.f32 v32, v15;
	v49 =	vadd.f32 v61, v3;
	v47 =	vmul.f32 v32, v9  }
0xe4: {  	v9 =	vld [tilespmem:s21+$0xFFFFFF00];
	v15 =	vadd.f32 v20, v5;
	v20 =	vmul.f32 v48, v30;
	v48 =	vmul.f32 v32, v33;
	v33 =	vpop (erf)  }
0xe5: {  	v45 =	vmul.f32 v32, v8;
	v8 =	vld [tilespmem:s21+$0xFFFFFF10];
	v56 =	vmul.f32 v33, v4  }
0xe6: {  	v5 =	vld [tilespmem:s21+$0xFFFFFF90];
	v57 =	vmul.f32 v33, v6;
	v4 =	vmul.f32 $2.000000030e-01, v49  }
0xe7: {  	v58 =	vmul.f32 v33, v10;
	v10 =	vadd.f32 v53, v2;
	v6 =	vld [tilespmem:s21+$0x10];
	v15 =	vadd.f32 v20, v15  }
0xe8: {  	v55 =	vmul.f32 v32, v43;
	v53 =	vmul.f32 v33, v11;
	v20 =	vld [tilespmem:s11+$0xFFFFFF90];
	v4 =	vmax.f32 v49, v4  }
0xe9: {  	v46 =	vmul.f32 v33, v12;
	v12 =	vld [tilespmem:s21+$0xFFFFFF20];
	v11 =	vmul.f32 $2.000000030e-01, v10;
	(xrf2) =	vadd.scan.msk.f32 $0xffff, v15;
	v15 =	vadd.f32 v63, v9  }
0xea: {  	v60 =	vmul.f32 v33, v17;
	v43 =	vmul.f32 v33, v41;
	v49 =	vadd.f32 v54, v8;
	v54 =	vld [tilespmem:s11+$0xFFFFFF20]  }
0xeb: {  	v62 =	vld [tilespmem:s11+$0xFFFFFFA0];
	v61 =	vmul.f32 v4, v44;
	v10 =	vmax.f32 v10, v11;
	v17 =	vmul.f32 $2.000000030e-01, v15;
	v4 =	vpop (erf)  }
0xec: {  	v11 =	vld [tilespmem:s21+$0xFFFFFFA0];
	v10 =	vmul.f32 v10, v44;
	v41 =	vmul.f32 v4, v7  }
0xed: {  	v14 =	vld [tilespmem:s11+$0xFFFFFF30];
	v20 =	vadd.f32 v20, v5;
	v15 =	vmax.f32 v15, v17;
	v17 =	vmul.f32 $2.000000030e-01, v49  }
0xee: {  	[tilespmem:s12+$0xFFFFFF20] =	vst v45;
	v45 =	vld [tilespmem:s11+$0xFFFFFF40];
	v13 =	vadd.f32 $0.0e+00, v10;
	v15 =	vmul.f32 v15, v44;
	v44 =	vadd.f32 v59, v6  }
0xef: {  	v7 =	vld [tilespmem:s21+$0x20];
	v54 =	vadd.f32 v54, v12;
	v59 =	vmul.f32 $2.000000030e-01, v20;
	v17 =	vmax.f32 v49, v17  }
0xf0: {  	v49 =	vld [tilespmem:s11+$0x20];
	v15 =	vadd.f32 $0.0e+00, v15;
	v63 =	vmul.f32 v17, v19;
	v10 =	vmul.f32 $2.000000030e-01, v44  }
0xf1: {  	v42 =	vmul.f32 v33, v42;
	v1 =	vmul.f32 $2.000000030e-01, v54;
	v62 =	vadd.f32 v62, v11;
	v17 =	vld [tilespmem:s21+$0xFFFFFF30]  }
0xf2: {  	[tilespmem:s12+$0xFFFFFF00] =	vst v51;
	v20 =	vmax.f32 v20, v59;
	v59 =	vadd.f32 v63, v15;
	v15 =	vld [tilespmem:s21+$0xFFFFFFB0];
	v10 =	vmax.f32 v44, v10  }
0xf3: {  	[tilespmem:s12+$0xFFFFFF10] =	vst v52;
	v61 =	vadd.f32 $0.0e+00, v61;
	v20 =	vmul.f32 v20, v19;
	v44 =	vld [tilespmem:s11+$0xFFFFFFB0];
	v19 =	vmul.f32 v10, v19  }
0xf4: {  	[tilespmem:s12+$0xFFFFFF30] =	vst v47;
	v24 =	vmul.f32 v4, v24;
	v1 =	vmax.f32 v54, v1;
	v52 =	vmul.f32 $2.000000030e-01, v62;
	v10 =	vld [tilespmem:s21+$0x30]  }
0xf5: {  	v1 =	vmul.f32 v1, v21;
	v51 =	vadd.f32 v20, v61;
	v63, _, _ =	vpop (xrf2);
	v54 =	vadd.f32 v19, v13;
	v19 =	vld [tilespmem:$0x1FFE0];
	[tilespmem:s12+$0xFFFFFF40] =	vst v50  }
0xf6: {  	v20 =	vld [tilespmem:s21+$0xFFFFFF40];
	v52 =	vmax.f32 v62, v52;
	v49 =	vadd.f32 v49, v7;
	v63 =	vmul.f32 $1.442695020e+00, v63;
	[tilespmem:s12+$0xFFFFFF50] =	vst v22  }
0xf7: {  	v27 =	vmul.f32 v4, v27;
	v61 =	vld [tilespmem:s11+$0x30];
	v1 =	vadd.f32 v1, v59;
	v22 =	vmul.f32 v52, v21;
	[tilespmem:s12+$0xFFFFFF60] =	vst v48  }
0xf8: {  	v14 =	vadd.f32 v14, v17;
	v52 =	vld [tilespmem:s11+$0x40];
	[tilespmem:s12+$0xFFFFFF70] =	vst v55;
	v13 =	vmul.f32 $2.000000030e-01, v49;
	v63 =	vbroadcast v63, $0xF  }
0xf9: {  	v44 =	vadd.f32 v44, v15;
	v51 =	vadd.f32 v22, v51;
	v22 =	vld [tilespmem:$0x1FFF0];
	[tilespmem:s12+$0xFFFFFF90] =	vst v57;
	v57 =	vmul.f32 v4, v16  }
0xfa: {  	v13 =	vmax.f32 v49, v13;
	v49 =	vld [tilespmem:s11+$0xFFFFFFC0];
	(erf) = vpow2.f32 v63;
	v63 =	vmul.f32 $2.000000030e-01, v14  }
0xfb: {  	v45 =	vadd.f32 v45, v20;
	v21 =	vmul.f32 v13, v21;
	v13 =	vld [tilespmem:s21+$0x40];
	v59 =	vmul.f32 $2.000000030e-01, v44  }
0xfc: {  	v62 =	vadd.f32 v61, v10;
	v47 =	vmul.f32 v4, v19;
	v19 =	vld [tilespmem:s21+$0xFFFFFFC0];
	v14 =	vmax.f32 v14, v63  }
0xfd: {  	[tilespmem:s12+$0xFFFFFF80] =	vst v56;
	v56 =	vld [tilespmem:s11+$0xFFFFFF50];
	v61 =	vmul.f32 $2.000000030e-01, v45;
	v44 =	vmax.f32 v44, v59;
	v14 =	vmul.f32 v14, v23  }
0xfe: {  	[tilespmem:s12+$0xFFFFFFD0] =	vst v60;
	v60 =	vld [tilespmem:s11+$0xFFFFFF60];
	v63 =	vmul.f32 $2.000000030e-01, v62;
	v16 =	vmul.f32 v44, v23  }
0xff: {  	v54 =	vadd.f32 v21, v54;
	v21 =	vld [tilespmem:s21+$0xFFFFFFD0];
	v55 =	vmul.f32 v4, v22;
	v1 =	vadd.f32 v14, v1  }
0x100: {  	v22 =	vld [tilespmem:s21+$0xFFFFFF50];
	v14 =	vmax.f32 v62, v63;
	v50 =	vadd.f32 v16, v51;
	v44 =	vadd.f32 v52, v13  }
0x101: {  	[tilespmem:s12+$0xFFFFFFA0] =	vst v58;
	v62 =	vld [tilespmem:s11+$0xFFFFFFD0];
	v49 =	vadd.f32 v49, v19;
	v16 =	vmul.f32 v14, v23;
	v23 =	vmax.f32 v45, v61  }
0x102: {  	[tilespmem:s12+$0x60] =	vst v27;
	v27 =	vmul.f32 v4, v28;
	v14 =	vld [tilespmem:s21+$0x50];
	v23 =	vmul.f32 v23, v26  }
0x103: {  	[tilespmem:s12+$0xFFFFFFB0] =	vst v53;
	v45 =	vld [tilespmem:s11+$0x50];
	v61 =	vmul.f32 $2.000000030e-01, v44;
	v52 =	vadd.f32 v16, v54;
	v58 =	vmul.f32 $2.000000030e-01, v49;
	v51 =	vpop (erf)  }
0x104: {  	[tilespmem:s12+$0xFFFFFFC0] =	vst v46;
	v1 =	vadd.f32 v23, v1;
	v23 =	vld [tilespmem:s21+$0xFFFFFFE0];
	v63 =	vmul.f32 v51, v25;
	v16 =	vmul.f32 v51, v37  }
0x105: {  	[tilespmem:s12+$0xFFFFFFE0] =	vst v43;
	v59 =	vadd.f32 v56, v22;
	v25 =	vld [tilespmem:s21+$0xFFFFFF60];
	v35 =	vmul.f32 v51, v35;
	v29 =	vmul.f32 v51, v29  }
0x106: {  	[tilespmem:s12+$0xFFFFFFF0] =	vst v42;
	v37 =	vmax.f32 v49, v58;
	v48 =	vadd.f32 v62, v21;
	v49 =	vld [tilespmem:s11+$0xFFFFFFE0];
	v62 =	vmul.f32 v51, v36  }
0x107: {  	v54 =	vmul.f32 $2.000000030e-01, v59;
	v58 =	vld [tilespmem:s11+$0x60];
	v39 =	vmul.f32 v51, v39;
	[tilespmem:s21+$0x90] =	vst v16  }
0x108: {  	v40 =	vmul.f32 v51, v40;
	v16 =	vld [tilespmem:s21+$0x60];
	[tilespmem:s21+$0xB0] =	vst v29;
	v29 =	vmul.f32 v51, v38  }
0x109: {  	v45 =	vadd.f32 v45, v14;
	[tilespmem:s21+$0x80] =	vst v63;
	v63 =	vmax.f32 v44, v61;
	v44 =	vmax.f32 v59, v54;
	v54 =	vld [tilespmem:s11+$0x70]  }
0x10a: {  	v37 =	vmul.f32 v37, v26;
	v56 =	vmul.f32 $2.000000030e-01, v48;
	[tilespmem:s21+$0xD0] =	vst v29;
	v29 =	vld [tilespmem:s21+$0xFFFFFF70]  }
0x10b: {  	[tilespmem:s21+$0xA0] =	vst v35;
	v61 =	vmul.f32 v4, v18;
	v59 =	vmul.f32 $2.000000030e-01, v45;
	v46 =	vadd.f32 v60, v25;
	v60 =	vld [tilespmem:s11+$0xFFFFFF70]  }
0x10c: {  	[tilespmem:s21+$0xC0] =	vst v62;
	v36 =	vmul.f32 v63, v26;
	v37 =	vadd.f32 v37, v50;
	v26 =	vld [tilespmem:s21+$0xFFFFFFF0];
	v44 =	vmul.f32 v44, v34  }
0x10d: {  	[tilespmem:s21+$0xE0] =	vst v39;
	v18 =	vmax.f32 v48, v56;
	v63 =	vmax.f32 v45, v59;
	v48 =	vadd.f32 v49, v23;
	v49 =	vld [tilespmem:s11+$0xFFFFFFF0]  }
0x10e: {  	s23 =	simm.s32 $0x306;
	[tilespmem:s21+$0xF0] =	vst v40;
	v36 =	vadd.f32 v36, v52;
	v52 =	vmul.f32 v18, v34;
	v18 =	vld [tilespmem:s21+$0x70];
	v1 =	vadd.f32 v44, v1  }
0x10f: {  	[tilespmem:s12+$0x0] =	vst v41;
	v43 =	vld [tilespmem:s23+$0x1];
	v34 =	vmul.f32 v63, v34;
	v62 =	vmul.f32 $2.000000030e-01, v46;
	v35 =	vadd.f32 v58, v16  }
0x110: {  	[tilespmem:s12+$0x50] =	vst v24;
	v53 =	vmul.f32 $2.000000030e-01, v48;
	v37 =	vadd.f32 v52, v37;
	v58 =	vld [tilespmem:s18+$0xFFFFFFFE];
	v39 =	vadd.f32 v60, v29  }
0x111: {  	[tilespmem:s12+$0x30] =	vst v57;
	v24 =	vadd.f32 v34, v36;
	v38 =	vmax.f32 v46, v62;
	v56 =	vmul.f32 $2.000000030e-01, v35;
	v60 =	vld [tilespmem:s18+$0xFFFFFFFF]  }
0x112: {  	[tilespmem:s12+$0x70] =	vst v27;
	v40 =	vmax.f32 v48, v53;
	v45 =	vadd.f32 v49, v26;
	v59 =	vmul.f32 $2.000000030e-01, v39  }
0x113: {  	[tilespmem:s12+$0x10] =	vst v47;
	v38 =	vmul.f32 v38, v31;
	v40 =	vmul.f32 v40, v31;
	v63 =	vadd.f32 v54, v18  }
0x114: {  	[tilespmem:s12+$0x40] =	vst v61;
	v61 =	vmax.f32 v35, v56;
	v28 =	vmul.f32 $2.000000030e-01, v45;
	v62 =	vmax.f32 v39, v59  }
0x115: {  	[tilespmem:s12+$0x20] =	vst v55;
	v1 =	vadd.f32 v38, v1;
	v34 =	vmul.f32 v61, v31;
	v35 =	vmul.f32 v62, v30  }
0x116: {  	v37 =	vadd.f32 v40, v37;
	v31 =	vld [tilespmem:s18+$0x0];
	v27 =	vmax.f32 v45, v28;
	v28 =	vmul.f32 $2.000000030e-01, v63  }
0x117: {  	[tilespmem:v43+s17+$0x0] =	vst.idx.add.f32.msk $0x1, v51;
	v27 =	vmul.f32 v27, v30;
	v1 =	vadd.f32 v35, v1  }
0x118: {  	v34 =	vadd.f32 v34, v24;
	[tilespmem:v58+s17+$0x0] =	vst.idx.add.f32.msk $0x1, v32;
	v24 =	vmax.f32 v63, v28  }
0x119: {  	s1 =	simm.s32 $0x4;
	s12 =	simm.s32 $0x306;
	s18 =	simm.s32 $0x3F00;
	v28 =	vadd.f32 v27, v37;
	v24 =	vmul.f32 v24, v30;
	[tilespmem:v60+s17+$0x0] =	vst.idx.add.f32.msk $0x1, v33;
	(xrf2) =	vadd.scan.msk.f32 $0xffff, v1  }
.LBB2_11:
0x11a: {  	_ = 	snop  }
0x11b: {  	v27 =	vld [tilespmem:$0x40];
	v1 =	vadd.f32 v24, v34;
	v24 =	vmov v31  }
0x11c: {  	v39 =	vld [tilespmem:$0x30];
	(xrf2) =	vadd.scan.msk.f32 $0xffff, v28  }
0x11d: {  	v44 =	vld [tilespmem:$0x20]  }
0x11e: {  	v45 =	vld [tilespmem:$0x10]  }
0x11f: {  	s21 =	sadd.s32 $0x200, s21;
	v46 =	vld [tilespmem:$0x0];
	(xrf2) =	vadd.scan.msk.f32 $0xffff, v1  }
0x120: {  	s11 =	sadd.s32 $0x200, s11;
	v37 =	vld [tilespmem:s21+$0x80]  }
0x121: {  	v1 =	vld [tilespmem:s11+$0x80]  }
0x122: {  	v36 =	vld [tilespmem:s21+$0x90]  }
0x123: {  	v28 =	vld [tilespmem:s11+$0x90];
	v30, _, _ =	vpop (xrf2)  }
0x124: {  	v33 =	vld [tilespmem:s21+$0xA0];
	v30 =	vmul.f32 $1.442695020e+00, v30  }
0x125: {  	v31 =	vld [tilespmem:s11+$0xA0]  }
0x126: {  	v1 =	vadd.f32 v1, v37;
	v34 =	vld [tilespmem:s21+$0xB0];
	v30 =	vbroadcast v30, $0xF;
	v32, _, _ =	vpop (xrf2)  }
0x127: {  	v35 =	vld [tilespmem:s11+$0xB0];
	v32 =	vmul.f32 $1.442695020e+00, v32  }
0x128: {  	s1 =	sadd.s32 $0x4, s1;
	v40 =	vmul.f32 $2.000000030e-01, v1;
	v28 =	vadd.f32 v28, v36;
	v38 =	vld [tilespmem:s21+$0xC0];
	(erf) = vpow2.f32 v30  }
0x129: {  	p1 =	slt.u32 s1, $0x6C;
	v30 =	vld [tilespmem:s11+$0xC0];
	v32 =	vbroadcast v32, $0xF;
	v41, _, _ =	vpop (xrf2)  }
0x12a: {  	v1 =	vmax.f32 v1, v40;
	v42 =	vmul.f32 $2.000000030e-01, v28;
	v31 =	vadd.f32 v31, v33;
	v40 =	vld [tilespmem:s21+$0xD0]  }
0x12b: {  	v41 =	vmul.f32 $1.442695020e+00, v41;
	v1 =	vmul.f32 v1, v46;
	v47 =	vld [tilespmem:s11+$0xD0]  }
0x12c: {  	v28 =	vmax.f32 v28, v42;
	v43 =	vmul.f32 $2.000000030e-01, v31;
	v48 =	vadd.f32 v35, v34;
	v42 =	vld [tilespmem:s21+$0xE0]  }
0x12d: {  	v41 =	vbroadcast v41, $0xF;
	v1 =	vadd.f32 $0.0e+00, v1;
	v28 =	vmul.f32 v28, v45;
	v49 =	vld [tilespmem:s11+$0xE0]  }
0x12e: {  	v31 =	vmax.f32 v31, v43;
	v50 =	vmul.f32 $2.000000030e-01, v48;
	v30 =	vadd.f32 v30, v38;
	v43 =	vld [tilespmem:s21+$0xF0]  }
0x12f: {  	v1 =	vadd.f32 v28, v1;
	v52 =	vmul.f32 v31, v44;
	v51 =	vld [tilespmem:s11+$0xF0];
	(erf) = vpow2.f32 v32  }
0x130: {  	v35 =	vld [tilespmem:$0x50];
	v31 =	vmax.f32 v48, v50;
	v32 =	vmul.f32 $2.000000030e-01, v30;
	v47 =	vadd.f32 v47, v40  }
0x131: {  	v48 =	vld [tilespmem:s11+$0xFFFFFF00];
	v1 =	vadd.f32 v52, v1;
	v50 =	vmul.f32 v31, v39;
	v28 =	vpop (erf);
	(erf) = vpow2.f32 v41  }
0x132: {  	v31 =	vld [tilespmem:$0x60];
	v30 =	vmax.f32 v30, v32;
	v32 =	vmul.f32 $2.000000030e-01, v47;
	v41 =	vadd.f32 v49, v42  }
0x133: {  	v9 =	vmul.f32 v28, v9;
	v49 =	vld [tilespmem:s21+$0xFFFFFF80];
	v1 =	vadd.f32 v50, v1;
	v50 =	vmul.f32 v30, v27  }
0x134: {  	v30 =	vld [tilespmem:$0x70];
	v32 =	vmax.f32 v47, v32;
	v47 =	vmul.f32 $2.000000030e-01, v41;
	v51 =	vadd.f32 v51, v43  }
0x135: {  	v8 =	vmul.f32 v28, v8;
	v52 =	vld [tilespmem:s11+$0xFFFFFF80];
	v1 =	vadd.f32 v50, v1;
	v54 =	vmul.f32 v32, v35;
	[tilespmem:s18+$0xFFFFFF00] =	vst v9  }
0x136: {  	v12 =	vmul.f32 v28, v12;
	v50 =	vld [tilespmem:s21+$0x0];
	v9 =	vmax.f32 v41, v47;
	v41 =	vmul.f32 $2.000000030e-01, v51  }
0x137: {  	v17 =	vmul.f32 v28, v17;
	v47 =	vld [tilespmem:s11+$0x0];
	v1 =	vadd.f32 v54, v1;
	v53 =	vmul.f32 v9, v31;
	[tilespmem:s18+$0xFFFFFF10] =	vst v8  }
0x138: {  	v9 =	vld [tilespmem:s21+$0xFFFFFF00];
	v54 =	vmax.f32 v51, v41;
	[tilespmem:s18+$0xFFFFFF20] =	vst v12;
	v12 =	vmul.f32 v28, v20;
	v20 =	vmul.f32 v28, v22;
	v32 =	vpop (erf)  }
0x139: {  	v8 =	vld [tilespmem:s21+$0xFFFFFF10];
	v1 =	vadd.f32 v53, v1;
	v22 =	vmul.f32 v54, v30;
	[tilespmem:s18+$0xFFFFFF30] =	vst v17;
	v17 =	vmul.f32 v28, v25  }
0x13a: {  	v25 =	vld [tilespmem:s11+$0xFFFFFF10];
	v51 =	vadd.f32 v52, v49;
	[tilespmem:s18+$0xFFFFFF40] =	vst v12;
	v12 =	vmul.f32 v28, v29;
	v29 =	vmul.f32 v32, v3;
	v41 =	vpop (erf)  }
0x13b: {  	v1 =	vadd.f32 v22, v1;
	[tilespmem:s18+$0xFFFFFF50] =	vst v20;
	v20 =	vmul.f32 v32, v5;
	v5 =	vld [tilespmem:s21+$0xFFFFFF90];
	v22 =	vmul.f32 v32, v11  }
0x13c: {  	v15 =	vmul.f32 v32, v15;
	v3 =	vmovc v49;
	v11 =	vmul.f32 $2.000000030e-01, v51;
	v52 =	vld [tilespmem:s11+$0xFFFFFF90];
	v47 =	vadd.f32 v47, v50;
	[tilespmem:s18+$0xFFFFFF60] =	vst v17  }
0x13d: {  	v17 =	vadd.f32 v48, v9;
	v48 =	vld [tilespmem:s21+$0x10];
	(xrf2) =	vadd.scan.msk.f32 $0xffff, v1;
	v1 =	vmul.f32 v32, v19;
	v19 =	vmul.f32 v32, v21  }
0x13e: {  	v23 =	vmul.f32 v32, v23;
	v11 =	vmax.f32 v51, v11;
	v21 =	vmul.f32 $2.000000030e-01, v47;
	v49 =	vld [tilespmem:s11+$0x10];
	[tilespmem:s18+$0xFFFFFF70] =	vst v12  }
0x13f: {  	v51 =	vmul.f32 $2.000000030e-01, v17;
	v25 =	vadd.f32 v25, v8;
	v12 =	vld [tilespmem:s21+$0xFFFFFF20];
	v53 =	vmul.f32 v11, v46;
	[tilespmem:s18+$0xFFFFFF80] =	vst v29  }
0x140: {  	v29 =	vld [tilespmem:s11+$0xFFFFFF20];
	v21 =	vmax.f32 v47, v21;
	[tilespmem:s18+$0xFFFFFF90] =	vst v20;
	v20 =	vmul.f32 v32, v26;
	v26 =	vmul.f32 v41, v2  }
0x141: {  	v2 =	vmovc v50;
	v17 =	vmax.f32 v17, v51;
	v47 =	vmul.f32 $2.000000030e-01, v25;
	v51 =	vadd.f32 v52, v5;
	v11 =	vld [tilespmem:s21+$0xFFFFFFA0];
	[tilespmem:s18+$0xFFFFFFA0] =	vst v22  }
0x142: {  	v22 =	vadd.f32 $0.0e+00, v53;
	v21 =	vmul.f32 v21, v46;
	v17 =	vmul.f32 v17, v46;
	v50 =	vld [tilespmem:s11+$0xFFFFFFA0];
	[tilespmem:s18+$0xFFFFFFB0] =	vst v15  }
0x143: {  	v15 =	vmax.f32 v25, v47;
	v25 =	vmul.f32 $2.000000030e-01, v51;
	v46 =	vadd.f32 v49, v48;
	v47 =	vld [tilespmem:s21+$0x20];
	[tilespmem:s18+$0xFFFFFFC0] =	vst v1  }
0x144: {  	v21 =	vadd.f32 $0.0e+00, v21;
	v1 =	vadd.f32 $0.0e+00, v17;
	v15 =	vmul.f32 v15, v45;
	v49 =	vld [tilespmem:s11+$0x20];
	[tilespmem:s18+$0xFFFFFFD0] =	vst v19  }
0x145: {  	v19 =	vadd.f32 v29, v12;
	v17 =	vld [tilespmem:s21+$0xFFFFFF30];
	v25 =	vmax.f32 v51, v25;
	v29 =	vmul.f32 $2.000000030e-01, v46;
	[tilespmem:s18+$0xFFFFFFE0] =	vst v23  }
0x146: {  	v51 =	vmul.f32 v41, v6;
	v1 =	vadd.f32 v15, v1;
	v23 =	vld [tilespmem:s11+$0xFFFFFF30];
	v25 =	vmul.f32 v25, v45;
	[tilespmem:s18+$0xFFFFFFF0] =	vst v20  }
0x147: {  	v20 =	vmul.f32 $2.000000030e-01, v19;
	v50 =	vadd.f32 v50, v11;
	v15 =	vld [tilespmem:s21+$0xFFFFFFB0];
	v29 =	vmax.f32 v46, v29;
	v46, _, _ =	vpop (xrf2);
	[tilespmem:s18+$0x0] =	vst v26  }
0x148: {  	v6 =	vmovc v48;
	v22 =	vadd.f32 v25, v22;
	v25 =	vld [tilespmem:s11+$0xFFFFFFB0];
	v26 =	vmul.f32 v29, v45;
	v29 =	vmul.f32 $1.442695020e+00, v46;
	[tilespmem:s18+$0x10] =	vst v51  }
0x149: {  	v19 =	vmax.f32 v19, v20;
	v45 =	vmul.f32 $2.000000030e-01, v50;
	v46 =	vadd.f32 v49, v47;
	v48 =	vld [tilespmem:s21+$0x30]  }
0x14a: {  	v19 =	vmul.f32 v19, v44;
	v21 =	vadd.f32 v26, v21;
	v26 =	vld [tilespmem:s11+$0x30];
	v29 =	vbroadcast v29, $0xF  }
0x14b: {  	v23 =	vadd.f32 v23, v17;
	v20 =	vld [tilespmem:s21+$0xFFFFFF40];
	v45 =	vmax.f32 v50, v45;
	v49 =	vmul.f32 $2.000000030e-01, v46  }
0x14c: {  	v1 =	vadd.f32 v19, v1;
	v50 =	vld [tilespmem:s11+$0xFFFFFF40];
	v45 =	vmul.f32 v45, v44;
	(erf) = vpow2.f32 v29  }
0x14d: {  	v29 =	vmul.f32 $2.000000030e-01, v23;
	v25 =	vadd.f32 v25, v15;
	v19 =	vld [tilespmem:s21+$0xFFFFFFC0];
	v46 =	vmax.f32 v46, v49  }
0x14e: {  	v45 =	vadd.f32 v45, v22;
	v49 =	vld [tilespmem:s11+$0xFFFFFFC0];
	v22 =	vmul.f32 v46, v44;
	v44 =	vmul.f32 v41, v7;
	v7 =	vmovc v47  }
0x14f: {  	v23 =	vmax.f32 v23, v29;
	v29 =	vmul.f32 $2.000000030e-01, v25;
	v26 =	vadd.f32 v26, v48;
	v46 =	vld [tilespmem:s21+$0x40]  }
0x150: {  	v23 =	vmul.f32 v23, v39;
	v47 =	vadd.f32 v22, v21;
	v51 =	vld [tilespmem:s11+$0x40];
	[tilespmem:s18+$0x20] =	vst v44;
	v21 =	vmul.f32 v41, v10  }
0x151: {  	v10 =	vmovc v48;
	v44 =	vadd.f32 v50, v20;
	v22 =	vld [tilespmem:s21+$0xFFFFFF50];
	v25 =	vmax.f32 v25, v29;
	v29 =	vmul.f32 $2.000000030e-01, v26  }
0x152: {  	v13 =	vmul.f32 v41, v13;
	v1 =	vadd.f32 v23, v1;
	v23 =	vld [tilespmem:s11+$0xFFFFFF50];
	v25 =	vmul.f32 v25, v39;
	[tilespmem:s18+$0x30] =	vst v21  }
0x153: {  	v50 =	vmul.f32 $2.000000030e-01, v44;
	v49 =	vadd.f32 v49, v19;
	v21 =	vld [tilespmem:s21+$0xFFFFFFD0];
	v26 =	vmax.f32 v26, v29  }
0x154: {  	v53 =	vmul.f32 v41, v14;
	v45 =	vadd.f32 v25, v45;
	v29 =	vld [tilespmem:s11+$0xFFFFFFD0];
	v25 =	vmul.f32 v26, v39;
	[tilespmem:s18+$0x40] =	vst v13  }
0x155: {  	v26 =	vmax.f32 v44, v50;
	v39 =	vmul.f32 $2.000000030e-01, v49;
	v44 =	vadd.f32 v51, v46;
	v14 =	vld [tilespmem:s21+$0x50];
	v48 =	vpop (erf)  }
0x156: {  	v26 =	vmul.f32 v26, v27;
	v47 =	vadd.f32 v25, v47;
	v50 =	vld [tilespmem:s11+$0x50];
	v37 =	vmul.f32 v48, v37;
	[tilespmem:s18+$0x50] =	vst v53  }
0x157: {  	v13 =	vmovc v46;
	v36 =	vmul.f32 v48, v36;
	v51 =	vadd.f32 v23, v22;
	v25 =	vld [tilespmem:s21+$0xFFFFFF60];
	v52 =	vmul.f32 $2.000000030e-01, v44  }
0x158: {  	v33 =	vmul.f32 v48, v33;
	v39 =	vmax.f32 v49, v39;
	v1 =	vadd.f32 v26, v1;
	v26 =	vld [tilespmem:s11+$0xFFFFFF60];
	[tilespmem:s21+$0x80] =	vst v37  }
0x159: {  	v37 =	vadd.f32 v29, v21;
	v23 =	vld [tilespmem:s21+$0xFFFFFFE0];
	v44 =	vmax.f32 v44, v52;
	[tilespmem:s21+$0x90] =	vst v36;
	v29 =	vmul.f32 v48, v34  }
0x15a: {  	v34 =	vmul.f32 $2.000000030e-01, v51;
	v36 =	vld [tilespmem:s11+$0xFFFFFFE0];
	[tilespmem:s21+$0xA0] =	vst v33;
	v33 =	vmul.f32 v48, v38  }
0x15b: {  	v40 =	vmul.f32 v48, v40;
	v38 =	vmul.f32 $2.000000030e-01, v37;
	v46 =	vadd.f32 v50, v14;
	v49 =	vld [tilespmem:s21+$0x60];
	[tilespmem:s21+$0xB0] =	vst v29  }
0x15c: {  	v39 =	vmul.f32 v39, v27;
	v34 =	vmax.f32 v51, v34;
	v50 =	vld [tilespmem:s11+$0x60];
	[tilespmem:s21+$0xC0] =	vst v33;
	v33 =	vmul.f32 v48, v42  }
0x15d: {  	v42 =	vadd.f32 v26, v25;
	v29 =	vld [tilespmem:s21+$0xFFFFFF70];
	v51 =	vmul.f32 $2.000000030e-01, v46;
	[tilespmem:s21+$0xD0] =	vst v40;
	v40 =	vmul.f32 v48, v43  }
0x15e: {  	v39 =	vadd.f32 v39, v45;
	v27 =	vmul.f32 v44, v27;
	v37 =	vmax.f32 v37, v38;
	v43 =	vld [tilespmem:s11+$0xFFFFFF70];
	[tilespmem:s21+$0xE0] =	vst v33  }
0x15f: {  	s23 =	sadd.s32 $0x4, s23;
	v33 =	vmul.f32 $2.000000030e-01, v42;
	v36 =	vadd.f32 v36, v23;
	v26 =	vld [tilespmem:s21+$0xFFFFFFF0];
	v38 =	vmax.f32 v46, v51;
	[tilespmem:s21+$0xF0] =	vst v40  }
0x160: {  	v34 =	vmul.f32 v34, v35;
	v27 =	vadd.f32 v27, v47;
	v37 =	vmul.f32 v37, v35;
	v40 =	vld [tilespmem:s23+$0x1]  }
0x161: {  	v35 =	vmul.f32 v38, v35;
	v44 =	vmul.f32 $2.000000030e-01, v36;
	v45 =	vld [tilespmem:s11+$0xFFFFFFF0];
	v38 =	vadd.f32 v50, v49  }
0x162: {  	v1 =	vadd.f32 v34, v1;
	v34 =	vadd.f32 v37, v39;
	v33 =	vmax.f32 v42, v33;
	v37 =	vld [tilespmem:s21+$0x70]  }
0x163: {  	v39 =	vadd.f32 v43, v29;
	v36 =	vmax.f32 v36, v44;
	v42 =	vmul.f32 $2.000000030e-01, v38;
	v43 =	vld [tilespmem:s11+$0x70]  }
0x164: {  	v33 =	vmul.f32 v33, v31;
	v27 =	vadd.f32 v35, v27;
	v36 =	vmul.f32 v36, v31;
	v35 =	vld [tilespmem:s12+$0xFFFFFFFE]  }
0x165: {  	v46 =	vmul.f32 v41, v16;
	v16 =	vmovc v49;
	v44 =	vmul.f32 $2.000000030e-01, v39;
	v38 =	vmax.f32 v38, v42;
	v42 =	vld [tilespmem:s12+$0xFFFFFFFF]  }
0x166: {  	v1 =	vadd.f32 v33, v1;
	v33 =	vadd.f32 v45, v26;
	v31 =	vmul.f32 v38, v31  }
0x167: {  	v36 =	vadd.f32 v36, v34;
	v38 =	vmax.f32 v39, v44;
	[tilespmem:s18+$0x60] =	vst v46;
	v44 =	vmul.f32 v41, v18  }
0x168: {  	v39 =	vmul.f32 $2.000000030e-01, v33;
	v34 =	vadd.f32 v31, v27;
	v27 =	vadd.f32 v43, v37;
	[tilespmem:v40+s17+$0x0] =	vst.idx.add.f32.msk $0x1, v48  }
.Ltmp4:
0x169: {  	v18 =	vmov v37;
	v38 =	vmul.f32 v38, v30;
	[tilespmem:s18+$0x70] =	vst v44;
	s18 =	smov.u32 s21;
	(pc) =	sbr.rel @p1 .LBB2_11-.Ltmp4, $4  }
0x16a: {  	v33 =	vmax.f32 v33, v39;
	v37 =	vmul.f32 $2.000000030e-01, v27;
	v31 =	vld [tilespmem:s12+$0x0];
	s12 =	smov.u32 s23  }
0x16b: {  	v1 =	vadd.f32 v38, v1;
	v33 =	vmul.f32 v33, v30;
	[tilespmem:v24+s17+$0x0] =	vst.idx.add.f32.msk $0x1, v4;
	v4 =	vmov v41  }
0x16c: {  	v24 =	vmax.f32 v27, v37;
	[tilespmem:v35+s17+$0x0] =	vst.idx.add.f32.msk $0x1, v28  }
0x16d: {  	v28 =	vadd.f32 v33, v36;
	v24 =	vmul.f32 v24, v30;
	(xrf2) =	vadd.scan.msk.f32 $0xffff, v1;
	[tilespmem:v42+s17+$0x0] =	vst.idx.add.f32.msk $0x1, v32  }
0x16e: {  	_ =	sdelay $0x5  }
0x16f: {  	(xrf2) =	vadd.scan.msk.f32 $0xffff, v28;
	_ =	sdelay $0x2  }
0x170: {  	v1, _, _ =	vpop (xrf2)  }
0x171: {  	v1 =	vmul.f32 $1.442695020e+00, v1;
	_ =	sdelay $0x1  }
0x172: {  	v1 =	vbroadcast v1, $0xF  }
0x173: {  	v24 =	vadd.f32 v24, v34  }
0x174: {  	(erf) = vpow2.f32 v1  }
0x175: {  	(xrf2) =	vadd.scan.msk.f32 $0xffff, v24  }
0x176: {  	v1, _, _ =	vpop (xrf2)  }
0x177: {  	v1 =	vmul.f32 $1.442695020e+00, v1;
	_ =	sdelay $0x1  }
0x178: {  	v1 =	vbroadcast v1, $0xF;
	_ =	sdelay $0x2  }
0x179: {  	(erf) = vpow2.f32 v1  }
0x17a: {  	v1 =	vpop (erf)  }
0x17b: {  	v9 =	vmul.f32 v1, v9  }
0x17c: {  	v24, _, _ =	vpop (xrf2);
	v8 =	vmul.f32 v1, v8  }
0x17d: {  	v24 =	vmul.f32 $1.442695020e+00, v24;
	v50 =	vmul.f32 v1, v12;
	[tilespmem:s18+$0xFFFFFF00] =	vst v9  }
0x17e: {  	v51 =	vmul.f32 v1, v17;
	[tilespmem:s18+$0xFFFFFF10] =	vst v8  }
0x17f: {  	v52 =	vbroadcast v24, $0xF;
	v53 =	vmul.f32 v1, v20;
	[tilespmem:s18+$0xFFFFFF20] =	vst v50  }
0x180: {  	v54 =	vmul.f32 v1, v22;
	[tilespmem:s18+$0xFFFFFF30] =	vst v51  }
0x181: {  	(erf) = vpow2.f32 v52;
	v55 =	vmul.f32 v1, v25;
	[tilespmem:s18+$0xFFFFFF40] =	vst v53  }
0x182: {  	v57 =	vmul.f32 v1, v29;
	[tilespmem:s18+$0xFFFFFF50] =	vst v54;
	v56 =	vpop (erf)  }
0x183: {  	[tilespmem:s18+$0xFFFFFF60] =	vst v55;
	v3 =	vmul.f32 v56, v3  }
0x184: {  	[tilespmem:s18+$0xFFFFFF70] =	vst v57;
	v5 =	vmul.f32 v56, v5  }
0x185: {  	v58 =	vmul.f32 v56, v11;
	[tilespmem:s18+$0xFFFFFF80] =	vst v3  }
0x186: {  	v59 =	vmul.f32 v56, v19;
	[tilespmem:s18+$0xFFFFFF90] =	vst v5  }
0x187: {  	v60 =	vmul.f32 v56, v21;
	[tilespmem:s18+$0xFFFFFFA0] =	vst v58  }
0x188: {  	v3 =	vmul.f32 v56, v15;
	[tilespmem:s18+$0xFFFFFFC0] =	vst v59  }
0x189: {  	v62 =	vmul.f32 v56, v26;
	[tilespmem:s18+$0xFFFFFFD0] =	vst v60  }
0x18a: {  	v61 =	vpop (erf);
	[tilespmem:s18+$0xFFFFFFB0] =	vst v3;
	v3 =	vmul.f32 v56, v23  }
0x18b: {  	[tilespmem:s18+$0xFFFFFFF0] =	vst v62;
	v2 =	vmul.f32 v61, v2  }
0x18c: {  	[tilespmem:s18+$0xFFFFFFE0] =	vst v3;
	v3 =	vmul.f32 v61, v6  }
0x18d: {  	[tilespmem:s18+$0x0] =	vst v2;
	v2 =	vmul.f32 v61, v7  }
0x18e: {  	[tilespmem:s18+$0x10] =	vst v3;
	v3 =	vmul.f32 v61, v10  }
0x18f: {  	[tilespmem:s18+$0x20] =	vst v2;
	v2 =	vmul.f32 v61, v13  }
0x190: {  	[tilespmem:s18+$0x30] =	vst v3;
	v3 =	vmul.f32 v61, v14  }
0x191: {  	[tilespmem:s18+$0x40] =	vst v2;
	v2 =	vmul.f32 v61, v16  }
0x192: {  	[tilespmem:s18+$0x50] =	vst v3;
	v3 =	vmul.f32 v61, v18  }
0x193: {  	v63 =	vld [tilespmem:s12+$0xFFFFFFFE];
	[tilespmem:s18+$0x60] =	vst v2  }
0x194: {  	v2 =	vld [tilespmem:s12+$0xFFFFFFFF];
	[tilespmem:s18+$0x70] =	vst v3  }
0x195: {  	v3 =	vld [tilespmem:s12+$0x0];
	_ =	sdelay $0x4  }
0x196: {  	[tilespmem:v31+s17+$0x0] =	vst.idx.add.f32.msk $0x1, v4  }
0x197: {  	s20 =	sadd.s32 $0x1, s20;
	[tilespmem:v63+s17+$0x0] =	vst.idx.add.f32.msk $0x1, v1  }
0x198: {  	p1 =	sne.s32 s20, $0x5D;
	[tilespmem:v2+s17+$0x0] =	vst.idx.add.f32.msk $0x1, v56  }
.Ltmp5:
0x199: {  	[tilespmem:v3+s17+$0x0] =	vst.idx.add.f32.msk $0x1, v61;
	(pc) =	sbr.rel @p1 .LBB2_8-.Ltmp5, $4  }
0x19a: {  	[spmem:s3] =	stream.indirect.scatter.add.f32 [tilespmem:s2], [sflag:$0x3], $0x80, s31, s5, $0xb8;
	[tilespmem:$0x1DF80] =	vst v63  }
0x19b: {  	_ =	swait.ge [sflag:s28], $0x3800  }
0x19c: {  	[sflag:s28] =	ssyncset.done $0x0  }
0x19d: {  	[sflag:s28] =	ssyncadd.s32 $0xFFFFC800  }
0x19e: {  	[bflag:$0x0] =	sbarrier.arrive $0xFFFF  }
0x19f: {  	s11 =	rddreg [dreg:$0x10]  }
0x1a0: {  	[tilespmem:s14], [sflag:$0x3] =	stream.linear.gather [spmem:s11], $0x1800, $0x38;
	[tilespmem:$0x1DF80] =	vst v63  }
0x1a1: {  	_ =	swait.ge [sflag:s28], $0x1800  }
0x1a2: {  	[sflag:s28] =	ssyncset.done $0x0  }
0x1a3: {  	s1 =	sadd.s32 $0x0, s22;
	[sflag:s28] =	ssyncadd.s32 $0xFFFFE800  }
0x1a4: {  	[hbm4b:s1+s4] =	stream.linear.scatter [tilespmem:s14], [sflag:$0x3], $0x1800, $0x38;
	[tilespmem:$0x1DF80] =	vst v63  }
0x1a5: {  	_ =	swait.ge [sflag:s28], $0x1800  }
0x1a6: {  	s1 =	simm.s32 $0x300;
	[sflag:s28] =	ssyncset.done $0x0  }
.LBB2_14:
0x1a7: {  	p1 =	sne.s32 s1, $0x2400;
	[sflag:s28] =	ssyncadd.s32 $0xFFFFE800;
	s11 =	sadd.s32 $0x1800, s11  }
0x1a8: {  	[tilespmem:s14], [sflag:$0x3] =	stream.linear.gather [spmem:s11], $0x1800, $0x38;
	[tilespmem:$0x1DF80] =	vst v63  }
0x1a9: {  	s12 =	smov.u32 s1;
	s1 =	sadd.s32 $0x300, s1;
	_ =	swait.ge [sflag:s28], $0x1800  }
.Ltmp6:
0x1aa: {  	[sflag:s28] =	ssyncset.done $0x0;
	(pc) =	sbr.rel @p1 .LBB2_14-.Ltmp6, $4  }
0x1ab: {  	s12 =	sadd.s32 s12, s22;
	[sflag:s28] =	ssyncadd.s32 $0xFFFFE800  }
0x1ac: {  	[hbm4b:s12+s4] =	stream.linear.scatter [tilespmem:s14], [sflag:$0x3], $0x1800, $0x38;
	[tilespmem:$0x1DF80] =	vst v63  }
0x1ad: {  	_ =	swait.ge [sflag:s28], $0x1800  }
0x1ae: {  	[sflag:s28] =	ssyncset.done $0x0  }
0x1af: {  	[sflag:s28] =	ssyncadd.s32 $0xFFFFE800;
	s1 =	simm.s32 @!p0 $0x400;
	s11 =	rddreg [dreg:$0x6]  }
0x1b0: {  	[tilespmem:s1], [sflag:$0x3] =	stream.linear.gather @!p0 [spmem:s11], $0x800, $0x38;
	[tilespmem:$0x1DF80] =	vst v63  }
0x1b1: {  	s11 =	simm.s32 @!p0 $0x3  }
0x1b2: {  	_ =	swait.ge @!p0 [sflag:s11], $0x800  }
0x1b3: {  	[sflag:s11] =	ssyncset.done @!p0 $0x0  }
0x1b4: {  	s12 =	simm.s32 @!p0 $0x0;
	s18 =	rddreg [dreg:$0x7];
	[sflag:s11] =	ssyncadd.s32 @!p0 $0xFFFFF800  }
0x1b5: {  	[hbm4b:s18+s12] =	stream.linear.scatter @!p0 [tilespmem:s1], [sflag:$0x3], $0x800, $0x38;
	[tilespmem:$0x1DF80] =	vst v63  }
0x1b6: {  	_ =	swait.ge @!p0 [sflag:s11], $0x800  }
0x1b7: {  	[sflag:s11] =	ssyncset.done @!p0 $0x0  }
0x1b8: {  	s20 =	simm.s32 $0x0;
	s21 =	rddreg [dreg:$0x8];
	[sflag:s11] =	ssyncadd.s32 @!p0 $0xFFFFF800  }
0x1b9: {  	[hbm4b:s21+s20] =	stream.linear.scatter [tilespmem:s17], [sflag:$0x3], $0x2780, $0x38;
	[tilespmem:$0x1DF80] =	vst v63  }
0x1ba: {  	_ =	swait.ge [sflag:s28], $0x2780  }
0x1bb: {  	[sflag:s28] =	ssyncset.done $0x0  }
0x1bc: {  	[sflag:s28] =	ssyncadd.s32 $0xFFFFD880  }
0x1bd: {  	s23 =	sadd.s32 $0x0, s9;
	[bflag:$0x0] =	sbarrier.arrive $0xFFFF  }
0x1be: {  	[spmem:s23] =	stream.linear.scatter [tilespmem:s29], [sflag:$0x3], $0x800, $0x38;
	[tilespmem:$0x1DF80] =	vst v63  }
0x1bf: {  	s1 =	simm.s32 $0x2000;
	_ =	swait.ge [sflag:s28], $0x800  }
.LBB2_16:
0x1c0: {  	s11 =	sshra.s32 s1, $0x2;
	[sflag:s28] =	ssyncset.done $0x0;
	p1 =	sne.s32 s1, $0x4C000  }
.Ltmp7:
0x1c1: {  	s11 =	sadd.s32 s11, s9;
	[sflag:s28] =	ssyncadd.s32 $0xFFFFF800;
	(pc) =	sbr.rel @p1 .LBB2_16-.Ltmp7, $3  }
0x1c2: {  	[spmem:s11] =	stream.linear.scatter [tilespmem:s29], [sflag:$0x3], $0x800, $0x38;
	[tilespmem:$0x1DF80] =	vst v63  }
0x1c3: {  	s1 =	sadd.s32 $0x2000, s1;
	_ =	sdelay $0x1  }
0x1c4: {  	_ =	swait.ge [sflag:s28], $0x800  }
0x1c5: {  	[sflag:s28] =	ssyncset.done $0x0  }
0x1c6: {  	s1 =	rddreg [dreg:$0x5];
	[sflag:s28] =	ssyncadd.s32 $0xFFFFF800  }
0x1c7: {  	[spmem:s1] =	stream.linear.scatter [tilespmem:s29], [sflag:$0x3], $0x400, $0x38;
	[tilespmem:$0x1DF80] =	vst v63  }
0x1c8: {  	_ =	swait.ge [sflag:s28], $0x400  }
0x1c9: {  	[sflag:s28] =	ssyncset.done $0x0  }
0x1ca: {  	s1 =	simm.s32 $0x7420;
	[sflag:s28] =	ssyncadd.s32 $0xFFFFFC00  }
0x1cb: {  	[tilespmem:s1+$0xFFFFFFE0] =	vst v0  }
0x1cc: {  	[tilespmem:s1+$0x10] =	vst v0  }
0x1cd: {  	s11 =	simm.s32 $0x0;
	[tilespmem:s1+$0x0] =	vst v0  }
.LBB2_18:
0x1ce: {  	s11 =	sadd.s32 $0x4, s11  }
0x1cf: {  	[tilespmem:s1+$0xFFFFFFF0] =	vst v0;
	s1 =	sadd.s32 $0x40, s1;
	p1 =	slt.u32 s11, $0x274  }
.Ltmp8:
0x1d0: {  	[tilespmem:s1+$0xFFFFFFE0] =	vst v0;
	(pc) =	sbr.rel @p1 .LBB2_18-.Ltmp8, $3  }
0x1d1: {  	_ =	sdelay $0x1  }
0x1d2: {  	[tilespmem:s1+$0x10] =	vst v0  }
0x1d3: {  	[tilespmem:s1+$0x0] =	vst v0  }
0x1d4: {  	[tilespmem:s1+$0xFFFFFFF0] =	vst v0  }
0x1d5: {  	s19 =	simm.s32 $0x0;
	s20 =	simm.s32 $0x0;
	[bflag:$0x0] =	sbarrier.arrive $0xFFFF  }
.LBB2_20:
0x1d6: {  	s1 =	smul.u32 $0x70, s20;
	_ =	sdelay $0x1  }
0x1d7: {  	s1 =	sadd.s32 s10, s1  }
0x1d8: {  	s11 =	rddreg [dreg:$0x1];
	s1 =	sshrl.u32 s1, $0x3  }
0x1d9: {  	s11 =	sadd.s32 s11, s1  }
0x1da: {  	[tilespmem:s30], [sflag:$0x3] =	stream.linear.gather [hbm4b:s11+s19], $0x70, $0x38;
	[tilespmem:$0x1DF80] =	vst v63  }
0x1db: {  	_ =	swait.ge [sflag:s28], $0x70  }
0x1dc: {  	[sflag:s28] =	ssyncset.done $0x0  }
0x1dd: {  	s1 =	sadd.s32 s8, s1;
	[sflag:s28] =	ssyncadd.s32 $0xFFFFFF90  }
0x1de: {  	[tilespmem:s31], [sflag:$0x3] =	stream.linear.gather [hbm4b:s1+s19], $0x70, $0x38;
	[tilespmem:$0x1DF80] =	vst v63  }
0x1df: {  	_ =	swait.ge [sflag:s28], $0x70  }
0x1e0: {  	[sflag:s28] =	ssyncset.done $0x0  }
0x1e1: {  	[sflag:s28] =	ssyncadd.s32 $0xFFFFFF90  }
0x1e2: {  	[tilespmem:s0], [sflag:$0x3] =	stream.linear.gather [hbm4b:s1+s19], $0x70, $0x38;
	[tilespmem:$0x1DF80] =	vst v63  }
0x1e3: {  	_ =	swait.ge [sflag:s28], $0x70  }
0x1e4: {  	[sflag:s28] =	ssyncset.done $0x0  }
0x1e5: {  	s1 =	simm.s32 $0x0;
	[sflag:s28] =	ssyncadd.s32 $0xFFFFFF90  }
0x1e6: {  	v2 =	vld [tilespmem:s1+$0x280]  }
0x1e7: {  	s11 =	simm.s32 $0x40;
	v3 =	vld [tilespmem:s1+$0x200]  }
.LBB2_21:
0x1e8: {  	_ = 	snop  }
0x1e9: {  	p1 =	sne.s32 s11, $0x180  }
.Ltmp9:
0x1ea: {  	_ = 	snop;
	(pc) =	sbr.rel @p1 .LBB2_21-.Ltmp9, $4  }
0x1eb: {  	s12 =	sshra.s32 s11, $0x2;
	vm0 =	vlt.s32 v2, $0x270F  }
0x1ec: {  	v4 =	vadd.s32 $0x2710, v3;
	v3 =	vld [tilespmem:s12+$0x200];
	v1 =	vnsel vm0, $0x270F, v2  }
0x1ed: {  	v2 =	vld [tilespmem:s12+$0x280];
	[tilespmem:s1+$0x200] =	vst v4;
	v1 =	vadd.s32 $0x2710, v1  }
0x1ee: {  	s11 =	sadd.s32 $0x40, s11;
	[tilespmem:s1+$0x380] =	vst v1;
	s1 =	smov.u32 s12  }
0x1ef: {  	_ =	sdelay $0x2  }
0x1f0: {  	vm0 =	vlt.s32 v2, $0x270F  }
0x1f1: {  	v1 =	vnsel vm0, $0x270F, v2;
	v2 =	vadd.s32 $0x2710, v3  }
0x1f2: {  	v1 =	vadd.s32 $0x2710, v1;
	[tilespmem:s1+$0x200] =	vst v2  }
0x1f3: {  	[tilespmem:s1+$0x380] =	vst v1  }
0x1f4: {  	[tilespmem:s2], [sflag:$0x1] =	stream.indirect.gather [hbm4b:s6+s5], $0x80, s30, s5, $0xb8;
	[tilespmem:$0x1DF80] =	vst v63  }
0x1f5: {  	_ = 	snop  }
0x1f6: {  	[tilespmem:s14], [sflag:$0x2] =	stream.indirect.gather [hbm4b:s7+s5], $0x80, s13, s5, $0xb8;
	[tilespmem:$0x1DF80] =	vst v63  }
0x1f7: {  	_ =	swait.ge [sflag:s15], $0x3800  }
0x1f8: {  	[sflag:s15] =	ssyncset.done $0x0  }
0x1f9: {  	[sflag:s15] =	ssyncadd.s32 $0xFFFFC800  }
0x1fa: {  	_ =	swait.ge [sflag:s16], $0x3800  }
0x1fb: {  	[sflag:s16] =	ssyncset.done $0x0  }
0x1fc: {  	[sflag:s16] =	ssyncadd.s32 $0xFFFFC800  }
0x1fd: {  	v3 =	vld [tilespmem:$0xC0]  }
0x1fe: {  	v23 =	vld [tilespmem:$0xB0]  }
0x1ff: {  	v17 =	vld [tilespmem:$0xA0]  }
0x200: {  	v1 =	vld [tilespmem:$0x90]  }
0x201: {  	s12 =	simm.s32 $0x3D00;
	v11 =	vld [tilespmem:$0x80]  }
0x202: {  	s11 =	simm.s32 $0x500;
	v32 =	vld [tilespmem:s12+$0x80]  }
0x203: {  	v2 =	vld [tilespmem:s11+$0x80]  }
0x204: {  	v31 =	vld [tilespmem:s12+$0x90]  }
0x205: {  	v4 =	vld [tilespmem:s11+$0x90]  }
0x206: {  	v29 =	vld [tilespmem:s12+$0xA0]  }
0x207: {  	v5 =	vld [tilespmem:s11+$0xA0]  }
0x208: {  	v26 =	vld [tilespmem:s12+$0xB0]  }
0x209: {  	v6 =	vld [tilespmem:s11+$0xB0]  }
0x20a: {  	v25 =	vld [tilespmem:s12+$0xC0]  }
0x20b: {  	v8 =	vld [tilespmem:s11+$0xC0];
	v2 =	vadd.f32 v2, v32  }
0x20c: {  	v27 =	vld [tilespmem:s12+$0xD0]  }
0x20d: {  	v9 =	vld [tilespmem:s11+$0xD0];
	v4 =	vadd.f32 v4, v31;
	v7 =	vmul.f32 $2.000000030e-01, v2  }
0x20e: {  	v28 =	vld [tilespmem:s12+$0xE0]  }
0x20f: {  	v10 =	vld [tilespmem:s11+$0xE0];
	v5 =	vadd.f32 v5, v29;
	v2 =	vmax.f32 v2, v7;
	v7 =	vmul.f32 $2.000000030e-01, v4  }
0x210: {  	v30 =	vld [tilespmem:s12+$0xF0];
	v2 =	vmul.f32 v2, v11  }
0x211: {  	v21 =	vld [tilespmem:$0xD0];
	v6 =	vadd.f32 v6, v26;
	v4 =	vmax.f32 v4, v7;
	v7 =	vmul.f32 $2.000000030e-01, v5  }
0x212: {  	v12 =	vld [tilespmem:s11+$0xFFFFFF00];
	v2 =	vadd.f32 $0.0e+00, v2;
	v4 =	vmul.f32 v4, v1  }
0x213: {  	v19 =	vld [tilespmem:$0xE0];
	v8 =	vadd.f32 v8, v25;
	v5 =	vmax.f32 v5, v7;
	v7 =	vmul.f32 $2.000000030e-01, v6  }
0x214: {  	v2 =	vadd.f32 v4, v2;
	v4 =	vmul.f32 v5, v17;
	v5 =	vld [tilespmem:s11+$0xF0]  }
0x215: {  	v20 =	vld [tilespmem:$0xF0];
	v9 =	vadd.f32 v9, v27;
	v6 =	vmax.f32 v6, v7;
	v7 =	vmul.f32 $2.000000030e-01, v8  }
0x216: {  	v14 =	vld [tilespmem:s11+$0x0];
	v2 =	vadd.f32 v4, v2;
	v6 =	vmul.f32 v6, v23  }
0x217: {  	v15 =	vld [tilespmem:s11+$0xFFFFFF10];
	v10 =	vadd.f32 v10, v28;
	v7 =	vmax.f32 v8, v7;
	v8 =	vmul.f32 $2.000000030e-01, v9  }
0x218: {  	v16 =	vld [tilespmem:s11+$0xFFFFFF90];
	v2 =	vadd.f32 v6, v2;
	v6 =	vmul.f32 v7, v3  }
0x219: {  	v38 =	vld [tilespmem:s12+$0x10];
	v7 =	vmax.f32 v9, v8;
	v8 =	vmul.f32 $2.000000030e-01, v10;
	v5 =	vadd.f32 v5, v30  }
0x21a: {  	v4 =	vld [tilespmem:s12+$0xFFFFFF80];
	v2 =	vadd.f32 v6, v2;
	v6 =	vmul.f32 v7, v21  }
0x21b: {  	v9 =	vld [tilespmem:s11+$0xFFFFFF80];
	v8 =	vmax.f32 v10, v8;
	v10 =	vmul.f32 $2.000000030e-01, v5  }
0x21c: {  	v7 =	vld [tilespmem:s12+$0x0];
	v6 =	vadd.f32 v6, v2;
	v8 =	vmul.f32 v8, v19  }
0x21d: {  	v2 =	vld [tilespmem:s12+$0xFFFFFF00];
	v10 =	vmax.f32 v5, v10  }
0x21e: {  	v5 =	vld [tilespmem:s12+$0xFFFFFF10];
	v8 =	vadd.f32 v8, v6;
	v10 =	vmul.f32 v10, v20  }
0x21f: {  	v6 =	vld [tilespmem:s12+$0xFFFFFF90];
	[tilespmem:$0x1FFC0] =	vst v38  }
0x220: {  	v18 =	vld [tilespmem:s11+$0x10];
	v8 =	vadd.f32 v10, v8  }
0x221: {  	v9 =	vadd.f32 v9, v4;
	v13 =	vld [tilespmem:s12+$0x20]  }
0x222: {  	v22 =	vadd.f32 v14, v7;
	v24 =	vld [tilespmem:s11+$0xFFFFFF20];
	(xrf2) =	vadd.scan.msk.f32 $0xffff, v8  }
0x223: {  	v34 =	vld [tilespmem:s11+$0xFFFFFFA0];
	v14 =	vmul.f32 $2.000000030e-01, v9;
	v12 =	vadd.f32 v12, v2  }
0x224: {  	v10 =	vld [tilespmem:s12+$0xFFFFFFA0];
	v33 =	vmul.f32 $2.000000030e-01, v22  }
0x225: {  	v8 =	vld [tilespmem:s12+$0xFFFFFF20];
	v9 =	vmax.f32 v9, v14;
	v15 =	vadd.f32 v15, v5;
	v35 =	vmul.f32 $2.000000030e-01, v12  }
0x226: {  	v36 =	vmul.f32 v9, v11;
	v22 =	vmax.f32 v22, v33;
	v16 =	vadd.f32 v16, v6;
	[tilespmem:$0x1FFD0] =	vst v13  }
0x227: {  	v50 =	vmul.f32 $2.000000030e-01, v15;
	v22 =	vmul.f32 v22, v11;
	v18 =	vadd.f32 v18, v38;
	v49 =	vld [tilespmem:s11+$0x20]  }
0x228: {  	v12 =	vmax.f32 v12, v35;
	v9 =	vld [tilespmem:s12+$0xFFFFFF30];
	v36 =	vadd.f32 $0.0e+00, v36;
	v51 =	vmul.f32 $2.000000030e-01, v16  }
0x229: {  	v37 =	vld [tilespmem:s11+$0xFFFFFF30];
	v34 =	vadd.f32 v34, v10;
	v12 =	vmul.f32 v12, v11;
	v15 =	vmax.f32 v15, v50  }
0x22a: {  	v39 =	vld [tilespmem:s11+$0xFFFFFFB0];
	v22 =	vadd.f32 $0.0e+00, v22;
	v40 =	vmul.f32 $2.000000030e-01, v18;
	v24 =	vadd.f32 v24, v8  }
0x22b: {  	v42 =	vld [tilespmem:s11+$0x30];
	v15 =	vmul.f32 v15, v1;
	v35 =	vmax.f32 v16, v51;
	v12 =	vadd.f32 $0.0e+00, v12  }
0x22c: {  	v11 =	vld [tilespmem:s12+$0xFFFFFFB0];
	v35 =	vmul.f32 v35, v1;
	v18 =	vmax.f32 v18, v40;
	v53 =	vmul.f32 $2.000000030e-01, v24;
	v52, _, _ =	vpop (xrf2)  }
0x22d: {  	v16 =	vld [tilespmem:s12+$0x30];
	v1 =	vmul.f32 v18, v1;
	v41 =	vadd.f32 v15, v12;
	v38 =	vmul.f32 $1.442695020e+00, v52  }
0x22e: {  	v54 =	vld [tilespmem:s11+$0xFFFFFF40];
	v18 =	vmul.f32 $2.000000030e-01, v34;
	v33 =	vadd.f32 v49, v13;
	v35 =	vadd.f32 v35, v36  }
0x22f: {  	v57 =	vld [tilespmem:s11+$0xFFFFFFC0];
	v55 =	vadd.f32 v37, v9;
	v24 =	vmax.f32 v24, v53;
	v12 =	vbroadcast v38, $0xF  }
0x230: {  	v15 =	vld [tilespmem:s12+$0xFFFFFF40];
	v1 =	vadd.f32 v1, v22;
	v22 =	vmax.f32 v34, v18;
	v56 =	vmul.f32 $2.000000030e-01, v33  }
0x231: {  	v59 =	vld [tilespmem:s11+$0x40];
	v39 =	vadd.f32 v39, v11;
	v60 =	vmul.f32 v22, v17;
	(erf) = vpow2.f32 v12  }
0x232: {  	v63 =	vld [tilespmem:s11+$0xFFFFFF50];
	v24 =	vmul.f32 v24, v17;
	v58 =	vmul.f32 $2.000000030e-01, v55;
	v62 =	vadd.f32 v42, v16  }
0x233: {  	v45 =	vld [tilespmem:s11+$0xFFFFFF60];
	v61 =	vmul.f32 $2.000000030e-01, v39;
	v33 =	vmax.f32 v33, v56;
	v35 =	vadd.f32 v60, v35  }
0x234: {  	v22 =	vld [tilespmem:s12+$0xFFFFFF50];
	v48 =	vmul.f32 $2.000000030e-01, v62;
	v33 =	vmul.f32 v33, v17;
	v17 =	vmax.f32 v55, v58  }
0x235: {  	v51 =	vld [tilespmem:s11+$0x50];
	v40 =	vadd.f32 v54, v15;
	v47 =	vmax.f32 v39, v61;
	v46 =	vmul.f32 v17, v23  }
0x236: {  	v18 =	vld [tilespmem:s12+$0x40];
	v34 =	vmax.f32 v62, v48;
	v1 =	vadd.f32 v33, v1;
	v33 =	vmul.f32 v47, v23  }
0x237: {  	v12 =	vld [tilespmem:s12+$0xFFFFFFC0];
	v50 =	vmul.f32 $2.000000030e-01, v40;
	v23 =	vmul.f32 v34, v23  }
0x238: {  	v49 =	vld [tilespmem:s11+$0xFFFFFFD0];
	v24 =	vadd.f32 v24, v41;
	v35 =	vadd.f32 v33, v35  }
0x239: {  	v33 =	vld [tilespmem:s12+$0xFFFFFF60];
	v52 =	vmax.f32 v40, v50;
	v1 =	vadd.f32 v23, v1;
	v23 =	vadd.f32 v63, v22  }
0x23a: {  	v17 =	vld [tilespmem:s12+$0xFFFFFFD0];
	v34 =	vmul.f32 v52, v3;
	v44 =	vpop (erf)  }
0x23b: {  	v41 =	vld [tilespmem:s12+$0xFFFFFFE0];
	v43 =	vadd.f32 v46, v24;
	v56 =	vmul.f32 $2.000000030e-01, v23;
	v32 =	vmul.f32 v44, v32  }
0x23c: {  	v54 =	vadd.f32 v59, v18;
	v24 =	vld [tilespmem:s12+$0x50];
	v38 =	vadd.f32 v57, v12;
	v31 =	vmul.f32 v44, v31  }
0x23d: {  	v34 =	vadd.f32 v34, v43;
	v43 =	vld [tilespmem:s12+$0xFFFFFF70];
	v23 =	vmax.f32 v23, v56;
	v25 =	vmul.f32 v44, v25;
	[tilespmem:s12+$0x80] =	vst v32  }
0x23e: {  	v53 =	vmul.f32 $2.000000030e-01, v38;
	v57 =	vadd.f32 v45, v33;
	v26 =	vmul.f32 v44, v26;
	[tilespmem:s12+$0x90] =	vst v31;
	v31 =	vld [tilespmem:s11+$0xFFFFFFE0]  }
0x23f: {  	v55 =	vadd.f32 v49, v17;
	v23 =	vmul.f32 v23, v21;
	[tilespmem:s12+$0xC0] =	vst v25;
	v25 =	vmul.f32 v44, v28;
	v28 =	vld [tilespmem:s11+$0xFFFFFF70]  }
0x240: {  	v42 =	vld [tilespmem:s12+$0xFFFFFFF0];
	v60 =	vmul.f32 $2.000000030e-01, v57;
	[tilespmem:s12+$0xB0] =	vst v26;
	v26 =	vmul.f32 v44, v27;
	v27 =	vmax.f32 v38, v53  }
0x241: {  	v36 =	vadd.f32 v51, v24;
	v29 =	vmul.f32 v44, v29;
	v27 =	vmul.f32 v27, v3;
	[tilespmem:s12+$0xE0] =	vst v25;
	v25 =	vld [tilespmem:s11+$0xFFFFFFF0]  }
0x242: {  	v32 =	vmax.f32 v57, v60;
	[tilespmem:s12+$0xD0] =	vst v26;
	v26 =	vmul.f32 v44, v30;
	v30 =	vmul.f32 $2.000000030e-01, v55  }
0x243: {  	v62 =	vld [tilespmem:s11+$0x60];
	[tilespmem:s12+$0xA0] =	vst v29;
	v29 =	vmul.f32 $2.000000030e-01, v54;
	v32 =	vmul.f32 v32, v19;
	v31 =	vadd.f32 v31, v41  }
0x244: {  	[tilespmem:s12+$0xF0] =	vst v26;
	v26 =	vadd.f32 v27, v35;
	v27 =	vld [tilespmem:s12+$0x60];
	v30 =	vmax.f32 v55, v30;
	v61 =	vadd.f32 v28, v43  }
0x245: {  	v23 =	vadd.f32 v23, v34;
	v30 =	vmul.f32 v30, v21;
	v63 =	vmul.f32 $2.000000030e-01, v31  }
0x246: {  	v29 =	vmax.f32 v54, v29;
	v28 =	vld [tilespmem:s12+$0x70];
	v37 =	vmul.f32 $2.000000030e-01, v61;
	v25 =	vadd.f32 v25, v42  }
0x247: {  	v3 =	vmul.f32 v29, v3;
	v26 =	vadd.f32 v30, v26;
	v30 =	vmax.f32 v31, v63;
	v31 =	vld [tilespmem:s11+$0x70]  }
0x248: {  	v23 =	vadd.f32 v32, v23;
	v34 =	vmax.f32 v61, v37;
	v46 =	vmul.f32 $2.000000030e-01, v25  }
0x249: {  	s21 =	simm.s32 $0x3F00;
	v47 =	vadd.f32 v62, v27;
	v30 =	vmul.f32 v30, v19;
	v29 =	vmul.f32 v34, v20  }
0x24a: {  	s18 =	simm.s32 $0x302;
	v39 =	vld [tilespmem:s21+$0xE0];
	v58 =	vmul.f32 $2.000000030e-01, v36;
	v25 =	vmax.f32 v25, v46  }
0x24b: {  	v59 =	vld [tilespmem:s18+$0x1];
	v48 =	vmul.f32 $2.000000030e-01, v47;
	v30 =	vadd.f32 v30, v26;
	v23 =	vadd.f32 v29, v23  }
0x24c: {  	v35 =	vld [tilespmem:s21+$0xA0];
	v25 =	vmul.f32 v25, v20;
	v29 =	vmax.f32 v36, v58;
	v31 =	vadd.f32 v31, v28  }
0x24d: {  	v1 =	vadd.f32 v3, v1;
	s11 =	simm.s32 $0x700;
	v37 =	vld [tilespmem:s21+$0x90];
	v3 =	vmul.f32 v29, v21;
	(xrf2) =	vadd.scan.msk.f32 $0xffff, v23  }
0x24e: {  	v51 =	vld [tilespmem:s11+$0xC0];
	v29 =	vmax.f32 v47, v48;
	v25 =	vadd.f32 v25, v30;
	v30 =	vmul.f32 $2.000000030e-01, v31  }
0x24f: {  	v54 =	vld [tilespmem:s11+$0xE0];
	v1 =	vadd.f32 v3, v1;
	v3 =	vmul.f32 v29, v19  }
0x250: {  	v36 =	vld [tilespmem:s21+$0xC0];
	(xrf2) =	vadd.scan.msk.f32 $0xffff, v25;
	v25 =	vmax.f32 v31, v30  }
0x251: {  	v1 =	vadd.f32 v3, v1;
	v3 =	vmul.f32 v25, v20;
	v25 =	vld [tilespmem:s21+$0x80]  }
0x252: {  	v20 =	vld [tilespmem:s11+$0x80]  }
0x253: {  	[tilespmem:v59+s17+$0x0] =	vst.idx.add.f32.msk $0x1, v44  }
0x254: {  	v44 =	vld [tilespmem:$0x80]  }
0x255: {  	v1 =	vadd.f32 v3, v1;
	v3 =	vld [tilespmem:s11+$0x90]  }
0x256: {  	v29 =	vld [tilespmem:s21+$0xB0]  }
0x257: {  	(xrf2) =	vadd.scan.msk.f32 $0xffff, v1;
	v1 =	vld [tilespmem:s11+$0xA0];
	v30, _, _ =	vpop (xrf2);
	v20 =	vadd.f32 v20, v25  }
0x258: {  	v31 =	vld [tilespmem:s11+$0xB0];
	v30 =	vmul.f32 $1.442695020e+00, v30  }
0x259: {  	v38 =	vld [tilespmem:s21+$0xD0];
	v50 =	vmul.f32 $2.000000030e-01, v20  }
0x25a: {  	v19 =	vld [tilespmem:$0x90];
	v3 =	vadd.f32 v3, v37;
	v30 =	vbroadcast v30, $0xF  }
0x25b: {  	v21 =	vld [tilespmem:$0xA0];
	v45 =	vadd.f32 v54, v39;
	v48 =	vadd.f32 v51, v36;
	v20 =	vmax.f32 v20, v50  }
0x25c: {  	v52 =	vmul.f32 $2.000000030e-01, v3;
	v1 =	vadd.f32 v1, v35;
	(erf) = vpow2.f32 v30;
	v30 =	vld [tilespmem:s11+$0xD0]  }
0x25d: {  	v40 =	vld [tilespmem:s21+$0xF0];
	v58 =	vmul.f32 $2.000000030e-01, v45;
	v31 =	vadd.f32 v31, v29;
	v49, _, _ =	vpop (xrf2);
	v20 =	vmul.f32 v20, v44  }
0x25e: {  	v23 =	vld [tilespmem:$0xB0];
	v32 =	vmul.f32 $1.442695020e+00, v49;
	v3 =	vmax.f32 v3, v52;
	v53 =	vmul.f32 $2.000000030e-01, v1  }
0x25f: {  	v34 =	vld [tilespmem:$0xD0];
	v55 =	vmul.f32 $2.000000030e-01, v48;
	v20 =	vadd.f32 $0.0e+00, v20;
	v3 =	vmul.f32 v3, v19  }
0x260: {  	v26 =	vld [tilespmem:$0xC0];
	v47 =	vmul.f32 $2.000000030e-01, v31;
	v32 =	vbroadcast v32, $0xF;
	v1 =	vmax.f32 v1, v53  }
0x261: {  	v59 =	vld [tilespmem:s11+$0xFFFFFF80];
	v46, _, _ =	vpop (xrf2);
	v3 =	vadd.f32 v3, v20;
	v1 =	vmul.f32 v1, v21;
	v49 =	vadd.f32 v30, v38  }
0x262: {  	v31 =	vmax.f32 v31, v47;
	(erf) = vpow2.f32 v32;
	v20 =	vld [tilespmem:s11+$0xF0];
	v46 =	vmul.f32 $1.442695020e+00, v46  }
0x263: {  	v30 =	vmul.f32 v31, v23;
	v31 =	vld [tilespmem:$0xE0];
	v1 =	vadd.f32 v1, v3;
	v57 =	vmul.f32 $2.000000030e-01, v49  }
0x264: {  	v45 =	vmax.f32 v45, v58;
	v58 =	vld [tilespmem:s11+$0x10];
	v56 =	vmax.f32 v48, v55;
	v46 =	vbroadcast v46, $0xF  }
0x265: {  	v48 =	vmul.f32 v56, v26;
	v50 =	vld [tilespmem:s11+$0xFFFFFF00];
	v1 =	vadd.f32 v30, v1;
	v47 =	vmax.f32 v49, v57  }
0x266: {  	v3 =	vld [tilespmem:s21+$0xFFFFFF80];
	v32 =	vpop (erf);
	(erf) = vpow2.f32 v46;
	v47 =	vmul.f32 v47, v34  }
0x267: {  	v52 =	vld [tilespmem:s11+$0x0];
	v1 =	vadd.f32 v48, v1;
	v48 =	vmul.f32 v32, v2;
	v51 =	vmul.f32 v32, v5  }
0x268: {  	v30 =	vld [tilespmem:$0xF0];
	v20 =	vadd.f32 v20, v40;
	v5 =	vmul.f32 v45, v31;
	v45 =	vmul.f32 v32, v8  }
0x269: {  	v2 =	vld [tilespmem:s21+$0x0];
	v49 =	vmul.f32 v32, v15;
	v53 =	vmul.f32 v32, v33  }
0x26a: {  	v8 =	vld [tilespmem:s21+$0xFFFFFF10];
	v54 =	vmul.f32 v32, v43;
	v60 =	vmul.f32 $2.000000030e-01, v20  }
0x26b: {  	v33 =	vpop (erf);
	v46 =	vadd.f32 v59, v3;
	v1 =	vadd.f32 v47, v1;
	v47 =	vmul.f32 v32, v9;
	v9 =	vld [tilespmem:s21+$0xFFFFFF00]  }
0x26c: {  	v55 =	vmul.f32 v33, v4;
	v56 =	vmul.f32 v33, v6;
	v6 =	vld [tilespmem:s21+$0x10];
	v20 =	vmax.f32 v20, v60  }
0x26d: {  	v4 =	vmul.f32 $2.000000030e-01, v46;
	v1 =	vadd.f32 v5, v1;
	v15 =	vmul.f32 v20, v30;
	v20 =	vld [tilespmem:s11+$0xFFFFFF10]  }
0x26e: {  	v57 =	vmul.f32 v33, v10;
	v14 =	vmul.f32 v33, v11;
	v5 =	vld [tilespmem:s21+$0xFFFFFF90]  }
0x26f: {  	v10 =	vadd.f32 v52, v2;
	v4 =	vmax.f32 v46, v4;
	v1 =	vadd.f32 v15, v1;
	v15 =	vld [tilespmem:s11+$0xFFFFFF90]  }
0x270: {  	v59 =	vmul.f32 v33, v17;
	v52 =	vmul.f32 v33, v12;
	v12 =	vld [tilespmem:s21+$0xFFFFFF20];
	v50 =	vadd.f32 v50, v9  }
0x271: {  	v46 =	vld [tilespmem:s11+$0xFFFFFF20];
	v60 =	vmul.f32 v4, v44;
	v11 =	vmul.f32 $2.000000030e-01, v10  }
0x272: {  	v61 =	vld [tilespmem:s11+$0xFFFFFFA0];
	v43 =	vmul.f32 v33, v41;
	(xrf2) =	vadd.scan.msk.f32 $0xffff, v1;
	v4 =	vpop (erf);
	v17 =	vmul.f32 $2.000000030e-01, v50;
	v20 =	vadd.f32 v20, v8  }
0x273: {  	v13 =	vld [tilespmem:s11+$0xFFFFFF30];
	v60 =	vadd.f32 $0.0e+00, v60;
	v10 =	vmax.f32 v10, v11;
	v41 =	vmul.f32 v4, v7  }
0x274: {  	v11 =	vld [tilespmem:s21+$0xFFFFFFA0];
	v17 =	vmax.f32 v50, v17;
	v50 =	vmul.f32 $2.000000030e-01, v20;
	v15 =	vadd.f32 v15, v5  }
0x275: {  	v7 =	vld [tilespmem:s21+$0x20];
	v10 =	vmul.f32 v10, v44;
	v17 =	vmul.f32 v17, v44;
	v44 =	vadd.f32 v58, v6  }
0x276: {  	v46 =	vadd.f32 v46, v12;
	v20 =	vmax.f32 v20, v50;
	v50 =	vld [tilespmem:s11+$0x20];
	v58 =	vmul.f32 $2.000000030e-01, v15  }
0x277: {  	v63 =	vadd.f32 $0.0e+00, v10;
	v62 =	vadd.f32 $0.0e+00, v17;
	v17 =	vld [tilespmem:s21+$0xFFFFFF30];
	v10 =	vmul.f32 $2.000000030e-01, v44  }
0x278: {  	[tilespmem:s12+$0xFFFFFF00] =	vst v48;
	v1 =	vmul.f32 $2.000000030e-01, v46;
	v20 =	vmul.f32 v20, v19;
	v58 =	vmax.f32 v15, v58;
	v15 =	vld [tilespmem:s21+$0xFFFFFFB0]  }
0x279: {  	[tilespmem:s12+$0xFFFFFF10] =	vst v51;
	v61 =	vadd.f32 v61, v11;
	v58 =	vmul.f32 v58, v19;
	v10 =	vmax.f32 v44, v10;
	v44 =	vld [tilespmem:s11+$0xFFFFFFB0]  }
0x27a: {  	[tilespmem:s12+$0xFFFFFF20] =	vst v45;
	v19 =	vmul.f32 v10, v19;
	v10 =	vld [tilespmem:s21+$0x30]  }
0x27b: {  	[tilespmem:s12+$0xFFFFFF30] =	vst v47;
	v1 =	vmax.f32 v46, v1;
	v46 =	vmul.f32 $2.000000030e-01, v61;
	v48 =	vadd.f32 v58, v60;
	v58 =	vld [tilespmem:s11+$0x30]  }
0x27c: {  	v22 =	vmul.f32 v32, v22;
	v62 =	vadd.f32 v20, v62;
	v20, _, _ =	vpop (xrf2);
	v51 =	vadd.f32 v19, v63;
	v19 =	vld [tilespmem:$0x1FFC0];
	[tilespmem:s12+$0xFFFFFF40] =	vst v49  }
0x27d: {  	v50 =	vadd.f32 v50, v7;
	v46 =	vmax.f32 v61, v46;
	v20 =	vmul.f32 $1.442695020e+00, v20;
	[tilespmem:s12+$0xFFFFFF60] =	vst v53;
	v53 =	vld [tilespmem:s11+$0x40]  }
0x27e: {  	[tilespmem:s12+$0xFFFFFF50] =	vst v22;
	v22 =	vmul.f32 v46, v21;
	v49 =	vld [tilespmem:s11+$0xFFFFFFE0]  }
0x27f: {  	v45 =	vadd.f32 v13, v17;
	[tilespmem:s12+$0xFFFFFF70] =	vst v54;
	v13 =	vmul.f32 $2.000000030e-01, v50;
	v60 =	vbroadcast v20, $0xF;
	v20 =	vld [tilespmem:s21+$0xFFFFFF40]  }
0x280: {  	v42 =	vmul.f32 v33, v42;
	v24 =	vmul.f32 v4, v24;
	v48 =	vadd.f32 v22, v48;
	v22 =	vld [tilespmem:$0x1FFD0]  }
0x281: {  	v27 =	vmul.f32 v4, v27;
	v13 =	vmax.f32 v50, v13;
	v50 =	vld [tilespmem:s11+$0xFFFFFFC0];
	(erf) = vpow2.f32 v60  }
0x282: {  	v1 =	vmul.f32 v1, v21;
	v61 =	vmul.f32 $2.000000030e-01, v45;
	v44 =	vadd.f32 v44, v15;
	v60 =	vld [tilespmem:s11+$0xFFFFFF40]  }
0x283: {  	[tilespmem:s12+$0xFFFFFF90] =	vst v56;
	v56 =	vmul.f32 v4, v16;
	v21 =	vmul.f32 v13, v21;
	v13 =	vld [tilespmem:s21+$0x40]  }
0x284: {  	v45 =	vmax.f32 v45, v61;
	v63 =	vmul.f32 $2.000000030e-01, v44;
	v61 =	vadd.f32 v58, v10;
	v58 =	vld [tilespmem:s11+$0xFFFFFF50]  }
0x285: {  	v1 =	vadd.f32 v1, v62;
	[tilespmem:s12+$0xFFFFFF80] =	vst v55;
	v47 =	vmul.f32 v4, v19;
	v19 =	vld [tilespmem:s21+$0xFFFFFFC0];
	v45 =	vmul.f32 v45, v23  }
0x286: {  	[tilespmem:s12+$0xFFFFFFB0] =	vst v14;
	v44 =	vmax.f32 v44, v63;
	v62 =	vmul.f32 $2.000000030e-01, v61;
	v54 =	vmul.f32 v4, v22;
	v22 =	vld [tilespmem:s21+$0xFFFFFF50]  }
0x287: {  	v14 =	vld [tilespmem:s21+$0x50];
	[tilespmem:s12+$0x60] =	vst v27;
	v27 =	vmul.f32 v4, v28;
	v16 =	vmul.f32 v44, v23;
	v55 =	vadd.f32 v60, v20  }
0x288: {  	[tilespmem:s12+$0xFFFFFFA0] =	vst v57;
	v51 =	vadd.f32 v21, v51;
	v21 =	vld [tilespmem:s21+$0xFFFFFFD0];
	v57 =	vmax.f32 v61, v62;
	v62 =	vadd.f32 v53, v13  }
0x289: {  	v1 =	vadd.f32 v45, v1;
	v60 =	vld [tilespmem:s11+$0xFFFFFFD0];
	v48 =	vadd.f32 v16, v48;
	v63 =	vmul.f32 $2.000000030e-01, v55  }
0x28a: {  	[tilespmem:s12+$0xFFFFFFD0] =	vst v59;
	v16 =	vmul.f32 v57, v23;
	v61 =	vadd.f32 v50, v19;
	v50 =	vld [tilespmem:s11+$0x50];
	v59 =	vmul.f32 $2.000000030e-01, v62;
	v45 =	vpop (erf)  }
0x28b: {  	[tilespmem:s12+$0xFFFFFFC0] =	vst v52;
	v53 =	vadd.f32 v58, v22;
	v58 =	vld [tilespmem:s11+$0xFFFFFF60];
	v23 =	vmax.f32 v55, v63;
	v63 =	vmul.f32 v45, v25  }
0x28c: {  	[tilespmem:s12+$0xFFFFFFE0] =	vst v43;
	v51 =	vadd.f32 v16, v51;
	v57 =	vmul.f32 $2.000000030e-01, v61;
	v55 =	vld [tilespmem:s11+$0x70];
	v16 =	vmul.f32 v45, v37  }
0x28d: {  	v23 =	vmul.f32 v23, v26;
	v25 =	vld [tilespmem:s21+$0xFFFFFF60];
	v35 =	vmul.f32 v45, v35;
	[tilespmem:s21+$0x80] =	vst v63  }
0x28e: {  	v29 =	vmul.f32 v45, v29;
	v37 =	vmax.f32 v61, v57;
	v46 =	vadd.f32 v60, v21;
	v57 =	vld [tilespmem:s11+$0x60];
	[tilespmem:s21+$0x90] =	vst v16  }
0x28f: {  	v60 =	vmul.f32 v45, v36;
	v61 =	vmax.f32 v62, v59;
	v39 =	vmul.f32 v45, v39;
	v59 =	vld [tilespmem:s11+$0xFFFFFF70];
	[tilespmem:s21+$0xA0] =	vst v35  }
0x290: {  	v37 =	vmul.f32 v37, v26;
	v36 =	vmul.f32 v61, v26;
	v26 =	vld [tilespmem:s21+$0xFFFFFFF0];
	[tilespmem:s21+$0xB0] =	vst v29  }
0x291: {  	v62 =	vmul.f32 $2.000000030e-01, v53;
	v1 =	vadd.f32 v23, v1;
	v23 =	vld [tilespmem:s21+$0xFFFFFFE0];
	v29 =	vmul.f32 v45, v38;
	[tilespmem:s21+$0xC0] =	vst v60  }
0x292: {  	v40 =	vmul.f32 v45, v40;
	v50 =	vadd.f32 v50, v14;
	v16 =	vld [tilespmem:s21+$0x60];
	v63 =	vmul.f32 $2.000000030e-01, v46;
	[tilespmem:s21+$0xE0] =	vst v39  }
0x293: {  	v44 =	vmax.f32 v53, v62;
	v37 =	vadd.f32 v37, v48;
	v48 =	vmul.f32 v4, v18;
	[tilespmem:s21+$0xD0] =	vst v29;
	v29 =	vld [tilespmem:s21+$0xFFFFFF70]  }
0x294: {  	s23 =	simm.s32 $0x306;
	[tilespmem:s21+$0xF0] =	vst v40;
	v44 =	vmul.f32 v44, v34;
	v18 =	vmax.f32 v46, v63;
	v63 =	vld [tilespmem:s11+$0xFFFFFFF0];
	v52 =	vadd.f32 v58, v25  }
0x295: {  	[tilespmem:s12+$0xFFFFFFF0] =	vst v42;
	v36 =	vadd.f32 v36, v51;
	v58 =	vmul.f32 $2.000000030e-01, v50;
	v43 =	vld [tilespmem:s23+$0x1];
	v51 =	vmul.f32 v18, v34  }
0x296: {  	[tilespmem:s12+$0x0] =	vst v41;
	v18 =	vld [tilespmem:s21+$0x70];
	v1 =	vadd.f32 v44, v1;
	v60 =	vmul.f32 $2.000000030e-01, v52;
	v62 =	vadd.f32 v49, v23  }
0x297: {  	[tilespmem:s12+$0x50] =	vst v24;
	v61 =	vmax.f32 v50, v58;
	v35 =	vadd.f32 v57, v16;
	v37 =	vadd.f32 v51, v37  }
0x298: {  	[tilespmem:s12+$0x30] =	vst v56;
	v58 =	vld [tilespmem:s18+$0xFFFFFFFE];
	v34 =	vmul.f32 v61, v34;
	v53 =	vmul.f32 $2.000000030e-01, v62;
	v39 =	vadd.f32 v59, v29  }
0x299: {  	[tilespmem:s12+$0x70] =	vst v27;
	v38 =	vmax.f32 v52, v60;
	v57 =	vmul.f32 $2.000000030e-01, v35;
	v60 =	vld [tilespmem:s18+$0xFFFFFFFF];
	v46 =	vadd.f32 v63, v26  }
0x29a: {  	[tilespmem:s12+$0x10] =	vst v47;
	v38 =	vmul.f32 v38, v31;
	v24 =	vadd.f32 v34, v36;
	v59 =	vmul.f32 $2.000000030e-01, v39  }
0x29b: {  	[tilespmem:s12+$0x20] =	vst v54;
	v63 =	vadd.f32 v55, v18;
	v40 =	vmax.f32 v62, v53;
	v61 =	vmax.f32 v35, v57  }
0x29c: {  	[tilespmem:s12+$0x40] =	vst v48;
	v28 =	vmul.f32 $2.000000030e-01, v46;
	v40 =	vmul.f32 v40, v31;
	v62 =	vmax.f32 v39, v59  }
0x29d: {  	v1 =	vadd.f32 v38, v1;
	v34 =	vmul.f32 v61, v31;
	v31 =	vld [tilespmem:s18+$0x0];
	v35 =	vmul.f32 v62, v30  }
0x29e: {  	[tilespmem:v43+s17+$0x0] =	vst.idx.add.f32.msk $0x1, v45;
	v27 =	vmax.f32 v46, v28;
	v28 =	vmul.f32 $2.000000030e-01, v63  }
0x29f: {  	v37 =	vadd.f32 v40, v37;
	v27 =	vmul.f32 v27, v30;
	v1 =	vadd.f32 v35, v1  }
0x2a0: {  	v34 =	vadd.f32 v34, v24;
	v24 =	vmax.f32 v63, v28;
	[tilespmem:v58+s17+$0x0] =	vst.idx.add.f32.msk $0x1, v32  }
0x2a1: {  	s1 =	simm.s32 $0x4;
	s12 =	simm.s32 $0x306;
	s18 =	simm.s32 $0x3F00;
	v28 =	vadd.f32 v27, v37;
	v24 =	vmul.f32 v24, v30;
	[tilespmem:v60+s17+$0x0] =	vst.idx.add.f32.msk $0x1, v33;
	(xrf2) =	vadd.scan.msk.f32 $0xffff, v1  }
.LBB2_23:
0x2a2: {  	_ = 	snop  }
0x2a3: {  	v27 =	vld [tilespmem:$0xC0];
	v1 =	vadd.f32 v24, v34;
	v24 =	vmov v31  }
0x2a4: {  	v39 =	vld [tilespmem:$0xB0];
	(xrf2) =	vadd.scan.msk.f32 $0xffff, v28  }
0x2a5: {  	v44 =	vld [tilespmem:$0xA0]  }
0x2a6: {  	v45 =	vld [tilespmem:$0x90]  }
0x2a7: {  	s21 =	sadd.s32 $0x200, s21;
	v46 =	vld [tilespmem:$0x80];
	(xrf2) =	vadd.scan.msk.f32 $0xffff, v1  }
0x2a8: {  	s11 =	sadd.s32 $0x200, s11;
	v37 =	vld [tilespmem:s21+$0x80]  }
0x2a9: {  	v1 =	vld [tilespmem:s11+$0x80]  }
0x2aa: {  	v36 =	vld [tilespmem:s21+$0x90]  }
0x2ab: {  	v28 =	vld [tilespmem:s11+$0x90];
	v30, _, _ =	vpop (xrf2)  }
0x2ac: {  	v33 =	vld [tilespmem:s21+$0xA0];
	v30 =	vmul.f32 $1.442695020e+00, v30  }
0x2ad: {  	v31 =	vld [tilespmem:s11+$0xA0]  }
0x2ae: {  	v1 =	vadd.f32 v1, v37;
	v34 =	vld [tilespmem:s21+$0xB0];
	v30 =	vbroadcast v30, $0xF;
	v32, _, _ =	vpop (xrf2)  }
0x2af: {  	v35 =	vld [tilespmem:s11+$0xB0];
	v32 =	vmul.f32 $1.442695020e+00, v32  }
0x2b0: {  	s1 =	sadd.s32 $0x4, s1;
	v40 =	vmul.f32 $2.000000030e-01, v1;
	v28 =	vadd.f32 v28, v36;
	v38 =	vld [tilespmem:s21+$0xC0];
	(erf) = vpow2.f32 v30  }
0x2b1: {  	p1 =	slt.u32 s1, $0x6C;
	v30 =	vld [tilespmem:s11+$0xC0];
	v32 =	vbroadcast v32, $0xF;
	v41, _, _ =	vpop (xrf2)  }
0x2b2: {  	v1 =	vmax.f32 v1, v40;
	v42 =	vmul.f32 $2.000000030e-01, v28;
	v31 =	vadd.f32 v31, v33;
	v40 =	vld [tilespmem:s21+$0xD0]  }
0x2b3: {  	v41 =	vmul.f32 $1.442695020e+00, v41;
	v1 =	vmul.f32 v1, v46;
	v47 =	vld [tilespmem:s11+$0xD0]  }
0x2b4: {  	v28 =	vmax.f32 v28, v42;
	v43 =	vmul.f32 $2.000000030e-01, v31;
	v48 =	vadd.f32 v35, v34;
	v42 =	vld [tilespmem:s21+$0xE0]  }
0x2b5: {  	v41 =	vbroadcast v41, $0xF;
	v1 =	vadd.f32 $0.0e+00, v1;
	v28 =	vmul.f32 v28, v45;
	v49 =	vld [tilespmem:s11+$0xE0]  }
0x2b6: {  	v31 =	vmax.f32 v31, v43;
	v50 =	vmul.f32 $2.000000030e-01, v48;
	v30 =	vadd.f32 v30, v38;
	v43 =	vld [tilespmem:s21+$0xF0]  }
0x2b7: {  	v1 =	vadd.f32 v28, v1;
	v52 =	vmul.f32 v31, v44;
	v51 =	vld [tilespmem:s11+$0xF0];
	(erf) = vpow2.f32 v32  }
0x2b8: {  	v35 =	vld [tilespmem:$0xD0];
	v31 =	vmax.f32 v48, v50;
	v32 =	vmul.f32 $2.000000030e-01, v30;
	v47 =	vadd.f32 v47, v40  }
0x2b9: {  	v48 =	vld [tilespmem:s11+$0xFFFFFF00];
	v1 =	vadd.f32 v52, v1;
	v50 =	vmul.f32 v31, v39;
	v28 =	vpop (erf);
	(erf) = vpow2.f32 v41  }
0x2ba: {  	v31 =	vld [tilespmem:$0xE0];
	v30 =	vmax.f32 v30, v32;
	v32 =	vmul.f32 $2.000000030e-01, v47;
	v41 =	vadd.f32 v49, v42  }
0x2bb: {  	v9 =	vmul.f32 v28, v9;
	v49 =	vld [tilespmem:s21+$0xFFFFFF80];
	v1 =	vadd.f32 v50, v1;
	v50 =	vmul.f32 v30, v27  }
0x2bc: {  	v30 =	vld [tilespmem:$0xF0];
	v32 =	vmax.f32 v47, v32;
	v47 =	vmul.f32 $2.000000030e-01, v41;
	v51 =	vadd.f32 v51, v43  }
0x2bd: {  	v8 =	vmul.f32 v28, v8;
	v52 =	vld [tilespmem:s11+$0xFFFFFF80];
	v1 =	vadd.f32 v50, v1;
	v54 =	vmul.f32 v32, v35;
	[tilespmem:s18+$0xFFFFFF00] =	vst v9  }
0x2be: {  	v12 =	vmul.f32 v28, v12;
	v50 =	vld [tilespmem:s21+$0x0];
	v9 =	vmax.f32 v41, v47;
	v41 =	vmul.f32 $2.000000030e-01, v51  }
0x2bf: {  	v17 =	vmul.f32 v28, v17;
	v47 =	vld [tilespmem:s11+$0x0];
	v1 =	vadd.f32 v54, v1;
	v53 =	vmul.f32 v9, v31;
	[tilespmem:s18+$0xFFFFFF10] =	vst v8  }
0x2c0: {  	v9 =	vld [tilespmem:s21+$0xFFFFFF00];
	v54 =	vmax.f32 v51, v41;
	[tilespmem:s18+$0xFFFFFF20] =	vst v12;
	v12 =	vmul.f32 v28, v20;
	v20 =	vmul.f32 v28, v22;
	v32 =	vpop (erf)  }
0x2c1: {  	v8 =	vld [tilespmem:s21+$0xFFFFFF10];
	v1 =	vadd.f32 v53, v1;
	v22 =	vmul.f32 v54, v30;
	[tilespmem:s18+$0xFFFFFF30] =	vst v17;
	v17 =	vmul.f32 v28, v25  }
0x2c2: {  	v25 =	vld [tilespmem:s11+$0xFFFFFF10];
	v51 =	vadd.f32 v52, v49;
	[tilespmem:s18+$0xFFFFFF40] =	vst v12;
	v12 =	vmul.f32 v28, v29;
	v29 =	vmul.f32 v32, v3;
	v41 =	vpop (erf)  }
0x2c3: {  	v1 =	vadd.f32 v22, v1;
	[tilespmem:s18+$0xFFFFFF50] =	vst v20;
	v20 =	vmul.f32 v32, v5;
	v5 =	vld [tilespmem:s21+$0xFFFFFF90];
	v22 =	vmul.f32 v32, v11  }
0x2c4: {  	v15 =	vmul.f32 v32, v15;
	v3 =	vmovc v49;
	v11 =	vmul.f32 $2.000000030e-01, v51;
	v52 =	vld [tilespmem:s11+$0xFFFFFF90];
	v47 =	vadd.f32 v47, v50;
	[tilespmem:s18+$0xFFFFFF60] =	vst v17  }
0x2c5: {  	v17 =	vadd.f32 v48, v9;
	v48 =	vld [tilespmem:s21+$0x10];
	(xrf2) =	vadd.scan.msk.f32 $0xffff, v1;
	v1 =	vmul.f32 v32, v19;
	v19 =	vmul.f32 v32, v21  }
0x2c6: {  	v23 =	vmul.f32 v32, v23;
	v11 =	vmax.f32 v51, v11;
	v21 =	vmul.f32 $2.000000030e-01, v47;
	v49 =	vld [tilespmem:s11+$0x10];
	[tilespmem:s18+$0xFFFFFF70] =	vst v12  }
0x2c7: {  	v51 =	vmul.f32 $2.000000030e-01, v17;
	v25 =	vadd.f32 v25, v8;
	v12 =	vld [tilespmem:s21+$0xFFFFFF20];
	v53 =	vmul.f32 v11, v46;
	[tilespmem:s18+$0xFFFFFF80] =	vst v29  }
0x2c8: {  	v29 =	vld [tilespmem:s11+$0xFFFFFF20];
	v21 =	vmax.f32 v47, v21;
	[tilespmem:s18+$0xFFFFFF90] =	vst v20;
	v20 =	vmul.f32 v32, v26;
	v26 =	vmul.f32 v41, v2  }
0x2c9: {  	v2 =	vmovc v50;
	v17 =	vmax.f32 v17, v51;
	v47 =	vmul.f32 $2.000000030e-01, v25;
	v51 =	vadd.f32 v52, v5;
	v11 =	vld [tilespmem:s21+$0xFFFFFFA0];
	[tilespmem:s18+$0xFFFFFFA0] =	vst v22  }
0x2ca: {  	v22 =	vadd.f32 $0.0e+00, v53;
	v21 =	vmul.f32 v21, v46;
	v17 =	vmul.f32 v17, v46;
	v50 =	vld [tilespmem:s11+$0xFFFFFFA0];
	[tilespmem:s18+$0xFFFFFFB0] =	vst v15  }
0x2cb: {  	v15 =	vmax.f32 v25, v47;
	v25 =	vmul.f32 $2.000000030e-01, v51;
	v46 =	vadd.f32 v49, v48;
	v47 =	vld [tilespmem:s21+$0x20];
	[tilespmem:s18+$0xFFFFFFC0] =	vst v1  }
0x2cc: {  	v21 =	vadd.f32 $0.0e+00, v21;
	v1 =	vadd.f32 $0.0e+00, v17;
	v15 =	vmul.f32 v15, v45;
	v49 =	vld [tilespmem:s11+$0x20];
	[tilespmem:s18+$0xFFFFFFD0] =	vst v19  }
0x2cd: {  	v19 =	vadd.f32 v29, v12;
	v17 =	vld [tilespmem:s21+$0xFFFFFF30];
	v25 =	vmax.f32 v51, v25;
	v29 =	vmul.f32 $2.000000030e-01, v46;
	[tilespmem:s18+$0xFFFFFFE0] =	vst v23  }
0x2ce: {  	v51 =	vmul.f32 v41, v6;
	v1 =	vadd.f32 v15, v1;
	v23 =	vld [tilespmem:s11+$0xFFFFFF30];
	v25 =	vmul.f32 v25, v45;
	[tilespmem:s18+$0xFFFFFFF0] =	vst v20  }
0x2cf: {  	v20 =	vmul.f32 $2.000000030e-01, v19;
	v50 =	vadd.f32 v50, v11;
	v15 =	vld [tilespmem:s21+$0xFFFFFFB0];
	v29 =	vmax.f32 v46, v29;
	v46, _, _ =	vpop (xrf2);
	[tilespmem:s18+$0x0] =	vst v26  }
0x2d0: {  	v6 =	vmovc v48;
	v22 =	vadd.f32 v25, v22;
	v25 =	vld [tilespmem:s11+$0xFFFFFFB0];
	v26 =	vmul.f32 v29, v45;
	v29 =	vmul.f32 $1.442695020e+00, v46;
	[tilespmem:s18+$0x10] =	vst v51  }
0x2d1: {  	v19 =	vmax.f32 v19, v20;
	v45 =	vmul.f32 $2.000000030e-01, v50;
	v46 =	vadd.f32 v49, v47;
	v48 =	vld [tilespmem:s21+$0x30]  }
0x2d2: {  	v19 =	vmul.f32 v19, v44;
	v21 =	vadd.f32 v26, v21;
	v26 =	vld [tilespmem:s11+$0x30];
	v29 =	vbroadcast v29, $0xF  }
0x2d3: {  	v23 =	vadd.f32 v23, v17;
	v20 =	vld [tilespmem:s21+$0xFFFFFF40];
	v45 =	vmax.f32 v50, v45;
	v49 =	vmul.f32 $2.000000030e-01, v46  }
0x2d4: {  	v1 =	vadd.f32 v19, v1;
	v50 =	vld [tilespmem:s11+$0xFFFFFF40];
	v45 =	vmul.f32 v45, v44;
	(erf) = vpow2.f32 v29  }
0x2d5: {  	v29 =	vmul.f32 $2.000000030e-01, v23;
	v25 =	vadd.f32 v25, v15;
	v19 =	vld [tilespmem:s21+$0xFFFFFFC0];
	v46 =	vmax.f32 v46, v49  }
0x2d6: {  	v45 =	vadd.f32 v45, v22;
	v49 =	vld [tilespmem:s11+$0xFFFFFFC0];
	v22 =	vmul.f32 v46, v44;
	v44 =	vmul.f32 v41, v7;
	v7 =	vmovc v47  }
0x2d7: {  	v23 =	vmax.f32 v23, v29;
	v29 =	vmul.f32 $2.000000030e-01, v25;
	v26 =	vadd.f32 v26, v48;
	v46 =	vld [tilespmem:s21+$0x40]  }
0x2d8: {  	v23 =	vmul.f32 v23, v39;
	v47 =	vadd.f32 v22, v21;
	v51 =	vld [tilespmem:s11+$0x40];
	[tilespmem:s18+$0x20] =	vst v44;
	v21 =	vmul.f32 v41, v10  }
0x2d9: {  	v10 =	vmovc v48;
	v44 =	vadd.f32 v50, v20;
	v22 =	vld [tilespmem:s21+$0xFFFFFF50];
	v25 =	vmax.f32 v25, v29;
	v29 =	vmul.f32 $2.000000030e-01, v26  }
0x2da: {  	v13 =	vmul.f32 v41, v13;
	v1 =	vadd.f32 v23, v1;
	v23 =	vld [tilespmem:s11+$0xFFFFFF50];
	v25 =	vmul.f32 v25, v39;
	[tilespmem:s18+$0x30] =	vst v21  }
0x2db: {  	v50 =	vmul.f32 $2.000000030e-01, v44;
	v49 =	vadd.f32 v49, v19;
	v21 =	vld [tilespmem:s21+$0xFFFFFFD0];
	v26 =	vmax.f32 v26, v29  }
0x2dc: {  	v53 =	vmul.f32 v41, v14;
	v45 =	vadd.f32 v25, v45;
	v29 =	vld [tilespmem:s11+$0xFFFFFFD0];
	v25 =	vmul.f32 v26, v39;
	[tilespmem:s18+$0x40] =	vst v13  }
0x2dd: {  	v26 =	vmax.f32 v44, v50;
	v39 =	vmul.f32 $2.000000030e-01, v49;
	v44 =	vadd.f32 v51, v46;
	v14 =	vld [tilespmem:s21+$0x50];
	v48 =	vpop (erf)  }
0x2de: {  	v26 =	vmul.f32 v26, v27;
	v47 =	vadd.f32 v25, v47;
	v50 =	vld [tilespmem:s11+$0x50];
	v37 =	vmul.f32 v48, v37;
	[tilespmem:s18+$0x50] =	vst v53  }
0x2df: {  	v13 =	vmovc v46;
	v36 =	vmul.f32 v48, v36;
	v51 =	vadd.f32 v23, v22;
	v25 =	vld [tilespmem:s21+$0xFFFFFF60];
	v52 =	vmul.f32 $2.000000030e-01, v44  }
0x2e0: {  	v33 =	vmul.f32 v48, v33;
	v39 =	vmax.f32 v49, v39;
	v1 =	vadd.f32 v26, v1;
	v26 =	vld [tilespmem:s11+$0xFFFFFF60];
	[tilespmem:s21+$0x80] =	vst v37  }
0x2e1: {  	v37 =	vadd.f32 v29, v21;
	v23 =	vld [tilespmem:s21+$0xFFFFFFE0];
	v44 =	vmax.f32 v44, v52;
	[tilespmem:s21+$0x90] =	vst v36;
	v29 =	vmul.f32 v48, v34  }
0x2e2: {  	v34 =	vmul.f32 $2.000000030e-01, v51;
	v36 =	vld [tilespmem:s11+$0xFFFFFFE0];
	[tilespmem:s21+$0xA0] =	vst v33;
	v33 =	vmul.f32 v48, v38  }
0x2e3: {  	v40 =	vmul.f32 v48, v40;
	v38 =	vmul.f32 $2.000000030e-01, v37;
	v46 =	vadd.f32 v50, v14;
	v49 =	vld [tilespmem:s21+$0x60];
	[tilespmem:s21+$0xB0] =	vst v29  }
0x2e4: {  	v39 =	vmul.f32 v39, v27;
	v34 =	vmax.f32 v51, v34;
	v50 =	vld [tilespmem:s11+$0x60];
	[tilespmem:s21+$0xC0] =	vst v33;
	v33 =	vmul.f32 v48, v42  }
0x2e5: {  	v42 =	vadd.f32 v26, v25;
	v29 =	vld [tilespmem:s21+$0xFFFFFF70];
	v51 =	vmul.f32 $2.000000030e-01, v46;
	[tilespmem:s21+$0xD0] =	vst v40;
	v40 =	vmul.f32 v48, v43  }
0x2e6: {  	v39 =	vadd.f32 v39, v45;
	v27 =	vmul.f32 v44, v27;
	v37 =	vmax.f32 v37, v38;
	v43 =	vld [tilespmem:s11+$0xFFFFFF70];
	[tilespmem:s21+$0xE0] =	vst v33  }
0x2e7: {  	s23 =	sadd.s32 $0x4, s23;
	v33 =	vmul.f32 $2.000000030e-01, v42;
	v36 =	vadd.f32 v36, v23;
	v26 =	vld [tilespmem:s21+$0xFFFFFFF0];
	v38 =	vmax.f32 v46, v51;
	[tilespmem:s21+$0xF0] =	vst v40  }
0x2e8: {  	v34 =	vmul.f32 v34, v35;
	v27 =	vadd.f32 v27, v47;
	v37 =	vmul.f32 v37, v35;
	v40 =	vld [tilespmem:s23+$0x1]  }
0x2e9: {  	v35 =	vmul.f32 v38, v35;
	v44 =	vmul.f32 $2.000000030e-01, v36;
	v45 =	vld [tilespmem:s11+$0xFFFFFFF0];
	v38 =	vadd.f32 v50, v49  }
0x2ea: {  	v1 =	vadd.f32 v34, v1;
	v34 =	vadd.f32 v37, v39;
	v33 =	vmax.f32 v42, v33;
	v37 =	vld [tilespmem:s21+$0x70]  }
0x2eb: {  	v39 =	vadd.f32 v43, v29;
	v36 =	vmax.f32 v36, v44;
	v42 =	vmul.f32 $2.000000030e-01, v38;
	v43 =	vld [tilespmem:s11+$0x70]  }
0x2ec: {  	v33 =	vmul.f32 v33, v31;
	v27 =	vadd.f32 v35, v27;
	v36 =	vmul.f32 v36, v31;
	v35 =	vld [tilespmem:s12+$0xFFFFFFFE]  }
0x2ed: {  	v46 =	vmul.f32 v41, v16;
	v16 =	vmovc v49;
	v44 =	vmul.f32 $2.000000030e-01, v39;
	v38 =	vmax.f32 v38, v42;
	v42 =	vld [tilespmem:s12+$0xFFFFFFFF]  }
0x2ee: {  	v1 =	vadd.f32 v33, v1;
	v33 =	vadd.f32 v45, v26;
	v31 =	vmul.f32 v38, v31  }
0x2ef: {  	v36 =	vadd.f32 v36, v34;
	v38 =	vmax.f32 v39, v44;
	[tilespmem:s18+$0x60] =	vst v46;
	v44 =	vmul.f32 v41, v18  }
0x2f0: {  	v39 =	vmul.f32 $2.000000030e-01, v33;
	v34 =	vadd.f32 v31, v27;
	v27 =	vadd.f32 v43, v37;
	[tilespmem:v40+s17+$0x0] =	vst.idx.add.f32.msk $0x1, v48  }
.Ltmp10:
0x2f1: {  	v18 =	vmov v37;
	v38 =	vmul.f32 v38, v30;
	[tilespmem:s18+$0x70] =	vst v44;
	s18 =	smov.u32 s21;
	(pc) =	sbr.rel @p1 .LBB2_23-.Ltmp10, $4  }
0x2f2: {  	v33 =	vmax.f32 v33, v39;
	v37 =	vmul.f32 $2.000000030e-01, v27;
	v31 =	vld [tilespmem:s12+$0x0];
	s12 =	smov.u32 s23  }
0x2f3: {  	v1 =	vadd.f32 v38, v1;
	v33 =	vmul.f32 v33, v30;
	[tilespmem:v24+s17+$0x0] =	vst.idx.add.f32.msk $0x1, v4;
	v4 =	vmov v41  }
0x2f4: {  	v24 =	vmax.f32 v27, v37;
	[tilespmem:v35+s17+$0x0] =	vst.idx.add.f32.msk $0x1, v28  }
0x2f5: {  	v28 =	vadd.f32 v33, v36;
	v24 =	vmul.f32 v24, v30;
	(xrf2) =	vadd.scan.msk.f32 $0xffff, v1;
	[tilespmem:v42+s17+$0x0] =	vst.idx.add.f32.msk $0x1, v32  }
0x2f6: {  	_ =	sdelay $0x5  }
0x2f7: {  	(xrf2) =	vadd.scan.msk.f32 $0xffff, v28;
	_ =	sdelay $0x2  }
0x2f8: {  	v1, _, _ =	vpop (xrf2)  }
0x2f9: {  	v1 =	vmul.f32 $1.442695020e+00, v1;
	_ =	sdelay $0x1  }
0x2fa: {  	v1 =	vbroadcast v1, $0xF  }
0x2fb: {  	v24 =	vadd.f32 v24, v34  }
0x2fc: {  	(erf) = vpow2.f32 v1  }
0x2fd: {  	(xrf2) =	vadd.scan.msk.f32 $0xffff, v24  }
0x2fe: {  	v1, _, _ =	vpop (xrf2)  }
0x2ff: {  	v1 =	vmul.f32 $1.442695020e+00, v1;
	_ =	sdelay $0x1  }
0x300: {  	v1 =	vbroadcast v1, $0xF;
	_ =	sdelay $0x2  }
0x301: {  	(erf) = vpow2.f32 v1  }
0x302: {  	v1 =	vpop (erf)  }
0x303: {  	v9 =	vmul.f32 v1, v9  }
0x304: {  	v24, _, _ =	vpop (xrf2);
	v8 =	vmul.f32 v1, v8  }
0x305: {  	v24 =	vmul.f32 $1.442695020e+00, v24;
	v50 =	vmul.f32 v1, v12;
	[tilespmem:s18+$0xFFFFFF00] =	vst v9  }
0x306: {  	v51 =	vmul.f32 v1, v17;
	[tilespmem:s18+$0xFFFFFF10] =	vst v8  }
0x307: {  	v52 =	vbroadcast v24, $0xF;
	v53 =	vmul.f32 v1, v20;
	[tilespmem:s18+$0xFFFFFF20] =	vst v50  }
0x308: {  	v54 =	vmul.f32 v1, v22;
	[tilespmem:s18+$0xFFFFFF30] =	vst v51  }
0x309: {  	(erf) = vpow2.f32 v52;
	v55 =	vmul.f32 v1, v25;
	[tilespmem:s18+$0xFFFFFF40] =	vst v53  }
0x30a: {  	v57 =	vmul.f32 v1, v29;
	[tilespmem:s18+$0xFFFFFF50] =	vst v54;
	v56 =	vpop (erf)  }
0x30b: {  	[tilespmem:s18+$0xFFFFFF60] =	vst v55;
	v3 =	vmul.f32 v56, v3  }
0x30c: {  	[tilespmem:s18+$0xFFFFFF70] =	vst v57;
	v5 =	vmul.f32 v56, v5  }
0x30d: {  	v58 =	vmul.f32 v56, v11;
	[tilespmem:s18+$0xFFFFFF80] =	vst v3  }
0x30e: {  	v59 =	vmul.f32 v56, v19;
	[tilespmem:s18+$0xFFFFFF90] =	vst v5  }
0x30f: {  	v60 =	vmul.f32 v56, v21;
	[tilespmem:s18+$0xFFFFFFA0] =	vst v58  }
0x310: {  	v3 =	vmul.f32 v56, v15;
	[tilespmem:s18+$0xFFFFFFC0] =	vst v59  }
0x311: {  	v62 =	vmul.f32 v56, v26;
	[tilespmem:s18+$0xFFFFFFD0] =	vst v60  }
0x312: {  	v61 =	vpop (erf);
	[tilespmem:s18+$0xFFFFFFB0] =	vst v3;
	v3 =	vmul.f32 v56, v23  }
0x313: {  	[tilespmem:s18+$0xFFFFFFF0] =	vst v62;
	v2 =	vmul.f32 v61, v2  }
0x314: {  	[tilespmem:s18+$0xFFFFFFE0] =	vst v3;
	v3 =	vmul.f32 v61, v6  }
0x315: {  	[tilespmem:s18+$0x0] =	vst v2;
	v2 =	vmul.f32 v61, v7  }
0x316: {  	[tilespmem:s18+$0x10] =	vst v3;
	v3 =	vmul.f32 v61, v10  }
0x317: {  	[tilespmem:s18+$0x20] =	vst v2;
	v2 =	vmul.f32 v61, v13  }
0x318: {  	[tilespmem:s18+$0x30] =	vst v3;
	v3 =	vmul.f32 v61, v14  }
0x319: {  	[tilespmem:s18+$0x40] =	vst v2;
	v2 =	vmul.f32 v61, v16  }
0x31a: {  	[tilespmem:s18+$0x50] =	vst v3;
	v3 =	vmul.f32 v61, v18  }
0x31b: {  	v63 =	vld [tilespmem:s12+$0xFFFFFFFE];
	[tilespmem:s18+$0x60] =	vst v2  }
0x31c: {  	v2 =	vld [tilespmem:s12+$0xFFFFFFFF];
	[tilespmem:s18+$0x70] =	vst v3  }
0x31d: {  	v3 =	vld [tilespmem:s12+$0x0];
	_ =	sdelay $0x4  }
0x31e: {  	[tilespmem:v31+s17+$0x0] =	vst.idx.add.f32.msk $0x1, v4  }
0x31f: {  	s20 =	sadd.s32 $0x1, s20;
	[tilespmem:v63+s17+$0x0] =	vst.idx.add.f32.msk $0x1, v1  }
0x320: {  	p1 =	sne.s32 s20, $0x5D;
	[tilespmem:v2+s17+$0x0] =	vst.idx.add.f32.msk $0x1, v56  }
.Ltmp11:
0x321: {  	[tilespmem:v3+s17+$0x0] =	vst.idx.add.f32.msk $0x1, v61;
	(pc) =	sbr.rel @p1 .LBB2_20-.Ltmp11, $4  }
0x322: {  	[spmem:s3] =	stream.indirect.scatter.add.f32 [tilespmem:s2], [sflag:$0x3], $0x80, s31, s5, $0xb8;
	[tilespmem:$0x1DF80] =	vst v63  }
0x323: {  	_ =	swait.ge [sflag:s28], $0x3800  }
0x324: {  	[sflag:s28] =	ssyncset.done $0x0  }
0x325: {  	[sflag:s28] =	ssyncadd.s32 $0xFFFFC800  }
0x326: {  	[bflag:$0x0] =	sbarrier.arrive $0xFFFF  }
0x327: {  	s11 =	rddreg [dreg:$0x10]  }
0x328: {  	[tilespmem:s14], [sflag:$0x3] =	stream.linear.gather [spmem:s11], $0x1800, $0x38;
	[tilespmem:$0x1DF80] =	vst v63  }
0x329: {  	_ =	swait.ge [sflag:s28], $0x1800  }
0x32a: {  	[sflag:s28] =	ssyncset.done $0x0  }
0x32b: {  	s1 =	sadd.s32 $0x0, s24;
	[sflag:s28] =	ssyncadd.s32 $0xFFFFE800  }
0x32c: {  	[hbm4b:s1+s4] =	stream.linear.scatter [tilespmem:s14], [sflag:$0x3], $0x1800, $0x38;
	[tilespmem:$0x1DF80] =	vst v63  }
0x32d: {  	_ =	swait.ge [sflag:s28], $0x1800  }
0x32e: {  	s1 =	simm.s32 $0x300;
	[sflag:s28] =	ssyncset.done $0x0  }
.LBB2_26:
0x32f: {  	p1 =	sne.s32 s1, $0x2400;
	[sflag:s28] =	ssyncadd.s32 $0xFFFFE800;
	s11 =	sadd.s32 $0x1800, s11  }
0x330: {  	[tilespmem:s14], [sflag:$0x3] =	stream.linear.gather [spmem:s11], $0x1800, $0x38;
	[tilespmem:$0x1DF80] =	vst v63  }
0x331: {  	s12 =	smov.u32 s1;
	s1 =	sadd.s32 $0x300, s1;
	_ =	swait.ge [sflag:s28], $0x1800  }
.Ltmp12:
0x332: {  	[sflag:s28] =	ssyncset.done $0x0;
	(pc) =	sbr.rel @p1 .LBB2_26-.Ltmp12, $4  }
0x333: {  	s12 =	sadd.s32 s12, s24;
	[sflag:s28] =	ssyncadd.s32 $0xFFFFE800  }
0x334: {  	[hbm4b:s12+s4] =	stream.linear.scatter [tilespmem:s14], [sflag:$0x3], $0x1800, $0x38;
	[tilespmem:$0x1DF80] =	vst v63  }
0x335: {  	_ =	swait.ge [sflag:s28], $0x1800  }
0x336: {  	[sflag:s28] =	ssyncset.done $0x0  }
0x337: {  	[sflag:s28] =	ssyncadd.s32 $0xFFFFE800;
	s1 =	simm.s32 @!p0 $0x400;
	s11 =	rddreg [dreg:$0x6]  }
0x338: {  	[tilespmem:s1], [sflag:$0x3] =	stream.linear.gather @!p0 [spmem:s11], $0x800, $0x38;
	[tilespmem:$0x1DF80] =	vst v63  }
0x339: {  	s11 =	simm.s32 @!p0 $0x3  }
0x33a: {  	_ =	swait.ge @!p0 [sflag:s11], $0x800  }
0x33b: {  	[sflag:s11] =	ssyncset.done @!p0 $0x0  }
0x33c: {  	s12 =	simm.s32 @!p0 $0x0;
	s18 =	rddreg [dreg:$0x9];
	[sflag:s11] =	ssyncadd.s32 @!p0 $0xFFFFF800  }
0x33d: {  	[hbm4b:s18+s12] =	stream.linear.scatter @!p0 [tilespmem:s1], [sflag:$0x3], $0x800, $0x38;
	[tilespmem:$0x1DF80] =	vst v63  }
0x33e: {  	_ =	swait.ge @!p0 [sflag:s11], $0x800  }
0x33f: {  	[sflag:s11] =	ssyncset.done @!p0 $0x0  }
0x340: {  	s20 =	simm.s32 $0x0;
	s21 =	rddreg [dreg:$0xa];
	[sflag:s11] =	ssyncadd.s32 @!p0 $0xFFFFF800  }
0x341: {  	[hbm4b:s21+s20] =	stream.linear.scatter [tilespmem:s17], [sflag:$0x3], $0x2780, $0x38;
	[tilespmem:$0x1DF80] =	vst v63  }
0x342: {  	_ =	swait.ge [sflag:s28], $0x2780  }
0x343: {  	[sflag:s28] =	ssyncset.done $0x0  }
0x344: {  	[sflag:s28] =	ssyncadd.s32 $0xFFFFD880  }
0x345: {  	s23 =	sadd.s32 $0x0, s9;
	[bflag:$0x0] =	sbarrier.arrive $0xFFFF  }
0x346: {  	[spmem:s23] =	stream.linear.scatter [tilespmem:s29], [sflag:$0x3], $0x800, $0x38;
	[tilespmem:$0x1DF80] =	vst v63  }
0x347: {  	s1 =	simm.s32 $0x2000;
	_ =	swait.ge [sflag:s28], $0x800  }
.LBB2_28:
0x348: {  	s11 =	sshra.s32 s1, $0x2;
	[sflag:s28] =	ssyncset.done $0x0;
	p1 =	sne.s32 s1, $0x4C000  }
.Ltmp13:
0x349: {  	s11 =	sadd.s32 s11, s9;
	[sflag:s28] =	ssyncadd.s32 $0xFFFFF800;
	(pc) =	sbr.rel @p1 .LBB2_28-.Ltmp13, $3  }
0x34a: {  	[spmem:s11] =	stream.linear.scatter [tilespmem:s29], [sflag:$0x3], $0x800, $0x38;
	[tilespmem:$0x1DF80] =	vst v63  }
0x34b: {  	s1 =	sadd.s32 $0x2000, s1;
	_ =	sdelay $0x1  }
0x34c: {  	_ =	swait.ge [sflag:s28], $0x800  }
0x34d: {  	[sflag:s28] =	ssyncset.done $0x0  }
0x34e: {  	s1 =	rddreg [dreg:$0x5];
	[sflag:s28] =	ssyncadd.s32 $0xFFFFF800  }
0x34f: {  	[spmem:s1] =	stream.linear.scatter [tilespmem:s29], [sflag:$0x3], $0x400, $0x38;
	[tilespmem:$0x1DF80] =	vst v63  }
0x350: {  	_ =	swait.ge [sflag:s28], $0x400  }
0x351: {  	[sflag:s28] =	ssyncset.done $0x0  }
0x352: {  	s1 =	simm.s32 $0x7420;
	[sflag:s28] =	ssyncadd.s32 $0xFFFFFC00  }
0x353: {  	[tilespmem:s1+$0xFFFFFFE0] =	vst v0  }
0x354: {  	[tilespmem:s1+$0x10] =	vst v0  }
0x355: {  	s11 =	simm.s32 $0x0;
	[tilespmem:s1+$0x0] =	vst v0  }
.LBB2_30:
0x356: {  	s11 =	sadd.s32 $0x4, s11  }
0x357: {  	[tilespmem:s1+$0xFFFFFFF0] =	vst v0;
	s1 =	sadd.s32 $0x40, s1;
	p1 =	slt.u32 s11, $0x274  }
.Ltmp14:
0x358: {  	[tilespmem:s1+$0xFFFFFFE0] =	vst v0;
	(pc) =	sbr.rel @p1 .LBB2_30-.Ltmp14, $3  }
0x359: {  	_ =	sdelay $0x1  }
0x35a: {  	[tilespmem:s1+$0x10] =	vst v0  }
0x35b: {  	[tilespmem:s1+$0x0] =	vst v0  }
0x35c: {  	[tilespmem:s1+$0xFFFFFFF0] =	vst v0  }
0x35d: {  	s19 =	simm.s32 $0x0;
	s20 =	simm.s32 $0x0;
	[bflag:$0x0] =	sbarrier.arrive $0xFFFF  }
.LBB2_32:
0x35e: {  	s1 =	smul.u32 $0x70, s20;
	_ =	sdelay $0x1  }
0x35f: {  	s1 =	sadd.s32 s10, s1  }
0x360: {  	s11 =	rddreg [dreg:$0x1];
	s1 =	sshrl.u32 s1, $0x3  }
0x361: {  	s11 =	sadd.s32 s11, s1  }
0x362: {  	[tilespmem:s30], [sflag:$0x3] =	stream.linear.gather [hbm4b:s11+s19], $0x70, $0x38;
	[tilespmem:$0x1DF80] =	vst v63  }
0x363: {  	_ =	swait.ge [sflag:s28], $0x70  }
0x364: {  	[sflag:s28] =	ssyncset.done $0x0  }
0x365: {  	s1 =	sadd.s32 s8, s1;
	[sflag:s28] =	ssyncadd.s32 $0xFFFFFF90  }
0x366: {  	[tilespmem:s31], [sflag:$0x3] =	stream.linear.gather [hbm4b:s1+s19], $0x70, $0x38;
	[tilespmem:$0x1DF80] =	vst v63  }
0x367: {  	_ =	swait.ge [sflag:s28], $0x70  }
0x368: {  	[sflag:s28] =	ssyncset.done $0x0  }
0x369: {  	[sflag:s28] =	ssyncadd.s32 $0xFFFFFF90  }
0x36a: {  	[tilespmem:s0], [sflag:$0x3] =	stream.linear.gather [hbm4b:s1+s19], $0x70, $0x38;
	[tilespmem:$0x1DF80] =	vst v63  }
0x36b: {  	_ =	swait.ge [sflag:s28], $0x70  }
0x36c: {  	[sflag:s28] =	ssyncset.done $0x0  }
0x36d: {  	s1 =	simm.s32 $0x0;
	[sflag:s28] =	ssyncadd.s32 $0xFFFFFF90  }
0x36e: {  	v2 =	vld [tilespmem:s1+$0x280]  }
0x36f: {  	s11 =	simm.s32 $0x40;
	v3 =	vld [tilespmem:s1+$0x200]  }
.LBB2_33:
0x370: {  	_ = 	snop  }
0x371: {  	p1 =	sne.s32 s11, $0x180  }
.Ltmp15:
0x372: {  	_ = 	snop;
	(pc) =	sbr.rel @p1 .LBB2_33-.Ltmp15, $4  }
0x373: {  	s12 =	sshra.s32 s11, $0x2;
	vm0 =	vlt.s32 v2, $0x270F  }
0x374: {  	v4 =	vadd.s32 $0x4E20, v3;
	v3 =	vld [tilespmem:s12+$0x200];
	v1 =	vnsel vm0, $0x270F, v2  }
0x375: {  	v2 =	vld [tilespmem:s12+$0x280];
	[tilespmem:s1+$0x200] =	vst v4;
	v1 =	vadd.s32 $0x4E20, v1  }
0x376: {  	s11 =	sadd.s32 $0x40, s11;
	[tilespmem:s1+$0x380] =	vst v1;
	s1 =	smov.u32 s12  }
0x377: {  	_ =	sdelay $0x2  }
0x378: {  	vm0 =	vlt.s32 v2, $0x270F  }
0x379: {  	v1 =	vnsel vm0, $0x270F, v2;
	v2 =	vadd.s32 $0x4E20, v3  }
0x37a: {  	v1 =	vadd.s32 $0x4E20, v1;
	[tilespmem:s1+$0x200] =	vst v2  }
0x37b: {  	[tilespmem:s1+$0x380] =	vst v1  }
0x37c: {  	[tilespmem:s2], [sflag:$0x1] =	stream.indirect.gather [hbm4b:s6+s5], $0x80, s30, s5, $0xb8;
	[tilespmem:$0x1DF80] =	vst v63  }
0x37d: {  	_ = 	snop  }
0x37e: {  	[tilespmem:s14], [sflag:$0x2] =	stream.indirect.gather [hbm4b:s7+s5], $0x80, s13, s5, $0xb8;
	[tilespmem:$0x1DF80] =	vst v63  }
0x37f: {  	_ =	swait.ge [sflag:s15], $0x3800  }
0x380: {  	[sflag:s15] =	ssyncset.done $0x0  }
0x381: {  	[sflag:s15] =	ssyncadd.s32 $0xFFFFC800  }
0x382: {  	_ =	swait.ge [sflag:s16], $0x3800  }
0x383: {  	[sflag:s16] =	ssyncset.done $0x0  }
0x384: {  	[sflag:s16] =	ssyncadd.s32 $0xFFFFC800  }
0x385: {  	v3 =	vld [tilespmem:$0x140]  }
0x386: {  	v23 =	vld [tilespmem:$0x130]  }
0x387: {  	v17 =	vld [tilespmem:$0x120]  }
0x388: {  	v1 =	vld [tilespmem:$0x110]  }
0x389: {  	s12 =	simm.s32 $0x3D00;
	v11 =	vld [tilespmem:$0x100]  }
0x38a: {  	s11 =	simm.s32 $0x500;
	v32 =	vld [tilespmem:s12+$0x80]  }
0x38b: {  	v2 =	vld [tilespmem:s11+$0x80]  }
0x38c: {  	v31 =	vld [tilespmem:s12+$0x90]  }
0x38d: {  	v4 =	vld [tilespmem:s11+$0x90]  }
0x38e: {  	v29 =	vld [tilespmem:s12+$0xA0]  }
0x38f: {  	v5 =	vld [tilespmem:s11+$0xA0]  }
0x390: {  	v26 =	vld [tilespmem:s12+$0xB0]  }
0x391: {  	v6 =	vld [tilespmem:s11+$0xB0]  }
0x392: {  	v25 =	vld [tilespmem:s12+$0xC0]  }
0x393: {  	v8 =	vld [tilespmem:s11+$0xC0];
	v2 =	vadd.f32 v2, v32  }
0x394: {  	v27 =	vld [tilespmem:s12+$0xD0]  }
0x395: {  	v9 =	vld [tilespmem:s11+$0xD0];
	v4 =	vadd.f32 v4, v31;
	v7 =	vmul.f32 $2.000000030e-01, v2  }
0x396: {  	v28 =	vld [tilespmem:s12+$0xE0]  }
0x397: {  	v10 =	vld [tilespmem:s11+$0xE0];
	v5 =	vadd.f32 v5, v29;
	v2 =	vmax.f32 v2, v7;
	v7 =	vmul.f32 $2.000000030e-01, v4  }
0x398: {  	v30 =	vld [tilespmem:s12+$0xF0];
	v2 =	vmul.f32 v2, v11  }
0x399: {  	v21 =	vld [tilespmem:$0x150];
	v6 =	vadd.f32 v6, v26;
	v4 =	vmax.f32 v4, v7;
	v7 =	vmul.f32 $2.000000030e-01, v5  }
0x39a: {  	v12 =	vld [tilespmem:s11+$0xFFFFFF00];
	v2 =	vadd.f32 $0.0e+00, v2;
	v4 =	vmul.f32 v4, v1  }
0x39b: {  	v19 =	vld [tilespmem:$0x160];
	v8 =	vadd.f32 v8, v25;
	v5 =	vmax.f32 v5, v7;
	v7 =	vmul.f32 $2.000000030e-01, v6  }
0x39c: {  	v2 =	vadd.f32 v4, v2;
	v4 =	vmul.f32 v5, v17;
	v5 =	vld [tilespmem:s11+$0xF0]  }
0x39d: {  	v20 =	vld [tilespmem:$0x170];
	v9 =	vadd.f32 v9, v27;
	v6 =	vmax.f32 v6, v7;
	v7 =	vmul.f32 $2.000000030e-01, v8  }
0x39e: {  	v14 =	vld [tilespmem:s11+$0x0];
	v2 =	vadd.f32 v4, v2;
	v6 =	vmul.f32 v6, v23  }
0x39f: {  	v15 =	vld [tilespmem:s11+$0xFFFFFF10];
	v10 =	vadd.f32 v10, v28;
	v7 =	vmax.f32 v8, v7;
	v8 =	vmul.f32 $2.000000030e-01, v9  }
0x3a0: {  	v16 =	vld [tilespmem:s11+$0xFFFFFF90];
	v2 =	vadd.f32 v6, v2;
	v6 =	vmul.f32 v7, v3  }
0x3a1: {  	v38 =	vld [tilespmem:s12+$0x10];
	v7 =	vmax.f32 v9, v8;
	v8 =	vmul.f32 $2.000000030e-01, v10;
	v5 =	vadd.f32 v5, v30  }
0x3a2: {  	v4 =	vld [tilespmem:s12+$0xFFFFFF80];
	v2 =	vadd.f32 v6, v2;
	v6 =	vmul.f32 v7, v21  }
0x3a3: {  	v9 =	vld [tilespmem:s11+$0xFFFFFF80];
	v8 =	vmax.f32 v10, v8;
	v10 =	vmul.f32 $2.000000030e-01, v5  }
0x3a4: {  	v7 =	vld [tilespmem:s12+$0x0];
	v6 =	vadd.f32 v6, v2;
	v8 =	vmul.f32 v8, v19  }
0x3a5: {  	v2 =	vld [tilespmem:s12+$0xFFFFFF00];
	v10 =	vmax.f32 v5, v10  }
0x3a6: {  	v5 =	vld [tilespmem:s12+$0xFFFFFF10];
	v8 =	vadd.f32 v8, v6;
	v10 =	vmul.f32 v10, v20  }
0x3a7: {  	v6 =	vld [tilespmem:s12+$0xFFFFFF90];
	[tilespmem:$0x1FFA0] =	vst v38  }
0x3a8: {  	v18 =	vld [tilespmem:s11+$0x10];
	v8 =	vadd.f32 v10, v8  }
0x3a9: {  	v9 =	vadd.f32 v9, v4;
	v13 =	vld [tilespmem:s12+$0x20]  }
0x3aa: {  	v22 =	vadd.f32 v14, v7;
	v24 =	vld [tilespmem:s11+$0xFFFFFF20];
	(xrf2) =	vadd.scan.msk.f32 $0xffff, v8  }
0x3ab: {  	v34 =	vld [tilespmem:s11+$0xFFFFFFA0];
	v14 =	vmul.f32 $2.000000030e-01, v9;
	v12 =	vadd.f32 v12, v2  }
0x3ac: {  	v10 =	vld [tilespmem:s12+$0xFFFFFFA0];
	v33 =	vmul.f32 $2.000000030e-01, v22  }
0x3ad: {  	v8 =	vld [tilespmem:s12+$0xFFFFFF20];
	v9 =	vmax.f32 v9, v14;
	v15 =	vadd.f32 v15, v5;
	v35 =	vmul.f32 $2.000000030e-01, v12  }
0x3ae: {  	v36 =	vmul.f32 v9, v11;
	v22 =	vmax.f32 v22, v33;
	v16 =	vadd.f32 v16, v6;
	[tilespmem:$0x1FFB0] =	vst v13  }
0x3af: {  	v50 =	vmul.f32 $2.000000030e-01, v15;
	v22 =	vmul.f32 v22, v11;
	v18 =	vadd.f32 v18, v38;
	v49 =	vld [tilespmem:s11+$0x20]  }
0x3b0: {  	v12 =	vmax.f32 v12, v35;
	v9 =	vld [tilespmem:s12+$0xFFFFFF30];
	v36 =	vadd.f32 $0.0e+00, v36;
	v51 =	vmul.f32 $2.000000030e-01, v16  }
0x3b1: {  	v37 =	vld [tilespmem:s11+$0xFFFFFF30];
	v34 =	vadd.f32 v34, v10;
	v12 =	vmul.f32 v12, v11;
	v15 =	vmax.f32 v15, v50  }
0x3b2: {  	v39 =	vld [tilespmem:s11+$0xFFFFFFB0];
	v22 =	vadd.f32 $0.0e+00, v22;
	v40 =	vmul.f32 $2.000000030e-01, v18;
	v24 =	vadd.f32 v24, v8  }
0x3b3: {  	v42 =	vld [tilespmem:s11+$0x30];
	v15 =	vmul.f32 v15, v1;
	v35 =	vmax.f32 v16, v51;
	v12 =	vadd.f32 $0.0e+00, v12  }
0x3b4: {  	v11 =	vld [tilespmem:s12+$0xFFFFFFB0];
	v35 =	vmul.f32 v35, v1;
	v18 =	vmax.f32 v18, v40;
	v53 =	vmul.f32 $2.000000030e-01, v24;
	v52, _, _ =	vpop (xrf2)  }
0x3b5: {  	v16 =	vld [tilespmem:s12+$0x30];
	v1 =	vmul.f32 v18, v1;
	v41 =	vadd.f32 v15, v12;
	v38 =	vmul.f32 $1.442695020e+00, v52  }
0x3b6: {  	v54 =	vld [tilespmem:s11+$0xFFFFFF40];
	v18 =	vmul.f32 $2.000000030e-01, v34;
	v33 =	vadd.f32 v49, v13;
	v35 =	vadd.f32 v35, v36  }
0x3b7: {  	v57 =	vld [tilespmem:s11+$0xFFFFFFC0];
	v55 =	vadd.f32 v37, v9;
	v24 =	vmax.f32 v24, v53;
	v12 =	vbroadcast v38, $0xF  }
0x3b8: {  	v15 =	vld [tilespmem:s12+$0xFFFFFF40];
	v1 =	vadd.f32 v1, v22;
	v22 =	vmax.f32 v34, v18;
	v56 =	vmul.f32 $2.000000030e-01, v33  }
0x3b9: {  	v59 =	vld [tilespmem:s11+$0x40];
	v39 =	vadd.f32 v39, v11;
	v60 =	vmul.f32 v22, v17;
	(erf) = vpow2.f32 v12  }
0x3ba: {  	v63 =	vld [tilespmem:s11+$0xFFFFFF50];
	v24 =	vmul.f32 v24, v17;
	v58 =	vmul.f32 $2.000000030e-01, v55;
	v62 =	vadd.f32 v42, v16  }
0x3bb: {  	v45 =	vld [tilespmem:s11+$0xFFFFFF60];
	v61 =	vmul.f32 $2.000000030e-01, v39;
	v33 =	vmax.f32 v33, v56;
	v35 =	vadd.f32 v60, v35  }
0x3bc: {  	v22 =	vld [tilespmem:s12+$0xFFFFFF50];
	v48 =	vmul.f32 $2.000000030e-01, v62;
	v33 =	vmul.f32 v33, v17;
	v17 =	vmax.f32 v55, v58  }
0x3bd: {  	v51 =	vld [tilespmem:s11+$0x50];
	v40 =	vadd.f32 v54, v15;
	v47 =	vmax.f32 v39, v61;
	v46 =	vmul.f32 v17, v23  }
0x3be: {  	v18 =	vld [tilespmem:s12+$0x40];
	v34 =	vmax.f32 v62, v48;
	v1 =	vadd.f32 v33, v1;
	v33 =	vmul.f32 v47, v23  }
0x3bf: {  	v12 =	vld [tilespmem:s12+$0xFFFFFFC0];
	v50 =	vmul.f32 $2.000000030e-01, v40;
	v23 =	vmul.f32 v34, v23  }
0x3c0: {  	v49 =	vld [tilespmem:s11+$0xFFFFFFD0];
	v24 =	vadd.f32 v24, v41;
	v35 =	vadd.f32 v33, v35  }
0x3c1: {  	v33 =	vld [tilespmem:s12+$0xFFFFFF60];
	v52 =	vmax.f32 v40, v50;
	v1 =	vadd.f32 v23, v1;
	v23 =	vadd.f32 v63, v22  }
0x3c2: {  	v17 =	vld [tilespmem:s12+$0xFFFFFFD0];
	v34 =	vmul.f32 v52, v3;
	v44 =	vpop (erf)  }
0x3c3: {  	v41 =	vld [tilespmem:s12+$0xFFFFFFE0];
	v43 =	vadd.f32 v46, v24;
	v56 =	vmul.f32 $2.000000030e-01, v23;
	v32 =	vmul.f32 v44, v32  }
0x3c4: {  	v54 =	vadd.f32 v59, v18;
	v24 =	vld [tilespmem:s12+$0x50];
	v38 =	vadd.f32 v57, v12;
	v31 =	vmul.f32 v44, v31  }
0x3c5: {  	v34 =	vadd.f32 v34, v43;
	v43 =	vld [tilespmem:s12+$0xFFFFFF70];
	v23 =	vmax.f32 v23, v56;
	v25 =	vmul.f32 v44, v25;
	[tilespmem:s12+$0x80] =	vst v32  }
0x3c6: {  	v53 =	vmul.f32 $2.000000030e-01, v38;
	v57 =	vadd.f32 v45, v33;
	v26 =	vmul.f32 v44, v26;
	[tilespmem:s12+$0x90] =	vst v31;
	v31 =	vld [tilespmem:s11+$0xFFFFFFE0]  }
0x3c7: {  	v55 =	vadd.f32 v49, v17;
	v23 =	vmul.f32 v23, v21;
	[tilespmem:s12+$0xC0] =	vst v25;
	v25 =	vmul.f32 v44, v28;
	v28 =	vld [tilespmem:s11+$0xFFFFFF70]  }
0x3c8: {  	v42 =	vld [tilespmem:s12+$0xFFFFFFF0];
	v60 =	vmul.f32 $2.000000030e-01, v57;
	[tilespmem:s12+$0xB0] =	vst v26;
	v26 =	vmul.f32 v44, v27;
	v27 =	vmax.f32 v38, v53  }
0x3c9: {  	v36 =	vadd.f32 v51, v24;
	v29 =	vmul.f32 v44, v29;
	v27 =	vmul.f32 v27, v3;
	[tilespmem:s12+$0xE0] =	vst v25;
	v25 =	vld [tilespmem:s11+$0xFFFFFFF0]  }
0x3ca: {  	v32 =	vmax.f32 v57, v60;
	[tilespmem:s12+$0xD0] =	vst v26;
	v26 =	vmul.f32 v44, v30;
	v30 =	vmul.f32 $2.000000030e-01, v55  }
0x3cb: {  	v62 =	vld [tilespmem:s11+$0x60];
	[tilespmem:s12+$0xA0] =	vst v29;
	v29 =	vmul.f32 $2.000000030e-01, v54;
	v32 =	vmul.f32 v32, v19;
	v31 =	vadd.f32 v31, v41  }
0x3cc: {  	[tilespmem:s12+$0xF0] =	vst v26;
	v26 =	vadd.f32 v27, v35;
	v27 =	vld [tilespmem:s12+$0x60];
	v30 =	vmax.f32 v55, v30;
	v61 =	vadd.f32 v28, v43  }
0x3cd: {  	v23 =	vadd.f32 v23, v34;
	v30 =	vmul.f32 v30, v21;
	v63 =	vmul.f32 $2.000000030e-01, v31  }
0x3ce: {  	v29 =	vmax.f32 v54, v29;
	v28 =	vld [tilespmem:s12+$0x70];
	v37 =	vmul.f32 $2.000000030e-01, v61;
	v25 =	vadd.f32 v25, v42  }
0x3cf: {  	v3 =	vmul.f32 v29, v3;
	v26 =	vadd.f32 v30, v26;
	v30 =	vmax.f32 v31, v63;
	v31 =	vld [tilespmem:s11+$0x70]  }
0x3d0: {  	v23 =	vadd.f32 v32, v23;
	v34 =	vmax.f32 v61, v37;
	v46 =	vmul.f32 $2.000000030e-01, v25  }
0x3d1: {  	s21 =	simm.s32 $0x3F00;
	v47 =	vadd.f32 v62, v27;
	v30 =	vmul.f32 v30, v19;
	v29 =	vmul.f32 v34, v20  }
0x3d2: {  	s18 =	simm.s32 $0x302;
	v39 =	vld [tilespmem:s21+$0xE0];
	v58 =	vmul.f32 $2.000000030e-01, v36;
	v25 =	vmax.f32 v25, v46  }
0x3d3: {  	v59 =	vld [tilespmem:s18+$0x1];
	v48 =	vmul.f32 $2.000000030e-01, v47;
	v30 =	vadd.f32 v30, v26;
	v23 =	vadd.f32 v29, v23  }
0x3d4: {  	v35 =	vld [tilespmem:s21+$0xA0];
	v25 =	vmul.f32 v25, v20;
	v29 =	vmax.f32 v36, v58;
	v31 =	vadd.f32 v31, v28  }
0x3d5: {  	v1 =	vadd.f32 v3, v1;
	s11 =	simm.s32 $0x700;
	v37 =	vld [tilespmem:s21+$0x90];
	v3 =	vmul.f32 v29, v21;
	(xrf2) =	vadd.scan.msk.f32 $0xffff, v23  }
0x3d6: {  	v51 =	vld [tilespmem:s11+$0xC0];
	v29 =	vmax.f32 v47, v48;
	v25 =	vadd.f32 v25, v30;
	v30 =	vmul.f32 $2.000000030e-01, v31  }
0x3d7: {  	v54 =	vld [tilespmem:s11+$0xE0];
	v1 =	vadd.f32 v3, v1;
	v3 =	vmul.f32 v29, v19  }
0x3d8: {  	v36 =	vld [tilespmem:s21+$0xC0];
	(xrf2) =	vadd.scan.msk.f32 $0xffff, v25;
	v25 =	vmax.f32 v31, v30  }
0x3d9: {  	v1 =	vadd.f32 v3, v1;
	v3 =	vmul.f32 v25, v20;
	v25 =	vld [tilespmem:s21+$0x80]  }
0x3da: {  	v20 =	vld [tilespmem:s11+$0x80]  }
0x3db: {  	[tilespmem:v59+s17+$0x0] =	vst.idx.add.f32.msk $0x1, v44  }
0x3dc: {  	v44 =	vld [tilespmem:$0x100]  }
0x3dd: {  	v1 =	vadd.f32 v3, v1;
	v3 =	vld [tilespmem:s11+$0x90]  }
0x3de: {  	v29 =	vld [tilespmem:s21+$0xB0]  }
0x3df: {  	(xrf2) =	vadd.scan.msk.f32 $0xffff, v1;
	v1 =	vld [tilespmem:s11+$0xA0];
	v30, _, _ =	vpop (xrf2);
	v20 =	vadd.f32 v20, v25  }
0x3e0: {  	v31 =	vld [tilespmem:s11+$0xB0];
	v30 =	vmul.f32 $1.442695020e+00, v30  }
0x3e1: {  	v38 =	vld [tilespmem:s21+$0xD0];
	v50 =	vmul.f32 $2.000000030e-01, v20  }
0x3e2: {  	v19 =	vld [tilespmem:$0x110];
	v3 =	vadd.f32 v3, v37;
	v30 =	vbroadcast v30, $0xF  }
0x3e3: {  	v21 =	vld [tilespmem:$0x120];
	v45 =	vadd.f32 v54, v39;
	v48 =	vadd.f32 v51, v36;
	v20 =	vmax.f32 v20, v50  }
0x3e4: {  	v52 =	vmul.f32 $2.000000030e-01, v3;
	v1 =	vadd.f32 v1, v35;
	(erf) = vpow2.f32 v30;
	v30 =	vld [tilespmem:s11+$0xD0]  }
0x3e5: {  	v40 =	vld [tilespmem:s21+$0xF0];
	v58 =	vmul.f32 $2.000000030e-01, v45;
	v31 =	vadd.f32 v31, v29;
	v49, _, _ =	vpop (xrf2);
	v20 =	vmul.f32 v20, v44  }
0x3e6: {  	v23 =	vld [tilespmem:$0x130];
	v32 =	vmul.f32 $1.442695020e+00, v49;
	v3 =	vmax.f32 v3, v52;
	v53 =	vmul.f32 $2.000000030e-01, v1  }
0x3e7: {  	v34 =	vld [tilespmem:$0x150];
	v55 =	vmul.f32 $2.000000030e-01, v48;
	v20 =	vadd.f32 $0.0e+00, v20;
	v3 =	vmul.f32 v3, v19  }
0x3e8: {  	v26 =	vld [tilespmem:$0x140];
	v47 =	vmul.f32 $2.000000030e-01, v31;
	v32 =	vbroadcast v32, $0xF;
	v1 =	vmax.f32 v1, v53  }
0x3e9: {  	v59 =	vld [tilespmem:s11+$0xFFFFFF80];
	v46, _, _ =	vpop (xrf2);
	v3 =	vadd.f32 v3, v20;
	v1 =	vmul.f32 v1, v21;
	v49 =	vadd.f32 v30, v38  }
0x3ea: {  	v31 =	vmax.f32 v31, v47;
	(erf) = vpow2.f32 v32;
	v20 =	vld [tilespmem:s11+$0xF0];
	v46 =	vmul.f32 $1.442695020e+00, v46  }
0x3eb: {  	v30 =	vmul.f32 v31, v23;
	v31 =	vld [tilespmem:$0x160];
	v1 =	vadd.f32 v1, v3;
	v57 =	vmul.f32 $2.000000030e-01, v49  }
0x3ec: {  	v45 =	vmax.f32 v45, v58;
	v58 =	vld [tilespmem:s11+$0x10];
	v56 =	vmax.f32 v48, v55;
	v46 =	vbroadcast v46, $0xF  }
0x3ed: {  	v48 =	vmul.f32 v56, v26;
	v50 =	vld [tilespmem:s11+$0xFFFFFF00];
	v1 =	vadd.f32 v30, v1;
	v47 =	vmax.f32 v49, v57  }
0x3ee: {  	v3 =	vld [tilespmem:s21+$0xFFFFFF80];
	v32 =	vpop (erf);
	(erf) = vpow2.f32 v46;
	v47 =	vmul.f32 v47, v34  }
0x3ef: {  	v52 =	vld [tilespmem:s11+$0x0];
	v1 =	vadd.f32 v48, v1;
	v48 =	vmul.f32 v32, v2;
	v51 =	vmul.f32 v32, v5  }
0x3f0: {  	v30 =	vld [tilespmem:$0x170];
	v20 =	vadd.f32 v20, v40;
	v5 =	vmul.f32 v45, v31;
	v45 =	vmul.f32 v32, v8  }
0x3f1: {  	v2 =	vld [tilespmem:s21+$0x0];
	v49 =	vmul.f32 v32, v15;
	v53 =	vmul.f32 v32, v33  }
0x3f2: {  	v8 =	vld [tilespmem:s21+$0xFFFFFF10];
	v54 =	vmul.f32 v32, v43;
	v60 =	vmul.f32 $2.000000030e-01, v20  }
0x3f3: {  	v33 =	vpop (erf);
	v46 =	vadd.f32 v59, v3;
	v1 =	vadd.f32 v47, v1;
	v47 =	vmul.f32 v32, v9;
	v9 =	vld [tilespmem:s21+$0xFFFFFF00]  }
0x3f4: {  	v55 =	vmul.f32 v33, v4;
	v56 =	vmul.f32 v33, v6;
	v6 =	vld [tilespmem:s21+$0x10];
	v20 =	vmax.f32 v20, v60  }
0x3f5: {  	v4 =	vmul.f32 $2.000000030e-01, v46;
	v1 =	vadd.f32 v5, v1;
	v15 =	vmul.f32 v20, v30;
	v20 =	vld [tilespmem:s11+$0xFFFFFF10]  }
0x3f6: {  	v57 =	vmul.f32 v33, v10;
	v14 =	vmul.f32 v33, v11;
	v5 =	vld [tilespmem:s21+$0xFFFFFF90]  }
0x3f7: {  	v10 =	vadd.f32 v52, v2;
	v4 =	vmax.f32 v46, v4;
	v1 =	vadd.f32 v15, v1;
	v15 =	vld [tilespmem:s11+$0xFFFFFF90]  }
0x3f8: {  	v59 =	vmul.f32 v33, v17;
	v52 =	vmul.f32 v33, v12;
	v12 =	vld [tilespmem:s21+$0xFFFFFF20];
	v50 =	vadd.f32 v50, v9  }
0x3f9: {  	v46 =	vld [tilespmem:s11+$0xFFFFFF20];
	v60 =	vmul.f32 v4, v44;
	v11 =	vmul.f32 $2.000000030e-01, v10  }
0x3fa: {  	v61 =	vld [tilespmem:s11+$0xFFFFFFA0];
	v43 =	vmul.f32 v33, v41;
	(xrf2) =	vadd.scan.msk.f32 $0xffff, v1;
	v4 =	vpop (erf);
	v17 =	vmul.f32 $2.000000030e-01, v50;
	v20 =	vadd.f32 v20, v8  }
0x3fb: {  	v13 =	vld [tilespmem:s11+$0xFFFFFF30];
	v60 =	vadd.f32 $0.0e+00, v60;
	v10 =	vmax.f32 v10, v11;
	v41 =	vmul.f32 v4, v7  }
0x3fc: {  	v11 =	vld [tilespmem:s21+$0xFFFFFFA0];
	v17 =	vmax.f32 v50, v17;
	v50 =	vmul.f32 $2.000000030e-01, v20;
	v15 =	vadd.f32 v15, v5  }
0x3fd: {  	v7 =	vld [tilespmem:s21+$0x20];
	v10 =	vmul.f32 v10, v44;
	v17 =	vmul.f32 v17, v44;
	v44 =	vadd.f32 v58, v6  }
0x3fe: {  	v46 =	vadd.f32 v46, v12;
	v20 =	vmax.f32 v20, v50;
	v50 =	vld [tilespmem:s11+$0x20];
	v58 =	vmul.f32 $2.000000030e-01, v15  }
0x3ff: {  	v63 =	vadd.f32 $0.0e+00, v10;
	v62 =	vadd.f32 $0.0e+00, v17;
	v17 =	vld [tilespmem:s21+$0xFFFFFF30];
	v10 =	vmul.f32 $2.000000030e-01, v44  }
0x400: {  	[tilespmem:s12+$0xFFFFFF00] =	vst v48;
	v1 =	vmul.f32 $2.000000030e-01, v46;
	v20 =	vmul.f32 v20, v19;
	v58 =	vmax.f32 v15, v58;
	v15 =	vld [tilespmem:s21+$0xFFFFFFB0]  }
0x401: {  	[tilespmem:s12+$0xFFFFFF10] =	vst v51;
	v61 =	vadd.f32 v61, v11;
	v58 =	vmul.f32 v58, v19;
	v10 =	vmax.f32 v44, v10;
	v44 =	vld [tilespmem:s11+$0xFFFFFFB0]  }
0x402: {  	[tilespmem:s12+$0xFFFFFF20] =	vst v45;
	v19 =	vmul.f32 v10, v19;
	v10 =	vld [tilespmem:s21+$0x30]  }
0x403: {  	[tilespmem:s12+$0xFFFFFF30] =	vst v47;
	v1 =	vmax.f32 v46, v1;
	v46 =	vmul.f32 $2.000000030e-01, v61;
	v48 =	vadd.f32 v58, v60;
	v58 =	vld [tilespmem:s11+$0x30]  }
0x404: {  	v22 =	vmul.f32 v32, v22;
	v62 =	vadd.f32 v20, v62;
	v20, _, _ =	vpop (xrf2);
	v51 =	vadd.f32 v19, v63;
	v19 =	vld [tilespmem:$0x1FFA0];
	[tilespmem:s12+$0xFFFFFF40] =	vst v49  }
0x405: {  	v50 =	vadd.f32 v50, v7;
	v46 =	vmax.f32 v61, v46;
	v20 =	vmul.f32 $1.442695020e+00, v20;
	[tilespmem:s12+$0xFFFFFF60] =	vst v53;
	v53 =	vld [tilespmem:s11+$0x40]  }
0x406: {  	[tilespmem:s12+$0xFFFFFF50] =	vst v22;
	v22 =	vmul.f32 v46, v21;
	v49 =	vld [tilespmem:s11+$0xFFFFFFE0]  }
0x407: {  	v45 =	vadd.f32 v13, v17;
	[tilespmem:s12+$0xFFFFFF70] =	vst v54;
	v13 =	vmul.f32 $2.000000030e-01, v50;
	v60 =	vbroadcast v20, $0xF;
	v20 =	vld [tilespmem:s21+$0xFFFFFF40]  }
0x408: {  	v42 =	vmul.f32 v33, v42;
	v24 =	vmul.f32 v4, v24;
	v48 =	vadd.f32 v22, v48;
	v22 =	vld [tilespmem:$0x1FFB0]  }
0x409: {  	v27 =	vmul.f32 v4, v27;
	v13 =	vmax.f32 v50, v13;
	v50 =	vld [tilespmem:s11+$0xFFFFFFC0];
	(erf) = vpow2.f32 v60  }
0x40a: {  	v1 =	vmul.f32 v1, v21;
	v61 =	vmul.f32 $2.000000030e-01, v45;
	v44 =	vadd.f32 v44, v15;
	v60 =	vld [tilespmem:s11+$0xFFFFFF40]  }
0x40b: {  	[tilespmem:s12+$0xFFFFFF90] =	vst v56;
	v56 =	vmul.f32 v4, v16;
	v21 =	vmul.f32 v13, v21;
	v13 =	vld [tilespmem:s21+$0x40]  }
0x40c: {  	v45 =	vmax.f32 v45, v61;
	v63 =	vmul.f32 $2.000000030e-01, v44;
	v61 =	vadd.f32 v58, v10;
	v58 =	vld [tilespmem:s11+$0xFFFFFF50]  }
0x40d: {  	v1 =	vadd.f32 v1, v62;
	[tilespmem:s12+$0xFFFFFF80] =	vst v55;
	v47 =	vmul.f32 v4, v19;
	v19 =	vld [tilespmem:s21+$0xFFFFFFC0];
	v45 =	vmul.f32 v45, v23  }
0x40e: {  	[tilespmem:s12+$0xFFFFFFB0] =	vst v14;
	v44 =	vmax.f32 v44, v63;
	v62 =	vmul.f32 $2.000000030e-01, v61;
	v54 =	vmul.f32 v4, v22;
	v22 =	vld [tilespmem:s21+$0xFFFFFF50]  }
0x40f: {  	v14 =	vld [tilespmem:s21+$0x50];
	[tilespmem:s12+$0x60] =	vst v27;
	v27 =	vmul.f32 v4, v28;
	v16 =	vmul.f32 v44, v23;
	v55 =	vadd.f32 v60, v20  }
0x410: {  	[tilespmem:s12+$0xFFFFFFA0] =	vst v57;
	v51 =	vadd.f32 v21, v51;
	v21 =	vld [tilespmem:s21+$0xFFFFFFD0];
	v57 =	vmax.f32 v61, v62;
	v62 =	vadd.f32 v53, v13  }
0x411: {  	v1 =	vadd.f32 v45, v1;
	v60 =	vld [tilespmem:s11+$0xFFFFFFD0];
	v48 =	vadd.f32 v16, v48;
	v63 =	vmul.f32 $2.000000030e-01, v55  }
0x412: {  	[tilespmem:s12+$0xFFFFFFD0] =	vst v59;
	v16 =	vmul.f32 v57, v23;
	v61 =	vadd.f32 v50, v19;
	v50 =	vld [tilespmem:s11+$0x50];
	v59 =	vmul.f32 $2.000000030e-01, v62;
	v45 =	vpop (erf)  }
0x413: {  	[tilespmem:s12+$0xFFFFFFC0] =	vst v52;
	v53 =	vadd.f32 v58, v22;
	v58 =	vld [tilespmem:s11+$0xFFFFFF60];
	v23 =	vmax.f32 v55, v63;
	v63 =	vmul.f32 v45, v25  }
0x414: {  	[tilespmem:s12+$0xFFFFFFE0] =	vst v43;
	v51 =	vadd.f32 v16, v51;
	v57 =	vmul.f32 $2.000000030e-01, v61;
	v55 =	vld [tilespmem:s11+$0x70];
	v16 =	vmul.f32 v45, v37  }
0x415: {  	v23 =	vmul.f32 v23, v26;
	v25 =	vld [tilespmem:s21+$0xFFFFFF60];
	v35 =	vmul.f32 v45, v35;
	[tilespmem:s21+$0x80] =	vst v63  }
0x416: {  	v29 =	vmul.f32 v45, v29;
	v37 =	vmax.f32 v61, v57;
	v46 =	vadd.f32 v60, v21;
	v57 =	vld [tilespmem:s11+$0x60];
	[tilespmem:s21+$0x90] =	vst v16  }
0x417: {  	v60 =	vmul.f32 v45, v36;
	v61 =	vmax.f32 v62, v59;
	v39 =	vmul.f32 v45, v39;
	v59 =	vld [tilespmem:s11+$0xFFFFFF70];
	[tilespmem:s21+$0xA0] =	vst v35  }
0x418: {  	v37 =	vmul.f32 v37, v26;
	v36 =	vmul.f32 v61, v26;
	v26 =	vld [tilespmem:s21+$0xFFFFFFF0];
	[tilespmem:s21+$0xB0] =	vst v29  }
0x419: {  	v62 =	vmul.f32 $2.000000030e-01, v53;
	v1 =	vadd.f32 v23, v1;
	v23 =	vld [tilespmem:s21+$0xFFFFFFE0];
	v29 =	vmul.f32 v45, v38;
	[tilespmem:s21+$0xC0] =	vst v60  }
0x41a: {  	v40 =	vmul.f32 v45, v40;
	v50 =	vadd.f32 v50, v14;
	v16 =	vld [tilespmem:s21+$0x60];
	v63 =	vmul.f32 $2.000000030e-01, v46;
	[tilespmem:s21+$0xE0] =	vst v39  }
0x41b: {  	v44 =	vmax.f32 v53, v62;
	v37 =	vadd.f32 v37, v48;
	v48 =	vmul.f32 v4, v18;
	[tilespmem:s21+$0xD0] =	vst v29;
	v29 =	vld [tilespmem:s21+$0xFFFFFF70]  }
0x41c: {  	s23 =	simm.s32 $0x306;
	[tilespmem:s21+$0xF0] =	vst v40;
	v44 =	vmul.f32 v44, v34;
	v18 =	vmax.f32 v46, v63;
	v63 =	vld [tilespmem:s11+$0xFFFFFFF0];
	v52 =	vadd.f32 v58, v25  }
0x41d: {  	[tilespmem:s12+$0xFFFFFFF0] =	vst v42;
	v36 =	vadd.f32 v36, v51;
	v58 =	vmul.f32 $2.000000030e-01, v50;
	v43 =	vld [tilespmem:s23+$0x1];
	v51 =	vmul.f32 v18, v34  }
0x41e: {  	[tilespmem:s12+$0x0] =	vst v41;
	v18 =	vld [tilespmem:s21+$0x70];
	v1 =	vadd.f32 v44, v1;
	v60 =	vmul.f32 $2.000000030e-01, v52;
	v62 =	vadd.f32 v49, v23  }
0x41f: {  	[tilespmem:s12+$0x50] =	vst v24;
	v61 =	vmax.f32 v50, v58;
	v35 =	vadd.f32 v57, v16;
	v37 =	vadd.f32 v51, v37  }
0x420: {  	[tilespmem:s12+$0x30] =	vst v56;
	v58 =	vld [tilespmem:s18+$0xFFFFFFFE];
	v34 =	vmul.f32 v61, v34;
	v53 =	vmul.f32 $2.000000030e-01, v62;
	v39 =	vadd.f32 v59, v29  }
0x421: {  	[tilespmem:s12+$0x70] =	vst v27;
	v38 =	vmax.f32 v52, v60;
	v57 =	vmul.f32 $2.000000030e-01, v35;
	v60 =	vld [tilespmem:s18+$0xFFFFFFFF];
	v46 =	vadd.f32 v63, v26  }
0x422: {  	[tilespmem:s12+$0x10] =	vst v47;
	v38 =	vmul.f32 v38, v31;
	v24 =	vadd.f32 v34, v36;
	v59 =	vmul.f32 $2.000000030e-01, v39  }
0x423: {  	[tilespmem:s12+$0x20] =	vst v54;
	v63 =	vadd.f32 v55, v18;
	v40 =	vmax.f32 v62, v53;
	v61 =	vmax.f32 v35, v57  }
0x424: {  	[tilespmem:s12+$0x40] =	vst v48;
	v28 =	vmul.f32 $2.000000030e-01, v46;
	v40 =	vmul.f32 v40, v31;
	v62 =	vmax.f32 v39, v59  }
0x425: {  	v1 =	vadd.f32 v38, v1;
	v34 =	vmul.f32 v61, v31;
	v31 =	vld [tilespmem:s18+$0x0];
	v35 =	vmul.f32 v62, v30  }
0x426: {  	[tilespmem:v43+s17+$0x0] =	vst.idx.add.f32.msk $0x1, v45;
	v27 =	vmax.f32 v46, v28;
	v28 =	vmul.f32 $2.000000030e-01, v63  }
0x427: {  	v37 =	vadd.f32 v40, v37;
	v27 =	vmul.f32 v27, v30;
	v1 =	vadd.f32 v35, v1  }
0x428: {  	v34 =	vadd.f32 v34, v24;
	v24 =	vmax.f32 v63, v28;
	[tilespmem:v58+s17+$0x0] =	vst.idx.add.f32.msk $0x1, v32  }
0x429: {  	s1 =	simm.s32 $0x4;
	s12 =	simm.s32 $0x306;
	s18 =	simm.s32 $0x3F00;
	v28 =	vadd.f32 v27, v37;
	v24 =	vmul.f32 v24, v30;
	[tilespmem:v60+s17+$0x0] =	vst.idx.add.f32.msk $0x1, v33;
	(xrf2) =	vadd.scan.msk.f32 $0xffff, v1  }
.LBB2_35:
0x42a: {  	_ = 	snop  }
0x42b: {  	v27 =	vld [tilespmem:$0x140];
	v1 =	vadd.f32 v24, v34;
	v24 =	vmov v31  }
0x42c: {  	v39 =	vld [tilespmem:$0x130];
	(xrf2) =	vadd.scan.msk.f32 $0xffff, v28  }
0x42d: {  	v44 =	vld [tilespmem:$0x120]  }
0x42e: {  	v45 =	vld [tilespmem:$0x110]  }
0x42f: {  	s21 =	sadd.s32 $0x200, s21;
	v46 =	vld [tilespmem:$0x100];
	(xrf2) =	vadd.scan.msk.f32 $0xffff, v1  }
0x430: {  	s11 =	sadd.s32 $0x200, s11;
	v37 =	vld [tilespmem:s21+$0x80]  }
0x431: {  	v1 =	vld [tilespmem:s11+$0x80]  }
0x432: {  	v36 =	vld [tilespmem:s21+$0x90]  }
0x433: {  	v28 =	vld [tilespmem:s11+$0x90];
	v30, _, _ =	vpop (xrf2)  }
0x434: {  	v33 =	vld [tilespmem:s21+$0xA0];
	v30 =	vmul.f32 $1.442695020e+00, v30  }
0x435: {  	v31 =	vld [tilespmem:s11+$0xA0]  }
0x436: {  	v1 =	vadd.f32 v1, v37;
	v34 =	vld [tilespmem:s21+$0xB0];
	v30 =	vbroadcast v30, $0xF;
	v32, _, _ =	vpop (xrf2)  }
0x437: {  	v35 =	vld [tilespmem:s11+$0xB0];
	v32 =	vmul.f32 $1.442695020e+00, v32  }
0x438: {  	s1 =	sadd.s32 $0x4, s1;
	v40 =	vmul.f32 $2.000000030e-01, v1;
	v28 =	vadd.f32 v28, v36;
	v38 =	vld [tilespmem:s21+$0xC0];
	(erf) = vpow2.f32 v30  }
0x439: {  	p1 =	slt.u32 s1, $0x6C;
	v30 =	vld [tilespmem:s11+$0xC0];
	v32 =	vbroadcast v32, $0xF;
	v41, _, _ =	vpop (xrf2)  }
0x43a: {  	v1 =	vmax.f32 v1, v40;
	v42 =	vmul.f32 $2.000000030e-01, v28;
	v31 =	vadd.f32 v31, v33;
	v40 =	vld [tilespmem:s21+$0xD0]  }
0x43b: {  	v41 =	vmul.f32 $1.442695020e+00, v41;
	v1 =	vmul.f32 v1, v46;
	v47 =	vld [tilespmem:s11+$0xD0]  }
0x43c: {  	v28 =	vmax.f32 v28, v42;
	v43 =	vmul.f32 $2.000000030e-01, v31;
	v48 =	vadd.f32 v35, v34;
	v42 =	vld [tilespmem:s21+$0xE0]  }
0x43d: {  	v41 =	vbroadcast v41, $0xF;
	v1 =	vadd.f32 $0.0e+00, v1;
	v28 =	vmul.f32 v28, v45;
	v49 =	vld [tilespmem:s11+$0xE0]  }
0x43e: {  	v31 =	vmax.f32 v31, v43;
	v50 =	vmul.f32 $2.000000030e-01, v48;
	v30 =	vadd.f32 v30, v38;
	v43 =	vld [tilespmem:s21+$0xF0]  }
0x43f: {  	v1 =	vadd.f32 v28, v1;
	v52 =	vmul.f32 v31, v44;
	v51 =	vld [tilespmem:s11+$0xF0];
	(erf) = vpow2.f32 v32  }
0x440: {  	v35 =	vld [tilespmem:$0x150];
	v31 =	vmax.f32 v48, v50;
	v32 =	vmul.f32 $2.000000030e-01, v30;
	v47 =	vadd.f32 v47, v40  }
0x441: {  	v48 =	vld [tilespmem:s11+$0xFFFFFF00];
	v1 =	vadd.f32 v52, v1;
	v50 =	vmul.f32 v31, v39;
	v28 =	vpop (erf);
	(erf) = vpow2.f32 v41  }
0x442: {  	v31 =	vld [tilespmem:$0x160];
	v30 =	vmax.f32 v30, v32;
	v32 =	vmul.f32 $2.000000030e-01, v47;
	v41 =	vadd.f32 v49, v42  }
0x443: {  	v9 =	vmul.f32 v28, v9;
	v49 =	vld [tilespmem:s21+$0xFFFFFF80];
	v1 =	vadd.f32 v50, v1;
	v50 =	vmul.f32 v30, v27  }
0x444: {  	v30 =	vld [tilespmem:$0x170];
	v32 =	vmax.f32 v47, v32;
	v47 =	vmul.f32 $2.000000030e-01, v41;
	v51 =	vadd.f32 v51, v43  }
0x445: {  	v8 =	vmul.f32 v28, v8;
	v52 =	vld [tilespmem:s11+$0xFFFFFF80];
	v1 =	vadd.f32 v50, v1;
	v54 =	vmul.f32 v32, v35;
	[tilespmem:s18+$0xFFFFFF00] =	vst v9  }
0x446: {  	v12 =	vmul.f32 v28, v12;
	v50 =	vld [tilespmem:s21+$0x0];
	v9 =	vmax.f32 v41, v47;
	v41 =	vmul.f32 $2.000000030e-01, v51  }
0x447: {  	v17 =	vmul.f32 v28, v17;
	v47 =	vld [tilespmem:s11+$0x0];
	v1 =	vadd.f32 v54, v1;
	v53 =	vmul.f32 v9, v31;
	[tilespmem:s18+$0xFFFFFF10] =	vst v8  }
0x448: {  	v9 =	vld [tilespmem:s21+$0xFFFFFF00];
	v54 =	vmax.f32 v51, v41;
	[tilespmem:s18+$0xFFFFFF20] =	vst v12;
	v12 =	vmul.f32 v28, v20;
	v20 =	vmul.f32 v28, v22;
	v32 =	vpop (erf)  }
0x449: {  	v8 =	vld [tilespmem:s21+$0xFFFFFF10];
	v1 =	vadd.f32 v53, v1;
	v22 =	vmul.f32 v54, v30;
	[tilespmem:s18+$0xFFFFFF30] =	vst v17;
	v17 =	vmul.f32 v28, v25  }
0x44a: {  	v25 =	vld [tilespmem:s11+$0xFFFFFF10];
	v51 =	vadd.f32 v52, v49;
	[tilespmem:s18+$0xFFFFFF40] =	vst v12;
	v12 =	vmul.f32 v28, v29;
	v29 =	vmul.f32 v32, v3;
	v41 =	vpop (erf)  }
0x44b: {  	v1 =	vadd.f32 v22, v1;
	[tilespmem:s18+$0xFFFFFF50] =	vst v20;
	v20 =	vmul.f32 v32, v5;
	v5 =	vld [tilespmem:s21+$0xFFFFFF90];
	v22 =	vmul.f32 v32, v11  }
0x44c: {  	v15 =	vmul.f32 v32, v15;
	v3 =	vmovc v49;
	v11 =	vmul.f32 $2.000000030e-01, v51;
	v52 =	vld [tilespmem:s11+$0xFFFFFF90];
	v47 =	vadd.f32 v47, v50;
	[tilespmem:s18+$0xFFFFFF60] =	vst v17  }
0x44d: {  	v17 =	vadd.f32 v48, v9;
	v48 =	vld [tilespmem:s21+$0x10];
	(xrf2) =	vadd.scan.msk.f32 $0xffff, v1;
	v1 =	vmul.f32 v32, v19;
	v19 =	vmul.f32 v32, v21  }
0x44e: {  	v23 =	vmul.f32 v32, v23;
	v11 =	vmax.f32 v51, v11;
	v21 =	vmul.f32 $2.000000030e-01, v47;
	v49 =	vld [tilespmem:s11+$0x10];
	[tilespmem:s18+$0xFFFFFF70] =	vst v12  }
0x44f: {  	v51 =	vmul.f32 $2.000000030e-01, v17;
	v25 =	vadd.f32 v25, v8;
	v12 =	vld [tilespmem:s21+$0xFFFFFF20];
	v53 =	vmul.f32 v11, v46;
	[tilespmem:s18+$0xFFFFFF80] =	vst v29  }
0x450: {  	v29 =	vld [tilespmem:s11+$0xFFFFFF20];
	v21 =	vmax.f32 v47, v21;
	[tilespmem:s18+$0xFFFFFF90] =	vst v20;
	v20 =	vmul.f32 v32, v26;
	v26 =	vmul.f32 v41, v2  }
0x451: {  	v2 =	vmovc v50;
	v17 =	vmax.f32 v17, v51;
	v47 =	vmul.f32 $2.000000030e-01, v25;
	v51 =	vadd.f32 v52, v5;
	v11 =	vld [tilespmem:s21+$0xFFFFFFA0];
	[tilespmem:s18+$0xFFFFFFA0] =	vst v22  }
0x452: {  	v22 =	vadd.f32 $0.0e+00, v53;
	v21 =	vmul.f32 v21, v46;
	v17 =	vmul.f32 v17, v46;
	v50 =	vld [tilespmem:s11+$0xFFFFFFA0];
	[tilespmem:s18+$0xFFFFFFB0] =	vst v15  }
0x453: {  	v15 =	vmax.f32 v25, v47;
	v25 =	vmul.f32 $2.000000030e-01, v51;
	v46 =	vadd.f32 v49, v48;
	v47 =	vld [tilespmem:s21+$0x20];
	[tilespmem:s18+$0xFFFFFFC0] =	vst v1  }
0x454: {  	v21 =	vadd.f32 $0.0e+00, v21;
	v1 =	vadd.f32 $0.0e+00, v17;
	v15 =	vmul.f32 v15, v45;
	v49 =	vld [tilespmem:s11+$0x20];
	[tilespmem:s18+$0xFFFFFFD0] =	vst v19  }
0x455: {  	v19 =	vadd.f32 v29, v12;
	v17 =	vld [tilespmem:s21+$0xFFFFFF30];
	v25 =	vmax.f32 v51, v25;
	v29 =	vmul.f32 $2.000000030e-01, v46;
	[tilespmem:s18+$0xFFFFFFE0] =	vst v23  }
0x456: {  	v51 =	vmul.f32 v41, v6;
	v1 =	vadd.f32 v15, v1;
	v23 =	vld [tilespmem:s11+$0xFFFFFF30];
	v25 =	vmul.f32 v25, v45;
	[tilespmem:s18+$0xFFFFFFF0] =	vst v20  }
0x457: {  	v20 =	vmul.f32 $2.000000030e-01, v19;
	v50 =	vadd.f32 v50, v11;
	v15 =	vld [tilespmem:s21+$0xFFFFFFB0];
	v29 =	vmax.f32 v46, v29;
	v46, _, _ =	vpop (xrf2);
	[tilespmem:s18+$0x0] =	vst v26  }
0x458: {  	v6 =	vmovc v48;
	v22 =	vadd.f32 v25, v22;
	v25 =	vld [tilespmem:s11+$0xFFFFFFB0];
	v26 =	vmul.f32 v29, v45;
	v29 =	vmul.f32 $1.442695020e+00, v46;
	[tilespmem:s18+$0x10] =	vst v51  }
0x459: {  	v19 =	vmax.f32 v19, v20;
	v45 =	vmul.f32 $2.000000030e-01, v50;
	v46 =	vadd.f32 v49, v47;
	v48 =	vld [tilespmem:s21+$0x30]  }
0x45a: {  	v19 =	vmul.f32 v19, v44;
	v21 =	vadd.f32 v26, v21;
	v26 =	vld [tilespmem:s11+$0x30];
	v29 =	vbroadcast v29, $0xF  }
0x45b: {  	v23 =	vadd.f32 v23, v17;
	v20 =	vld [tilespmem:s21+$0xFFFFFF40];
	v45 =	vmax.f32 v50, v45;
	v49 =	vmul.f32 $2.000000030e-01, v46  }
0x45c: {  	v1 =	vadd.f32 v19, v1;
	v50 =	vld [tilespmem:s11+$0xFFFFFF40];
	v45 =	vmul.f32 v45, v44;
	(erf) = vpow2.f32 v29  }
0x45d: {  	v29 =	vmul.f32 $2.000000030e-01, v23;
	v25 =	vadd.f32 v25, v15;
	v19 =	vld [tilespmem:s21+$0xFFFFFFC0];
	v46 =	vmax.f32 v46, v49  }
0x45e: {  	v45 =	vadd.f32 v45, v22;
	v49 =	vld [tilespmem:s11+$0xFFFFFFC0];
	v22 =	vmul.f32 v46, v44;
	v44 =	vmul.f32 v41, v7;
	v7 =	vmovc v47  }
0x45f: {  	v23 =	vmax.f32 v23, v29;
	v29 =	vmul.f32 $2.000000030e-01, v25;
	v26 =	vadd.f32 v26, v48;
	v46 =	vld [tilespmem:s21+$0x40]  }
0x460: {  	v23 =	vmul.f32 v23, v39;
	v47 =	vadd.f32 v22, v21;
	v51 =	vld [tilespmem:s11+$0x40];
	[tilespmem:s18+$0x20] =	vst v44;
	v21 =	vmul.f32 v41, v10  }
0x461: {  	v10 =	vmovc v48;
	v44 =	vadd.f32 v50, v20;
	v22 =	vld [tilespmem:s21+$0xFFFFFF50];
	v25 =	vmax.f32 v25, v29;
	v29 =	vmul.f32 $2.000000030e-01, v26  }
0x462: {  	v13 =	vmul.f32 v41, v13;
	v1 =	vadd.f32 v23, v1;
	v23 =	vld [tilespmem:s11+$0xFFFFFF50];
	v25 =	vmul.f32 v25, v39;
	[tilespmem:s18+$0x30] =	vst v21  }
0x463: {  	v50 =	vmul.f32 $2.000000030e-01, v44;
	v49 =	vadd.f32 v49, v19;
	v21 =	vld [tilespmem:s21+$0xFFFFFFD0];
	v26 =	vmax.f32 v26, v29  }
0x464: {  	v53 =	vmul.f32 v41, v14;
	v45 =	vadd.f32 v25, v45;
	v29 =	vld [tilespmem:s11+$0xFFFFFFD0];
	v25 =	vmul.f32 v26, v39;
	[tilespmem:s18+$0x40] =	vst v13  }
0x465: {  	v26 =	vmax.f32 v44, v50;
	v39 =	vmul.f32 $2.000000030e-01, v49;
	v44 =	vadd.f32 v51, v46;
	v14 =	vld [tilespmem:s21+$0x50];
	v48 =	vpop (erf)  }
0x466: {  	v26 =	vmul.f32 v26, v27;
	v47 =	vadd.f32 v25, v47;
	v50 =	vld [tilespmem:s11+$0x50];
	v37 =	vmul.f32 v48, v37;
	[tilespmem:s18+$0x50] =	vst v53  }
0x467: {  	v13 =	vmovc v46;
	v36 =	vmul.f32 v48, v36;
	v51 =	vadd.f32 v23, v22;
	v25 =	vld [tilespmem:s21+$0xFFFFFF60];
	v52 =	vmul.f32 $2.000000030e-01, v44  }
0x468: {  	v33 =	vmul.f32 v48, v33;
	v39 =	vmax.f32 v49, v39;
	v1 =	vadd.f32 v26, v1;
	v26 =	vld [tilespmem:s11+$0xFFFFFF60];
	[tilespmem:s21+$0x80] =	vst v37  }
0x469: {  	v37 =	vadd.f32 v29, v21;
	v23 =	vld [tilespmem:s21+$0xFFFFFFE0];
	v44 =	vmax.f32 v44, v52;
	[tilespmem:s21+$0x90] =	vst v36;
	v29 =	vmul.f32 v48, v34  }
0x46a: {  	v34 =	vmul.f32 $2.000000030e-01, v51;
	v36 =	vld [tilespmem:s11+$0xFFFFFFE0];
	[tilespmem:s21+$0xA0] =	vst v33;
	v33 =	vmul.f32 v48, v38  }
0x46b: {  	v40 =	vmul.f32 v48, v40;
	v38 =	vmul.f32 $2.000000030e-01, v37;
	v46 =	vadd.f32 v50, v14;
	v49 =	vld [tilespmem:s21+$0x60];
	[tilespmem:s21+$0xB0] =	vst v29  }
0x46c: {  	v39 =	vmul.f32 v39, v27;
	v34 =	vmax.f32 v51, v34;
	v50 =	vld [tilespmem:s11+$0x60];
	[tilespmem:s21+$0xC0] =	vst v33;
	v33 =	vmul.f32 v48, v42  }
0x46d: {  	v42 =	vadd.f32 v26, v25;
	v29 =	vld [tilespmem:s21+$0xFFFFFF70];
	v51 =	vmul.f32 $2.000000030e-01, v46;
	[tilespmem:s21+$0xD0] =	vst v40;
	v40 =	vmul.f32 v48, v43  }
0x46e: {  	v39 =	vadd.f32 v39, v45;
	v27 =	vmul.f32 v44, v27;
	v37 =	vmax.f32 v37, v38;
	v43 =	vld [tilespmem:s11+$0xFFFFFF70];
	[tilespmem:s21+$0xE0] =	vst v33  }
0x46f: {  	s23 =	sadd.s32 $0x4, s23;
	v33 =	vmul.f32 $2.000000030e-01, v42;
	v36 =	vadd.f32 v36, v23;
	v26 =	vld [tilespmem:s21+$0xFFFFFFF0];
	v38 =	vmax.f32 v46, v51;
	[tilespmem:s21+$0xF0] =	vst v40  }
0x470: {  	v34 =	vmul.f32 v34, v35;
	v27 =	vadd.f32 v27, v47;
	v37 =	vmul.f32 v37, v35;
	v40 =	vld [tilespmem:s23+$0x1]  }
0x471: {  	v35 =	vmul.f32 v38, v35;
	v44 =	vmul.f32 $2.000000030e-01, v36;
	v45 =	vld [tilespmem:s11+$0xFFFFFFF0];
	v38 =	vadd.f32 v50, v49  }
0x472: {  	v1 =	vadd.f32 v34, v1;
	v34 =	vadd.f32 v37, v39;
	v33 =	vmax.f32 v42, v33;
	v37 =	vld [tilespmem:s21+$0x70]  }
0x473: {  	v39 =	vadd.f32 v43, v29;
	v36 =	vmax.f32 v36, v44;
	v42 =	vmul.f32 $2.000000030e-01, v38;
	v43 =	vld [tilespmem:s11+$0x70]  }
0x474: {  	v33 =	vmul.f32 v33, v31;
	v27 =	vadd.f32 v35, v27;
	v36 =	vmul.f32 v36, v31;
	v35 =	vld [tilespmem:s12+$0xFFFFFFFE]  }
0x475: {  	v46 =	vmul.f32 v41, v16;
	v16 =	vmovc v49;
	v44 =	vmul.f32 $2.000000030e-01, v39;
	v38 =	vmax.f32 v38, v42;
	v42 =	vld [tilespmem:s12+$0xFFFFFFFF]  }
0x476: {  	v1 =	vadd.f32 v33, v1;
	v33 =	vadd.f32 v45, v26;
	v31 =	vmul.f32 v38, v31  }
0x477: {  	v36 =	vadd.f32 v36, v34;
	v38 =	vmax.f32 v39, v44;
	[tilespmem:s18+$0x60] =	vst v46;
	v44 =	vmul.f32 v41, v18  }
0x478: {  	v39 =	vmul.f32 $2.000000030e-01, v33;
	v34 =	vadd.f32 v31, v27;
	v27 =	vadd.f32 v43, v37;
	[tilespmem:v40+s17+$0x0] =	vst.idx.add.f32.msk $0x1, v48  }
.Ltmp16:
0x479: {  	v18 =	vmov v37;
	v38 =	vmul.f32 v38, v30;
	[tilespmem:s18+$0x70] =	vst v44;
	s18 =	smov.u32 s21;
	(pc) =	sbr.rel @p1 .LBB2_35-.Ltmp16, $4  }
0x47a: {  	v33 =	vmax.f32 v33, v39;
	v37 =	vmul.f32 $2.000000030e-01, v27;
	v31 =	vld [tilespmem:s12+$0x0];
	s12 =	smov.u32 s23  }
0x47b: {  	v1 =	vadd.f32 v38, v1;
	v33 =	vmul.f32 v33, v30;
	[tilespmem:v24+s17+$0x0] =	vst.idx.add.f32.msk $0x1, v4;
	v4 =	vmov v41  }
0x47c: {  	v24 =	vmax.f32 v27, v37;
	[tilespmem:v35+s17+$0x0] =	vst.idx.add.f32.msk $0x1, v28  }
0x47d: {  	v28 =	vadd.f32 v33, v36;
	v24 =	vmul.f32 v24, v30;
	(xrf2) =	vadd.scan.msk.f32 $0xffff, v1;
	[tilespmem:v42+s17+$0x0] =	vst.idx.add.f32.msk $0x1, v32  }
0x47e: {  	_ =	sdelay $0x5  }
0x47f: {  	(xrf2) =	vadd.scan.msk.f32 $0xffff, v28;
	_ =	sdelay $0x2  }
0x480: {  	v1, _, _ =	vpop (xrf2)  }
0x481: {  	v1 =	vmul.f32 $1.442695020e+00, v1;
	_ =	sdelay $0x1  }
0x482: {  	v1 =	vbroadcast v1, $0xF  }
0x483: {  	v24 =	vadd.f32 v24, v34  }
0x484: {  	(erf) = vpow2.f32 v1  }
0x485: {  	(xrf2) =	vadd.scan.msk.f32 $0xffff, v24  }
0x486: {  	v1, _, _ =	vpop (xrf2)  }
0x487: {  	v1 =	vmul.f32 $1.442695020e+00, v1;
	_ =	sdelay $0x1  }
0x488: {  	v1 =	vbroadcast v1, $0xF;
	_ =	sdelay $0x2  }
0x489: {  	(erf) = vpow2.f32 v1  }
0x48a: {  	v1 =	vpop (erf)  }
0x48b: {  	v9 =	vmul.f32 v1, v9  }
0x48c: {  	v24, _, _ =	vpop (xrf2);
	v8 =	vmul.f32 v1, v8  }
0x48d: {  	v24 =	vmul.f32 $1.442695020e+00, v24;
	v50 =	vmul.f32 v1, v12;
	[tilespmem:s18+$0xFFFFFF00] =	vst v9  }
0x48e: {  	v51 =	vmul.f32 v1, v17;
	[tilespmem:s18+$0xFFFFFF10] =	vst v8  }
0x48f: {  	v52 =	vbroadcast v24, $0xF;
	v53 =	vmul.f32 v1, v20;
	[tilespmem:s18+$0xFFFFFF20] =	vst v50  }
0x490: {  	v54 =	vmul.f32 v1, v22;
	[tilespmem:s18+$0xFFFFFF30] =	vst v51  }
0x491: {  	(erf) = vpow2.f32 v52;
	v55 =	vmul.f32 v1, v25;
	[tilespmem:s18+$0xFFFFFF40] =	vst v53  }
0x492: {  	v57 =	vmul.f32 v1, v29;
	[tilespmem:s18+$0xFFFFFF50] =	vst v54;
	v56 =	vpop (erf)  }
0x493: {  	[tilespmem:s18+$0xFFFFFF60] =	vst v55;
	v3 =	vmul.f32 v56, v3  }
0x494: {  	[tilespmem:s18+$0xFFFFFF70] =	vst v57;
	v5 =	vmul.f32 v56, v5  }
0x495: {  	v58 =	vmul.f32 v56, v11;
	[tilespmem:s18+$0xFFFFFF80] =	vst v3  }
0x496: {  	v59 =	vmul.f32 v56, v19;
	[tilespmem:s18+$0xFFFFFF90] =	vst v5  }
0x497: {  	v60 =	vmul.f32 v56, v21;
	[tilespmem:s18+$0xFFFFFFA0] =	vst v58  }
0x498: {  	v3 =	vmul.f32 v56, v15;
	[tilespmem:s18+$0xFFFFFFC0] =	vst v59  }
0x499: {  	v62 =	vmul.f32 v56, v26;
	[tilespmem:s18+$0xFFFFFFD0] =	vst v60  }
0x49a: {  	v61 =	vpop (erf);
	[tilespmem:s18+$0xFFFFFFB0] =	vst v3;
	v3 =	vmul.f32 v56, v23  }
0x49b: {  	[tilespmem:s18+$0xFFFFFFF0] =	vst v62;
	v2 =	vmul.f32 v61, v2  }
0x49c: {  	[tilespmem:s18+$0xFFFFFFE0] =	vst v3;
	v3 =	vmul.f32 v61, v6  }
0x49d: {  	[tilespmem:s18+$0x0] =	vst v2;
	v2 =	vmul.f32 v61, v7  }
0x49e: {  	[tilespmem:s18+$0x10] =	vst v3;
	v3 =	vmul.f32 v61, v10  }
0x49f: {  	[tilespmem:s18+$0x20] =	vst v2;
	v2 =	vmul.f32 v61, v13  }
0x4a0: {  	[tilespmem:s18+$0x30] =	vst v3;
	v3 =	vmul.f32 v61, v14  }
0x4a1: {  	[tilespmem:s18+$0x40] =	vst v2;
	v2 =	vmul.f32 v61, v16  }
0x4a2: {  	[tilespmem:s18+$0x50] =	vst v3;
	v3 =	vmul.f32 v61, v18  }
0x4a3: {  	v63 =	vld [tilespmem:s12+$0xFFFFFFFE];
	[tilespmem:s18+$0x60] =	vst v2  }
0x4a4: {  	v2 =	vld [tilespmem:s12+$0xFFFFFFFF];
	[tilespmem:s18+$0x70] =	vst v3  }
0x4a5: {  	v3 =	vld [tilespmem:s12+$0x0];
	_ =	sdelay $0x4  }
0x4a6: {  	[tilespmem:v31+s17+$0x0] =	vst.idx.add.f32.msk $0x1, v4  }
0x4a7: {  	s20 =	sadd.s32 $0x1, s20;
	[tilespmem:v63+s17+$0x0] =	vst.idx.add.f32.msk $0x1, v1  }
0x4a8: {  	p1 =	sne.s32 s20, $0x5D;
	[tilespmem:v2+s17+$0x0] =	vst.idx.add.f32.msk $0x1, v56  }
.Ltmp17:
0x4a9: {  	[tilespmem:v3+s17+$0x0] =	vst.idx.add.f32.msk $0x1, v61;
	(pc) =	sbr.rel @p1 .LBB2_32-.Ltmp17, $4  }
0x4aa: {  	[spmem:s3] =	stream.indirect.scatter.add.f32 [tilespmem:s2], [sflag:$0x3], $0x80, s31, s5, $0xb8;
	[tilespmem:$0x1DF80] =	vst v63  }
0x4ab: {  	_ =	swait.ge [sflag:s28], $0x3800  }
0x4ac: {  	[sflag:s28] =	ssyncset.done $0x0  }
0x4ad: {  	[sflag:s28] =	ssyncadd.s32 $0xFFFFC800  }
0x4ae: {  	[bflag:$0x0] =	sbarrier.arrive $0xFFFF  }
0x4af: {  	s11 =	rddreg [dreg:$0x10]  }
0x4b0: {  	[tilespmem:s14], [sflag:$0x3] =	stream.linear.gather [spmem:s11], $0x1800, $0x38;
	[tilespmem:$0x1DF80] =	vst v63  }
0x4b1: {  	_ =	swait.ge [sflag:s28], $0x1800  }
0x4b2: {  	[sflag:s28] =	ssyncset.done $0x0  }
0x4b3: {  	s1 =	sadd.s32 $0x0, s25;
	[sflag:s28] =	ssyncadd.s32 $0xFFFFE800  }
0x4b4: {  	[hbm4b:s1+s4] =	stream.linear.scatter [tilespmem:s14], [sflag:$0x3], $0x1800, $0x38;
	[tilespmem:$0x1DF80] =	vst v63  }
0x4b5: {  	_ =	swait.ge [sflag:s28], $0x1800  }
0x4b6: {  	s1 =	simm.s32 $0x300;
	[sflag:s28] =	ssyncset.done $0x0  }
.LBB2_38:
0x4b7: {  	p1 =	sne.s32 s1, $0x2400;
	[sflag:s28] =	ssyncadd.s32 $0xFFFFE800;
	s11 =	sadd.s32 $0x1800, s11  }
0x4b8: {  	[tilespmem:s14], [sflag:$0x3] =	stream.linear.gather [spmem:s11], $0x1800, $0x38;
	[tilespmem:$0x1DF80] =	vst v63  }
0x4b9: {  	s12 =	smov.u32 s1;
	s1 =	sadd.s32 $0x300, s1;
	_ =	swait.ge [sflag:s28], $0x1800  }
.Ltmp18:
0x4ba: {  	[sflag:s28] =	ssyncset.done $0x0;
	(pc) =	sbr.rel @p1 .LBB2_38-.Ltmp18, $4  }
0x4bb: {  	s12 =	sadd.s32 s12, s25;
	[sflag:s28] =	ssyncadd.s32 $0xFFFFE800  }
0x4bc: {  	[hbm4b:s12+s4] =	stream.linear.scatter [tilespmem:s14], [sflag:$0x3], $0x1800, $0x38;
	[tilespmem:$0x1DF80] =	vst v63  }
0x4bd: {  	_ =	swait.ge [sflag:s28], $0x1800  }
0x4be: {  	[sflag:s28] =	ssyncset.done $0x0  }
0x4bf: {  	[sflag:s28] =	ssyncadd.s32 $0xFFFFE800;
	s1 =	simm.s32 @!p0 $0x400;
	s11 =	rddreg [dreg:$0x6]  }
0x4c0: {  	[tilespmem:s1], [sflag:$0x3] =	stream.linear.gather @!p0 [spmem:s11], $0x800, $0x38;
	[tilespmem:$0x1DF80] =	vst v63  }
0x4c1: {  	s11 =	simm.s32 @!p0 $0x3  }
0x4c2: {  	_ =	swait.ge @!p0 [sflag:s11], $0x800  }
0x4c3: {  	[sflag:s11] =	ssyncset.done @!p0 $0x0  }
0x4c4: {  	s12 =	simm.s32 @!p0 $0x0;
	s18 =	rddreg [dreg:$0xd];
	[sflag:s11] =	ssyncadd.s32 @!p0 $0xFFFFF800  }
0x4c5: {  	[hbm4b:s18+s12] =	stream.linear.scatter @!p0 [tilespmem:s1], [sflag:$0x3], $0x800, $0x38;
	[tilespmem:$0x1DF80] =	vst v63  }
0x4c6: {  	_ =	swait.ge @!p0 [sflag:s11], $0x800  }
0x4c7: {  	[sflag:s11] =	ssyncset.done @!p0 $0x0  }
0x4c8: {  	s20 =	simm.s32 $0x0;
	s21 =	rddreg [dreg:$0xb];
	[sflag:s11] =	ssyncadd.s32 @!p0 $0xFFFFF800  }
0x4c9: {  	[hbm4b:s21+s20] =	stream.linear.scatter [tilespmem:s17], [sflag:$0x3], $0x2780, $0x38;
	[tilespmem:$0x1DF80] =	vst v63  }
0x4ca: {  	_ =	swait.ge [sflag:s28], $0x2780  }
0x4cb: {  	[sflag:s28] =	ssyncset.done $0x0  }
0x4cc: {  	[sflag:s28] =	ssyncadd.s32 $0xFFFFD880  }
0x4cd: {  	s23 =	sadd.s32 $0x0, s9;
	[bflag:$0x0] =	sbarrier.arrive $0xFFFF  }
0x4ce: {  	[spmem:s23] =	stream.linear.scatter [tilespmem:s29], [sflag:$0x3], $0x800, $0x38;
	[tilespmem:$0x1DF80] =	vst v63  }
0x4cf: {  	s1 =	simm.s32 $0x2000;
	_ =	swait.ge [sflag:s28], $0x800  }
.LBB2_40:
0x4d0: {  	s11 =	sshra.s32 s1, $0x2;
	[sflag:s28] =	ssyncset.done $0x0;
	p1 =	sne.s32 s1, $0x4C000  }
.Ltmp19:
0x4d1: {  	s11 =	sadd.s32 s11, s9;
	[sflag:s28] =	ssyncadd.s32 $0xFFFFF800;
	(pc) =	sbr.rel @p1 .LBB2_40-.Ltmp19, $3  }
0x4d2: {  	[spmem:s11] =	stream.linear.scatter [tilespmem:s29], [sflag:$0x3], $0x800, $0x38;
	[tilespmem:$0x1DF80] =	vst v63  }
0x4d3: {  	s1 =	sadd.s32 $0x2000, s1;
	_ =	sdelay $0x1  }
0x4d4: {  	_ =	swait.ge [sflag:s28], $0x800  }
0x4d5: {  	[sflag:s28] =	ssyncset.done $0x0  }
0x4d6: {  	s1 =	rddreg [dreg:$0x5];
	[sflag:s28] =	ssyncadd.s32 $0xFFFFF800  }
0x4d7: {  	[spmem:s1] =	stream.linear.scatter [tilespmem:s29], [sflag:$0x3], $0x400, $0x38;
	[tilespmem:$0x1DF80] =	vst v63  }
0x4d8: {  	_ =	swait.ge [sflag:s28], $0x400  }
0x4d9: {  	[sflag:s28] =	ssyncset.done $0x0  }
0x4da: {  	s1 =	simm.s32 $0x7420;
	[sflag:s28] =	ssyncadd.s32 $0xFFFFFC00  }
0x4db: {  	[tilespmem:s1+$0xFFFFFFE0] =	vst v0  }
0x4dc: {  	[tilespmem:s1+$0x10] =	vst v0  }
0x4dd: {  	s11 =	simm.s32 $0x0;
	[tilespmem:s1+$0x0] =	vst v0  }
.LBB2_42:
0x4de: {  	s11 =	sadd.s32 $0x4, s11  }
0x4df: {  	[tilespmem:s1+$0xFFFFFFF0] =	vst v0;
	s1 =	sadd.s32 $0x40, s1;
	p1 =	slt.u32 s11, $0x274  }
.Ltmp20:
0x4e0: {  	[tilespmem:s1+$0xFFFFFFE0] =	vst v0;
	(pc) =	sbr.rel @p1 .LBB2_42-.Ltmp20, $3  }
0x4e1: {  	_ =	sdelay $0x1  }
0x4e2: {  	[tilespmem:s1+$0x10] =	vst v0  }
0x4e3: {  	[tilespmem:s1+$0x0] =	vst v0  }
0x4e4: {  	[tilespmem:s1+$0xFFFFFFF0] =	vst v0  }
0x4e5: {  	s19 =	simm.s32 $0x0;
	s20 =	simm.s32 $0x0;
	[bflag:$0x0] =	sbarrier.arrive $0xFFFF  }
.LBB2_44:
0x4e6: {  	s1 =	smul.u32 $0x70, s20;
	_ =	sdelay $0x1  }
0x4e7: {  	s1 =	sadd.s32 s10, s1  }
0x4e8: {  	s11 =	rddreg [dreg:$0x1];
	s1 =	sshrl.u32 s1, $0x3  }
0x4e9: {  	s11 =	sadd.s32 s11, s1  }
0x4ea: {  	[tilespmem:s30], [sflag:$0x3] =	stream.linear.gather [hbm4b:s11+s19], $0x70, $0x38;
	[tilespmem:$0x1DF80] =	vst v63  }
0x4eb: {  	_ =	swait.ge [sflag:s28], $0x70  }
0x4ec: {  	[sflag:s28] =	ssyncset.done $0x0  }
0x4ed: {  	s1 =	sadd.s32 s8, s1;
	[sflag:s28] =	ssyncadd.s32 $0xFFFFFF90  }
0x4ee: {  	[tilespmem:s31], [sflag:$0x3] =	stream.linear.gather [hbm4b:s1+s19], $0x70, $0x38;
	[tilespmem:$0x1DF80] =	vst v63  }
0x4ef: {  	_ =	swait.ge [sflag:s28], $0x70  }
0x4f0: {  	[sflag:s28] =	ssyncset.done $0x0  }
0x4f1: {  	[sflag:s28] =	ssyncadd.s32 $0xFFFFFF90  }
0x4f2: {  	[tilespmem:s0], [sflag:$0x3] =	stream.linear.gather [hbm4b:s1+s19], $0x70, $0x38;
	[tilespmem:$0x1DF80] =	vst v63  }
0x4f3: {  	_ =	swait.ge [sflag:s28], $0x70  }
0x4f4: {  	[sflag:s28] =	ssyncset.done $0x0  }
0x4f5: {  	s1 =	simm.s32 $0x0;
	[sflag:s28] =	ssyncadd.s32 $0xFFFFFF90  }
0x4f6: {  	v2 =	vld [tilespmem:s1+$0x280]  }
0x4f7: {  	s11 =	simm.s32 $0x40;
	v3 =	vld [tilespmem:s1+$0x200]  }
.LBB2_45:
0x4f8: {  	_ = 	snop  }
0x4f9: {  	p1 =	sne.s32 s11, $0x180  }
.Ltmp21:
0x4fa: {  	_ = 	snop;
	(pc) =	sbr.rel @p1 .LBB2_45-.Ltmp21, $4  }
0x4fb: {  	s12 =	sshra.s32 s11, $0x2;
	vm0 =	vlt.s32 v2, $0x270F  }
0x4fc: {  	v4 =	vadd.s32 $0x7530, v3;
	v3 =	vld [tilespmem:s12+$0x200];
	v1 =	vnsel vm0, $0x270F, v2  }
0x4fd: {  	v2 =	vld [tilespmem:s12+$0x280];
	[tilespmem:s1+$0x200] =	vst v4;
	v1 =	vadd.s32 $0x7530, v1  }
0x4fe: {  	s11 =	sadd.s32 $0x40, s11;
	[tilespmem:s1+$0x380] =	vst v1;
	s1 =	smov.u32 s12  }
0x4ff: {  	_ =	sdelay $0x2  }
0x500: {  	vm0 =	vlt.s32 v2, $0x270F  }
0x501: {  	v1 =	vnsel vm0, $0x270F, v2;
	v2 =	vadd.s32 $0x7530, v3  }
0x502: {  	v1 =	vadd.s32 $0x7530, v1;
	[tilespmem:s1+$0x200] =	vst v2  }
0x503: {  	[tilespmem:s1+$0x380] =	vst v1  }
0x504: {  	[tilespmem:s2], [sflag:$0x1] =	stream.indirect.gather [hbm4b:s6+s5], $0x80, s30, s5, $0xb8;
	[tilespmem:$0x1DF80] =	vst v63  }
0x505: {  	_ = 	snop  }
0x506: {  	[tilespmem:s14], [sflag:$0x2] =	stream.indirect.gather [hbm4b:s7+s5], $0x80, s13, s5, $0xb8;
	[tilespmem:$0x1DF80] =	vst v63  }
0x507: {  	_ =	swait.ge [sflag:s15], $0x3800  }
0x508: {  	[sflag:s15] =	ssyncset.done $0x0  }
0x509: {  	[sflag:s15] =	ssyncadd.s32 $0xFFFFC800  }
0x50a: {  	_ =	swait.ge [sflag:s16], $0x3800  }
0x50b: {  	[sflag:s16] =	ssyncset.done $0x0  }
0x50c: {  	[sflag:s16] =	ssyncadd.s32 $0xFFFFC800  }
0x50d: {  	v3 =	vld [tilespmem:$0x1C0]  }
0x50e: {  	v23 =	vld [tilespmem:$0x1B0]  }
0x50f: {  	v17 =	vld [tilespmem:$0x1A0]  }
0x510: {  	v1 =	vld [tilespmem:$0x190]  }
0x511: {  	s12 =	simm.s32 $0x3D00;
	v11 =	vld [tilespmem:$0x180]  }
0x512: {  	s11 =	simm.s32 $0x500;
	v32 =	vld [tilespmem:s12+$0x80]  }
0x513: {  	v2 =	vld [tilespmem:s11+$0x80]  }
0x514: {  	v31 =	vld [tilespmem:s12+$0x90]  }
0x515: {  	v4 =	vld [tilespmem:s11+$0x90]  }
0x516: {  	v29 =	vld [tilespmem:s12+$0xA0]  }
0x517: {  	v5 =	vld [tilespmem:s11+$0xA0]  }
0x518: {  	v26 =	vld [tilespmem:s12+$0xB0]  }
0x519: {  	v6 =	vld [tilespmem:s11+$0xB0]  }
0x51a: {  	v25 =	vld [tilespmem:s12+$0xC0]  }
0x51b: {  	v8 =	vld [tilespmem:s11+$0xC0];
	v2 =	vadd.f32 v2, v32  }
0x51c: {  	v27 =	vld [tilespmem:s12+$0xD0]  }
0x51d: {  	v9 =	vld [tilespmem:s11+$0xD0];
	v4 =	vadd.f32 v4, v31;
	v7 =	vmul.f32 $2.000000030e-01, v2  }
0x51e: {  	v28 =	vld [tilespmem:s12+$0xE0]  }
0x51f: {  	v10 =	vld [tilespmem:s11+$0xE0];
	v5 =	vadd.f32 v5, v29;
	v2 =	vmax.f32 v2, v7;
	v7 =	vmul.f32 $2.000000030e-01, v4  }
0x520: {  	v30 =	vld [tilespmem:s12+$0xF0];
	v2 =	vmul.f32 v2, v11  }
0x521: {  	v21 =	vld [tilespmem:$0x1D0];
	v6 =	vadd.f32 v6, v26;
	v4 =	vmax.f32 v4, v7;
	v7 =	vmul.f32 $2.000000030e-01, v5  }
0x522: {  	v12 =	vld [tilespmem:s11+$0xFFFFFF00];
	v2 =	vadd.f32 $0.0e+00, v2;
	v4 =	vmul.f32 v4, v1  }
0x523: {  	v19 =	vld [tilespmem:$0x1E0];
	v8 =	vadd.f32 v8, v25;
	v5 =	vmax.f32 v5, v7;
	v7 =	vmul.f32 $2.000000030e-01, v6  }
0x524: {  	v2 =	vadd.f32 v4, v2;
	v4 =	vmul.f32 v5, v17;
	v5 =	vld [tilespmem:s11+$0xF0]  }
0x525: {  	v20 =	vld [tilespmem:$0x1F0];
	v9 =	vadd.f32 v9, v27;
	v6 =	vmax.f32 v6, v7;
	v7 =	vmul.f32 $2.000000030e-01, v8  }
0x526: {  	v14 =	vld [tilespmem:s11+$0x0];
	v2 =	vadd.f32 v4, v2;
	v6 =	vmul.f32 v6, v23  }
0x527: {  	v15 =	vld [tilespmem:s11+$0xFFFFFF10];
	v10 =	vadd.f32 v10, v28;
	v7 =	vmax.f32 v8, v7;
	v8 =	vmul.f32 $2.000000030e-01, v9  }
0x528: {  	v16 =	vld [tilespmem:s11+$0xFFFFFF90];
	v2 =	vadd.f32 v6, v2;
	v6 =	vmul.f32 v7, v3  }
0x529: {  	v38 =	vld [tilespmem:s12+$0x10];
	v7 =	vmax.f32 v9, v8;
	v8 =	vmul.f32 $2.000000030e-01, v10;
	v5 =	vadd.f32 v5, v30  }
0x52a: {  	v4 =	vld [tilespmem:s12+$0xFFFFFF80];
	v2 =	vadd.f32 v6, v2;
	v6 =	vmul.f32 v7, v21  }
0x52b: {  	v9 =	vld [tilespmem:s11+$0xFFFFFF80];
	v8 =	vmax.f32 v10, v8;
	v10 =	vmul.f32 $2.000000030e-01, v5  }
0x52c: {  	v7 =	vld [tilespmem:s12+$0x0];
	v6 =	vadd.f32 v6, v2;
	v8 =	vmul.f32 v8, v19  }
0x52d: {  	v2 =	vld [tilespmem:s12+$0xFFFFFF00];
	v10 =	vmax.f32 v5, v10  }
0x52e: {  	v5 =	vld [tilespmem:s12+$0xFFFFFF10];
	v8 =	vadd.f32 v8, v6;
	v10 =	vmul.f32 v10, v20  }
0x52f: {  	v6 =	vld [tilespmem:s12+$0xFFFFFF90];
	[tilespmem:$0x1FF80] =	vst v38  }
0x530: {  	v18 =	vld [tilespmem:s11+$0x10];
	v8 =	vadd.f32 v10, v8  }
0x531: {  	v9 =	vadd.f32 v9, v4;
	v13 =	vld [tilespmem:s12+$0x20]  }
0x532: {  	v22 =	vadd.f32 v14, v7;
	v24 =	vld [tilespmem:s11+$0xFFFFFF20];
	(xrf2) =	vadd.scan.msk.f32 $0xffff, v8  }
0x533: {  	v34 =	vld [tilespmem:s11+$0xFFFFFFA0];
	v14 =	vmul.f32 $2.000000030e-01, v9;
	v12 =	vadd.f32 v12, v2  }
0x534: {  	v10 =	vld [tilespmem:s12+$0xFFFFFFA0];
	v33 =	vmul.f32 $2.000000030e-01, v22  }
0x535: {  	v8 =	vld [tilespmem:s12+$0xFFFFFF20];
	v9 =	vmax.f32 v9, v14;
	v15 =	vadd.f32 v15, v5;
	v35 =	vmul.f32 $2.000000030e-01, v12  }
0x536: {  	v36 =	vmul.f32 v9, v11;
	v22 =	vmax.f32 v22, v33;
	v16 =	vadd.f32 v16, v6;
	[tilespmem:$0x1FF90] =	vst v13  }
0x537: {  	v50 =	vmul.f32 $2.000000030e-01, v15;
	v22 =	vmul.f32 v22, v11;
	v18 =	vadd.f32 v18, v38;
	v49 =	vld [tilespmem:s11+$0x20]  }
0x538: {  	v12 =	vmax.f32 v12, v35;
	v9 =	vld [tilespmem:s12+$0xFFFFFF30];
	v36 =	vadd.f32 $0.0e+00, v36;
	v51 =	vmul.f32 $2.000000030e-01, v16  }
0x539: {  	v37 =	vld [tilespmem:s11+$0xFFFFFF30];
	v34 =	vadd.f32 v34, v10;
	v12 =	vmul.f32 v12, v11;
	v15 =	vmax.f32 v15, v50  }
0x53a: {  	v39 =	vld [tilespmem:s11+$0xFFFFFFB0];
	v22 =	vadd.f32 $0.0e+00, v22;
	v40 =	vmul.f32 $2.000000030e-01, v18;
	v24 =	vadd.f32 v24, v8  }
0x53b: {  	v42 =	vld [tilespmem:s11+$0x30];
	v15 =	vmul.f32 v15, v1;
	v35 =	vmax.f32 v16, v51;
	v12 =	vadd.f32 $0.0e+00, v12  }
0x53c: {  	v11 =	vld [tilespmem:s12+$0xFFFFFFB0];
	v35 =	vmul.f32 v35, v1;
	v18 =	vmax.f32 v18, v40;
	v53 =	vmul.f32 $2.000000030e-01, v24;
	v52, _, _ =	vpop (xrf2)  }
0x53d: {  	v16 =	vld [tilespmem:s12+$0x30];
	v1 =	vmul.f32 v18, v1;
	v41 =	vadd.f32 v15, v12;
	v38 =	vmul.f32 $1.442695020e+00, v52  }
0x53e: {  	v54 =	vld [tilespmem:s11+$0xFFFFFF40];
	v18 =	vmul.f32 $2.000000030e-01, v34;
	v33 =	vadd.f32 v49, v13;
	v35 =	vadd.f32 v35, v36  }
0x53f: {  	v57 =	vld [tilespmem:s11+$0xFFFFFFC0];
	v55 =	vadd.f32 v37, v9;
	v24 =	vmax.f32 v24, v53;
	v12 =	vbroadcast v38, $0xF  }
0x540: {  	v15 =	vld [tilespmem:s12+$0xFFFFFF40];
	v1 =	vadd.f32 v1, v22;
	v22 =	vmax.f32 v34, v18;
	v56 =	vmul.f32 $2.000000030e-01, v33  }
0x541: {  	v59 =	vld [tilespmem:s11+$0x40];
	v39 =	vadd.f32 v39, v11;
	v60 =	vmul.f32 v22, v17;
	(erf) = vpow2.f32 v12  }
0x542: {  	v63 =	vld [tilespmem:s11+$0xFFFFFF50];
	v24 =	vmul.f32 v24, v17;
	v58 =	vmul.f32 $2.000000030e-01, v55;
	v62 =	vadd.f32 v42, v16  }
0x543: {  	v45 =	vld [tilespmem:s11+$0xFFFFFF60];
	v61 =	vmul.f32 $2.000000030e-01, v39;
	v33 =	vmax.f32 v33, v56;
	v35 =	vadd.f32 v60, v35  }
0x544: {  	v22 =	vld [tilespmem:s12+$0xFFFFFF50];
	v48 =	vmul.f32 $2.000000030e-01, v62;
	v33 =	vmul.f32 v33, v17;
	v17 =	vmax.f32 v55, v58  }
0x545: {  	v51 =	vld [tilespmem:s11+$0x50];
	v40 =	vadd.f32 v54, v15;
	v47 =	vmax.f32 v39, v61;
	v46 =	vmul.f32 v17, v23  }
0x546: {  	v18 =	vld [tilespmem:s12+$0x40];
	v34 =	vmax.f32 v62, v48;
	v1 =	vadd.f32 v33, v1;
	v33 =	vmul.f32 v47, v23  }
0x547: {  	v12 =	vld [tilespmem:s12+$0xFFFFFFC0];
	v50 =	vmul.f32 $2.000000030e-01, v40;
	v23 =	vmul.f32 v34, v23  }
0x548: {  	v49 =	vld [tilespmem:s11+$0xFFFFFFD0];
	v24 =	vadd.f32 v24, v41;
	v35 =	vadd.f32 v33, v35  }
0x549: {  	v33 =	vld [tilespmem:s12+$0xFFFFFF60];
	v52 =	vmax.f32 v40, v50;
	v1 =	vadd.f32 v23, v1;
	v23 =	vadd.f32 v63, v22  }
0x54a: {  	v17 =	vld [tilespmem:s12+$0xFFFFFFD0];
	v34 =	vmul.f32 v52, v3;
	v44 =	vpop (erf)  }
0x54b: {  	v41 =	vld [tilespmem:s12+$0xFFFFFFE0];
	v43 =	vadd.f32 v46, v24;
	v56 =	vmul.f32 $2.000000030e-01, v23;
	v32 =	vmul.f32 v44, v32  }
0x54c: {  	v54 =	vadd.f32 v59, v18;
	v24 =	vld [tilespmem:s12+$0x50];
	v38 =	vadd.f32 v57, v12;
	v31 =	vmul.f32 v44, v31  }
0x54d: {  	v34 =	vadd.f32 v34, v43;
	v43 =	vld [tilespmem:s12+$0xFFFFFF70];
	v23 =	vmax.f32 v23, v56;
	v25 =	vmul.f32 v44, v25;
	[tilespmem:s12+$0x80] =	vst v32  }
0x54e: {  	v53 =	vmul.f32 $2.000000030e-01, v38;
	v57 =	vadd.f32 v45, v33;
	v26 =	vmul.f32 v44, v26;
	[tilespmem:s12+$0x90] =	vst v31;
	v31 =	vld [tilespmem:s11+$0xFFFFFFE0]  }
0x54f: {  	v55 =	vadd.f32 v49, v17;
	v23 =	vmul.f32 v23, v21;
	[tilespmem:s12+$0xC0] =	vst v25;
	v25 =	vmul.f32 v44, v28;
	v28 =	vld [tilespmem:s11+$0xFFFFFF70]  }
0x550: {  	v42 =	vld [tilespmem:s12+$0xFFFFFFF0];
	v60 =	vmul.f32 $2.000000030e-01, v57;
	[tilespmem:s12+$0xB0] =	vst v26;
	v26 =	vmul.f32 v44, v27;
	v27 =	vmax.f32 v38, v53  }
0x551: {  	v36 =	vadd.f32 v51, v24;
	v29 =	vmul.f32 v44, v29;
	v27 =	vmul.f32 v27, v3;
	[tilespmem:s12+$0xE0] =	vst v25;
	v25 =	vld [tilespmem:s11+$0xFFFFFFF0]  }
0x552: {  	v32 =	vmax.f32 v57, v60;
	[tilespmem:s12+$0xD0] =	vst v26;
	v26 =	vmul.f32 v44, v30;
	v30 =	vmul.f32 $2.000000030e-01, v55  }
0x553: {  	v62 =	vld [tilespmem:s11+$0x60];
	[tilespmem:s12+$0xA0] =	vst v29;
	v29 =	vmul.f32 $2.000000030e-01, v54;
	v32 =	vmul.f32 v32, v19;
	v31 =	vadd.f32 v31, v41  }
0x554: {  	[tilespmem:s12+$0xF0] =	vst v26;
	v26 =	vadd.f32 v27, v35;
	v27 =	vld [tilespmem:s12+$0x60];
	v30 =	vmax.f32 v55, v30;
	v61 =	vadd.f32 v28, v43  }
0x555: {  	v23 =	vadd.f32 v23, v34;
	v30 =	vmul.f32 v30, v21;
	v63 =	vmul.f32 $2.000000030e-01, v31  }
0x556: {  	v29 =	vmax.f32 v54, v29;
	v28 =	vld [tilespmem:s12+$0x70];
	v37 =	vmul.f32 $2.000000030e-01, v61;
	v25 =	vadd.f32 v25, v42  }
0x557: {  	v3 =	vmul.f32 v29, v3;
	v26 =	vadd.f32 v30, v26;
	v30 =	vmax.f32 v31, v63;
	v31 =	vld [tilespmem:s11+$0x70]  }
0x558: {  	v23 =	vadd.f32 v32, v23;
	v34 =	vmax.f32 v61, v37;
	v46 =	vmul.f32 $2.000000030e-01, v25  }
0x559: {  	s21 =	simm.s32 $0x3F00;
	v47 =	vadd.f32 v62, v27;
	v30 =	vmul.f32 v30, v19;
	v29 =	vmul.f32 v34, v20  }
0x55a: {  	s18 =	simm.s32 $0x302;
	v39 =	vld [tilespmem:s21+$0xE0];
	v58 =	vmul.f32 $2.000000030e-01, v36;
	v25 =	vmax.f32 v25, v46  }
0x55b: {  	v59 =	vld [tilespmem:s18+$0x1];
	v48 =	vmul.f32 $2.000000030e-01, v47;
	v30 =	vadd.f32 v30, v26;
	v23 =	vadd.f32 v29, v23  }
0x55c: {  	v35 =	vld [tilespmem:s21+$0xA0];
	v25 =	vmul.f32 v25, v20;
	v29 =	vmax.f32 v36, v58;
	v31 =	vadd.f32 v31, v28  }
0x55d: {  	v1 =	vadd.f32 v3, v1;
	s11 =	simm.s32 $0x700;
	v37 =	vld [tilespmem:s21+$0x90];
	v3 =	vmul.f32 v29, v21;
	(xrf2) =	vadd.scan.msk.f32 $0xffff, v23  }
0x55e: {  	v51 =	vld [tilespmem:s11+$0xC0];
	v29 =	vmax.f32 v47, v48;
	v25 =	vadd.f32 v25, v30;
	v30 =	vmul.f32 $2.000000030e-01, v31  }
0x55f: {  	v54 =	vld [tilespmem:s11+$0xE0];
	v1 =	vadd.f32 v3, v1;
	v3 =	vmul.f32 v29, v19  }
0x560: {  	v36 =	vld [tilespmem:s21+$0xC0];
	(xrf2) =	vadd.scan.msk.f32 $0xffff, v25;
	v25 =	vmax.f32 v31, v30  }
0x561: {  	v1 =	vadd.f32 v3, v1;
	v3 =	vmul.f32 v25, v20;
	v25 =	vld [tilespmem:s21+$0x80]  }
0x562: {  	v20 =	vld [tilespmem:s11+$0x80]  }
0x563: {  	[tilespmem:v59+s17+$0x0] =	vst.idx.add.f32.msk $0x1, v44  }
0x564: {  	v44 =	vld [tilespmem:$0x180]  }
0x565: {  	v1 =	vadd.f32 v3, v1;
	v3 =	vld [tilespmem:s11+$0x90]  }
0x566: {  	v29 =	vld [tilespmem:s21+$0xB0]  }
0x567: {  	(xrf2) =	vadd.scan.msk.f32 $0xffff, v1;
	v1 =	vld [tilespmem:s11+$0xA0];
	v30, _, _ =	vpop (xrf2);
	v20 =	vadd.f32 v20, v25  }
0x568: {  	v31 =	vld [tilespmem:s11+$0xB0];
	v30 =	vmul.f32 $1.442695020e+00, v30  }
0x569: {  	v38 =	vld [tilespmem:s21+$0xD0];
	v50 =	vmul.f32 $2.000000030e-01, v20  }
0x56a: {  	v19 =	vld [tilespmem:$0x190];
	v3 =	vadd.f32 v3, v37;
	v30 =	vbroadcast v30, $0xF  }
0x56b: {  	v21 =	vld [tilespmem:$0x1A0];
	v45 =	vadd.f32 v54, v39;
	v48 =	vadd.f32 v51, v36;
	v20 =	vmax.f32 v20, v50  }
0x56c: {  	v52 =	vmul.f32 $2.000000030e-01, v3;
	v1 =	vadd.f32 v1, v35;
	(erf) = vpow2.f32 v30;
	v30 =	vld [tilespmem:s11+$0xD0]  }
0x56d: {  	v40 =	vld [tilespmem:s21+$0xF0];
	v58 =	vmul.f32 $2.000000030e-01, v45;
	v31 =	vadd.f32 v31, v29;
	v49, _, _ =	vpop (xrf2);
	v20 =	vmul.f32 v20, v44  }
0x56e: {  	v23 =	vld [tilespmem:$0x1B0];
	v32 =	vmul.f32 $1.442695020e+00, v49;
	v3 =	vmax.f32 v3, v52;
	v53 =	vmul.f32 $2.000000030e-01, v1  }
0x56f: {  	v34 =	vld [tilespmem:$0x1D0];
	v55 =	vmul.f32 $2.000000030e-01, v48;
	v20 =	vadd.f32 $0.0e+00, v20;
	v3 =	vmul.f32 v3, v19  }
0x570: {  	v26 =	vld [tilespmem:$0x1C0];
	v47 =	vmul.f32 $2.000000030e-01, v31;
	v32 =	vbroadcast v32, $0xF;
	v1 =	vmax.f32 v1, v53  }
0x571: {  	v59 =	vld [tilespmem:s11+$0xFFFFFF80];
	v46, _, _ =	vpop (xrf2);
	v3 =	vadd.f32 v3, v20;
	v1 =	vmul.f32 v1, v21;
	v49 =	vadd.f32 v30, v38  }
0x572: {  	v31 =	vmax.f32 v31, v47;
	(erf) = vpow2.f32 v32;
	v20 =	vld [tilespmem:s11+$0xF0];
	v46 =	vmul.f32 $1.442695020e+00, v46  }
0x573: {  	v30 =	vmul.f32 v31, v23;
	v31 =	vld [tilespmem:$0x1E0];
	v1 =	vadd.f32 v1, v3;
	v57 =	vmul.f32 $2.000000030e-01, v49  }
0x574: {  	v45 =	vmax.f32 v45, v58;
	v58 =	vld [tilespmem:s11+$0x10];
	v56 =	vmax.f32 v48, v55;
	v46 =	vbroadcast v46, $0xF  }
0x575: {  	v48 =	vmul.f32 v56, v26;
	v50 =	vld [tilespmem:s11+$0xFFFFFF00];
	v1 =	vadd.f32 v30, v1;
	v47 =	vmax.f32 v49, v57  }
0x576: {  	v3 =	vld [tilespmem:s21+$0xFFFFFF80];
	v32 =	vpop (erf);
	(erf) = vpow2.f32 v46;
	v47 =	vmul.f32 v47, v34  }
0x577: {  	v52 =	vld [tilespmem:s11+$0x0];
	v1 =	vadd.f32 v48, v1;
	v48 =	vmul.f32 v32, v2;
	v51 =	vmul.f32 v32, v5  }
0x578: {  	v30 =	vld [tilespmem:$0x1F0];
	v20 =	vadd.f32 v20, v40;
	v5 =	vmul.f32 v45, v31;
	v45 =	vmul.f32 v32, v8  }
0x579: {  	v2 =	vld [tilespmem:s21+$0x0];
	v49 =	vmul.f32 v32, v15;
	v53 =	vmul.f32 v32, v33  }
0x57a: {  	v8 =	vld [tilespmem:s21+$0xFFFFFF10];
	v54 =	vmul.f32 v32, v43;
	v60 =	vmul.f32 $2.000000030e-01, v20  }
0x57b: {  	v33 =	vpop (erf);
	v46 =	vadd.f32 v59, v3;
	v1 =	vadd.f32 v47, v1;
	v47 =	vmul.f32 v32, v9;
	v9 =	vld [tilespmem:s21+$0xFFFFFF00]  }
0x57c: {  	v55 =	vmul.f32 v33, v4;
	v56 =	vmul.f32 v33, v6;
	v6 =	vld [tilespmem:s21+$0x10];
	v20 =	vmax.f32 v20, v60  }
0x57d: {  	v4 =	vmul.f32 $2.000000030e-01, v46;
	v1 =	vadd.f32 v5, v1;
	v15 =	vmul.f32 v20, v30;
	v20 =	vld [tilespmem:s11+$0xFFFFFF10]  }
0x57e: {  	v57 =	vmul.f32 v33, v10;
	v14 =	vmul.f32 v33, v11;
	v5 =	vld [tilespmem:s21+$0xFFFFFF90]  }
0x57f: {  	v10 =	vadd.f32 v52, v2;
	v4 =	vmax.f32 v46, v4;
	v1 =	vadd.f32 v15, v1;
	v15 =	vld [tilespmem:s11+$0xFFFFFF90]  }
0x580: {  	v59 =	vmul.f32 v33, v17;
	v52 =	vmul.f32 v33, v12;
	v12 =	vld [tilespmem:s21+$0xFFFFFF20];
	v50 =	vadd.f32 v50, v9  }
0x581: {  	v46 =	vld [tilespmem:s11+$0xFFFFFF20];
	v60 =	vmul.f32 v4, v44;
	v11 =	vmul.f32 $2.000000030e-01, v10  }
0x582: {  	v61 =	vld [tilespmem:s11+$0xFFFFFFA0];
	v43 =	vmul.f32 v33, v41;
	(xrf2) =	vadd.scan.msk.f32 $0xffff, v1;
	v4 =	vpop (erf);
	v17 =	vmul.f32 $2.000000030e-01, v50;
	v20 =	vadd.f32 v20, v8  }
0x583: {  	v13 =	vld [tilespmem:s11+$0xFFFFFF30];
	v60 =	vadd.f32 $0.0e+00, v60;
	v10 =	vmax.f32 v10, v11;
	v41 =	vmul.f32 v4, v7  }
0x584: {  	v11 =	vld [tilespmem:s21+$0xFFFFFFA0];
	v17 =	vmax.f32 v50, v17;
	v50 =	vmul.f32 $2.000000030e-01, v20;
	v15 =	vadd.f32 v15, v5  }
0x585: {  	v7 =	vld [tilespmem:s21+$0x20];
	v10 =	vmul.f32 v10, v44;
	v17 =	vmul.f32 v17, v44;
	v44 =	vadd.f32 v58, v6  }
0x586: {  	v46 =	vadd.f32 v46, v12;
	v20 =	vmax.f32 v20, v50;
	v50 =	vld [tilespmem:s11+$0x20];
	v58 =	vmul.f32 $2.000000030e-01, v15  }
0x587: {  	v63 =	vadd.f32 $0.0e+00, v10;
	v62 =	vadd.f32 $0.0e+00, v17;
	v17 =	vld [tilespmem:s21+$0xFFFFFF30];
	v10 =	vmul.f32 $2.000000030e-01, v44  }
0x588: {  	[tilespmem:s12+$0xFFFFFF00] =	vst v48;
	v1 =	vmul.f32 $2.000000030e-01, v46;
	v20 =	vmul.f32 v20, v19;
	v58 =	vmax.f32 v15, v58;
	v15 =	vld [tilespmem:s21+$0xFFFFFFB0]  }
0x589: {  	[tilespmem:s12+$0xFFFFFF10] =	vst v51;
	v61 =	vadd.f32 v61, v11;
	v58 =	vmul.f32 v58, v19;
	v10 =	vmax.f32 v44, v10;
	v44 =	vld [tilespmem:s11+$0xFFFFFFB0]  }
0x58a: {  	[tilespmem:s12+$0xFFFFFF20] =	vst v45;
	v19 =	vmul.f32 v10, v19;
	v10 =	vld [tilespmem:s21+$0x30]  }
0x58b: {  	[tilespmem:s12+$0xFFFFFF30] =	vst v47;
	v1 =	vmax.f32 v46, v1;
	v46 =	vmul.f32 $2.000000030e-01, v61;
	v48 =	vadd.f32 v58, v60;
	v58 =	vld [tilespmem:s11+$0x30]  }
0x58c: {  	v22 =	vmul.f32 v32, v22;
	v62 =	vadd.f32 v20, v62;
	v20, _, _ =	vpop (xrf2);
	v51 =	vadd.f32 v19, v63;
	v19 =	vld [tilespmem:$0x1FF80];
	[tilespmem:s12+$0xFFFFFF40] =	vst v49  }
0x58d: {  	v50 =	vadd.f32 v50, v7;
	v46 =	vmax.f32 v61, v46;
	v20 =	vmul.f32 $1.442695020e+00, v20;
	[tilespmem:s12+$0xFFFFFF60] =	vst v53;
	v53 =	vld [tilespmem:s11+$0x40]  }
0x58e: {  	[tilespmem:s12+$0xFFFFFF50] =	vst v22;
	v22 =	vmul.f32 v46, v21;
	v49 =	vld [tilespmem:s11+$0xFFFFFFE0]  }
0x58f: {  	v45 =	vadd.f32 v13, v17;
	[tilespmem:s12+$0xFFFFFF70] =	vst v54;
	v13 =	vmul.f32 $2.000000030e-01, v50;
	v60 =	vbroadcast v20, $0xF;
	v20 =	vld [tilespmem:s21+$0xFFFFFF40]  }
0x590: {  	v42 =	vmul.f32 v33, v42;
	v24 =	vmul.f32 v4, v24;
	v48 =	vadd.f32 v22, v48;
	v22 =	vld [tilespmem:$0x1FF90]  }
0x591: {  	v27 =	vmul.f32 v4, v27;
	v13 =	vmax.f32 v50, v13;
	v50 =	vld [tilespmem:s11+$0xFFFFFFC0];
	(erf) = vpow2.f32 v60  }
0x592: {  	v1 =	vmul.f32 v1, v21;
	v61 =	vmul.f32 $2.000000030e-01, v45;
	v44 =	vadd.f32 v44, v15;
	v60 =	vld [tilespmem:s11+$0xFFFFFF40]  }
0x593: {  	[tilespmem:s12+$0xFFFFFF90] =	vst v56;
	v56 =	vmul.f32 v4, v16;
	v21 =	vmul.f32 v13, v21;
	v13 =	vld [tilespmem:s21+$0x40]  }
0x594: {  	v45 =	vmax.f32 v45, v61;
	v63 =	vmul.f32 $2.000000030e-01, v44;
	v61 =	vadd.f32 v58, v10;
	v58 =	vld [tilespmem:s11+$0xFFFFFF50]  }
0x595: {  	v1 =	vadd.f32 v1, v62;
	[tilespmem:s12+$0xFFFFFF80] =	vst v55;
	v47 =	vmul.f32 v4, v19;
	v19 =	vld [tilespmem:s21+$0xFFFFFFC0];
	v45 =	vmul.f32 v45, v23  }
0x596: {  	[tilespmem:s12+$0xFFFFFFB0] =	vst v14;
	v44 =	vmax.f32 v44, v63;
	v62 =	vmul.f32 $2.000000030e-01, v61;
	v54 =	vmul.f32 v4, v22;
	v22 =	vld [tilespmem:s21+$0xFFFFFF50]  }
0x597: {  	v14 =	vld [tilespmem:s21+$0x50];
	[tilespmem:s12+$0x60] =	vst v27;
	v27 =	vmul.f32 v4, v28;
	v16 =	vmul.f32 v44, v23;
	v55 =	vadd.f32 v60, v20  }
0x598: {  	[tilespmem:s12+$0xFFFFFFA0] =	vst v57;
	v51 =	vadd.f32 v21, v51;
	v21 =	vld [tilespmem:s21+$0xFFFFFFD0];
	v57 =	vmax.f32 v61, v62;
	v62 =	vadd.f32 v53, v13  }
0x599: {  	v1 =	vadd.f32 v45, v1;
	v60 =	vld [tilespmem:s11+$0xFFFFFFD0];
	v48 =	vadd.f32 v16, v48;
	v63 =	vmul.f32 $2.000000030e-01, v55  }
0x59a: {  	[tilespmem:s12+$0xFFFFFFD0] =	vst v59;
	v16 =	vmul.f32 v57, v23;
	v61 =	vadd.f32 v50, v19;
	v50 =	vld [tilespmem:s11+$0x50];
	v59 =	vmul.f32 $2.000000030e-01, v62;
	v45 =	vpop (erf)  }
0x59b: {  	[tilespmem:s12+$0xFFFFFFC0] =	vst v52;
	v53 =	vadd.f32 v58, v22;
	v58 =	vld [tilespmem:s11+$0xFFFFFF60];
	v23 =	vmax.f32 v55, v63;
	v63 =	vmul.f32 v45, v25  }
0x59c: {  	[tilespmem:s12+$0xFFFFFFE0] =	vst v43;
	v51 =	vadd.f32 v16, v51;
	v57 =	vmul.f32 $2.000000030e-01, v61;
	v55 =	vld [tilespmem:s11+$0x70];
	v16 =	vmul.f32 v45, v37  }
0x59d: {  	v23 =	vmul.f32 v23, v26;
	v25 =	vld [tilespmem:s21+$0xFFFFFF60];
	v35 =	vmul.f32 v45, v35;
	[tilespmem:s21+$0x80] =	vst v63  }
0x59e: {  	v29 =	vmul.f32 v45, v29;
	v37 =	vmax.f32 v61, v57;
	v46 =	vadd.f32 v60, v21;
	v57 =	vld [tilespmem:s11+$0x60];
	[tilespmem:s21+$0x90] =	vst v16  }
0x59f: {  	v60 =	vmul.f32 v45, v36;
	v61 =	vmax.f32 v62, v59;
	v39 =	vmul.f32 v45, v39;
	v59 =	vld [tilespmem:s11+$0xFFFFFF70];
	[tilespmem:s21+$0xA0] =	vst v35  }
0x5a0: {  	v37 =	vmul.f32 v37, v26;
	v36 =	vmul.f32 v61, v26;
	v26 =	vld [tilespmem:s21+$0xFFFFFFF0];
	[tilespmem:s21+$0xB0] =	vst v29  }
0x5a1: {  	v62 =	vmul.f32 $2.000000030e-01, v53;
	v1 =	vadd.f32 v23, v1;
	v23 =	vld [tilespmem:s21+$0xFFFFFFE0];
	v29 =	vmul.f32 v45, v38;
	[tilespmem:s21+$0xC0] =	vst v60  }
0x5a2: {  	v40 =	vmul.f32 v45, v40;
	v50 =	vadd.f32 v50, v14;
	v16 =	vld [tilespmem:s21+$0x60];
	v63 =	vmul.f32 $2.000000030e-01, v46;
	[tilespmem:s21+$0xE0] =	vst v39  }
0x5a3: {  	v44 =	vmax.f32 v53, v62;
	v37 =	vadd.f32 v37, v48;
	v48 =	vmul.f32 v4, v18;
	[tilespmem:s21+$0xD0] =	vst v29;
	v29 =	vld [tilespmem:s21+$0xFFFFFF70]  }
0x5a4: {  	s23 =	simm.s32 $0x306;
	[tilespmem:s21+$0xF0] =	vst v40;
	v44 =	vmul.f32 v44, v34;
	v18 =	vmax.f32 v46, v63;
	v63 =	vld [tilespmem:s11+$0xFFFFFFF0];
	v52 =	vadd.f32 v58, v25  }
0x5a5: {  	[tilespmem:s12+$0xFFFFFFF0] =	vst v42;
	v36 =	vadd.f32 v36, v51;
	v58 =	vmul.f32 $2.000000030e-01, v50;
	v43 =	vld [tilespmem:s23+$0x1];
	v51 =	vmul.f32 v18, v34  }
0x5a6: {  	[tilespmem:s12+$0x0] =	vst v41;
	v18 =	vld [tilespmem:s21+$0x70];
	v1 =	vadd.f32 v44, v1;
	v60 =	vmul.f32 $2.000000030e-01, v52;
	v62 =	vadd.f32 v49, v23  }
0x5a7: {  	[tilespmem:s12+$0x50] =	vst v24;
	v61 =	vmax.f32 v50, v58;
	v35 =	vadd.f32 v57, v16;
	v37 =	vadd.f32 v51, v37  }
0x5a8: {  	[tilespmem:s12+$0x30] =	vst v56;
	v58 =	vld [tilespmem:s18+$0xFFFFFFFE];
	v34 =	vmul.f32 v61, v34;
	v53 =	vmul.f32 $2.000000030e-01, v62;
	v39 =	vadd.f32 v59, v29  }
0x5a9: {  	[tilespmem:s12+$0x70] =	vst v27;
	v38 =	vmax.f32 v52, v60;
	v57 =	vmul.f32 $2.000000030e-01, v35;
	v60 =	vld [tilespmem:s18+$0xFFFFFFFF];
	v46 =	vadd.f32 v63, v26  }
0x5aa: {  	[tilespmem:s12+$0x10] =	vst v47;
	v38 =	vmul.f32 v38, v31;
	v24 =	vadd.f32 v34, v36;
	v59 =	vmul.f32 $2.000000030e-01, v39  }
0x5ab: {  	[tilespmem:s12+$0x20] =	vst v54;
	v63 =	vadd.f32 v55, v18;
	v40 =	vmax.f32 v62, v53;
	v61 =	vmax.f32 v35, v57  }
0x5ac: {  	[tilespmem:s12+$0x40] =	vst v48;
	v28 =	vmul.f32 $2.000000030e-01, v46;
	v40 =	vmul.f32 v40, v31;
	v62 =	vmax.f32 v39, v59  }
0x5ad: {  	v1 =	vadd.f32 v38, v1;
	v34 =	vmul.f32 v61, v31;
	v31 =	vld [tilespmem:s18+$0x0];
	v35 =	vmul.f32 v62, v30  }
0x5ae: {  	[tilespmem:v43+s17+$0x0] =	vst.idx.add.f32.msk $0x1, v45;
	v27 =	vmax.f32 v46, v28;
	v28 =	vmul.f32 $2.000000030e-01, v63  }
0x5af: {  	v37 =	vadd.f32 v40, v37;
	v27 =	vmul.f32 v27, v30;
	v1 =	vadd.f32 v35, v1  }
0x5b0: {  	v34 =	vadd.f32 v34, v24;
	v24 =	vmax.f32 v63, v28;
	[tilespmem:v58+s17+$0x0] =	vst.idx.add.f32.msk $0x1, v32  }
0x5b1: {  	s1 =	simm.s32 $0x4;
	s12 =	simm.s32 $0x306;
	s18 =	simm.s32 $0x3F00;
	v28 =	vadd.f32 v27, v37;
	v24 =	vmul.f32 v24, v30;
	[tilespmem:v60+s17+$0x0] =	vst.idx.add.f32.msk $0x1, v33;
	(xrf2) =	vadd.scan.msk.f32 $0xffff, v1  }
.LBB2_47:
0x5b2: {  	_ = 	snop  }
0x5b3: {  	v27 =	vld [tilespmem:$0x1C0];
	v1 =	vadd.f32 v24, v34;
	v24 =	vmov v31  }
0x5b4: {  	v39 =	vld [tilespmem:$0x1B0];
	(xrf2) =	vadd.scan.msk.f32 $0xffff, v28  }
0x5b5: {  	v44 =	vld [tilespmem:$0x1A0]  }
0x5b6: {  	v45 =	vld [tilespmem:$0x190]  }
0x5b7: {  	s21 =	sadd.s32 $0x200, s21;
	v46 =	vld [tilespmem:$0x180];
	(xrf2) =	vadd.scan.msk.f32 $0xffff, v1  }
0x5b8: {  	s11 =	sadd.s32 $0x200, s11;
	v37 =	vld [tilespmem:s21+$0x80]  }
0x5b9: {  	v1 =	vld [tilespmem:s11+$0x80]  }
0x5ba: {  	v36 =	vld [tilespmem:s21+$0x90]  }
0x5bb: {  	v28 =	vld [tilespmem:s11+$0x90];
	v30, _, _ =	vpop (xrf2)  }
0x5bc: {  	v33 =	vld [tilespmem:s21+$0xA0];
	v30 =	vmul.f32 $1.442695020e+00, v30  }
0x5bd: {  	v31 =	vld [tilespmem:s11+$0xA0]  }
0x5be: {  	v1 =	vadd.f32 v1, v37;
	v34 =	vld [tilespmem:s21+$0xB0];
	v30 =	vbroadcast v30, $0xF;
	v32, _, _ =	vpop (xrf2)  }
0x5bf: {  	v35 =	vld [tilespmem:s11+$0xB0];
	v32 =	vmul.f32 $1.442695020e+00, v32  }
0x5c0: {  	s1 =	sadd.s32 $0x4, s1;
	v40 =	vmul.f32 $2.000000030e-01, v1;
	v28 =	vadd.f32 v28, v36;
	v38 =	vld [tilespmem:s21+$0xC0];
	(erf) = vpow2.f32 v30  }
0x5c1: {  	p1 =	slt.u32 s1, $0x6C;
	v30 =	vld [tilespmem:s11+$0xC0];
	v32 =	vbroadcast v32, $0xF;
	v41, _, _ =	vpop (xrf2)  }
0x5c2: {  	v1 =	vmax.f32 v1, v40;
	v42 =	vmul.f32 $2.000000030e-01, v28;
	v31 =	vadd.f32 v31, v33;
	v40 =	vld [tilespmem:s21+$0xD0]  }
0x5c3: {  	v41 =	vmul.f32 $1.442695020e+00, v41;
	v1 =	vmul.f32 v1, v46;
	v47 =	vld [tilespmem:s11+$0xD0]  }
0x5c4: {  	v28 =	vmax.f32 v28, v42;
	v43 =	vmul.f32 $2.000000030e-01, v31;
	v48 =	vadd.f32 v35, v34;
	v42 =	vld [tilespmem:s21+$0xE0]  }
0x5c5: {  	v41 =	vbroadcast v41, $0xF;
	v1 =	vadd.f32 $0.0e+00, v1;
	v28 =	vmul.f32 v28, v45;
	v49 =	vld [tilespmem:s11+$0xE0]  }
0x5c6: {  	v31 =	vmax.f32 v31, v43;
	v50 =	vmul.f32 $2.000000030e-01, v48;
	v30 =	vadd.f32 v30, v38;
	v43 =	vld [tilespmem:s21+$0xF0]  }
0x5c7: {  	v1 =	vadd.f32 v28, v1;
	v52 =	vmul.f32 v31, v44;
	v51 =	vld [tilespmem:s11+$0xF0];
	(erf) = vpow2.f32 v32  }
0x5c8: {  	v35 =	vld [tilespmem:$0x1D0];
	v31 =	vmax.f32 v48, v50;
	v32 =	vmul.f32 $2.000000030e-01, v30;
	v47 =	vadd.f32 v47, v40  }
0x5c9: {  	v48 =	vld [tilespmem:s11+$0xFFFFFF00];
	v1 =	vadd.f32 v52, v1;
	v50 =	vmul.f32 v31, v39;
	v28 =	vpop (erf);
	(erf) = vpow2.f32 v41  }
0x5ca: {  	v31 =	vld [tilespmem:$0x1E0];
	v30 =	vmax.f32 v30, v32;
	v32 =	vmul.f32 $2.000000030e-01, v47;
	v41 =	vadd.f32 v49, v42  }
0x5cb: {  	v9 =	vmul.f32 v28, v9;
	v49 =	vld [tilespmem:s21+$0xFFFFFF80];
	v1 =	vadd.f32 v50, v1;
	v50 =	vmul.f32 v30, v27  }
0x5cc: {  	v30 =	vld [tilespmem:$0x1F0];
	v32 =	vmax.f32 v47, v32;
	v47 =	vmul.f32 $2.000000030e-01, v41;
	v51 =	vadd.f32 v51, v43  }
0x5cd: {  	v8 =	vmul.f32 v28, v8;
	v52 =	vld [tilespmem:s11+$0xFFFFFF80];
	v1 =	vadd.f32 v50, v1;
	v54 =	vmul.f32 v32, v35;
	[tilespmem:s18+$0xFFFFFF00] =	vst v9  }
0x5ce: {  	v12 =	vmul.f32 v28, v12;
	v50 =	vld [tilespmem:s21+$0x0];
	v9 =	vmax.f32 v41, v47;
	v41 =	vmul.f32 $2.000000030e-01, v51  }
0x5cf: {  	v17 =	vmul.f32 v28, v17;
	v47 =	vld [tilespmem:s11+$0x0];
	v1 =	vadd.f32 v54, v1;
	v53 =	vmul.f32 v9, v31;
	[tilespmem:s18+$0xFFFFFF10] =	vst v8  }
0x5d0: {  	v9 =	vld [tilespmem:s21+$0xFFFFFF00];
	v54 =	vmax.f32 v51, v41;
	[tilespmem:s18+$0xFFFFFF20] =	vst v12;
	v12 =	vmul.f32 v28, v20;
	v20 =	vmul.f32 v28, v22;
	v32 =	vpop (erf)  }
0x5d1: {  	v8 =	vld [tilespmem:s21+$0xFFFFFF10];
	v1 =	vadd.f32 v53, v1;
	v22 =	vmul.f32 v54, v30;
	[tilespmem:s18+$0xFFFFFF30] =	vst v17;
	v17 =	vmul.f32 v28, v25  }
0x5d2: {  	v25 =	vld [tilespmem:s11+$0xFFFFFF10];
	v51 =	vadd.f32 v52, v49;
	[tilespmem:s18+$0xFFFFFF40] =	vst v12;
	v12 =	vmul.f32 v28, v29;
	v29 =	vmul.f32 v32, v3;
	v41 =	vpop (erf)  }
0x5d3: {  	v1 =	vadd.f32 v22, v1;
	[tilespmem:s18+$0xFFFFFF50] =	vst v20;
	v20 =	vmul.f32 v32, v5;
	v5 =	vld [tilespmem:s21+$0xFFFFFF90];
	v22 =	vmul.f32 v32, v11  }
0x5d4: {  	v15 =	vmul.f32 v32, v15;
	v3 =	vmovc v49;
	v11 =	vmul.f32 $2.000000030e-01, v51;
	v52 =	vld [tilespmem:s11+$0xFFFFFF90];
	v47 =	vadd.f32 v47, v50;
	[tilespmem:s18+$0xFFFFFF60] =	vst v17  }
0x5d5: {  	v17 =	vadd.f32 v48, v9;
	v48 =	vld [tilespmem:s21+$0x10];
	(xrf2) =	vadd.scan.msk.f32 $0xffff, v1;
	v1 =	vmul.f32 v32, v19;
	v19 =	vmul.f32 v32, v21  }
0x5d6: {  	v23 =	vmul.f32 v32, v23;
	v11 =	vmax.f32 v51, v11;
	v21 =	vmul.f32 $2.000000030e-01, v47;
	v49 =	vld [tilespmem:s11+$0x10];
	[tilespmem:s18+$0xFFFFFF70] =	vst v12  }
0x5d7: {  	v51 =	vmul.f32 $2.000000030e-01, v17;
	v25 =	vadd.f32 v25, v8;
	v12 =	vld [tilespmem:s21+$0xFFFFFF20];
	v53 =	vmul.f32 v11, v46;
	[tilespmem:s18+$0xFFFFFF80] =	vst v29  }
0x5d8: {  	v29 =	vld [tilespmem:s11+$0xFFFFFF20];
	v21 =	vmax.f32 v47, v21;
	[tilespmem:s18+$0xFFFFFF90] =	vst v20;
	v20 =	vmul.f32 v32, v26;
	v26 =	vmul.f32 v41, v2  }
0x5d9: {  	v2 =	vmovc v50;
	v17 =	vmax.f32 v17, v51;
	v47 =	vmul.f32 $2.000000030e-01, v25;
	v51 =	vadd.f32 v52, v5;
	v11 =	vld [tilespmem:s21+$0xFFFFFFA0];
	[tilespmem:s18+$0xFFFFFFA0] =	vst v22  }
0x5da: {  	v22 =	vadd.f32 $0.0e+00, v53;
	v21 =	vmul.f32 v21, v46;
	v17 =	vmul.f32 v17, v46;
	v50 =	vld [tilespmem:s11+$0xFFFFFFA0];
	[tilespmem:s18+$0xFFFFFFB0] =	vst v15  }
0x5db: {  	v15 =	vmax.f32 v25, v47;
	v25 =	vmul.f32 $2.000000030e-01, v51;
	v46 =	vadd.f32 v49, v48;
	v47 =	vld [tilespmem:s21+$0x20];
	[tilespmem:s18+$0xFFFFFFC0] =	vst v1  }
0x5dc: {  	v21 =	vadd.f32 $0.0e+00, v21;
	v1 =	vadd.f32 $0.0e+00, v17;
	v15 =	vmul.f32 v15, v45;
	v49 =	vld [tilespmem:s11+$0x20];
	[tilespmem:s18+$0xFFFFFFD0] =	vst v19  }
0x5dd: {  	v19 =	vadd.f32 v29, v12;
	v17 =	vld [tilespmem:s21+$0xFFFFFF30];
	v25 =	vmax.f32 v51, v25;
	v29 =	vmul.f32 $2.000000030e-01, v46;
	[tilespmem:s18+$0xFFFFFFE0] =	vst v23  }
0x5de: {  	v51 =	vmul.f32 v41, v6;
	v1 =	vadd.f32 v15, v1;
	v23 =	vld [tilespmem:s11+$0xFFFFFF30];
	v25 =	vmul.f32 v25, v45;
	[tilespmem:s18+$0xFFFFFFF0] =	vst v20  }
0x5df: {  	v20 =	vmul.f32 $2.000000030e-01, v19;
	v50 =	vadd.f32 v50, v11;
	v15 =	vld [tilespmem:s21+$0xFFFFFFB0];
	v29 =	vmax.f32 v46, v29;
	v46, _, _ =	vpop (xrf2);
	[tilespmem:s18+$0x0] =	vst v26  }
0x5e0: {  	v6 =	vmovc v48;
	v22 =	vadd.f32 v25, v22;
	v25 =	vld [tilespmem:s11+$0xFFFFFFB0];
	v26 =	vmul.f32 v29, v45;
	v29 =	vmul.f32 $1.442695020e+00, v46;
	[tilespmem:s18+$0x10] =	vst v51  }
0x5e1: {  	v19 =	vmax.f32 v19, v20;
	v45 =	vmul.f32 $2.000000030e-01, v50;
	v46 =	vadd.f32 v49, v47;
	v48 =	vld [tilespmem:s21+$0x30]  }
0x5e2: {  	v19 =	vmul.f32 v19, v44;
	v21 =	vadd.f32 v26, v21;
	v26 =	vld [tilespmem:s11+$0x30];
	v29 =	vbroadcast v29, $0xF  }
0x5e3: {  	v23 =	vadd.f32 v23, v17;
	v20 =	vld [tilespmem:s21+$0xFFFFFF40];
	v45 =	vmax.f32 v50, v45;
	v49 =	vmul.f32 $2.000000030e-01, v46  }
0x5e4: {  	v1 =	vadd.f32 v19, v1;
	v50 =	vld [tilespmem:s11+$0xFFFFFF40];
	v45 =	vmul.f32 v45, v44;
	(erf) = vpow2.f32 v29  }
0x5e5: {  	v29 =	vmul.f32 $2.000000030e-01, v23;
	v25 =	vadd.f32 v25, v15;
	v19 =	vld [tilespmem:s21+$0xFFFFFFC0];
	v46 =	vmax.f32 v46, v49  }
0x5e6: {  	v45 =	vadd.f32 v45, v22;
	v49 =	vld [tilespmem:s11+$0xFFFFFFC0];
	v22 =	vmul.f32 v46, v44;
	v44 =	vmul.f32 v41, v7;
	v7 =	vmovc v47  }
0x5e7: {  	v23 =	vmax.f32 v23, v29;
	v29 =	vmul.f32 $2.000000030e-01, v25;
	v26 =	vadd.f32 v26, v48;
	v46 =	vld [tilespmem:s21+$0x40]  }
0x5e8: {  	v23 =	vmul.f32 v23, v39;
	v47 =	vadd.f32 v22, v21;
	v51 =	vld [tilespmem:s11+$0x40];
	[tilespmem:s18+$0x20] =	vst v44;
	v21 =	vmul.f32 v41, v10  }
0x5e9: {  	v10 =	vmovc v48;
	v44 =	vadd.f32 v50, v20;
	v22 =	vld [tilespmem:s21+$0xFFFFFF50];
	v25 =	vmax.f32 v25, v29;
	v29 =	vmul.f32 $2.000000030e-01, v26  }
0x5ea: {  	v13 =	vmul.f32 v41, v13;
	v1 =	vadd.f32 v23, v1;
	v23 =	vld [tilespmem:s11+$0xFFFFFF50];
	v25 =	vmul.f32 v25, v39;
	[tilespmem:s18+$0x30] =	vst v21  }
0x5eb: {  	v50 =	vmul.f32 $2.000000030e-01, v44;
	v49 =	vadd.f32 v49, v19;
	v21 =	vld [tilespmem:s21+$0xFFFFFFD0];
	v26 =	vmax.f32 v26, v29  }
0x5ec: {  	v53 =	vmul.f32 v41, v14;
	v45 =	vadd.f32 v25, v45;
	v29 =	vld [tilespmem:s11+$0xFFFFFFD0];
	v25 =	vmul.f32 v26, v39;
	[tilespmem:s18+$0x40] =	vst v13  }
0x5ed: {  	v26 =	vmax.f32 v44, v50;
	v39 =	vmul.f32 $2.000000030e-01, v49;
	v44 =	vadd.f32 v51, v46;
	v14 =	vld [tilespmem:s21+$0x50];
	v48 =	vpop (erf)  }
0x5ee: {  	v26 =	vmul.f32 v26, v27;
	v47 =	vadd.f32 v25, v47;
	v50 =	vld [tilespmem:s11+$0x50];
	v37 =	vmul.f32 v48, v37;
	[tilespmem:s18+$0x50] =	vst v53  }
0x5ef: {  	v13 =	vmovc v46;
	v36 =	vmul.f32 v48, v36;
	v51 =	vadd.f32 v23, v22;
	v25 =	vld [tilespmem:s21+$0xFFFFFF60];
	v52 =	vmul.f32 $2.000000030e-01, v44  }
0x5f0: {  	v33 =	vmul.f32 v48, v33;
	v39 =	vmax.f32 v49, v39;
	v1 =	vadd.f32 v26, v1;
	v26 =	vld [tilespmem:s11+$0xFFFFFF60];
	[tilespmem:s21+$0x80] =	vst v37  }
0x5f1: {  	v37 =	vadd.f32 v29, v21;
	v23 =	vld [tilespmem:s21+$0xFFFFFFE0];
	v44 =	vmax.f32 v44, v52;
	[tilespmem:s21+$0x90] =	vst v36;
	v29 =	vmul.f32 v48, v34  }
0x5f2: {  	v34 =	vmul.f32 $2.000000030e-01, v51;
	v36 =	vld [tilespmem:s11+$0xFFFFFFE0];
	[tilespmem:s21+$0xA0] =	vst v33;
	v33 =	vmul.f32 v48, v38  }
0x5f3: {  	v40 =	vmul.f32 v48, v40;
	v38 =	vmul.f32 $2.000000030e-01, v37;
	v46 =	vadd.f32 v50, v14;
	v49 =	vld [tilespmem:s21+$0x60];
	[tilespmem:s21+$0xB0] =	vst v29  }
0x5f4: {  	v39 =	vmul.f32 v39, v27;
	v34 =	vmax.f32 v51, v34;
	v50 =	vld [tilespmem:s11+$0x60];
	[tilespmem:s21+$0xC0] =	vst v33;
	v33 =	vmul.f32 v48, v42  }
0x5f5: {  	v42 =	vadd.f32 v26, v25;
	v29 =	vld [tilespmem:s21+$0xFFFFFF70];
	v51 =	vmul.f32 $2.000000030e-01, v46;
	[tilespmem:s21+$0xD0] =	vst v40;
	v40 =	vmul.f32 v48, v43  }
0x5f6: {  	v39 =	vadd.f32 v39, v45;
	v27 =	vmul.f32 v44, v27;
	v37 =	vmax.f32 v37, v38;
	v43 =	vld [tilespmem:s11+$0xFFFFFF70];
	[tilespmem:s21+$0xE0] =	vst v33  }
0x5f7: {  	s23 =	sadd.s32 $0x4, s23;
	v33 =	vmul.f32 $2.000000030e-01, v42;
	v36 =	vadd.f32 v36, v23;
	v26 =	vld [tilespmem:s21+$0xFFFFFFF0];
	v38 =	vmax.f32 v46, v51;
	[tilespmem:s21+$0xF0] =	vst v40  }
0x5f8: {  	v34 =	vmul.f32 v34, v35;
	v27 =	vadd.f32 v27, v47;
	v37 =	vmul.f32 v37, v35;
	v40 =	vld [tilespmem:s23+$0x1]  }
0x5f9: {  	v35 =	vmul.f32 v38, v35;
	v44 =	vmul.f32 $2.000000030e-01, v36;
	v45 =	vld [tilespmem:s11+$0xFFFFFFF0];
	v38 =	vadd.f32 v50, v49  }
0x5fa: {  	v1 =	vadd.f32 v34, v1;
	v34 =	vadd.f32 v37, v39;
	v33 =	vmax.f32 v42, v33;
	v37 =	vld [tilespmem:s21+$0x70]  }
0x5fb: {  	v39 =	vadd.f32 v43, v29;
	v36 =	vmax.f32 v36, v44;
	v42 =	vmul.f32 $2.000000030e-01, v38;
	v43 =	vld [tilespmem:s11+$0x70]  }
0x5fc: {  	v33 =	vmul.f32 v33, v31;
	v27 =	vadd.f32 v35, v27;
	v36 =	vmul.f32 v36, v31;
	v35 =	vld [tilespmem:s12+$0xFFFFFFFE]  }
0x5fd: {  	v46 =	vmul.f32 v41, v16;
	v16 =	vmovc v49;
	v44 =	vmul.f32 $2.000000030e-01, v39;
	v38 =	vmax.f32 v38, v42;
	v42 =	vld [tilespmem:s12+$0xFFFFFFFF]  }
0x5fe: {  	v1 =	vadd.f32 v33, v1;
	v33 =	vadd.f32 v45, v26;
	v31 =	vmul.f32 v38, v31  }
0x5ff: {  	v36 =	vadd.f32 v36, v34;
	v38 =	vmax.f32 v39, v44;
	[tilespmem:s18+$0x60] =	vst v46;
	v44 =	vmul.f32 v41, v18  }
0x600: {  	v39 =	vmul.f32 $2.000000030e-01, v33;
	v34 =	vadd.f32 v31, v27;
	v27 =	vadd.f32 v43, v37;
	[tilespmem:v40+s17+$0x0] =	vst.idx.add.f32.msk $0x1, v48  }
.Ltmp22:
0x601: {  	v18 =	vmov v37;
	v38 =	vmul.f32 v38, v30;
	[tilespmem:s18+$0x70] =	vst v44;
	s18 =	smov.u32 s21;
	(pc) =	sbr.rel @p1 .LBB2_47-.Ltmp22, $4  }
0x602: {  	v33 =	vmax.f32 v33, v39;
	v37 =	vmul.f32 $2.000000030e-01, v27;
	v31 =	vld [tilespmem:s12+$0x0];
	s12 =	smov.u32 s23  }
0x603: {  	v1 =	vadd.f32 v38, v1;
	v33 =	vmul.f32 v33, v30;
	[tilespmem:v24+s17+$0x0] =	vst.idx.add.f32.msk $0x1, v4;
	v4 =	vmov v41  }
0x604: {  	v24 =	vmax.f32 v27, v37;
	[tilespmem:v35+s17+$0x0] =	vst.idx.add.f32.msk $0x1, v28  }
0x605: {  	v28 =	vadd.f32 v33, v36;
	v24 =	vmul.f32 v24, v30;
	(xrf2) =	vadd.scan.msk.f32 $0xffff, v1;
	[tilespmem:v42+s17+$0x0] =	vst.idx.add.f32.msk $0x1, v32  }
0x606: {  	_ =	sdelay $0x5  }
0x607: {  	(xrf2) =	vadd.scan.msk.f32 $0xffff, v28;
	_ =	sdelay $0x2  }
0x608: {  	v1, _, _ =	vpop (xrf2)  }
0x609: {  	v1 =	vmul.f32 $1.442695020e+00, v1;
	_ =	sdelay $0x1  }
0x60a: {  	v1 =	vbroadcast v1, $0xF  }
0x60b: {  	v24 =	vadd.f32 v24, v34  }
0x60c: {  	(erf) = vpow2.f32 v1  }
0x60d: {  	(xrf2) =	vadd.scan.msk.f32 $0xffff, v24  }
0x60e: {  	v1, _, _ =	vpop (xrf2)  }
0x60f: {  	v1 =	vmul.f32 $1.442695020e+00, v1;
	_ =	sdelay $0x1  }
0x610: {  	v1 =	vbroadcast v1, $0xF;
	_ =	sdelay $0x2  }
0x611: {  	(erf) = vpow2.f32 v1  }
0x612: {  	v1 =	vpop (erf)  }
0x613: {  	v9 =	vmul.f32 v1, v9  }
0x614: {  	v24, _, _ =	vpop (xrf2);
	v8 =	vmul.f32 v1, v8  }
0x615: {  	v24 =	vmul.f32 $1.442695020e+00, v24;
	v50 =	vmul.f32 v1, v12;
	[tilespmem:s18+$0xFFFFFF00] =	vst v9  }
0x616: {  	v51 =	vmul.f32 v1, v17;
	[tilespmem:s18+$0xFFFFFF10] =	vst v8  }
0x617: {  	v52 =	vbroadcast v24, $0xF;
	v53 =	vmul.f32 v1, v20;
	[tilespmem:s18+$0xFFFFFF20] =	vst v50  }
0x618: {  	v54 =	vmul.f32 v1, v22;
	[tilespmem:s18+$0xFFFFFF30] =	vst v51  }
0x619: {  	(erf) = vpow2.f32 v52;
	v55 =	vmul.f32 v1, v25;
	[tilespmem:s18+$0xFFFFFF40] =	vst v53  }
0x61a: {  	v57 =	vmul.f32 v1, v29;
	[tilespmem:s18+$0xFFFFFF50] =	vst v54;
	v56 =	vpop (erf)  }
0x61b: {  	[tilespmem:s18+$0xFFFFFF60] =	vst v55;
	v3 =	vmul.f32 v56, v3  }
0x61c: {  	[tilespmem:s18+$0xFFFFFF70] =	vst v57;
	v5 =	vmul.f32 v56, v5  }
0x61d: {  	v58 =	vmul.f32 v56, v11;
	[tilespmem:s18+$0xFFFFFF80] =	vst v3  }
0x61e: {  	v59 =	vmul.f32 v56, v19;
	[tilespmem:s18+$0xFFFFFF90] =	vst v5  }
0x61f: {  	v60 =	vmul.f32 v56, v21;
	[tilespmem:s18+$0xFFFFFFA0] =	vst v58  }
0x620: {  	v3 =	vmul.f32 v56, v15;
	[tilespmem:s18+$0xFFFFFFC0] =	vst v59  }
0x621: {  	v62 =	vmul.f32 v56, v26;
	[tilespmem:s18+$0xFFFFFFD0] =	vst v60  }
0x622: {  	v61 =	vpop (erf);
	[tilespmem:s18+$0xFFFFFFB0] =	vst v3;
	v3 =	vmul.f32 v56, v23  }
0x623: {  	[tilespmem:s18+$0xFFFFFFF0] =	vst v62;
	v2 =	vmul.f32 v61, v2  }
0x624: {  	[tilespmem:s18+$0xFFFFFFE0] =	vst v3;
	v3 =	vmul.f32 v61, v6  }
0x625: {  	[tilespmem:s18+$0x0] =	vst v2;
	v2 =	vmul.f32 v61, v7  }
0x626: {  	[tilespmem:s18+$0x10] =	vst v3;
	v3 =	vmul.f32 v61, v10  }
0x627: {  	[tilespmem:s18+$0x20] =	vst v2;
	v2 =	vmul.f32 v61, v13  }
0x628: {  	[tilespmem:s18+$0x30] =	vst v3;
	v3 =	vmul.f32 v61, v14  }
0x629: {  	[tilespmem:s18+$0x40] =	vst v2;
	v2 =	vmul.f32 v61, v16  }
0x62a: {  	[tilespmem:s18+$0x50] =	vst v3;
	v3 =	vmul.f32 v61, v18  }
0x62b: {  	v63 =	vld [tilespmem:s12+$0xFFFFFFFE];
	[tilespmem:s18+$0x60] =	vst v2  }
0x62c: {  	v2 =	vld [tilespmem:s12+$0xFFFFFFFF];
	[tilespmem:s18+$0x70] =	vst v3  }
0x62d: {  	v3 =	vld [tilespmem:s12+$0x0];
	_ =	sdelay $0x4  }
0x62e: {  	[tilespmem:v31+s17+$0x0] =	vst.idx.add.f32.msk $0x1, v4  }
0x62f: {  	s20 =	sadd.s32 $0x1, s20;
	[tilespmem:v63+s17+$0x0] =	vst.idx.add.f32.msk $0x1, v1  }
0x630: {  	p1 =	sne.s32 s20, $0x5D;
	[tilespmem:v2+s17+$0x0] =	vst.idx.add.f32.msk $0x1, v56  }
.Ltmp23:
0x631: {  	[tilespmem:v3+s17+$0x0] =	vst.idx.add.f32.msk $0x1, v61;
	(pc) =	sbr.rel @p1 .LBB2_44-.Ltmp23, $4  }
0x632: {  	[spmem:s3] =	stream.indirect.scatter.add.f32 [tilespmem:s2], [sflag:$0x3], $0x80, s31, s5, $0xb8;
	[tilespmem:$0x1DF80] =	vst v63  }
0x633: {  	_ =	swait.ge [sflag:s28], $0x3800  }
0x634: {  	[sflag:s28] =	ssyncset.done $0x0  }
0x635: {  	[sflag:s28] =	ssyncadd.s32 $0xFFFFC800  }
0x636: {  	[bflag:$0x0] =	sbarrier.arrive $0xFFFF  }
0x637: {  	s11 =	rddreg [dreg:$0x10]  }
0x638: {  	[tilespmem:s14], [sflag:$0x3] =	stream.linear.gather [spmem:s11], $0x1800, $0x38;
	[tilespmem:$0x1DF80] =	vst v63  }
0x639: {  	_ =	swait.ge [sflag:s28], $0x1800  }
0x63a: {  	[sflag:s28] =	ssyncset.done $0x0  }
0x63b: {  	s1 =	sadd.s32 $0x0, s26;
	[sflag:s28] =	ssyncadd.s32 $0xFFFFE800  }
0x63c: {  	[hbm4b:s1+s4] =	stream.linear.scatter [tilespmem:s14], [sflag:$0x3], $0x1800, $0x38;
	[tilespmem:$0x1DF80] =	vst v63  }
0x63d: {  	_ =	swait.ge [sflag:s28], $0x1800  }
0x63e: {  	s1 =	simm.s32 $0x300;
	[sflag:s28] =	ssyncset.done $0x0  }
.LBB2_50:
0x63f: {  	p1 =	sne.s32 s1, $0x2400;
	[sflag:s28] =	ssyncadd.s32 $0xFFFFE800;
	s11 =	sadd.s32 $0x1800, s11  }
0x640: {  	[tilespmem:s14], [sflag:$0x3] =	stream.linear.gather [spmem:s11], $0x1800, $0x38;
	[tilespmem:$0x1DF80] =	vst v63  }
0x641: {  	s12 =	smov.u32 s1;
	s1 =	sadd.s32 $0x300, s1;
	_ =	swait.ge [sflag:s28], $0x1800  }
.Ltmp24:
0x642: {  	[sflag:s28] =	ssyncset.done $0x0;
	(pc) =	sbr.rel @p1 .LBB2_50-.Ltmp24, $4  }
0x643: {  	s12 =	sadd.s32 s12, s26;
	[sflag:s28] =	ssyncadd.s32 $0xFFFFE800  }
0x644: {  	[hbm4b:s12+s4] =	stream.linear.scatter [tilespmem:s14], [sflag:$0x3], $0x1800, $0x38;
	[tilespmem:$0x1DF80] =	vst v63  }
0x645: {  	_ =	swait.ge [sflag:s28], $0x1800  }
0x646: {  	[sflag:s28] =	ssyncset.done $0x0  }
0x647: {  	[sflag:s28] =	ssyncadd.s32 $0xFFFFE800;
	s1 =	simm.s32 @!p0 $0x400;
	s11 =	rddreg [dreg:$0x6]  }
0x648: {  	[tilespmem:s1], [sflag:$0x3] =	stream.linear.gather @!p0 [spmem:s11], $0x800, $0x38;
	[tilespmem:$0x1DF80] =	vst v63  }
0x649: {  	s11 =	simm.s32 @!p0 $0x3  }
0x64a: {  	_ =	swait.ge @!p0 [sflag:s11], $0x800  }
0x64b: {  	[sflag:s11] =	ssyncset.done @!p0 $0x0  }
0x64c: {  	s12 =	simm.s32 @!p0 $0x0;
	s18 =	rddreg [dreg:$0xe];
	[sflag:s11] =	ssyncadd.s32 @!p0 $0xFFFFF800  }
0x64d: {  	[hbm4b:s18+s12] =	stream.linear.scatter @!p0 [tilespmem:s1], [sflag:$0x3], $0x800, $0x38;
	[tilespmem:$0x1DF80] =	vst v63  }
0x64e: {  	_ =	swait.ge @!p0 [sflag:s11], $0x800  }
0x64f: {  	[sflag:s11] =	ssyncset.done @!p0 $0x0  }
0x650: {  	s20 =	rddreg [dreg:$0xc];
	[sflag:s11] =	ssyncadd.s32 @!p0 $0xFFFFF800  }
0x651: {  	[hbm4b:s20+s4] =	stream.linear.scatter [tilespmem:s17], [sflag:$0x3], $0x2780, $0x38;
	[tilespmem:$0x1DF80] =	vst v63  }
0x652: {  	_ =	swait.ge [sflag:s28], $0x2780  }
0x653: {  	s21 =	rddreg [dreg:$0x11]  }
0x654: {  	s23 =	rddreg [dreg:$0xf];
	s11 =	sadd.s32 $0x1, s21  }
0x655: {  	p1 =	sne.s32 s11, s23  }
.Ltmp25:
0x656: {  	_ = 	snop;
	(pc) =	sbr.rel @p1 .LBB2_1-.Ltmp25, $3  }
0x657: {  	[sflag:s28] =	ssyncset.done $0x0  }
0x658: {  	[sflag:s28] =	ssyncadd.s32 $0xFFFFD880  }
0x659: {  	[bflag:$0x0] =	sbarrier.arrive $0xFFFF;
	_ =	sdelay $0x1  }
0x65a: {  	_ =	sfence.sel $0x180000  }
0x65b: {  	[bflag:$0x0] =	sbarrier.arrive $0xFFFF  }
0x65c: {  	_ =	strace $0x90000047  }
0x65d: {  	s0 =	stileid.u32;
	[bflag:$0x2] =	sbarrier.arrive $0xFFFF  }
0x65e: {  	p0 =	sne.s32 s0, $0x0;
	s0 =	rddreg [dreg:$0x4]  }
0x65f: {  	s0 =	sadd.s32 @!p0 $0x100000, s0  }
0x660: {  	[sflag:s0] =	ssyncadd.tile.s32 @!p0 $0x1;
	_ =	shalt  }
.Lfunc_end2:
_tile_overlayer_lowered:
.L_overlay_start_2:
0x661: {  	(tag) =	ssettag $0x2  }
0x662: {  	s0 =	rddreg [dreg:$0x0];
	s2 =	stileid.u32  }
0x663: {  	s1 =	rddreg [dreg:$0x1];
	p0 =	sne.s32 s2, $0x0  }
0x664: {  	s3 =	rddreg [dreg:$0x2];
	[bflag:$0x3] =	sbarrier.arrive $0xFFFF;
	s2 =	simm.s32 @!p0 $0x1C03  }
0x665: {  	[timem:s3], [sflag:s2] =	dma.local @!p0 [hbm:s0], s1  }
0x666: {  	s0 =	simm.s32 @!p0 $0x3  }
0x667: {  	_ =	swait.ge @!p0 [sflag:s0], s1  }
0x668: {  	s1 =	ssub.s32 @!p0 $0x0, s1;
	[sflag:s0] =	ssyncset.done @!p0 $0x0  }
0x669: {  	[sflag:s0] =	ssyncadd.s32 @!p0 s1  }
0x66a: {  	[bflag:$0x3] =	sbarrier.arrive $0xFFFF  }
0x66b: {  	_ =	shalt  }

</sc_bundles>
